<compile_context>
chip_gen: v7x
topology: tpu7x:2x2x1
jax: 0.10.2.dev20260603
libtpu: 0.0.44.dev20260713+nightly
codegen_flags: <defaults>
</compile_context>

<pallas_src>
import functools

import jax
import jax.numpy as jnp
from jax import lax
from jax.experimental import pallas as pl
from jax.experimental.pallas import tpu as pltpu
from jax.experimental.pallas import tpu_sc as plsc

N = 10000
NP = 10240
E = 320000
NW = 32
CHUNK = 128
CHUNKS = 80
ROWS = NW * CHUNKS
EP = ROWS * CHUNK
CHUNKS_ALL = ROWS // 16
RPT = NP // 16

_mesh = plsc.VectorSubcoreMesh(
    core_axis_name="c", subcore_axis_name="s", num_cores=2, num_subcores=16)



@functools.partial(
    pl.kernel,
    out_type=jax.ShapeDtypeStruct((2 * NP,), jnp.float32),
    mesh=_mesh,
    scratch_types=[
        pltpu.VMEM((CHUNKS, CHUNK), jnp.int32),
        pltpu.VMEM((CHUNK,), jnp.float32),
        pltpu.VMEM((RPT,), jnp.float32),
        pltpu.VMEM_SHARED((NP,), jnp.float32),
        pltpu.SemaphoreType.DMA,
    ],
)
def _deg_kernel(dst_hbm, zeros_hbm, out_hbm, idx_v, ones_v, stage_v, acc_sh, sem):
    c = lax.axis_index("c")
    s = lax.axis_index("s")
    wid = s * 2 + c
    pltpu.sync_copy(zeros_hbm.at[pl.ds(s * RPT, RPT)], stage_v)
    pltpu.sync_copy(stage_v, acc_sh.at[pl.ds(s * RPT, RPT)])
    for i in range(CHUNK // 16):
        ones_v[pl.ds(i * 16, 16)] = jnp.ones((16,), jnp.float32)
    pltpu.sync_copy(dst_hbm.at[pl.ds(wid * CHUNKS, CHUNKS)], idx_v)
    plsc.subcore_barrier()

    NB = 8
    for b in range(NB):
        pltpu.async_copy(ones_v, acc_sh.at[idx_v.at[b]], sem, add=True)

    def body(j, carry):
        pltpu.async_copy(ones_v, acc_sh.at[idx_v.at[j + NB]], sem, add=True)
        pltpu.make_async_copy(ones_v, acc_sh.at[idx_v.at[j]], sem).wait()
        return carry

    lax.fori_loop(0, CHUNKS - NB, body, 0)
    for b in range(NB):
        pltpu.make_async_copy(ones_v, acc_sh.at[idx_v.at[b]], sem).wait()
    plsc.subcore_barrier()
    pltpu.sync_copy(acc_sh.at[pl.ds(s * RPT, RPT)], stage_v)
    pltpu.sync_copy(stage_v, out_hbm.at[pl.ds(c * NP + s * RPT, RPT)])


def _make_agg_halves(D, NSLOT):
    @functools.partial(
        pl.kernel,
        out_type=[jax.ShapeDtypeStruct((NP, D), jnp.bfloat16),
                  jax.ShapeDtypeStruct((NP, D), jnp.bfloat16)],
        mesh=_mesh,
        compiler_params=pltpu.CompilerParams(use_tc_tiling_on_sc=False),
        scratch_types=(
            [pltpu.VMEM((CHUNKS_ALL, CHUNK), jnp.int32),
             pltpu.VMEM((CHUNKS_ALL, CHUNK), jnp.int32),
             pltpu.VMEM((NSLOT, CHUNK, D), jnp.bfloat16),
             pltpu.VMEM_SHARED((NP, D), jnp.bfloat16),
             pltpu.VMEM_SHARED((NP, D), jnp.bfloat16)]
            + [pltpu.SemaphoreType.DMA] * NSLOT
            + [pltpu.SemaphoreType.DMA]
        ),
    )
    def _agg(ga_hbm, gb_hbm, src_hbm, dst_hbm, zeros_hbm, outa_hbm, outb_hbm,
             idxs_v, idxd_v, rows_v, acc_sh, g_sh, *sems):
        gsems = sems[:NSLOT]
        ssem = sems[NSLOT]
        c = lax.axis_index("c")
        s = lax.axis_index("s")

        @pl.when(c == 0)
        def _():
            pltpu.sync_copy(ga_hbm.at[pl.ds(s * RPT, RPT)],
                            g_sh.at[pl.ds(s * RPT, RPT)])

        @pl.when(c == 1)
        def _():
            pltpu.sync_copy(gb_hbm.at[pl.ds(s * RPT, RPT)],
                            g_sh.at[pl.ds(s * RPT, RPT)])

        for i in range(RPT // CHUNK):
            pltpu.sync_copy(zeros_hbm.at[pl.ds(s * RPT + i * CHUNK, CHUNK)],
                            rows_v.at[0])
            pltpu.sync_copy(rows_v.at[0],
                            acc_sh.at[pl.ds(s * RPT + i * CHUNK, CHUNK)])
        pltpu.sync_copy(src_hbm.at[pl.ds(s * CHUNKS_ALL, CHUNKS_ALL)], idxs_v)
        pltpu.sync_copy(dst_hbm.at[pl.ds(s * CHUNKS_ALL, CHUNKS_ALL)], idxd_v)
        plsc.subcore_barrier()

        def gstart(j, b):
            pltpu.async_copy(g_sh.at[idxs_v.at[j]], rows_v.at[b], gsems[b])

        def gwait(j, b):
            pltpu.make_async_copy(g_sh.at[idxs_v.at[j]], rows_v.at[b],
                                  gsems[b]).wait()

        def sstart(j, b):
            pltpu.async_copy(rows_v.at[b], acc_sh.at[idxd_v.at[j]], ssem,
                             add=True)

        def swait(j, b):
            pltpu.make_async_copy(rows_v.at[b], acc_sh.at[idxd_v.at[j]],
                                  ssem).wait()

        nit = CHUNKS_ALL // NSLOT
        for b in range(NSLOT):
            gstart(b, b)

        def body(k, carry):
            j0 = NSLOT * k
            for b in range(NSLOT):
                gwait(j0 + b, b)
                sstart(j0 + b, b)
            for b in range(NSLOT):
                swait(j0 + b, b)

            @pl.when(k < nit - 1)
            def _():
                for b in range(NSLOT):
                    gstart(j0 + NSLOT + b, b)

            return carry

        lax.fori_loop(0, nit, body, 0)
        plsc.subcore_barrier()
        for i in range(RPT // CHUNK):
            pltpu.sync_copy(acc_sh.at[pl.ds(s * RPT + i * CHUNK, CHUNK)],
                            rows_v.at[0])

            @pl.when(c == 0)
            def _():
                pltpu.sync_copy(rows_v.at[0],
                                outa_hbm.at[pl.ds(s * RPT + i * CHUNK, CHUNK)])

            @pl.when(c == 1)
            def _():
                pltpu.sync_copy(rows_v.at[0],
                                outb_hbm.at[pl.ds(s * RPT + i * CHUNK, CHUNK)])

    return _agg


def _make_agg(D, NSLOT):
    @functools.partial(
        pl.kernel,
        out_type=jax.ShapeDtypeStruct((2 * NP, D), jnp.float32),
        mesh=_mesh,
        compiler_params=pltpu.CompilerParams(use_tc_tiling_on_sc=False),
        scratch_types=(
            [pltpu.VMEM((CHUNKS, CHUNK), jnp.int32),
             pltpu.VMEM((CHUNKS, CHUNK), jnp.int32),
             pltpu.VMEM((NSLOT, CHUNK, D), jnp.float32),
             pltpu.VMEM_SHARED((NP, D), jnp.float32),
             pltpu.VMEM_SHARED((NP, D), jnp.float32)]
            + [pltpu.SemaphoreType.DMA] * NSLOT
            + [pltpu.SemaphoreType.DMA]
        ),
    )
    def _agg(g_hbm, src_hbm, dst_hbm, zeros_hbm, out_hbm,
             idxs_v, idxd_v, rows_v, acc_sh, g_sh, *sems):
        gsems = sems[:NSLOT]
        ssem = sems[NSLOT]
        c = lax.axis_index("c")
        s = lax.axis_index("s")
        wid = s * 2 + c
        pltpu.sync_copy(g_hbm.at[pl.ds(s * RPT, RPT)],
                        g_sh.at[pl.ds(s * RPT, RPT)])
        for i in range(RPT // CHUNK):
            pltpu.sync_copy(zeros_hbm.at[pl.ds(s * RPT + i * CHUNK, CHUNK)],
                            rows_v.at[0])
            pltpu.sync_copy(rows_v.at[0],
                            acc_sh.at[pl.ds(s * RPT + i * CHUNK, CHUNK)])
        pltpu.sync_copy(src_hbm.at[pl.ds(wid * CHUNKS, CHUNKS)], idxs_v)
        pltpu.sync_copy(dst_hbm.at[pl.ds(wid * CHUNKS, CHUNKS)], idxd_v)
        plsc.subcore_barrier()

        def gstart(j, b):
            pltpu.async_copy(g_sh.at[idxs_v.at[j]], rows_v.at[b], gsems[b])

        def gwait(j, b):
            pltpu.make_async_copy(g_sh.at[idxs_v.at[j]], rows_v.at[b],
                                  gsems[b]).wait()

        def sstart(j, b):
            pltpu.async_copy(rows_v.at[b], acc_sh.at[idxd_v.at[j]], ssem,
                             add=True)

        def swait(j, b):
            pltpu.make_async_copy(rows_v.at[b], acc_sh.at[idxd_v.at[j]],
                                  ssem).wait()

        nit = CHUNKS // NSLOT
        for b in range(NSLOT):
            gstart(b, b)

        def body(k, carry):
            j0 = NSLOT * k
            for b in range(NSLOT):
                gwait(j0 + b, b)
                sstart(j0 + b, b)
            for b in range(NSLOT):
                swait(j0 + b, b)

            @pl.when(k < nit - 1)
            def _():
                for b in range(NSLOT):
                    gstart(j0 + NSLOT + b, b)

            return carry

        lax.fori_loop(0, nit, body, 0)
        plsc.subcore_barrier()
        for i in range(RPT // CHUNK):
            pltpu.sync_copy(acc_sh.at[pl.ds(s * RPT + i * CHUNK, CHUNK)],
                            rows_v.at[0])
            pltpu.sync_copy(rows_v.at[0],
                            out_hbm.at[pl.ds(c * NP + s * RPT + i * CHUNK,
                                             CHUNK)])

    return _agg


_agg_halves32 = _make_agg_halves(32, 8)
_agg8 = _make_agg(8, 8)



_B = 2048
_BR = _B // CHUNK


def _tc1_body(x_ref, w1_ref, degp_ref, g1a_ref, g1b_ref, dinv_ref):
    deg = degp_ref[0] + degp_ref[1] + 1.0
    dinv = lax.rsqrt(deg)
    dinv_ref[...] = dinv
    h = jnp.dot(x_ref[...], w1_ref[...], preferred_element_type=jnp.float32)
    g1 = (h * dinv).astype(jnp.bfloat16)
    g1a_ref[...] = g1[:, :32]
    g1b_ref[...] = g1[:, 32:]


def _tc1(x_p, W1, degp3):
    return pl.pallas_call(
        _tc1_body,
        grid=(NP // _B,),
        in_specs=[
            pl.BlockSpec((_B, 128), lambda i: (i, 0)),
            pl.BlockSpec((128, 64), lambda i: (0, 0)),
            pl.BlockSpec((2, _B, 1), lambda i: (0, i, 0)),
        ],
        out_specs=[
            pl.BlockSpec((_B, 32), lambda i: (i, 0)),
            pl.BlockSpec((_B, 32), lambda i: (i, 0)),
            pl.BlockSpec((_B, 1), lambda i: (i, 0)),
        ],
        out_shape=[
            jax.ShapeDtypeStruct((NP, 32), jnp.bfloat16),
            jax.ShapeDtypeStruct((NP, 32), jnp.bfloat16),
            jax.ShapeDtypeStruct((NP, 1), jnp.float32),
        ],
    )(x_p, W1, degp3)


def _tc2_body(p1a_ref, p1b_ref, g1a_ref, g1b_ref, dinv_ref, b1_ref, w2_ref,
              g2_ref):
    dinv = dinv_ref[...]
    sa = (p1a_ref[...] + g1a_ref[...]).astype(jnp.float32)
    sb = (p1b_ref[...] + g1b_ref[...]).astype(jnp.float32)
    ssum = jnp.concatenate([sa, sb], axis=1)
    out1 = ssum * dinv + b1_ref[...]
    r = jnp.maximum(out1, 0.0)
    h2 = jnp.dot(r, w2_ref[...], preferred_element_type=jnp.float32)
    g2_ref[...] = h2 * dinv


def _tc2(p1a, p1b, g1a, g1b, dinv, b1r, W2):
    return pl.pallas_call(
        _tc2_body,
        grid=(NP // _B,),
        in_specs=[
            pl.BlockSpec((_B, 32), lambda i: (i, 0)),
            pl.BlockSpec((_B, 32), lambda i: (i, 0)),
            pl.BlockSpec((_B, 32), lambda i: (i, 0)),
            pl.BlockSpec((_B, 32), lambda i: (i, 0)),
            pl.BlockSpec((_B, 1), lambda i: (i, 0)),
            pl.BlockSpec((1, 64), lambda i: (0, 0)),
            pl.BlockSpec((64, 8), lambda i: (0, 0)),
        ],
        out_specs=pl.BlockSpec((_B, 8), lambda i: (i, 0)),
        out_shape=jax.ShapeDtypeStruct((NP, 8), jnp.float32),
    )(p1a, p1b, g1a, g1b, dinv, b1r, W2)


def _tc3_body(p2_ref, g2_ref, dinv_ref, b2_ref, out_ref):
    dinv = dinv_ref[...]
    ssum = p2_ref[0] + p2_ref[1] + g2_ref[...]
    out_ref[...] = ssum[:, :2] * dinv + b2_ref[...]


_B3 = 2000


def _tc3(p2, g2, dinv, b2r):
    return pl.pallas_call(
        _tc3_body,
        grid=(N // _B3,),
        in_specs=[
            pl.BlockSpec((2, _B3, 8), lambda i: (0, i, 0)),
            pl.BlockSpec((_B3, 8), lambda i: (i, 0)),
            pl.BlockSpec((_B3, 1), lambda i: (i, 0)),
            pl.BlockSpec((1, 2), lambda i: (0, 0)),
        ],
        out_specs=pl.BlockSpec((_B3, 2), lambda i: (i, 0)),
        out_shape=jax.ShapeDtypeStruct((N, 2), jnp.float32),
    )(p2, g2, dinv, b2r)



def kernel(x, edge_index, W1, b1, W2, b2):
    ei = edge_index.astype(jnp.int32)
    em = jnp.pad(ei, ((0, 0), (0, EP - E)),
                 constant_values=N).reshape(2, ROWS, CHUNK)
    src_m = em[0]
    dst_m = em[1]
    x_p = jnp.pad(x, ((0, NP - N), (0, 0)))

    zeros1 = jnp.zeros((NP,), jnp.float32)
    zeros32 = jnp.zeros((NP, 32), jnp.bfloat16)
    zeros8 = jnp.zeros((NP, 8), jnp.float32)
    W2p = jnp.pad(W2, ((0, 0), (0, 8 - 2)))

    degp3 = _deg_kernel(dst_m, zeros1).reshape(2, NP, 1)
    g1a, g1b, dinv = _tc1(x_p, W1, degp3)
    p1a, p1b = _agg_halves32(g1a, g1b, src_m, dst_m, zeros32)
    g2 = _tc2(p1a, p1b, g1a, g1b, dinv, b1.reshape(1, 64), W2p)
    p2 = _agg8(g2, src_m, dst_m, zeros8).reshape(2, NP, 8)
    return _tc3(p2, g2, dinv, b2.reshape(1, 2))

# --- scband reference (transcript-rebuilt; emitter-appended) ---
"""Pipeline reference for scband-gcn2-classifier-35021163332019 (READ-ONLY COPY).

The authoritative reference and input builder live on the scoring server;
editing this copy changes nothing except your own understanding.
"""

import jax, jax.numpy as jnp
import numpy as np

N_NODES = 10000


def gcn_layer(x, edge_index, W, b):
    # PyG GCNConv with normalize=True, add_self_loops=True, edge_weight=None
    num_nodes = x.shape[0]
    src = edge_index[0]
    dst = edge_index[1]
    loop = jnp.arange(num_nodes, dtype=src.dtype)
    src = jnp.concatenate([src, loop])
    dst = jnp.concatenate([dst, loop])
    ew = jnp.ones(src.shape[0], dtype=x.dtype)
    deg = jax.ops.segment_sum(ew, dst, num_segments=num_nodes)
    dinv = jnp.where(deg > 0, deg ** -0.5, 0.0)
    norm = dinv[src] * ew * dinv[dst]
    h = x @ W  # linear transform (no bias inside lin)
    msg = norm[:, None] * jnp.take(h, src, axis=0)
    out = jax.ops.segment_sum(msg, dst, num_segments=num_nodes)
    return out + b


def setup_inputs(seed: int = 0) -> dict:
    key = jax.random.key(seed)
    k1, k2, k3, k4 = jax.random.split(key, 4)
    x = jax.random.normal(k1, (N_NODES, 128), dtype=jnp.float32)
    edge_index = jax.random.randint(k2, (2, 320000), 0, N_NODES, dtype=jnp.int64)
    W1 = jax.random.normal(k3, (128, 64), dtype=jnp.float32) * 0.05
    b1 = jnp.zeros((64,), dtype=jnp.float32)
    W2 = jax.random.normal(k4, (64, 2), dtype=jnp.float32) * 0.05
    b2 = jnp.zeros((2,), dtype=jnp.float32)
    return {"x": x, "edge_index": edge_index, "W1": W1, "b1": b1, "W2": W2, "b2": b2}


def reference(x, edge_index, W1, b1, W2, b2):
    h = gcn_layer(x, edge_index, W1, b1)
    h = jax.nn.relu(h)
    # dropout p=0.3 is identity in eval mode
    out = gcn_layer(h, edge_index, W2, b2)
    return out

if __name__ == "__main__":
    import jax
    _d = setup_inputs()
    print(jax.jit(kernel)(*tuple(_d.values())))

</pallas_src>

<mosaic_0001>
#map = affine_map<(d0, d1) -> (0, 0)>
#map1 = affine_map<(d0, d1) -> (0)>
module attributes {stable_mosaic.version = 14 : i64} {
  func.func @_deg_kernel(%arg0: i32, %arg1: i32, %arg2: memref<2560x128xi32, #tpu.memory_space<hbm>>, %arg3: memref<10240xf32, #tpu.memory_space<hbm>>, %arg4: memref<20480xf32, #tpu.memory_space<hbm>>, %arg5: memref<80x128xi32, #tpu.memory_space<vmem>>, %arg6: memref<128xf32, #tpu.memory_space<vmem>>, %arg7: memref<640xf32, #tpu.memory_space<vmem>>, %arg8: memref<10240xf32, #tpu.memory_space<vmem_shared>>, %arg9: memref<!tpu.dma_semaphore, #tpu.memory_space<semaphore_mem>>) attributes {dimension_semantics = [#tpu.dimension_semantics<core_parallel>, #tpu.dimension_semantics<subcore_parallel>], iteration_bounds = array<i64: 2, 16>, scalar_prefetch = 0 : i64, scratch_operands = 5 : i64, tpu.core_type = #tpu.core_type<sc_vector_subcore>, window_params = [{transform_indices = #map}, {transform_indices = #map1}, {transform_indices = #map1}]} {
    %mul3A = arith.constant 2 : i32
    %mul3A_0 = arith.muli %arg1, %mul3A : i32
    %add3A = arith.addi %mul3A_0, %arg0 : i32
    %mul3A_1 = arith.constant 640 : i32
    %mul3A_2 = arith.muli %arg1, %mul3A_1 : i32
    "tpu.region"() ({
      %run_scoped3A = tpu.sem_alloc : memref<!tpu.dma_semaphore, #tpu.memory_space<semaphore_mem>>
      %dma_start3A_160 = tpu.memref_slice %arg3[%mul3A_2] : memref<10240xf32, #tpu.memory_space<hbm>> -> memref<640xf32, #tpu.memory_space<hbm>>
      %dma_start3A_161 = tpu.memref_slice %arg3[%mul3A_2] : memref<10240xf32, #tpu.memory_space<hbm>> -> memref<640xf32, #tpu.memory_space<hbm>>
      tpu.enqueue_dma source(%dma_start3A_161 : memref<640xf32, #tpu.memory_space<hbm>>) target(%arg7 : memref<640xf32, #tpu.memory_space<vmem>>) target_semaphore(%run_scoped3A : memref<!tpu.dma_semaphore, #tpu.memory_space<semaphore_mem>>)
      %dma_wait3A_162 = tpu.memref_slice %arg3[%mul3A_2] : memref<10240xf32, #tpu.memory_space<hbm>> -> memref<640xf32, #tpu.memory_space<hbm>>
      %dma_wait3A_163 = tpu.memref_slice %arg3[%mul3A_2] : memref<10240xf32, #tpu.memory_space<hbm>> -> memref<640xf32, #tpu.memory_space<hbm>>
      tpu.wait_dma2 semaphore(%run_scoped3A : memref<!tpu.dma_semaphore, #tpu.memory_space<semaphore_mem>>) src(%dma_wait3A_163 : memref<640xf32, #tpu.memory_space<hbm>>) dst(%arg7 : memref<640xf32, #tpu.memory_space<vmem>>)
      tpu.yield
    }) : () -> ()
    %mul3A_3 = arith.constant 640 : i32
    %mul3A_4 = arith.muli %arg1, %mul3A_3 : i32
    "tpu.region"() ({
      %run_scoped3A = tpu.sem_alloc : memref<!tpu.dma_semaphore, #tpu.memory_space<semaphore_mem>>
      %dma_start3A_160 = tpu.memref_slice %arg8[%mul3A_4] : memref<10240xf32, #tpu.memory_space<vmem_shared>> -> memref<640xf32, #tpu.memory_space<vmem_shared>>
      %dma_start3A_161 = tpu.memref_slice %arg8[%mul3A_4] : memref<10240xf32, #tpu.memory_space<vmem_shared>> -> memref<640xf32, #tpu.memory_space<vmem_shared>>
      tpu.enqueue_dma source(%arg7 : memref<640xf32, #tpu.memory_space<vmem>>) target(%dma_start3A_161 : memref<640xf32, #tpu.memory_space<vmem_shared>>) target_semaphore(%run_scoped3A : memref<!tpu.dma_semaphore, #tpu.memory_space<semaphore_mem>>)
      %dma_wait3A_162 = tpu.memref_slice %arg8[%mul3A_4] : memref<10240xf32, #tpu.memory_space<vmem_shared>> -> memref<640xf32, #tpu.memory_space<vmem_shared>>
      %dma_wait3A_163 = tpu.memref_slice %arg8[%mul3A_4] : memref<10240xf32, #tpu.memory_space<vmem_shared>> -> memref<640xf32, #tpu.memory_space<vmem_shared>>
      tpu.wait_dma2 semaphore(%run_scoped3A : memref<!tpu.dma_semaphore, #tpu.memory_space<semaphore_mem>>) src(%arg7 : memref<640xf32, #tpu.memory_space<vmem>>) dst(%dma_wait3A_163 : memref<640xf32, #tpu.memory_space<vmem_shared>>)
      tpu.yield
    }) : () -> ()
    %broadcast_in_dim3A = arith.constant 1.000000e+00 : f32
    %broadcast_in_dim3A_5 = vector.broadcast %broadcast_in_dim3A : f32 to vector<16xf32>
    %swap3A = arith.constant 0 : index
    %swap3A_6 = tpu.vector_load %arg6[%swap3A] {strides = array<i32>} : memref<128xf32, #tpu.memory_space<vmem>>, vector<16xf32>,
    %swap3A_7 = vector.shape_cast %swap3A_6 : vector<16xf32> to vector<16xf32>
    %swap3A_8 = vector.shape_cast %broadcast_in_dim3A_5 : vector<16xf32> to vector<16xf32>
    tpu.vector_store %arg6[%swap3A], %swap3A_8 {strides = array<i32>} : memref<128xf32, #tpu.memory_space<vmem>>, vector<16xf32>,
    %broadcast_in_dim3A_9 = arith.constant 1.000000e+00 : f32
    %broadcast_in_dim3A_10 = vector.broadcast %broadcast_in_dim3A_9 : f32 to vector<16xf32>
    %swap3A_11 = arith.constant 16 : index
    %swap3A_12 = tpu.vector_load %arg6[%swap3A_11] {strides = array<i32>} : memref<128xf32, #tpu.memory_space<vmem>>, vector<16xf32>,
    %swap3A_13 = vector.shape_cast %swap3A_12 : vector<16xf32> to vector<16xf32>
    %swap3A_14 = vector.shape_cast %broadcast_in_dim3A_10 : vector<16xf32> to vector<16xf32>
    tpu.vector_store %arg6[%swap3A_11], %swap3A_14 {strides = array<i32>} : memref<128xf32, #tpu.memory_space<vmem>>, vector<16xf32>,
    %broadcast_in_dim3A_15 = arith.constant 1.000000e+00 : f32
    %broadcast_in_dim3A_16 = vector.broadcast %broadcast_in_dim3A_15 : f32 to vector<16xf32>
    %swap3A_17 = arith.constant 32 : index
    %swap3A_18 = tpu.vector_load %arg6[%swap3A_17] {strides = array<i32>} : memref<128xf32, #tpu.memory_space<vmem>>, vector<16xf32>,
    %swap3A_19 = vector.shape_cast %swap3A_18 : vector<16xf32> to vector<16xf32>
    %swap3A_20 = vector.shape_cast %broadcast_in_dim3A_16 : vector<16xf32> to vector<16xf32>
    tpu.vector_store %arg6[%swap3A_17], %swap3A_20 {strides = array<i32>} : memref<128xf32, #tpu.memory_space<vmem>>, vector<16xf32>,
    %broadcast_in_dim3A_21 = arith.constant 1.000000e+00 : f32
    %broadcast_in_dim3A_22 = vector.broadcast %broadcast_in_dim3A_21 : f32 to vector<16xf32>
    %swap3A_23 = arith.constant 48 : index
    %swap3A_24 = tpu.vector_load %arg6[%swap3A_23] {strides = array<i32>} : memref<128xf32, #tpu.memory_space<vmem>>, vector<16xf32>,
    %swap3A_25 = vector.shape_cast %swap3A_24 : vector<16xf32> to vector<16xf32>
    %swap3A_26 = vector.shape_cast %broadcast_in_dim3A_22 : vector<16xf32> to vector<16xf32>
    tpu.vector_store %arg6[%swap3A_23], %swap3A_26 {strides = array<i32>} : memref<128xf32, #tpu.memory_space<vmem>>, vector<16xf32>,
    %broadcast_in_dim3A_27 = arith.constant 1.000000e+00 : f32
    %broadcast_in_dim3A_28 = vector.broadcast %broadcast_in_dim3A_27 : f32 to vector<16xf32>
    %swap3A_29 = arith.constant 64 : index
    %swap3A_30 = tpu.vector_load %arg6[%swap3A_29] {strides = array<i32>} : memref<128xf32, #tpu.memory_space<vmem>>, vector<16xf32>,
    %swap3A_31 = vector.shape_cast %swap3A_30 : vector<16xf32> to vector<16xf32>
    %swap3A_32 = vector.shape_cast %broadcast_in_dim3A_28 : vector<16xf32> to vector<16xf32>
    tpu.vector_store %arg6[%swap3A_29], %swap3A_32 {strides = array<i32>} : memref<128xf32, #tpu.memory_space<vmem>>, vector<16xf32>,
    %broadcast_in_dim3A_33 = arith.constant 1.000000e+00 : f32
    %broadcast_in_dim3A_34 = vector.broadcast %broadcast_in_dim3A_33 : f32 to vector<16xf32>
    %swap3A_35 = arith.constant 80 : index
    %swap3A_36 = tpu.vector_load %arg6[%swap3A_35] {strides = array<i32>} : memref<128xf32, #tpu.memory_space<vmem>>, vector<16xf32>,
    %swap3A_37 = vector.shape_cast %swap3A_36 : vector<16xf32> to vector<16xf32>
    %swap3A_38 = vector.shape_cast %broadcast_in_dim3A_34 : vector<16xf32> to vector<16xf32>
    tpu.vector_store %arg6[%swap3A_35], %swap3A_38 {strides = array<i32>} : memref<128xf32, #tpu.memory_space<vmem>>, vector<16xf32>,
    %broadcast_in_dim3A_39 = arith.constant 1.000000e+00 : f32
    %broadcast_in_dim3A_40 = vector.broadcast %broadcast_in_dim3A_39 : f32 to vector<16xf32>
    %swap3A_41 = arith.constant 96 : index
    %swap3A_42 = tpu.vector_load %arg6[%swap3A_41] {strides = array<i32>} : memref<128xf32, #tpu.memory_space<vmem>>, vector<16xf32>,
    %swap3A_43 = vector.shape_cast %swap3A_42 : vector<16xf32> to vector<16xf32>
    %swap3A_44 = vector.shape_cast %broadcast_in_dim3A_40 : vector<16xf32> to vector<16xf32>
    tpu.vector_store %arg6[%swap3A_41], %swap3A_44 {strides = array<i32>} : memref<128xf32, #tpu.memory_space<vmem>>, vector<16xf32>,
    %broadcast_in_dim3A_45 = arith.constant 1.000000e+00 : f32
    %broadcast_in_dim3A_46 = vector.broadcast %broadcast_in_dim3A_45 : f32 to vector<16xf32>
    %swap3A_47 = arith.constant 112 : index
    %swap3A_48 = tpu.vector_load %arg6[%swap3A_47] {strides = array<i32>} : memref<128xf32, #tpu.memory_space<vmem>>, vector<16xf32>,
    %swap3A_49 = vector.shape_cast %swap3A_48 : vector<16xf32> to vector<16xf32>
    %swap3A_50 = vector.shape_cast %broadcast_in_dim3A_46 : vector<16xf32> to vector<16xf32>
    tpu.vector_store %arg6[%swap3A_47], %swap3A_50 {strides = array<i32>} : memref<128xf32, #tpu.memory_space<vmem>>, vector<16xf32>,
    %mul3A_51 = arith.constant 80 : i32
    %mul3A_52 = arith.muli %add3A, %mul3A_51 : i32
    "tpu.region"() ({
      %run_scoped3A = tpu.sem_alloc : memref<!tpu.dma_semaphore, #tpu.memory_space<semaphore_mem>>
      %dma_start3A_160 = arith.constant 0 : i32
      %dma_start3A_161 = tpu.memref_slice %arg2[%mul3A_52, %dma_start3A_160] : memref<2560x128xi32, #tpu.memory_space<hbm>> -> memref<80x128xi32, #tpu.memory_space<hbm>>
      %dma_start3A_162 = arith.constant 0 : i32
      %dma_start3A_163 = tpu.memref_slice %arg2[%mul3A_52, %dma_start3A_162] : memref<2560x128xi32, #tpu.memory_space<hbm>> -> memref<80x128xi32, #tpu.memory_space<hbm>>
      tpu.enqueue_dma source(%dma_start3A_163 : memref<80x128xi32, #tpu.memory_space<hbm>>) target(%arg5 : memref<80x128xi32, #tpu.memory_space<vmem>>) target_semaphore(%run_scoped3A : memref<!tpu.dma_semaphore, #tpu.memory_space<semaphore_mem>>)
      %dma_wait3A_164 = arith.constant 0 : i32
      %dma_wait3A_165 = tpu.memref_slice %arg2[%mul3A_52, %dma_wait3A_164] : memref<2560x128xi32, #tpu.memory_space<hbm>> -> memref<80x128xi32, #tpu.memory_space<hbm>>
      %dma_wait3A_166 = arith.constant 0 : i32
      %dma_wait3A_167 = tpu.memref_slice %arg2[%mul3A_52, %dma_wait3A_166] : memref<2560x128xi32, #tpu.memory_space<hbm>> -> memref<80x128xi32, #tpu.memory_space<hbm>>
      tpu.wait_dma2 semaphore(%run_scoped3A : memref<!tpu.dma_semaphore, #tpu.memory_space<semaphore_mem>>) src(%dma_wait3A_167 : memref<80x128xi32, #tpu.memory_space<hbm>>) dst(%arg5 : memref<80x128xi32, #tpu.memory_space<vmem>>)
      tpu.yield
    }) : () -> ()
    %barrier3A = arith.constant 0 : index
    tpu.barrier barrier_id(%barrier3A)
    %dma_start3A = arith.constant 0 : i32
    %dma_start3A_53 = arith.constant 0 : i32
    %dma_start3A_54 = tpu.memref_slice %arg5[%dma_start3A, %dma_start3A_53] : memref<80x128xi32, #tpu.memory_space<vmem>> -> memref<1x128xi32, #tpu.memory_space<vmem>>
    %dma_start3A_55 = tpu.memref_squeeze %dma_start3A_54 : memref<1x128xi32, #tpu.memory_space<vmem>> -> memref<128xi32, #tpu.memory_space<vmem>>
    %dma_start3A_56 = arith.constant 0 : i32
    %dma_start3A_57 = tpu.memref_slice %arg8[%dma_start3A_56] : memref<10240xf32, #tpu.memory_space<vmem_shared>> -> memref<10240xf32, #tpu.memory_space<vmem_shared>>
    tpu.enqueue_indirect_dma source(%arg6 : memref<128xf32, #tpu.memory_space<vmem>>) target(%dma_start3A_57 : memref<10240xf32, #tpu.memory_space<vmem_shared>>) offsets(%dma_start3A_55 : memref<128xi32, #tpu.memory_space<vmem>>) semaphore(%arg9 : memref<!tpu.dma_semaphore, #tpu.memory_space<semaphore_mem>>) {add = true}
    %dma_start3A_58 = arith.constant 1 : i32
    %dma_start3A_59 = arith.constant 0 : i32
    %dma_start3A_60 = tpu.memref_slice %arg5[%dma_start3A_58, %dma_start3A_59] : memref<80x128xi32, #tpu.memory_space<vmem>> -> memref<1x128xi32, #tpu.memory_space<vmem>>
    %dma_start3A_61 = tpu.memref_squeeze %dma_start3A_60 : memref<1x128xi32, #tpu.memory_space<vmem>> -> memref<128xi32, #tpu.memory_space<vmem>>
    %dma_start3A_62 = arith.constant 0 : i32
    %dma_start3A_63 = tpu.memref_slice %arg8[%dma_start3A_62] : memref<10240xf32, #tpu.memory_space<vmem_shared>> -> memref<10240xf32, #tpu.memory_space<vmem_shared>>
    tpu.enqueue_indirect_dma source(%arg6 : memref<128xf32, #tpu.memory_space<vmem>>) target(%dma_start3A_63 : memref<10240xf32, #tpu.memory_space<vmem_shared>>) offsets(%dma_start3A_61 : memref<128xi32, #tpu.memory_space<vmem>>) semaphore(%arg9 : memref<!tpu.dma_semaphore, #tpu.memory_space<semaphore_mem>>) {add = true}
    %dma_start3A_64 = arith.constant 2 : i32
    %dma_start3A_65 = arith.constant 0 : i32
    %dma_start3A_66 = tpu.memref_slice %arg5[%dma_start3A_64, %dma_start3A_65] : memref<80x128xi32, #tpu.memory_space<vmem>> -> memref<1x128xi32, #tpu.memory_space<vmem>>
    %dma_start3A_67 = tpu.memref_squeeze %dma_start3A_66 : memref<1x128xi32, #tpu.memory_space<vmem>> -> memref<128xi32, #tpu.memory_space<vmem>>
    %dma_start3A_68 = arith.constant 0 : i32
    %dma_start3A_69 = tpu.memref_slice %arg8[%dma_start3A_68] : memref<10240xf32, #tpu.memory_space<vmem_shared>> -> memref<10240xf32, #tpu.memory_space<vmem_shared>>
    tpu.enqueue_indirect_dma source(%arg6 : memref<128xf32, #tpu.memory_space<vmem>>) target(%dma_start3A_69 : memref<10240xf32, #tpu.memory_space<vmem_shared>>) offsets(%dma_start3A_67 : memref<128xi32, #tpu.memory_space<vmem>>) semaphore(%arg9 : memref<!tpu.dma_semaphore, #tpu.memory_space<semaphore_mem>>) {add = true}
    %dma_start3A_70 = arith.constant 3 : i32
    %dma_start3A_71 = arith.constant 0 : i32
    %dma_start3A_72 = tpu.memref_slice %arg5[%dma_start3A_70, %dma_start3A_71] : memref<80x128xi32, #tpu.memory_space<vmem>> -> memref<1x128xi32, #tpu.memory_space<vmem>>
    %dma_start3A_73 = tpu.memref_squeeze %dma_start3A_72 : memref<1x128xi32, #tpu.memory_space<vmem>> -> memref<128xi32, #tpu.memory_space<vmem>>
    %dma_start3A_74 = arith.constant 0 : i32
    %dma_start3A_75 = tpu.memref_slice %arg8[%dma_start3A_74] : memref<10240xf32, #tpu.memory_space<vmem_shared>> -> memref<10240xf32, #tpu.memory_space<vmem_shared>>
    tpu.enqueue_indirect_dma source(%arg6 : memref<128xf32, #tpu.memory_space<vmem>>) target(%dma_start3A_75 : memref<10240xf32, #tpu.memory_space<vmem_shared>>) offsets(%dma_start3A_73 : memref<128xi32, #tpu.memory_space<vmem>>) semaphore(%arg9 : memref<!tpu.dma_semaphore, #tpu.memory_space<semaphore_mem>>) {add = true}
    %dma_start3A_76 = arith.constant 4 : i32
    %dma_start3A_77 = arith.constant 0 : i32
    %dma_start3A_78 = tpu.memref_slice %arg5[%dma_start3A_76, %dma_start3A_77] : memref<80x128xi32, #tpu.memory_space<vmem>> -> memref<1x128xi32, #tpu.memory_space<vmem>>
    %dma_start3A_79 = tpu.memref_squeeze %dma_start3A_78 : memref<1x128xi32, #tpu.memory_space<vmem>> -> memref<128xi32, #tpu.memory_space<vmem>>
    %dma_start3A_80 = arith.constant 0 : i32
    %dma_start3A_81 = tpu.memref_slice %arg8[%dma_start3A_80] : memref<10240xf32, #tpu.memory_space<vmem_shared>> -> memref<10240xf32, #tpu.memory_space<vmem_shared>>
    tpu.enqueue_indirect_dma source(%arg6 : memref<128xf32, #tpu.memory_space<vmem>>) target(%dma_start3A_81 : memref<10240xf32, #tpu.memory_space<vmem_shared>>) offsets(%dma_start3A_79 : memref<128xi32, #tpu.memory_space<vmem>>) semaphore(%arg9 : memref<!tpu.dma_semaphore, #tpu.memory_space<semaphore_mem>>) {add = true}
    %dma_start3A_82 = arith.constant 5 : i32
    %dma_start3A_83 = arith.constant 0 : i32
    %dma_start3A_84 = tpu.memref_slice %arg5[%dma_start3A_82, %dma_start3A_83] : memref<80x128xi32, #tpu.memory_space<vmem>> -> memref<1x128xi32, #tpu.memory_space<vmem>>
    %dma_start3A_85 = tpu.memref_squeeze %dma_start3A_84 : memref<1x128xi32, #tpu.memory_space<vmem>> -> memref<128xi32, #tpu.memory_space<vmem>>
    %dma_start3A_86 = arith.constant 0 : i32
    %dma_start3A_87 = tpu.memref_slice %arg8[%dma_start3A_86] : memref<10240xf32, #tpu.memory_space<vmem_shared>> -> memref<10240xf32, #tpu.memory_space<vmem_shared>>
    tpu.enqueue_indirect_dma source(%arg6 : memref<128xf32, #tpu.memory_space<vmem>>) target(%dma_start3A_87 : memref<10240xf32, #tpu.memory_space<vmem_shared>>) offsets(%dma_start3A_85 : memref<128xi32, #tpu.memory_space<vmem>>) semaphore(%arg9 : memref<!tpu.dma_semaphore, #tpu.memory_space<semaphore_mem>>) {add = true}
    %dma_start3A_88 = arith.constant 6 : i32
    %dma_start3A_89 = arith.constant 0 : i32
    %dma_start3A_90 = tpu.memref_slice %arg5[%dma_start3A_88, %dma_start3A_89] : memref<80x128xi32, #tpu.memory_space<vmem>> -> memref<1x128xi32, #tpu.memory_space<vmem>>
    %dma_start3A_91 = tpu.memref_squeeze %dma_start3A_90 : memref<1x128xi32, #tpu.memory_space<vmem>> -> memref<128xi32, #tpu.memory_space<vmem>>
    %dma_start3A_92 = arith.constant 0 : i32
    %dma_start3A_93 = tpu.memref_slice %arg8[%dma_start3A_92] : memref<10240xf32, #tpu.memory_space<vmem_shared>> -> memref<10240xf32, #tpu.memory_space<vmem_shared>>
    tpu.enqueue_indirect_dma source(%arg6 : memref<128xf32, #tpu.memory_space<vmem>>) target(%dma_start3A_93 : memref<10240xf32, #tpu.memory_space<vmem_shared>>) offsets(%dma_start3A_91 : memref<128xi32, #tpu.memory_space<vmem>>) semaphore(%arg9 : memref<!tpu.dma_semaphore, #tpu.memory_space<semaphore_mem>>) {add = true}
    %dma_start3A_94 = arith.constant 7 : i32
    %dma_start3A_95 = arith.constant 0 : i32
    %dma_start3A_96 = tpu.memref_slice %arg5[%dma_start3A_94, %dma_start3A_95] : memref<80x128xi32, #tpu.memory_space<vmem>> -> memref<1x128xi32, #tpu.memory_space<vmem>>
    %dma_start3A_97 = tpu.memref_squeeze %dma_start3A_96 : memref<1x128xi32, #tpu.memory_space<vmem>> -> memref<128xi32, #tpu.memory_space<vmem>>
    %dma_start3A_98 = arith.constant 0 : i32
    %dma_start3A_99 = tpu.memref_slice %arg8[%dma_start3A_98] : memref<10240xf32, #tpu.memory_space<vmem_shared>> -> memref<10240xf32, #tpu.memory_space<vmem_shared>>
    tpu.enqueue_indirect_dma source(%arg6 : memref<128xf32, #tpu.memory_space<vmem>>) target(%dma_start3A_99 : memref<10240xf32, #tpu.memory_space<vmem_shared>>) offsets(%dma_start3A_97 : memref<128xi32, #tpu.memory_space<vmem>>) semaphore(%arg9 : memref<!tpu.dma_semaphore, #tpu.memory_space<semaphore_mem>>) {add = true}
    %scan3A = arith.constant 0 : i32
    %scan3A_100 = arith.constant 0 : i32
    %scan3A_101 = arith.constant 72 : i32
    %scan3A_102 = arith.addi %scan3A_100, %scan3A_101 : i32
    %scan3A_103 = arith.constant 1 : i32
    scf.for %scan3A_160 = %scan3A_100 to %scan3A_102 step %scan3A_103  : i32 {
      %add3A_161 = arith.constant 8 : i32
      %add3A_162 = arith.addi %scan3A_160, %add3A_161 : i32
      %dma_start3A_163 = arith.constant 0 : i32
      %dma_start3A_164 = tpu.memref_slice %arg5[%add3A_162, %dma_start3A_163] : memref<80x128xi32, #tpu.memory_space<vmem>> -> memref<1x128xi32, #tpu.memory_space<vmem>>
      %dma_start3A_165 = tpu.memref_squeeze %dma_start3A_164 : memref<1x128xi32, #tpu.memory_space<vmem>> -> memref<128xi32, #tpu.memory_space<vmem>>
      %dma_start3A_166 = arith.constant 0 : i32
      %dma_start3A_167 = tpu.memref_slice %arg8[%dma_start3A_166] : memref<10240xf32, #tpu.memory_space<vmem_shared>> -> memref<10240xf32, #tpu.memory_space<vmem_shared>>
      tpu.enqueue_indirect_dma source(%arg6 : memref<128xf32, #tpu.memory_space<vmem>>) target(%dma_start3A_167 : memref<10240xf32, #tpu.memory_space<vmem_shared>>) offsets(%dma_start3A_165 : memref<128xi32, #tpu.memory_space<vmem>>) semaphore(%arg9 : memref<!tpu.dma_semaphore, #tpu.memory_space<semaphore_mem>>) {add = true}
      %dma_wait3A_168 = arith.constant 0 : i32
      %dma_wait3A_169 = tpu.memref_slice %arg5[%scan3A_160, %dma_wait3A_168] : memref<80x128xi32, #tpu.memory_space<vmem>> -> memref<1x128xi32, #tpu.memory_space<vmem>>
      %dma_wait3A_170 = tpu.memref_squeeze %dma_wait3A_169 : memref<1x128xi32, #tpu.memory_space<vmem>> -> memref<128xi32, #tpu.memory_space<vmem>>
      %dma_wait3A_171 = arith.constant 0 : i32
      %dma_wait3A_172 = tpu.memref_slice %arg8[%dma_wait3A_171] : memref<10240xf32, #tpu.memory_space<vmem_shared>> -> memref<10240xf32, #tpu.memory_space<vmem_shared>>
      tpu.wait_indirect_dma semaphore(%arg9 : memref<!tpu.dma_semaphore, #tpu.memory_space<semaphore_mem>>) src(%arg6 : memref<128xf32, #tpu.memory_space<vmem>>) dst(%dma_wait3A_172 : memref<10240xf32, #tpu.memory_space<vmem_shared>>)
    }
    %scan3A_104 = arith.constant 72 : i32
    %dma_wait3A = arith.constant 0 : i32
    %dma_wait3A_105 = arith.constant 0 : i32
    %dma_wait3A_106 = tpu.memref_slice %arg5[%dma_wait3A, %dma_wait3A_105] : memref<80x128xi32, #tpu.memory_space<vmem>> -> memref<1x128xi32, #tpu.memory_space<vmem>>
    %dma_wait3A_107 = tpu.memref_squeeze %dma_wait3A_106 : memref<1x128xi32, #tpu.memory_space<vmem>> -> memref<128xi32, #tpu.memory_space<vmem>>
    %dma_wait3A_108 = arith.constant 0 : i32
    %dma_wait3A_109 = tpu.memref_slice %arg8[%dma_wait3A_108] : memref<10240xf32, #tpu.memory_space<vmem_shared>> -> memref<10240xf32, #tpu.memory_space<vmem_shared>>
    tpu.wait_indirect_dma semaphore(%arg9 : memref<!tpu.dma_semaphore, #tpu.memory_space<semaphore_mem>>) src(%arg6 : memref<128xf32, #tpu.memory_space<vmem>>) dst(%dma_wait3A_109 : memref<10240xf32, #tpu.memory_space<vmem_shared>>)
    %dma_wait3A_110 = arith.constant 1 : i32
    %dma_wait3A_111 = arith.constant 0 : i32
    %dma_wait3A_112 = tpu.memref_slice %arg5[%dma_wait3A_110, %dma_wait3A_111] : memref<80x128xi32, #tpu.memory_space<vmem>> -> memref<1x128xi32, #tpu.memory_space<vmem>>
    %dma_wait3A_113 = tpu.memref_squeeze %dma_wait3A_112 : memref<1x128xi32, #tpu.memory_space<vmem>> -> memref<128xi32, #tpu.memory_space<vmem>>
    %dma_wait3A_114 = arith.constant 0 : i32
    %dma_wait3A_115 = tpu.memref_slice %arg8[%dma_wait3A_114] : memref<10240xf32, #tpu.memory_space<vmem_shared>> -> memref<10240xf32, #tpu.memory_space<vmem_shared>>
    tpu.wait_indirect_dma semaphore(%arg9 : memref<!tpu.dma_semaphore, #tpu.memory_space<semaphore_mem>>) src(%arg6 : memref<128xf32, #tpu.memory_space<vmem>>) dst(%dma_wait3A_115 : memref<10240xf32, #tpu.memory_space<vmem_shared>>)
    %dma_wait3A_116 = arith.constant 2 : i32
    %dma_wait3A_117 = arith.constant 0 : i32
    %dma_wait3A_118 = tpu.memref_slice %arg5[%dma_wait3A_116, %dma_wait3A_117] : memref<80x128xi32, #tpu.memory_space<vmem>> -> memref<1x128xi32, #tpu.memory_space<vmem>>
    %dma_wait3A_119 = tpu.memref_squeeze %dma_wait3A_118 : memref<1x128xi32, #tpu.memory_space<vmem>> -> memref<128xi32, #tpu.memory_space<vmem>>
    %dma_wait3A_120 = arith.constant 0 : i32
    %dma_wait3A_121 = tpu.memref_slice %arg8[%dma_wait3A_120] : memref<10240xf32, #tpu.memory_space<vmem_shared>> -> memref<10240xf32, #tpu.memory_space<vmem_shared>>
    tpu.wait_indirect_dma semaphore(%arg9 : memref<!tpu.dma_semaphore, #tpu.memory_space<semaphore_mem>>) src(%arg6 : memref<128xf32, #tpu.memory_space<vmem>>) dst(%dma_wait3A_121 : memref<10240xf32, #tpu.memory_space<vmem_shared>>)
    %dma_wait3A_122 = arith.constant 3 : i32
    %dma_wait3A_123 = arith.constant 0 : i32
    %dma_wait3A_124 = tpu.memref_slice %arg5[%dma_wait3A_122, %dma_wait3A_123] : memref<80x128xi32, #tpu.memory_space<vmem>> -> memref<1x128xi32, #tpu.memory_space<vmem>>
    %dma_wait3A_125 = tpu.memref_squeeze %dma_wait3A_124 : memref<1x128xi32, #tpu.memory_space<vmem>> -> memref<128xi32, #tpu.memory_space<vmem>>
    %dma_wait3A_126 = arith.constant 0 : i32
    %dma_wait3A_127 = tpu.memref_slice %arg8[%dma_wait3A_126] : memref<10240xf32, #tpu.memory_space<vmem_shared>> -> memref<10240xf32, #tpu.memory_space<vmem_shared>>
    tpu.wait_indirect_dma semaphore(%arg9 : memref<!tpu.dma_semaphore, #tpu.memory_space<semaphore_mem>>) src(%arg6 : memref<128xf32, #tpu.memory_space<vmem>>) dst(%dma_wait3A_127 : memref<10240xf32, #tpu.memory_space<vmem_shared>>)
    %dma_wait3A_128 = arith.constant 4 : i32
    %dma_wait3A_129 = arith.constant 0 : i32
    %dma_wait3A_130 = tpu.memref_slice %arg5[%dma_wait3A_128, %dma_wait3A_129] : memref<80x128xi32, #tpu.memory_space<vmem>> -> memref<1x128xi32, #tpu.memory_space<vmem>>
    %dma_wait3A_131 = tpu.memref_squeeze %dma_wait3A_130 : memref<1x128xi32, #tpu.memory_space<vmem>> -> memref<128xi32, #tpu.memory_space<vmem>>
    %dma_wait3A_132 = arith.constant 0 : i32
    %dma_wait3A_133 = tpu.memref_slice %arg8[%dma_wait3A_132] : memref<10240xf32, #tpu.memory_space<vmem_shared>> -> memref<10240xf32, #tpu.memory_space<vmem_shared>>
    tpu.wait_indirect_dma semaphore(%arg9 : memref<!tpu.dma_semaphore, #tpu.memory_space<semaphore_mem>>) src(%arg6 : memref<128xf32, #tpu.memory_space<vmem>>) dst(%dma_wait3A_133 : memref<10240xf32, #tpu.memory_space<vmem_shared>>)
    %dma_wait3A_134 = arith.constant 5 : i32
    %dma_wait3A_135 = arith.constant 0 : i32
    %dma_wait3A_136 = tpu.memref_slice %arg5[%dma_wait3A_134, %dma_wait3A_135] : memref<80x128xi32, #tpu.memory_space<vmem>> -> memref<1x128xi32, #tpu.memory_space<vmem>>
    %dma_wait3A_137 = tpu.memref_squeeze %dma_wait3A_136 : memref<1x128xi32, #tpu.memory_space<vmem>> -> memref<128xi32, #tpu.memory_space<vmem>>
    %dma_wait3A_138 = arith.constant 0 : i32
    %dma_wait3A_139 = tpu.memref_slice %arg8[%dma_wait3A_138] : memref<10240xf32, #tpu.memory_space<vmem_shared>> -> memref<10240xf32, #tpu.memory_space<vmem_shared>>
    tpu.wait_indirect_dma semaphore(%arg9 : memref<!tpu.dma_semaphore, #tpu.memory_space<semaphore_mem>>) src(%arg6 : memref<128xf32, #tpu.memory_space<vmem>>) dst(%dma_wait3A_139 : memref<10240xf32, #tpu.memory_space<vmem_shared>>)
    %dma_wait3A_140 = arith.constant 6 : i32
    %dma_wait3A_141 = arith.constant 0 : i32
    %dma_wait3A_142 = tpu.memref_slice %arg5[%dma_wait3A_140, %dma_wait3A_141] : memref<80x128xi32, #tpu.memory_space<vmem>> -> memref<1x128xi32, #tpu.memory_space<vmem>>
    %dma_wait3A_143 = tpu.memref_squeeze %dma_wait3A_142 : memref<1x128xi32, #tpu.memory_space<vmem>> -> memref<128xi32, #tpu.memory_space<vmem>>
    %dma_wait3A_144 = arith.constant 0 : i32
    %dma_wait3A_145 = tpu.memref_slice %arg8[%dma_wait3A_144] : memref<10240xf32, #tpu.memory_space<vmem_shared>> -> memref<10240xf32, #tpu.memory_space<vmem_shared>>
    tpu.wait_indirect_dma semaphore(%arg9 : memref<!tpu.dma_semaphore, #tpu.memory_space<semaphore_mem>>) src(%arg6 : memref<128xf32, #tpu.memory_space<vmem>>) dst(%dma_wait3A_145 : memref<10240xf32, #tpu.memory_space<vmem_shared>>)
    %dma_wait3A_146 = arith.constant 7 : i32
    %dma_wait3A_147 = arith.constant 0 : i32
    %dma_wait3A_148 = tpu.memref_slice %arg5[%dma_wait3A_146, %dma_wait3A_147] : memref<80x128xi32, #tpu.memory_space<vmem>> -> memref<1x128xi32, #tpu.memory_space<vmem>>
    %dma_wait3A_149 = tpu.memref_squeeze %dma_wait3A_148 : memref<1x128xi32, #tpu.memory_space<vmem>> -> memref<128xi32, #tpu.memory_space<vmem>>
    %dma_wait3A_150 = arith.constant 0 : i32
    %dma_wait3A_151 = tpu.memref_slice %arg8[%dma_wait3A_150] : memref<10240xf32, #tpu.memory_space<vmem_shared>> -> memref<10240xf32, #tpu.memory_space<vmem_shared>>
    tpu.wait_indirect_dma semaphore(%arg9 : memref<!tpu.dma_semaphore, #tpu.memory_space<semaphore_mem>>) src(%arg6 : memref<128xf32, #tpu.memory_space<vmem>>) dst(%dma_wait3A_151 : memref<10240xf32, #tpu.memory_space<vmem_shared>>)
    %barrier3A_152 = arith.constant 0 : index
    tpu.barrier barrier_id(%barrier3A_152)
    %mul3A_153 = arith.constant 640 : i32
    %mul3A_154 = arith.muli %arg1, %mul3A_153 : i32
    "tpu.region"() ({
      %run_scoped3A = tpu.sem_alloc : memref<!tpu.dma_semaphore, #tpu.memory_space<semaphore_mem>>
      %dma_start3A_160 = tpu.memref_slice %arg8[%mul3A_154] : memref<10240xf32, #tpu.memory_space<vmem_shared>> -> memref<640xf32, #tpu.memory_space<vmem_shared>>
      %dma_start3A_161 = tpu.memref_slice %arg8[%mul3A_154] : memref<10240xf32, #tpu.memory_space<vmem_shared>> -> memref<640xf32, #tpu.memory_space<vmem_shared>>
      tpu.enqueue_dma source(%dma_start3A_161 : memref<640xf32, #tpu.memory_space<vmem_shared>>) target(%arg7 : memref<640xf32, #tpu.memory_space<vmem>>) target_semaphore(%run_scoped3A : memref<!tpu.dma_semaphore, #tpu.memory_space<semaphore_mem>>)
      %dma_wait3A_162 = tpu.memref_slice %arg8[%mul3A_154] : memref<10240xf32, #tpu.memory_space<vmem_shared>> -> memref<640xf32, #tpu.memory_space<vmem_shared>>
      %dma_wait3A_163 = tpu.memref_slice %arg8[%mul3A_154] : memref<10240xf32, #tpu.memory_space<vmem_shared>> -> memref<640xf32, #tpu.memory_space<vmem_shared>>
      tpu.wait_dma2 semaphore(%run_scoped3A : memref<!tpu.dma_semaphore, #tpu.memory_space<semaphore_mem>>) src(%dma_wait3A_163 : memref<640xf32, #tpu.memory_space<vmem_shared>>) dst(%arg7 : memref<640xf32, #tpu.memory_space<vmem>>)
      tpu.yield
    }) : () -> ()
    %mul3A_155 = arith.constant 10240 : i32
    %mul3A_156 = arith.muli %arg0, %mul3A_155 : i32
    %mul3A_157 = arith.constant 640 : i32
    %mul3A_158 = arith.muli %arg1, %mul3A_157 : i32
    %add3A_159 = arith.addi %mul3A_156, %mul3A_158 : i32
    "tpu.region"() ({
      %run_scoped3A = tpu.sem_alloc : memref<!tpu.dma_semaphore, #tpu.memory_space<semaphore_mem>>
      %dma_start3A_160 = tpu.memref_slice %arg4[%add3A_159] : memref<20480xf32, #tpu.memory_space<hbm>> -> memref<640xf32, #tpu.memory_space<hbm>>
      %dma_start3A_161 = tpu.memref_slice %arg4[%add3A_159] : memref<20480xf32, #tpu.memory_space<hbm>> -> memref<640xf32, #tpu.memory_space<hbm>>
      tpu.enqueue_dma source(%arg7 : memref<640xf32, #tpu.memory_space<vmem>>) target(%dma_start3A_161 : memref<640xf32, #tpu.memory_space<hbm>>) target_semaphore(%run_scoped3A : memref<!tpu.dma_semaphore, #tpu.memory_space<semaphore_mem>>)
      %dma_wait3A_162 = tpu.memref_slice %arg4[%add3A_159] : memref<20480xf32, #tpu.memory_space<hbm>> -> memref<640xf32, #tpu.memory_space<hbm>>
      %dma_wait3A_163 = tpu.memref_slice %arg4[%add3A_159] : memref<20480xf32, #tpu.memory_space<hbm>> -> memref<640xf32, #tpu.memory_space<hbm>>
      tpu.wait_dma2 semaphore(%run_scoped3A : memref<!tpu.dma_semaphore, #tpu.memory_space<semaphore_mem>>) src(%arg7 : memref<640xf32, #tpu.memory_space<vmem>>) dst(%dma_wait3A_163 : memref<640xf32, #tpu.memory_space<hbm>>)
      tpu.yield
    }) : () -> ()
    return
  }
}

#map = affine_map<(d0, d1) -> (0, 0)>
module attributes {stable_mosaic.version = 14 : i64} {
  func.func @_agg(%arg0: i32, %arg1: i32, %arg2: memref<10240x32xbf16, #tpu.memory_space<hbm>>, %arg3: memref<10240x32xbf16, #tpu.memory_space<hbm>>, %arg4: memref<2560x128xi32, #tpu.memory_space<hbm>>, %arg5: memref<2560x128xi32, #tpu.memory_space<hbm>>, %arg6: memref<10240x32xbf16, #tpu.memory_space<hbm>>, %arg7: memref<10240x32xbf16, #tpu.memory_space<hbm>>, %arg8: memref<10240x32xbf16, #tpu.memory_space<hbm>>, %arg9: memref<160x128xi32, #tpu.memory_space<vmem>>, %arg10: memref<160x128xi32, #tpu.memory_space<vmem>>, %arg11: memref<8x128x32xbf16, #tpu.memory_space<vmem>>, %arg12: memref<10240x32xbf16, #tpu.memory_space<vmem_shared>>, %arg13: memref<10240x32xbf16, #tpu.memory_space<vmem_shared>>, %arg14: memref<!tpu.dma_semaphore, #tpu.memory_space<semaphore_mem>>, %arg15: memref<!tpu.dma_semaphore, #tpu.memory_space<semaphore_mem>>, %arg16: memref<!tpu.dma_semaphore, #tpu.memory_space<semaphore_mem>>, %arg17: memref<!tpu.dma_semaphore, #tpu.memory_space<semaphore_mem>>, %arg18: memref<!tpu.dma_semaphore, #tpu.memory_space<semaphore_mem>>, %arg19: memref<!tpu.dma_semaphore, #tpu.memory_space<semaphore_mem>>, %arg20: memref<!tpu.dma_semaphore, #tpu.memory_space<semaphore_mem>>, %arg21: memref<!tpu.dma_semaphore, #tpu.memory_space<semaphore_mem>>, %arg22: memref<!tpu.dma_semaphore, #tpu.memory_space<semaphore_mem>>) attributes {dimension_semantics = [#tpu.dimension_semantics<core_parallel>, #tpu.dimension_semantics<subcore_parallel>], iteration_bounds = array<i64: 2, 16>, scalar_prefetch = 0 : i64, scratch_operands = 14 : i64, tpu.core_type = #tpu.core_type<sc_vector_subcore>, window_params = [{transform_indices = #map}, {transform_indices = #map}, {transform_indices = #map}, {transform_indices = #map}, {transform_indices = #map}, {transform_indices = #map}, {transform_indices = #map}]} {
    %eq3A = arith.constant 0 : i32
    %eq3A_0 = arith.cmpi eq, %arg0, %eq3A : i32
    %convert_element_type3A = arith.extui %eq3A_0 : i1 to i32
    %cond3A = arith.constant 0 : i32
    %cond3A_1 = arith.cmpi ne, %convert_element_type3A, %cond3A : i32
    scf.if %cond3A_1 {
      %mul3A_234 = arith.constant 640 : i32
      %mul3A_235 = arith.muli %arg1, %mul3A_234 : i32
      %mul3A_236 = arith.constant 640 : i32
      %mul3A_237 = arith.muli %arg1, %mul3A_236 : i32
      "tpu.region"() ({
        %run_scoped3A_238 = tpu.sem_alloc : memref<!tpu.dma_semaphore, #tpu.memory_space<semaphore_mem>>
        %dma_start3A_239 = arith.constant 0 : i32
        %dma_start3A_240 = tpu.memref_slice %arg13[%mul3A_237, %dma_start3A_239] : memref<10240x32xbf16, #tpu.memory_space<vmem_shared>> -> memref<640x32xbf16, #tpu.memory_space<vmem_shared>>
        %dma_start3A_241 = arith.constant 0 : i32
        %dma_start3A_242 = tpu.memref_slice %arg2[%mul3A_235, %dma_start3A_241] : memref<10240x32xbf16, #tpu.memory_space<hbm>> -> memref<640x32xbf16, #tpu.memory_space<hbm>>
        tpu.enqueue_dma source(%dma_start3A_242 : memref<640x32xbf16, #tpu.memory_space<hbm>>) target(%dma_start3A_240 : memref<640x32xbf16, #tpu.memory_space<vmem_shared>>) target_semaphore(%run_scoped3A_238 : memref<!tpu.dma_semaphore, #tpu.memory_space<semaphore_mem>>)
        %dma_wait3A = arith.constant 0 : i32
        %dma_wait3A_243 = tpu.memref_slice %arg13[%mul3A_237, %dma_wait3A] : memref<10240x32xbf16, #tpu.memory_space<vmem_shared>> -> memref<640x32xbf16, #tpu.memory_space<vmem_shared>>
        %dma_wait3A_244 = arith.constant 0 : i32
        %dma_wait3A_245 = tpu.memref_slice %arg2[%mul3A_235, %dma_wait3A_244] : memref<10240x32xbf16, #tpu.memory_space<hbm>> -> memref<640x32xbf16, #tpu.memory_space<hbm>>
        tpu.wait_dma2 semaphore(%run_scoped3A_238 : memref<!tpu.dma_semaphore, #tpu.memory_space<semaphore_mem>>) src(%dma_wait3A_245 : memref<640x32xbf16, #tpu.memory_space<hbm>>) dst(%dma_wait3A_243 : memref<640x32xbf16, #tpu.memory_space<vmem_shared>>)
        tpu.yield
      }) : () -> ()
    } else {
    }
    %eq3A_2 = arith.constant 1 : i32
    %eq3A_3 = arith.cmpi eq, %arg0, %eq3A_2 : i32
    %convert_element_type3A_4 = arith.extui %eq3A_3 : i1 to i32
    %cond3A_5 = arith.constant 0 : i32
    %cond3A_6 = arith.cmpi ne, %convert_element_type3A_4, %cond3A_5 : i32
    scf.if %cond3A_6 {
      %mul3A_234 = arith.constant 640 : i32
      %mul3A_235 = arith.muli %arg1, %mul3A_234 : i32
      %mul3A_236 = arith.constant 640 : i32
      %mul3A_237 = arith.muli %arg1, %mul3A_236 : i32
      "tpu.region"() ({
        %run_scoped3A_238 = tpu.sem_alloc : memref<!tpu.dma_semaphore, #tpu.memory_space<semaphore_mem>>
        %dma_start3A_239 = arith.constant 0 : i32
        %dma_start3A_240 = tpu.memref_slice %arg13[%mul3A_237, %dma_start3A_239] : memref<10240x32xbf16, #tpu.memory_space<vmem_shared>> -> memref<640x32xbf16, #tpu.memory_space<vmem_shared>>
        %dma_start3A_241 = arith.constant 0 : i32
        %dma_start3A_242 = tpu.memref_slice %arg3[%mul3A_235, %dma_start3A_241] : memref<10240x32xbf16, #tpu.memory_space<hbm>> -> memref<640x32xbf16, #tpu.memory_space<hbm>>
        tpu.enqueue_dma source(%dma_start3A_242 : memref<640x32xbf16, #tpu.memory_space<hbm>>) target(%dma_start3A_240 : memref<640x32xbf16, #tpu.memory_space<vmem_shared>>) target_semaphore(%run_scoped3A_238 : memref<!tpu.dma_semaphore, #tpu.memory_space<semaphore_mem>>)
        %dma_wait3A = arith.constant 0 : i32
        %dma_wait3A_243 = tpu.memref_slice %arg13[%mul3A_237, %dma_wait3A] : memref<10240x32xbf16, #tpu.memory_space<vmem_shared>> -> memref<640x32xbf16, #tpu.memory_space<vmem_shared>>
        %dma_wait3A_244 = arith.constant 0 : i32
        %dma_wait3A_245 = tpu.memref_slice %arg3[%mul3A_235, %dma_wait3A_244] : memref<10240x32xbf16, #tpu.memory_space<hbm>> -> memref<640x32xbf16, #tpu.memory_space<hbm>>
        tpu.wait_dma2 semaphore(%run_scoped3A_238 : memref<!tpu.dma_semaphore, #tpu.memory_space<semaphore_mem>>) src(%dma_wait3A_245 : memref<640x32xbf16, #tpu.memory_space<hbm>>) dst(%dma_wait3A_243 : memref<640x32xbf16, #tpu.memory_space<vmem_shared>>)
        tpu.yield
      }) : () -> ()
    } else {
    }
    %mul3A = arith.constant 640 : i32
    %mul3A_7 = arith.muli %arg1, %mul3A : i32
    %add3A = arith.constant 0 : i32
    %add3A_8 = arith.addi %mul3A_7, %add3A : i32
    %run_scoped3A = arith.constant 0 : i32
    "tpu.region"() ({
      %run_scoped3A_234 = tpu.sem_alloc : memref<!tpu.dma_semaphore, #tpu.memory_space<semaphore_mem>>
      %dma_start3A_235 = arith.constant 0 : i32
      %dma_start3A_236 = arith.constant 0 : i32
      %dma_start3A_237 = tpu.memref_slice %arg11[%run_scoped3A, %dma_start3A_235, %dma_start3A_236] : memref<8x128x32xbf16, #tpu.memory_space<vmem>> -> memref<1x128x32xbf16, #tpu.memory_space<vmem>>
      %dma_start3A_238 = tpu.memref_squeeze %dma_start3A_237 : memref<1x128x32xbf16, #tpu.memory_space<vmem>> -> memref<128x32xbf16, #tpu.memory_space<vmem>>
      %dma_start3A_239 = arith.constant 0 : i32
      %dma_start3A_240 = tpu.memref_slice %arg6[%add3A_8, %dma_start3A_239] : memref<10240x32xbf16, #tpu.memory_space<hbm>> -> memref<128x32xbf16, #tpu.memory_space<hbm>>
      %dma_start3A_241 = arith.constant 0 : i32
      %dma_start3A_242 = arith.constant 0 : i32
      %dma_start3A_243 = tpu.memref_slice %arg11[%run_scoped3A, %dma_start3A_241, %dma_start3A_242] : memref<8x128x32xbf16, #tpu.memory_space<vmem>> -> memref<1x128x32xbf16, #tpu.memory_space<vmem>>
      %dma_start3A_244 = tpu.memref_squeeze %dma_start3A_243 : memref<1x128x32xbf16, #tpu.memory_space<vmem>> -> memref<128x32xbf16, #tpu.memory_space<vmem>>
      %dma_start3A_245 = arith.constant 0 : i32
      %dma_start3A_246 = tpu.memref_slice %arg6[%add3A_8, %dma_start3A_245] : memref<10240x32xbf16, #tpu.memory_space<hbm>> -> memref<128x32xbf16, #tpu.memory_space<hbm>>
      tpu.enqueue_dma source(%dma_start3A_246 : memref<128x32xbf16, #tpu.memory_space<hbm>>) target(%dma_start3A_244 : memref<128x32xbf16, #tpu.memory_space<vmem>>) target_semaphore(%run_scoped3A_234 : memref<!tpu.dma_semaphore, #tpu.memory_space<semaphore_mem>>)
      %dma_wait3A = arith.constant 0 : i32
      %dma_wait3A_247 = arith.constant 0 : i32
      %dma_wait3A_248 = tpu.memref_slice %arg11[%run_scoped3A, %dma_wait3A, %dma_wait3A_247] : memref<8x128x32xbf16, #tpu.memory_space<vmem>> -> memref<1x128x32xbf16, #tpu.memory_space<vmem>>
      %dma_wait3A_249 = tpu.memref_squeeze %dma_wait3A_248 : memref<1x128x32xbf16, #tpu.memory_space<vmem>> -> memref<128x32xbf16, #tpu.memory_space<vmem>>
      %dma_wait3A_250 = arith.constant 0 : i32
      %dma_wait3A_251 = tpu.memref_slice %arg6[%add3A_8, %dma_wait3A_250] : memref<10240x32xbf16, #tpu.memory_space<hbm>> -> memref<128x32xbf16, #tpu.memory_space<hbm>>
      %dma_wait3A_252 = arith.constant 0 : i32
      %dma_wait3A_253 = arith.constant 0 : i32
      %dma_wait3A_254 = tpu.memref_slice %arg11[%run_scoped3A, %dma_wait3A_252, %dma_wait3A_253] : memref<8x128x32xbf16, #tpu.memory_space<vmem>> -> memref<1x128x32xbf16, #tpu.memory_space<vmem>>
      %dma_wait3A_255 = tpu.memref_squeeze %dma_wait3A_254 : memref<1x128x32xbf16, #tpu.memory_space<vmem>> -> memref<128x32xbf16, #tpu.memory_space<vmem>>
      %dma_wait3A_256 = arith.constant 0 : i32
      %dma_wait3A_257 = tpu.memref_slice %arg6[%add3A_8, %dma_wait3A_256] : memref<10240x32xbf16, #tpu.memory_space<hbm>> -> memref<128x32xbf16, #tpu.memory_space<hbm>>
      tpu.wait_dma2 semaphore(%run_scoped3A_234 : memref<!tpu.dma_semaphore, #tpu.memory_space<semaphore_mem>>) src(%dma_wait3A_257 : memref<128x32xbf16, #tpu.memory_space<hbm>>) dst(%dma_wait3A_255 : memref<128x32xbf16, #tpu.memory_space<vmem>>)
      tpu.yield
    }) : () -> ()
    %mul3A_9 = arith.constant 640 : i32
    %mul3A_10 = arith.muli %arg1, %mul3A_9 : i32
    %add3A_11 = arith.constant 0 : i32
    %add3A_12 = arith.addi %mul3A_10, %add3A_11 : i32
    %run_scoped3A_13 = arith.constant 0 : i32
    "tpu.region"() ({
      %run_scoped3A_234 = tpu.sem_alloc : memref<!tpu.dma_semaphore, #tpu.memory_space<semaphore_mem>>
      %dma_start3A_235 = arith.constant 0 : i32
      %dma_start3A_236 = arith.constant 0 : i32
      %dma_start3A_237 = tpu.memref_slice %arg11[%run_scoped3A_13, %dma_start3A_235, %dma_start3A_236] : memref<8x128x32xbf16, #tpu.memory_space<vmem>> -> memref<1x128x32xbf16, #tpu.memory_space<vmem>>
      %dma_start3A_238 = tpu.memref_squeeze %dma_start3A_237 : memref<1x128x32xbf16, #tpu.memory_space<vmem>> -> memref<128x32xbf16, #tpu.memory_space<vmem>>
      %dma_start3A_239 = arith.constant 0 : i32
      %dma_start3A_240 = tpu.memref_slice %arg12[%add3A_12, %dma_start3A_239] : memref<10240x32xbf16, #tpu.memory_space<vmem_shared>> -> memref<128x32xbf16, #tpu.memory_space<vmem_shared>>
      %dma_start3A_241 = arith.constant 0 : i32
      %dma_start3A_242 = tpu.memref_slice %arg12[%add3A_12, %dma_start3A_241] : memref<10240x32xbf16, #tpu.memory_space<vmem_shared>> -> memref<128x32xbf16, #tpu.memory_space<vmem_shared>>
      %dma_start3A_243 = arith.constant 0 : i32
      %dma_start3A_244 = arith.constant 0 : i32
      %dma_start3A_245 = tpu.memref_slice %arg11[%run_scoped3A_13, %dma_start3A_243, %dma_start3A_244] : memref<8x128x32xbf16, #tpu.memory_space<vmem>> -> memref<1x128x32xbf16, #tpu.memory_space<vmem>>
      %dma_start3A_246 = tpu.memref_squeeze %dma_start3A_245 : memref<1x128x32xbf16, #tpu.memory_space<vmem>> -> memref<128x32xbf16, #tpu.memory_space<vmem>>
      tpu.enqueue_dma source(%dma_start3A_246 : memref<128x32xbf16, #tpu.memory_space<vmem>>) target(%dma_start3A_242 : memref<128x32xbf16, #tpu.memory_space<vmem_shared>>) target_semaphore(%run_scoped3A_234 : memref<!tpu.dma_semaphore, #tpu.memory_space<semaphore_mem>>)
      %dma_wait3A = arith.constant 0 : i32
      %dma_wait3A_247 = arith.constant 0 : i32
      %dma_wait3A_248 = tpu.memref_slice %arg11[%run_scoped3A_13, %dma_wait3A, %dma_wait3A_247] : memref<8x128x32xbf16, #tpu.memory_space<vmem>> -> memref<1x128x32xbf16, #tpu.memory_space<vmem>>
      %dma_wait3A_249 = tpu.memref_squeeze %dma_wait3A_248 : memref<1x128x32xbf16, #tpu.memory_space<vmem>> -> memref<128x32xbf16, #tpu.memory_space<vmem>>
      %dma_wait3A_250 = arith.constant 0 : i32
      %dma_wait3A_251 = tpu.memref_slice %arg12[%add3A_12, %dma_wait3A_250] : memref<10240x32xbf16, #tpu.memory_space<vmem_shared>> -> memref<128x32xbf16, #tpu.memory_space<vmem_shared>>
      %dma_wait3A_252 = arith.constant 0 : i32
      %dma_wait3A_253 = tpu.memref_slice %arg12[%add3A_12, %dma_wait3A_252] : memref<10240x32xbf16, #tpu.memory_space<vmem_shared>> -> memref<128x32xbf16, #tpu.memory_space<vmem_shared>>
      %dma_wait3A_254 = arith.constant 0 : i32
      %dma_wait3A_255 = arith.constant 0 : i32
      %dma_wait3A_256 = tpu.memref_slice %arg11[%run_scoped3A_13, %dma_wait3A_254, %dma_wait3A_255] : memref<8x128x32xbf16, #tpu.memory_space<vmem>> -> memref<1x128x32xbf16, #tpu.memory_space<vmem>>
      %dma_wait3A_257 = tpu.memref_squeeze %dma_wait3A_256 : memref<1x128x32xbf16, #tpu.memory_space<vmem>> -> memref<128x32xbf16, #tpu.memory_space<vmem>>
      tpu.wait_dma2 semaphore(%run_scoped3A_234 : memref<!tpu.dma_semaphore, #tpu.memory_space<semaphore_mem>>) src(%dma_wait3A_257 : memref<128x32xbf16, #tpu.memory_space<vmem>>) dst(%dma_wait3A_253 : memref<128x32xbf16, #tpu.memory_space<vmem_shared>>)
      tpu.yield
    }) : () -> ()
    %mul3A_14 = arith.constant 640 : i32
    %mul3A_15 = arith.muli %arg1, %mul3A_14 : i32
    %add3A_16 = arith.constant 128 : i32
    %add3A_17 = arith.addi %mul3A_15, %add3A_16 : i32
    %run_scoped3A_18 = arith.constant 0 : i32
    "tpu.region"() ({
      %run_scoped3A_234 = tpu.sem_alloc : memref<!tpu.dma_semaphore, #tpu.memory_space<semaphore_mem>>
      %dma_start3A_235 = arith.constant 0 : i32
      %dma_start3A_236 = arith.constant 0 : i32
      %dma_start3A_237 = tpu.memref_slice %arg11[%run_scoped3A_18, %dma_start3A_235, %dma_start3A_236] : memref<8x128x32xbf16, #tpu.memory_space<vmem>> -> memref<1x128x32xbf16, #tpu.memory_space<vmem>>
      %dma_start3A_238 = tpu.memref_squeeze %dma_start3A_237 : memref<1x128x32xbf16, #tpu.memory_space<vmem>> -> memref<128x32xbf16, #tpu.memory_space<vmem>>
      %dma_start3A_239 = arith.constant 0 : i32
      %dma_start3A_240 = tpu.memref_slice %arg6[%add3A_17, %dma_start3A_239] : memref<10240x32xbf16, #tpu.memory_space<hbm>> -> memref<128x32xbf16, #tpu.memory_space<hbm>>
      %dma_start3A_241 = arith.constant 0 : i32
      %dma_start3A_242 = arith.constant 0 : i32
      %dma_start3A_243 = tpu.memref_slice %arg11[%run_scoped3A_18, %dma_start3A_241, %dma_start3A_242] : memref<8x128x32xbf16, #tpu.memory_space<vmem>> -> memref<1x128x32xbf16, #tpu.memory_space<vmem>>
      %dma_start3A_244 = tpu.memref_squeeze %dma_start3A_243 : memref<1x128x32xbf16, #tpu.memory_space<vmem>> -> memref<128x32xbf16, #tpu.memory_space<vmem>>
      %dma_start3A_245 = arith.constant 0 : i32
      %dma_start3A_246 = tpu.memref_slice %arg6[%add3A_17, %dma_start3A_245] : memref<10240x32xbf16, #tpu.memory_space<hbm>> -> memref<128x32xbf16, #tpu.memory_space<hbm>>
      tpu.enqueue_dma source(%dma_start3A_246 : memref<128x32xbf16, #tpu.memory_space<hbm>>) target(%dma_start3A_244 : memref<128x32xbf16, #tpu.memory_space<vmem>>) target_semaphore(%run_scoped3A_234 : memref<!tpu.dma_semaphore, #tpu.memory_space<semaphore_mem>>)
      %dma_wait3A = arith.constant 0 : i32
      %dma_wait3A_247 = arith.constant 0 : i32
      %dma_wait3A_248 = tpu.memref_slice %arg11[%run_scoped3A_18, %dma_wait3A, %dma_wait3A_247] : memref<8x128x32xbf16, #tpu.memory_space<vmem>> -> memref<1x128x32xbf16, #tpu.memory_space<vmem>>
      %dma_wait3A_249 = tpu.memref_squeeze %dma_wait3A_248 : memref<1x128x32xbf16, #tpu.memory_space<vmem>> -> memref<128x32xbf16, #tpu.memory_space<vmem>>
      %dma_wait3A_250 = arith.constant 0 : i32
      %dma_wait3A_251 = tpu.memref_slice %arg6[%add3A_17, %dma_wait3A_250] : memref<10240x32xbf16, #tpu.memory_space<hbm>> -> memref<128x32xbf16, #tpu.memory_space<hbm>>
      %dma_wait3A_252 = arith.constant 0 : i32
      %dma_wait3A_253 = arith.constant 0 : i32
      %dma_wait3A_254 = tpu.memref_slice %arg11[%run_scoped3A_18, %dma_wait3A_252, %dma_wait3A_253] : memref<8x128x32xbf16, #tpu.memory_space<vmem>> -> memref<1x128x32xbf16, #tpu.memory_space<vmem>>
      %dma_wait3A_255 = tpu.memref_squeeze %dma_wait3A_254 : memref<1x128x32xbf16, #tpu.memory_space<vmem>> -> memref<128x32xbf16, #tpu.memory_space<vmem>>
      %dma_wait3A_256 = arith.constant 0 : i32
      %dma_wait3A_257 = tpu.memref_slice %arg6[%add3A_17, %dma_wait3A_256] : memref<10240x32xbf16, #tpu.memory_space<hbm>> -> memref<128x32xbf16, #tpu.memory_space<hbm>>
      tpu.wait_dma2 semaphore(%run_scoped3A_234 : memref<!tpu.dma_semaphore, #tpu.memory_space<semaphore_mem>>) src(%dma_wait3A_257 : memref<128x32xbf16, #tpu.memory_space<hbm>>) dst(%dma_wait3A_255 : memref<128x32xbf16, #tpu.memory_space<vmem>>)
      tpu.yield
    }) : () -> ()
    %mul3A_19 = arith.constant 640 : i32
    %mul3A_20 = arith.muli %arg1, %mul3A_19 : i32
    %add3A_21 = arith.constant 128 : i32
    %add3A_22 = arith.addi %mul3A_20, %add3A_21 : i32
    %run_scoped3A_23 = arith.constant 0 : i32
    "tpu.region"() ({
      %run_scoped3A_234 = tpu.sem_alloc : memref<!tpu.dma_semaphore, #tpu.memory_space<semaphore_mem>>
      %dma_start3A_235 = arith.constant 0 : i32
      %dma_start3A_236 = arith.constant 0 : i32
      %dma_start3A_237 = tpu.memref_slice %arg11[%run_scoped3A_23, %dma_start3A_235, %dma_start3A_236] : memref<8x128x32xbf16, #tpu.memory_space<vmem>> -> memref<1x128x32xbf16, #tpu.memory_space<vmem>>
      %dma_start3A_238 = tpu.memref_squeeze %dma_start3A_237 : memref<1x128x32xbf16, #tpu.memory_space<vmem>> -> memref<128x32xbf16, #tpu.memory_space<vmem>>
      %dma_start3A_239 = arith.constant 0 : i32
      %dma_start3A_240 = tpu.memref_slice %arg12[%add3A_22, %dma_start3A_239] : memref<10240x32xbf16, #tpu.memory_space<vmem_shared>> -> memref<128x32xbf16, #tpu.memory_space<vmem_shared>>
      %dma_start3A_241 = arith.constant 0 : i32
      %dma_start3A_242 = tpu.memref_slice %arg12[%add3A_22, %dma_start3A_241] : memref<10240x32xbf16, #tpu.memory_space<vmem_shared>> -> memref<128x32xbf16, #tpu.memory_space<vmem_shared>>
      %dma_start3A_243 = arith.constant 0 : i32
      %dma_start3A_244 = arith.constant 0 : i32
      %dma_start3A_245 = tpu.memref_slice %arg11[%run_scoped3A_23, %dma_start3A_243, %dma_start3A_244] : memref<8x128x32xbf16, #tpu.memory_space<vmem>> -> memref<1x128x32xbf16, #tpu.memory_space<vmem>>
      %dma_start3A_246 = tpu.memref_squeeze %dma_start3A_245 : memref<1x128x32xbf16, #tpu.memory_space<vmem>> -> memref<128x32xbf16, #tpu.memory_space<vmem>>
      tpu.enqueue_dma source(%dma_start3A_246 : memref<128x32xbf16, #tpu.memory_space<vmem>>) target(%dma_start3A_242 : memref<128x32xbf16, #tpu.memory_space<vmem_shared>>) target_semaphore(%run_scoped3A_234 : memref<!tpu.dma_semaphore, #tpu.memory_space<semaphore_mem>>)
      %dma_wait3A = arith.constant 0 : i32
      %dma_wait3A_247 = arith.constant 0 : i32
      %dma_wait3A_248 = tpu.memref_slice %arg11[%run_scoped3A_23, %dma_wait3A, %dma_wait3A_247] : memref<8x128x32xbf16, #tpu.memory_space<vmem>> -> memref<1x128x32xbf16, #tpu.memory_space<vmem>>
      %dma_wait3A_249 = tpu.memref_squeeze %dma_wait3A_248 : memref<1x128x32xbf16, #tpu.memory_space<vmem>> -> memref<128x32xbf16, #tpu.memory_space<vmem>>
      %dma_wait3A_250 = arith.constant 0 : i32
      %dma_wait3A_251 = tpu.memref_slice %arg12[%add3A_22, %dma_wait3A_250] : memref<10240x32xbf16, #tpu.memory_space<vmem_shared>> -> memref<128x32xbf16, #tpu.memory_space<vmem_shared>>
      %dma_wait3A_252 = arith.constant 0 : i32
      %dma_wait3A_253 = tpu.memref_slice %arg12[%add3A_22, %dma_wait3A_252] : memref<10240x32xbf16, #tpu.memory_space<vmem_shared>> -> memref<128x32xbf16, #tpu.memory_space<vmem_shared>>
      %dma_wait3A_254 = arith.constant 0 : i32
      %dma_wait3A_255 = arith.constant 0 : i32
      %dma_wait3A_256 = tpu.memref_slice %arg11[%run_scoped3A_23, %dma_wait3A_254, %dma_wait3A_255] : memref<8x128x32xbf16, #tpu.memory_space<vmem>> -> memref<1x128x32xbf16, #tpu.memory_space<vmem>>
      %dma_wait3A_257 = tpu.memref_squeeze %dma_wait3A_256 : memref<1x128x32xbf16, #tpu.memory_space<vmem>> -> memref<128x32xbf16, #tpu.memory_space<vmem>>
      tpu.wait_dma2 semaphore(%run_scoped3A_234 : memref<!tpu.dma_semaphore, #tpu.memory_space<semaphore_mem>>) src(%dma_wait3A_257 : memref<128x32xbf16, #tpu.memory_space<vmem>>) dst(%dma_wait3A_253 : memref<128x32xbf16, #tpu.memory_space<vmem_shared>>)
      tpu.yield
    }) : () -> ()
    %mul3A_24 = arith.constant 640 : i32
    %mul3A_25 = arith.muli %arg1, %mul3A_24 : i32
    %add3A_26 = arith.constant 256 : i32
    %add3A_27 = arith.addi %mul3A_25, %add3A_26 : i32
    %run_scoped3A_28 = arith.constant 0 : i32
    "tpu.region"() ({
      %run_scoped3A_234 = tpu.sem_alloc : memref<!tpu.dma_semaphore, #tpu.memory_space<semaphore_mem>>
      %dma_start3A_235 = arith.constant 0 : i32
      %dma_start3A_236 = arith.constant 0 : i32
      %dma_start3A_237 = tpu.memref_slice %arg11[%run_scoped3A_28, %dma_start3A_235, %dma_start3A_236] : memref<8x128x32xbf16, #tpu.memory_space<vmem>> -> memref<1x128x32xbf16, #tpu.memory_space<vmem>>
      %dma_start3A_238 = tpu.memref_squeeze %dma_start3A_237 : memref<1x128x32xbf16, #tpu.memory_space<vmem>> -> memref<128x32xbf16, #tpu.memory_space<vmem>>
      %dma_start3A_239 = arith.constant 0 : i32
      %dma_start3A_240 = tpu.memref_slice %arg6[%add3A_27, %dma_start3A_239] : memref<10240x32xbf16, #tpu.memory_space<hbm>> -> memref<128x32xbf16, #tpu.memory_space<hbm>>
      %dma_start3A_241 = arith.constant 0 : i32
      %dma_start3A_242 = arith.constant 0 : i32
      %dma_start3A_243 = tpu.memref_slice %arg11[%run_scoped3A_28, %dma_start3A_241, %dma_start3A_242] : memref<8x128x32xbf16, #tpu.memory_space<vmem>> -> memref<1x128x32xbf16, #tpu.memory_space<vmem>>
      %dma_start3A_244 = tpu.memref_squeeze %dma_start3A_243 : memref<1x128x32xbf16, #tpu.memory_space<vmem>> -> memref<128x32xbf16, #tpu.memory_space<vmem>>
      %dma_start3A_245 = arith.constant 0 : i32
      %dma_start3A_246 = tpu.memref_slice %arg6[%add3A_27, %dma_start3A_245] : memref<10240x32xbf16, #tpu.memory_space<hbm>> -> memref<128x32xbf16, #tpu.memory_space<hbm>>
      tpu.enqueue_dma source(%dma_start3A_246 : memref<128x32xbf16, #tpu.memory_space<hbm>>) target(%dma_start3A_244 : memref<128x32xbf16, #tpu.memory_space<vmem>>) target_semaphore(%run_scoped3A_234 : memref<!tpu.dma_semaphore, #tpu.memory_space<semaphore_mem>>)
      %dma_wait3A = arith.constant 0 : i32
      %dma_wait3A_247 = arith.constant 0 : i32
      %dma_wait3A_248 = tpu.memref_slice %arg11[%run_scoped3A_28, %dma_wait3A, %dma_wait3A_247] : memref<8x128x32xbf16, #tpu.memory_space<vmem>> -> memref<1x128x32xbf16, #tpu.memory_space<vmem>>
      %dma_wait3A_249 = tpu.memref_squeeze %dma_wait3A_248 : memref<1x128x32xbf16, #tpu.memory_space<vmem>> -> memref<128x32xbf16, #tpu.memory_space<vmem>>
      %dma_wait3A_250 = arith.constant 0 : i32
      %dma_wait3A_251 = tpu.memref_slice %arg6[%add3A_27, %dma_wait3A_250] : memref<10240x32xbf16, #tpu.memory_space<hbm>> -> memref<128x32xbf16, #tpu.memory_space<hbm>>
      %dma_wait3A_252 = arith.constant 0 : i32
      %dma_wait3A_253 = arith.constant 0 : i32
      %dma_wait3A_254 = tpu.memref_slice %arg11[%run_scoped3A_28, %dma_wait3A_252, %dma_wait3A_253] : memref<8x128x32xbf16, #tpu.memory_space<vmem>> -> memref<1x128x32xbf16, #tpu.memory_space<vmem>>
      %dma_wait3A_255 = tpu.memref_squeeze %dma_wait3A_254 : memref<1x128x32xbf16, #tpu.memory_space<vmem>> -> memref<128x32xbf16, #tpu.memory_space<vmem>>
      %dma_wait3A_256 = arith.constant 0 : i32
      %dma_wait3A_257 = tpu.memref_slice %arg6[%add3A_27, %dma_wait3A_256] : memref<10240x32xbf16, #tpu.memory_space<hbm>> -> memref<128x32xbf16, #tpu.memory_space<hbm>>
      tpu.wait_dma2 semaphore(%run_scoped3A_234 : memref<!tpu.dma_semaphore, #tpu.memory_space<semaphore_mem>>) src(%dma_wait3A_257 : memref<128x32xbf16, #tpu.memory_space<hbm>>) dst(%dma_wait3A_255 : memref<128x32xbf16, #tpu.memory_space<vmem>>)
      tpu.yield
    }) : () -> ()
    %mul3A_29 = arith.constant 640 : i32
    %mul3A_30 = arith.muli %arg1, %mul3A_29 : i32
    %add3A_31 = arith.constant 256 : i32
    %add3A_32 = arith.addi %mul3A_30, %add3A_31 : i32
    %run_scoped3A_33 = arith.constant 0 : i32
    "tpu.region"() ({
      %run_scoped3A_234 = tpu.sem_alloc : memref<!tpu.dma_semaphore, #tpu.memory_space<semaphore_mem>>
      %dma_start3A_235 = arith.constant 0 : i32
      %dma_start3A_236 = arith.constant 0 : i32
      %dma_start3A_237 = tpu.memref_slice %arg11[%run_scoped3A_33, %dma_start3A_235, %dma_start3A_236] : memref<8x128x32xbf16, #tpu.memory_space<vmem>> -> memref<1x128x32xbf16, #tpu.memory_space<vmem>>
      %dma_start3A_238 = tpu.memref_squeeze %dma_start3A_237 : memref<1x128x32xbf16, #tpu.memory_space<vmem>> -> memref<128x32xbf16, #tpu.memory_space<vmem>>
      %dma_start3A_239 = arith.constant 0 : i32
      %dma_start3A_240 = tpu.memref_slice %arg12[%add3A_32, %dma_start3A_239] : memref<10240x32xbf16, #tpu.memory_space<vmem_shared>> -> memref<128x32xbf16, #tpu.memory_space<vmem_shared>>
      %dma_start3A_241 = arith.constant 0 : i32
      %dma_start3A_242 = tpu.memref_slice %arg12[%add3A_32, %dma_start3A_241] : memref<10240x32xbf16, #tpu.memory_space<vmem_shared>> -> memref<128x32xbf16, #tpu.memory_space<vmem_shared>>
      %dma_start3A_243 = arith.constant 0 : i32
      %dma_start3A_244 = arith.constant 0 : i32
      %dma_start3A_245 = tpu.memref_slice %arg11[%run_scoped3A_33, %dma_start3A_243, %dma_start3A_244] : memref<8x128x32xbf16, #tpu.memory_space<vmem>> -> memref<1x128x32xbf16, #tpu.memory_space<vmem>>
      %dma_start3A_246 = tpu.memref_squeeze %dma_start3A_245 : memref<1x128x32xbf16, #tpu.memory_space<vmem>> -> memref<128x32xbf16, #tpu.memory_space<vmem>>
      tpu.enqueue_dma source(%dma_start3A_246 : memref<128x32xbf16, #tpu.memory_space<vmem>>) target(%dma_start3A_242 : memref<128x32xbf16, #tpu.memory_space<vmem_shared>>) target_semaphore(%run_scoped3A_234 : memref<!tpu.dma_semaphore, #tpu.memory_space<semaphore_mem>>)
      %dma_wait3A = arith.constant 0 : i32
      %dma_wait3A_247 = arith.constant 0 : i32
      %dma_wait3A_248 = tpu.memref_slice %arg11[%run_scoped3A_33, %dma_wait3A, %dma_wait3A_247] : memref<8x128x32xbf16, #tpu.memory_space<vmem>> -> memref<1x128x32xbf16, #tpu.memory_space<vmem>>
      %dma_wait3A_249 = tpu.memref_squeeze %dma_wait3A_248 : memref<1x128x32xbf16, #tpu.memory_space<vmem>> -> memref<128x32xbf16, #tpu.memory_space<vmem>>
      %dma_wait3A_250 = arith.constant 0 : i32
      %dma_wait3A_251 = tpu.memref_slice %arg12[%add3A_32, %dma_wait3A_250] : memref<10240x32xbf16, #tpu.memory_space<vmem_shared>> -> memref<128x32xbf16, #tpu.memory_space<vmem_shared>>
      %dma_wait3A_252 = arith.constant 0 : i32
      %dma_wait3A_253 = tpu.memref_slice %arg12[%add3A_32, %dma_wait3A_252] : memref<10240x32xbf16, #tpu.memory_space<vmem_shared>> -> memref<128x32xbf16, #tpu.memory_space<vmem_shared>>
      %dma_wait3A_254 = arith.constant 0 : i32
      %dma_wait3A_255 = arith.constant 0 : i32
      %dma_wait3A_256 = tpu.memref_slice %arg11[%run_scoped3A_33, %dma_wait3A_254, %dma_wait3A_255] : memref<8x128x32xbf16, #tpu.memory_space<vmem>> -> memref<1x128x32xbf16, #tpu.memory_space<vmem>>
      %dma_wait3A_257 = tpu.memref_squeeze %dma_wait3A_256 : memref<1x128x32xbf16, #tpu.memory_space<vmem>> -> memref<128x32xbf16, #tpu.memory_space<vmem>>
      tpu.wait_dma2 semaphore(%run_scoped3A_234 : memref<!tpu.dma_semaphore, #tpu.memory_space<semaphore_mem>>) src(%dma_wait3A_257 : memref<128x32xbf16, #tpu.memory_space<vmem>>) dst(%dma_wait3A_253 : memref<128x32xbf16, #tpu.memory_space<vmem_shared>>)
      tpu.yield
    }) : () -> ()
    %mul3A_34 = arith.constant 640 : i32
    %mul3A_35 = arith.muli %arg1, %mul3A_34 : i32
    %add3A_36 = arith.constant 384 : i32
    %add3A_37 = arith.addi %mul3A_35, %add3A_36 : i32
    %run_scoped3A_38 = arith.constant 0 : i32
    "tpu.region"() ({
      %run_scoped3A_234 = tpu.sem_alloc : memref<!tpu.dma_semaphore, #tpu.memory_space<semaphore_mem>>
      %dma_start3A_235 = arith.constant 0 : i32
      %dma_start3A_236 = arith.constant 0 : i32
      %dma_start3A_237 = tpu.memref_slice %arg11[%run_scoped3A_38, %dma_start3A_235, %dma_start3A_236] : memref<8x128x32xbf16, #tpu.memory_space<vmem>> -> memref<1x128x32xbf16, #tpu.memory_space<vmem>>
      %dma_start3A_238 = tpu.memref_squeeze %dma_start3A_237 : memref<1x128x32xbf16, #tpu.memory_space<vmem>> -> memref<128x32xbf16, #tpu.memory_space<vmem>>
      %dma_start3A_239 = arith.constant 0 : i32
      %dma_start3A_240 = tpu.memref_slice %arg6[%add3A_37, %dma_start3A_239] : memref<10240x32xbf16, #tpu.memory_space<hbm>> -> memref<128x32xbf16, #tpu.memory_space<hbm>>
      %dma_start3A_241 = arith.constant 0 : i32
      %dma_start3A_242 = arith.constant 0 : i32
      %dma_start3A_243 = tpu.memref_slice %arg11[%run_scoped3A_38, %dma_start3A_241, %dma_start3A_242] : memref<8x128x32xbf16, #tpu.memory_space<vmem>> -> memref<1x128x32xbf16, #tpu.memory_space<vmem>>
      %dma_start3A_244 = tpu.memref_squeeze %dma_start3A_243 : memref<1x128x32xbf16, #tpu.memory_space<vmem>> -> memref<128x32xbf16, #tpu.memory_space<vmem>>
      %dma_start3A_245 = arith.constant 0 : i32
      %dma_start3A_246 = tpu.memref_slice %arg6[%add3A_37, %dma_start3A_245] : memref<10240x32xbf16, #tpu.memory_space<hbm>> -> memref<128x32xbf16, #tpu.memory_space<hbm>>
      tpu.enqueue_dma source(%dma_start3A_246 : memref<128x32xbf16, #tpu.memory_space<hbm>>) target(%dma_start3A_244 : memref<128x32xbf16, #tpu.memory_space<vmem>>) target_semaphore(%run_scoped3A_234 : memref<!tpu.dma_semaphore, #tpu.memory_space<semaphore_mem>>)
      %dma_wait3A = arith.constant 0 : i32
      %dma_wait3A_247 = arith.constant 0 : i32
      %dma_wait3A_248 = tpu.memref_slice %arg11[%run_scoped3A_38, %dma_wait3A, %dma_wait3A_247] : memref<8x128x32xbf16, #tpu.memory_space<vmem>> -> memref<1x128x32xbf16, #tpu.memory_space<vmem>>
      %dma_wait3A_249 = tpu.memref_squeeze %dma_wait3A_248 : memref<1x128x32xbf16, #tpu.memory_space<vmem>> -> memref<128x32xbf16, #tpu.memory_space<vmem>>
      %dma_wait3A_250 = arith.constant 0 : i32
      %dma_wait3A_251 = tpu.memref_slice %arg6[%add3A_37, %dma_wait3A_250] : memref<10240x32xbf16, #tpu.memory_space<hbm>> -> memref<128x32xbf16, #tpu.memory_space<hbm>>
      %dma_wait3A_252 = arith.constant 0 : i32
      %dma_wait3A_253 = arith.constant 0 : i32
      %dma_wait3A_254 = tpu.memref_slice %arg11[%run_scoped3A_38, %dma_wait3A_252, %dma_wait3A_253] : memref<8x128x32xbf16, #tpu.memory_space<vmem>> -> memref<1x128x32xbf16, #tpu.memory_space<vmem>>
      %dma_wait3A_255 = tpu.memref_squeeze %dma_wait3A_254 : memref<1x128x32xbf16, #tpu.memory_space<vmem>> -> memref<128x32xbf16, #tpu.memory_space<vmem>>
      %dma_wait3A_256 = arith.constant 0 : i32
      %dma_wait3A_257 = tpu.memref_slice %arg6[%add3A_37, %dma_wait3A_256] : memref<10240x32xbf16, #tpu.memory_space<hbm>> -> memref<128x32xbf16, #tpu.memory_space<hbm>>
      tpu.wait_dma2 semaphore(%run_scoped3A_234 : memref<!tpu.dma_semaphore, #tpu.memory_space<semaphore_mem>>) src(%dma_wait3A_257 : memref<128x32xbf16, #tpu.memory_space<hbm>>) dst(%dma_wait3A_255 : memref<128x32xbf16, #tpu.memory_space<vmem>>)
      tpu.yield
    }) : () -> ()
    %mul3A_39 = arith.constant 640 : i32
    %mul3A_40 = arith.muli %arg1, %mul3A_39 : i32
    %add3A_41 = arith.constant 384 : i32
    %add3A_42 = arith.addi %mul3A_40, %add3A_41 : i32
    %run_scoped3A_43 = arith.constant 0 : i32
    "tpu.region"() ({
      %run_scoped3A_234 = tpu.sem_alloc : memref<!tpu.dma_semaphore, #tpu.memory_space<semaphore_mem>>
      %dma_start3A_235 = arith.constant 0 : i32
      %dma_start3A_236 = arith.constant 0 : i32
      %dma_start3A_237 = tpu.memref_slice %arg11[%run_scoped3A_43, %dma_start3A_235, %dma_start3A_236] : memref<8x128x32xbf16, #tpu.memory_space<vmem>> -> memref<1x128x32xbf16, #tpu.memory_space<vmem>>
      %dma_start3A_238 = tpu.memref_squeeze %dma_start3A_237 : memref<1x128x32xbf16, #tpu.memory_space<vmem>> -> memref<128x32xbf16, #tpu.memory_space<vmem>>
      %dma_start3A_239 = arith.constant 0 : i32
      %dma_start3A_240 = tpu.memref_slice %arg12[%add3A_42, %dma_start3A_239] : memref<10240x32xbf16, #tpu.memory_space<vmem_shared>> -> memref<128x32xbf16, #tpu.memory_space<vmem_shared>>
      %dma_start3A_241 = arith.constant 0 : i32
      %dma_start3A_242 = tpu.memref_slice %arg12[%add3A_42, %dma_start3A_241] : memref<10240x32xbf16, #tpu.memory_space<vmem_shared>> -> memref<128x32xbf16, #tpu.memory_space<vmem_shared>>
      %dma_start3A_243 = arith.constant 0 : i32
      %dma_start3A_244 = arith.constant 0 : i32
      %dma_start3A_245 = tpu.memref_slice %arg11[%run_scoped3A_43, %dma_start3A_243, %dma_start3A_244] : memref<8x128x32xbf16, #tpu.memory_space<vmem>> -> memref<1x128x32xbf16, #tpu.memory_space<vmem>>
      %dma_start3A_246 = tpu.memref_squeeze %dma_start3A_245 : memref<1x128x32xbf16, #tpu.memory_space<vmem>> -> memref<128x32xbf16, #tpu.memory_space<vmem>>
      tpu.enqueue_dma source(%dma_start3A_246 : memref<128x32xbf16, #tpu.memory_space<vmem>>) target(%dma_start3A_242 : memref<128x32xbf16, #tpu.memory_space<vmem_shared>>) target_semaphore(%run_scoped3A_234 : memref<!tpu.dma_semaphore, #tpu.memory_space<semaphore_mem>>)
      %dma_wait3A = arith.constant 0 : i32
      %dma_wait3A_247 = arith.constant 0 : i32
      %dma_wait3A_248 = tpu.memref_slice %arg11[%run_scoped3A_43, %dma_wait3A, %dma_wait3A_247] : memref<8x128x32xbf16, #tpu.memory_space<vmem>> -> memref<1x128x32xbf16, #tpu.memory_space<vmem>>
      %dma_wait3A_249 = tpu.memref_squeeze %dma_wait3A_248 : memref<1x128x32xbf16, #tpu.memory_space<vmem>> -> memref<128x32xbf16, #tpu.memory_space<vmem>>
      %dma_wait3A_250 = arith.constant 0 : i32
      %dma_wait3A_251 = tpu.memref_slice %arg12[%add3A_42, %dma_wait3A_250] : memref<10240x32xbf16, #tpu.memory_space<vmem_shared>> -> memref<128x32xbf16, #tpu.memory_space<vmem_shared>>
      %dma_wait3A_252 = arith.constant 0 : i32
      %dma_wait3A_253 = tpu.memref_slice %arg12[%add3A_42, %dma_wait3A_252] : memref<10240x32xbf16, #tpu.memory_space<vmem_shared>> -> memref<128x32xbf16, #tpu.memory_space<vmem_shared>>
      %dma_wait3A_254 = arith.constant 0 : i32
      %dma_wait3A_255 = arith.constant 0 : i32
      %dma_wait3A_256 = tpu.memref_slice %arg11[%run_scoped3A_43, %dma_wait3A_254, %dma_wait3A_255] : memref<8x128x32xbf16, #tpu.memory_space<vmem>> -> memref<1x128x32xbf16, #tpu.memory_space<vmem>>
      %dma_wait3A_257 = tpu.memref_squeeze %dma_wait3A_256 : memref<1x128x32xbf16, #tpu.memory_space<vmem>> -> memref<128x32xbf16, #tpu.memory_space<vmem>>
      tpu.wait_dma2 semaphore(%run_scoped3A_234 : memref<!tpu.dma_semaphore, #tpu.memory_space<semaphore_mem>>) src(%dma_wait3A_257 : memref<128x32xbf16, #tpu.memory_space<vmem>>) dst(%dma_wait3A_253 : memref<128x32xbf16, #tpu.memory_space<vmem_shared>>)
      tpu.yield
    }) : () -> ()
    %mul3A_44 = arith.constant 640 : i32
    %mul3A_45 = arith.muli %arg1, %mul3A_44 : i32
    %add3A_46 = arith.constant 512 : i32
    %add3A_47 = arith.addi %mul3A_45, %add3A_46 : i32
    %run_scoped3A_48 = arith.constant 0 : i32
    "tpu.region"() ({
      %run_scoped3A_234 = tpu.sem_alloc : memref<!tpu.dma_semaphore, #tpu.memory_space<semaphore_mem>>
      %dma_start3A_235 = arith.constant 0 : i32
      %dma_start3A_236 = arith.constant 0 : i32
      %dma_start3A_237 = tpu.memref_slice %arg11[%run_scoped3A_48, %dma_start3A_235, %dma_start3A_236] : memref<8x128x32xbf16, #tpu.memory_space<vmem>> -> memref<1x128x32xbf16, #tpu.memory_space<vmem>>
      %dma_start3A_238 = tpu.memref_squeeze %dma_start3A_237 : memref<1x128x32xbf16, #tpu.memory_space<vmem>> -> memref<128x32xbf16, #tpu.memory_space<vmem>>
      %dma_start3A_239 = arith.constant 0 : i32
      %dma_start3A_240 = tpu.memref_slice %arg6[%add3A_47, %dma_start3A_239] : memref<10240x32xbf16, #tpu.memory_space<hbm>> -> memref<128x32xbf16, #tpu.memory_space<hbm>>
      %dma_start3A_241 = arith.constant 0 : i32
      %dma_start3A_242 = arith.constant 0 : i32
      %dma_start3A_243 = tpu.memref_slice %arg11[%run_scoped3A_48, %dma_start3A_241, %dma_start3A_242] : memref<8x128x32xbf16, #tpu.memory_space<vmem>> -> memref<1x128x32xbf16, #tpu.memory_space<vmem>>
      %dma_start3A_244 = tpu.memref_squeeze %dma_start3A_243 : memref<1x128x32xbf16, #tpu.memory_space<vmem>> -> memref<128x32xbf16, #tpu.memory_space<vmem>>
      %dma_start3A_245 = arith.constant 0 : i32
      %dma_start3A_246 = tpu.memref_slice %arg6[%add3A_47, %dma_start3A_245] : memref<10240x32xbf16, #tpu.memory_space<hbm>> -> memref<128x32xbf16, #tpu.memory_space<hbm>>
      tpu.enqueue_dma source(%dma_start3A_246 : memref<128x32xbf16, #tpu.memory_space<hbm>>) target(%dma_start3A_244 : memref<128x32xbf16, #tpu.memory_space<vmem>>) target_semaphore(%run_scoped3A_234 : memref<!tpu.dma_semaphore, #tpu.memory_space<semaphore_mem>>)
      %dma_wait3A = arith.constant 0 : i32
      %dma_wait3A_247 = arith.constant 0 : i32
      %dma_wait3A_248 = tpu.memref_slice %arg11[%run_scoped3A_48, %dma_wait3A, %dma_wait3A_247] : memref<8x128x32xbf16, #tpu.memory_space<vmem>> -> memref<1x128x32xbf16, #tpu.memory_space<vmem>>
      %dma_wait3A_249 = tpu.memref_squeeze %dma_wait3A_248 : memref<1x128x32xbf16, #tpu.memory_space<vmem>> -> memref<128x32xbf16, #tpu.memory_space<vmem>>
      %dma_wait3A_250 = arith.constant 0 : i32
      %dma_wait3A_251 = tpu.memref_slice %arg6[%add3A_47, %dma_wait3A_250] : memref<10240x32xbf16, #tpu.memory_space<hbm>> -> memref<128x32xbf16, #tpu.memory_space<hbm>>
      %dma_wait3A_252 = arith.constant 0 : i32
      %dma_wait3A_253 = arith.constant 0 : i32
      %dma_wait3A_254 = tpu.memref_slice %arg11[%run_scoped3A_48, %dma_wait3A_252, %dma_wait3A_253] : memref<8x128x32xbf16, #tpu.memory_space<vmem>> -> memref<1x128x32xbf16, #tpu.memory_space<vmem>>
      %dma_wait3A_255 = tpu.memref_squeeze %dma_wait3A_254 : memref<1x128x32xbf16, #tpu.memory_space<vmem>> -> memref<128x32xbf16, #tpu.memory_space<vmem>>
      %dma_wait3A_256 = arith.constant 0 : i32
      %dma_wait3A_257 = tpu.memref_slice %arg6[%add3A_47, %dma_wait3A_256] : memref<10240x32xbf16, #tpu.memory_space<hbm>> -> memref<128x32xbf16, #tpu.memory_space<hbm>>
      tpu.wait_dma2 semaphore(%run_scoped3A_234 : memref<!tpu.dma_semaphore, #tpu.memory_space<semaphore_mem>>) src(%dma_wait3A_257 : memref<128x32xbf16, #tpu.memory_space<hbm>>) dst(%dma_wait3A_255 : memref<128x32xbf16, #tpu.memory_space<vmem>>)
      tpu.yield
    }) : () -> ()
    %mul3A_49 = arith.constant 640 : i32
    %mul3A_50 = arith.muli %arg1, %mul3A_49 : i32
    %add3A_51 = arith.constant 512 : i32
    %add3A_52 = arith.addi %mul3A_50, %add3A_51 : i32
    %run_scoped3A_53 = arith.constant 0 : i32
    "tpu.region"() ({
      %run_scoped3A_234 = tpu.sem_alloc : memref<!tpu.dma_semaphore, #tpu.memory_space<semaphore_mem>>
      %dma_start3A_235 = arith.constant 0 : i32
      %dma_start3A_236 = arith.constant 0 : i32
      %dma_start3A_237 = tpu.memref_slice %arg11[%run_scoped3A_53, %dma_start3A_235, %dma_start3A_236] : memref<8x128x32xbf16, #tpu.memory_space<vmem>> -> memref<1x128x32xbf16, #tpu.memory_space<vmem>>
      %dma_start3A_238 = tpu.memref_squeeze %dma_start3A_237 : memref<1x128x32xbf16, #tpu.memory_space<vmem>> -> memref<128x32xbf16, #tpu.memory_space<vmem>>
      %dma_start3A_239 = arith.constant 0 : i32
      %dma_start3A_240 = tpu.memref_slice %arg12[%add3A_52, %dma_start3A_239] : memref<10240x32xbf16, #tpu.memory_space<vmem_shared>> -> memref<128x32xbf16, #tpu.memory_space<vmem_shared>>
      %dma_start3A_241 = arith.constant 0 : i32
      %dma_start3A_242 = tpu.memref_slice %arg12[%add3A_52, %dma_start3A_241] : memref<10240x32xbf16, #tpu.memory_space<vmem_shared>> -> memref<128x32xbf16, #tpu.memory_space<vmem_shared>>
      %dma_start3A_243 = arith.constant 0 : i32
      %dma_start3A_244 = arith.constant 0 : i32
      %dma_start3A_245 = tpu.memref_slice %arg11[%run_scoped3A_53, %dma_start3A_243, %dma_start3A_244] : memref<8x128x32xbf16, #tpu.memory_space<vmem>> -> memref<1x128x32xbf16, #tpu.memory_space<vmem>>
      %dma_start3A_246 = tpu.memref_squeeze %dma_start3A_245 : memref<1x128x32xbf16, #tpu.memory_space<vmem>> -> memref<128x32xbf16, #tpu.memory_space<vmem>>
      tpu.enqueue_dma source(%dma_start3A_246 : memref<128x32xbf16, #tpu.memory_space<vmem>>) target(%dma_start3A_242 : memref<128x32xbf16, #tpu.memory_space<vmem_shared>>) target_semaphore(%run_scoped3A_234 : memref<!tpu.dma_semaphore, #tpu.memory_space<semaphore_mem>>)
      %dma_wait3A = arith.constant 0 : i32
      %dma_wait3A_247 = arith.constant 0 : i32
      %dma_wait3A_248 = tpu.memref_slice %arg11[%run_scoped3A_53, %dma_wait3A, %dma_wait3A_247] : memref<8x128x32xbf16, #tpu.memory_space<vmem>> -> memref<1x128x32xbf16, #tpu.memory_space<vmem>>
      %dma_wait3A_249 = tpu.memref_squeeze %dma_wait3A_248 : memref<1x128x32xbf16, #tpu.memory_space<vmem>> -> memref<128x32xbf16, #tpu.memory_space<vmem>>
      %dma_wait3A_250 = arith.constant 0 : i32
      %dma_wait3A_251 = tpu.memref_slice %arg12[%add3A_52, %dma_wait3A_250] : memref<10240x32xbf16, #tpu.memory_space<vmem_shared>> -> memref<128x32xbf16, #tpu.memory_space<vmem_shared>>
      %dma_wait3A_252 = arith.constant 0 : i32
      %dma_wait3A_253 = tpu.memref_slice %arg12[%add3A_52, %dma_wait3A_252] : memref<10240x32xbf16, #tpu.memory_space<vmem_shared>> -> memref<128x32xbf16, #tpu.memory_space<vmem_shared>>
      %dma_wait3A_254 = arith.constant 0 : i32
      %dma_wait3A_255 = arith.constant 0 : i32
      %dma_wait3A_256 = tpu.memref_slice %arg11[%run_scoped3A_53, %dma_wait3A_254, %dma_wait3A_255] : memref<8x128x32xbf16, #tpu.memory_space<vmem>> -> memref<1x128x32xbf16, #tpu.memory_space<vmem>>
      %dma_wait3A_257 = tpu.memref_squeeze %dma_wait3A_256 : memref<1x128x32xbf16, #tpu.memory_space<vmem>> -> memref<128x32xbf16, #tpu.memory_space<vmem>>
      tpu.wait_dma2 semaphore(%run_scoped3A_234 : memref<!tpu.dma_semaphore, #tpu.memory_space<semaphore_mem>>) src(%dma_wait3A_257 : memref<128x32xbf16, #tpu.memory_space<vmem>>) dst(%dma_wait3A_253 : memref<128x32xbf16, #tpu.memory_space<vmem_shared>>)
      tpu.yield
    }) : () -> ()
    %mul3A_54 = arith.constant 160 : i32
    %mul3A_55 = arith.muli %arg1, %mul3A_54 : i32
    "tpu.region"() ({
      %run_scoped3A_234 = tpu.sem_alloc : memref<!tpu.dma_semaphore, #tpu.memory_space<semaphore_mem>>
      %dma_start3A_235 = arith.constant 0 : i32
      %dma_start3A_236 = tpu.memref_slice %arg4[%mul3A_55, %dma_start3A_235] : memref<2560x128xi32, #tpu.memory_space<hbm>> -> memref<160x128xi32, #tpu.memory_space<hbm>>
      %dma_start3A_237 = arith.constant 0 : i32
      %dma_start3A_238 = tpu.memref_slice %arg4[%mul3A_55, %dma_start3A_237] : memref<2560x128xi32, #tpu.memory_space<hbm>> -> memref<160x128xi32, #tpu.memory_space<hbm>>
      tpu.enqueue_dma source(%dma_start3A_238 : memref<160x128xi32, #tpu.memory_space<hbm>>) target(%arg9 : memref<160x128xi32, #tpu.memory_space<vmem>>) target_semaphore(%run_scoped3A_234 : memref<!tpu.dma_semaphore, #tpu.memory_space<semaphore_mem>>)
      %dma_wait3A = arith.constant 0 : i32
      %dma_wait3A_239 = tpu.memref_slice %arg4[%mul3A_55, %dma_wait3A] : memref<2560x128xi32, #tpu.memory_space<hbm>> -> memref<160x128xi32, #tpu.memory_space<hbm>>
      %dma_wait3A_240 = arith.constant 0 : i32
      %dma_wait3A_241 = tpu.memref_slice %arg4[%mul3A_55, %dma_wait3A_240] : memref<2560x128xi32, #tpu.memory_space<hbm>> -> memref<160x128xi32, #tpu.memory_space<hbm>>
      tpu.wait_dma2 semaphore(%run_scoped3A_234 : memref<!tpu.dma_semaphore, #tpu.memory_space<semaphore_mem>>) src(%dma_wait3A_241 : memref<160x128xi32, #tpu.memory_space<hbm>>) dst(%arg9 : memref<160x128xi32, #tpu.memory_space<vmem>>)
      tpu.yield
    }) : () -> ()
    %mul3A_56 = arith.constant 160 : i32
    %mul3A_57 = arith.muli %arg1, %mul3A_56 : i32
    "tpu.region"() ({
      %run_scoped3A_234 = tpu.sem_alloc : memref<!tpu.dma_semaphore, #tpu.memory_space<semaphore_mem>>
      %dma_start3A_235 = arith.constant 0 : i32
      %dma_start3A_236 = tpu.memref_slice %arg5[%mul3A_57, %dma_start3A_235] : memref<2560x128xi32, #tpu.memory_space<hbm>> -> memref<160x128xi32, #tpu.memory_space<hbm>>
      %dma_start3A_237 = arith.constant 0 : i32
      %dma_start3A_238 = tpu.memref_slice %arg5[%mul3A_57, %dma_start3A_237] : memref<2560x128xi32, #tpu.memory_space<hbm>> -> memref<160x128xi32, #tpu.memory_space<hbm>>
      tpu.enqueue_dma source(%dma_start3A_238 : memref<160x128xi32, #tpu.memory_space<hbm>>) target(%arg10 : memref<160x128xi32, #tpu.memory_space<vmem>>) target_semaphore(%run_scoped3A_234 : memref<!tpu.dma_semaphore, #tpu.memory_space<semaphore_mem>>)
      %dma_wait3A = arith.constant 0 : i32
      %dma_wait3A_239 = tpu.memref_slice %arg5[%mul3A_57, %dma_wait3A] : memref<2560x128xi32, #tpu.memory_space<hbm>> -> memref<160x128xi32, #tpu.memory_space<hbm>>
      %dma_wait3A_240 = arith.constant 0 : i32
      %dma_wait3A_241 = tpu.memref_slice %arg5[%mul3A_57, %dma_wait3A_240] : memref<2560x128xi32, #tpu.memory_space<hbm>> -> memref<160x128xi32, #tpu.memory_space<hbm>>
      tpu.wait_dma2 semaphore(%run_scoped3A_234 : memref<!tpu.dma_semaphore, #tpu.memory_space<semaphore_mem>>) src(%dma_wait3A_241 : memref<160x128xi32, #tpu.memory_space<hbm>>) dst(%arg10 : memref<160x128xi32, #tpu.memory_space<vmem>>)
      tpu.yield
    }) : () -> ()
    %barrier3A = arith.constant 0 : index
    tpu.barrier barrier_id(%barrier3A)
    %dma_start3A = arith.constant 0 : i32
    %dma_start3A_58 = arith.constant 0 : i32
    %dma_start3A_59 = arith.constant 0 : i32
    %dma_start3A_60 = arith.constant 0 : i32
    %dma_start3A_61 = tpu.memref_slice %arg11[%dma_start3A_58, %dma_start3A_59, %dma_start3A_60] : memref<8x128x32xbf16, #tpu.memory_space<vmem>> -> memref<1x128x32xbf16, #tpu.memory_space<vmem>>
    %dma_start3A_62 = tpu.memref_squeeze %dma_start3A_61 : memref<1x128x32xbf16, #tpu.memory_space<vmem>> -> memref<128x32xbf16, #tpu.memory_space<vmem>>
    %dma_start3A_63 = arith.constant 0 : i32
    %dma_start3A_64 = tpu.memref_slice %arg9[%dma_start3A, %dma_start3A_63] : memref<160x128xi32, #tpu.memory_space<vmem>> -> memref<1x128xi32, #tpu.memory_space<vmem>>
    %dma_start3A_65 = tpu.memref_squeeze %dma_start3A_64 : memref<1x128xi32, #tpu.memory_space<vmem>> -> memref<128xi32, #tpu.memory_space<vmem>>
    %dma_start3A_66 = arith.constant 0 : i32
    %dma_start3A_67 = arith.constant 0 : i32
    %dma_start3A_68 = tpu.memref_slice %arg13[%dma_start3A_66, %dma_start3A_67] : memref<10240x32xbf16, #tpu.memory_space<vmem_shared>> -> memref<10240x32xbf16, #tpu.memory_space<vmem_shared>>
    tpu.enqueue_indirect_dma source(%dma_start3A_68 : memref<10240x32xbf16, #tpu.memory_space<vmem_shared>>) target(%dma_start3A_62 : memref<128x32xbf16, #tpu.memory_space<vmem>>) offsets(%dma_start3A_65 : memref<128xi32, #tpu.memory_space<vmem>>) semaphore(%arg14 : memref<!tpu.dma_semaphore, #tpu.memory_space<semaphore_mem>>)
    %dma_start3A_69 = arith.constant 1 : i32
    %dma_start3A_70 = arith.constant 1 : i32
    %dma_start3A_71 = arith.constant 0 : i32
    %dma_start3A_72 = arith.constant 0 : i32
    %dma_start3A_73 = tpu.memref_slice %arg11[%dma_start3A_70, %dma_start3A_71, %dma_start3A_72] : memref<8x128x32xbf16, #tpu.memory_space<vmem>> -> memref<1x128x32xbf16, #tpu.memory_space<vmem>>
    %dma_start3A_74 = tpu.memref_squeeze %dma_start3A_73 : memref<1x128x32xbf16, #tpu.memory_space<vmem>> -> memref<128x32xbf16, #tpu.memory_space<vmem>>
    %dma_start3A_75 = arith.constant 0 : i32
    %dma_start3A_76 = tpu.memref_slice %arg9[%dma_start3A_69, %dma_start3A_75] : memref<160x128xi32, #tpu.memory_space<vmem>> -> memref<1x128xi32, #tpu.memory_space<vmem>>
    %dma_start3A_77 = tpu.memref_squeeze %dma_start3A_76 : memref<1x128xi32, #tpu.memory_space<vmem>> -> memref<128xi32, #tpu.memory_space<vmem>>
    %dma_start3A_78 = arith.constant 0 : i32
    %dma_start3A_79 = arith.constant 0 : i32
    %dma_start3A_80 = tpu.memref_slice %arg13[%dma_start3A_78, %dma_start3A_79] : memref<10240x32xbf16, #tpu.memory_space<vmem_shared>> -> memref<10240x32xbf16, #tpu.memory_space<vmem_shared>>
    tpu.enqueue_indirect_dma source(%dma_start3A_80 : memref<10240x32xbf16, #tpu.memory_space<vmem_shared>>) target(%dma_start3A_74 : memref<128x32xbf16, #tpu.memory_space<vmem>>) offsets(%dma_start3A_77 : memref<128xi32, #tpu.memory_space<vmem>>) semaphore(%arg15 : memref<!tpu.dma_semaphore, #tpu.memory_space<semaphore_mem>>)
    %dma_start3A_81 = arith.constant 2 : i32
    %dma_start3A_82 = arith.constant 2 : i32
    %dma_start3A_83 = arith.constant 0 : i32
    %dma_start3A_84 = arith.constant 0 : i32
    %dma_start3A_85 = tpu.memref_slice %arg11[%dma_start3A_82, %dma_start3A_83, %dma_start3A_84] : memref<8x128x32xbf16, #tpu.memory_space<vmem>> -> memref<1x128x32xbf16, #tpu.memory_space<vmem>>
    %dma_start3A_86 = tpu.memref_squeeze %dma_start3A_85 : memref<1x128x32xbf16, #tpu.memory_space<vmem>> -> memref<128x32xbf16, #tpu.memory_space<vmem>>
    %dma_start3A_87 = arith.constant 0 : i32
    %dma_start3A_88 = tpu.memref_slice %arg9[%dma_start3A_81, %dma_start3A_87] : memref<160x128xi32, #tpu.memory_space<vmem>> -> memref<1x128xi32, #tpu.memory_space<vmem>>
    %dma_start3A_89 = tpu.memref_squeeze %dma_start3A_88 : memref<1x128xi32, #tpu.memory_space<vmem>> -> memref<128xi32, #tpu.memory_space<vmem>>
    %dma_start3A_90 = arith.constant 0 : i32
    %dma_start3A_91 = arith.constant 0 : i32
    %dma_start3A_92 = tpu.memref_slice %arg13[%dma_start3A_90, %dma_start3A_91] : memref<10240x32xbf16, #tpu.memory_space<vmem_shared>> -> memref<10240x32xbf16, #tpu.memory_space<vmem_shared>>
    tpu.enqueue_indirect_dma source(%dma_start3A_92 : memref<10240x32xbf16, #tpu.memory_space<vmem_shared>>) target(%dma_start3A_86 : memref<128x32xbf16, #tpu.memory_space<vmem>>) offsets(%dma_start3A_89 : memref<128xi32, #tpu.memory_space<vmem>>) semaphore(%arg16 : memref<!tpu.dma_semaphore, #tpu.memory_space<semaphore_mem>>)
    %dma_start3A_93 = arith.constant 3 : i32
    %dma_start3A_94 = arith.constant 3 : i32
    %dma_start3A_95 = arith.constant 0 : i32
    %dma_start3A_96 = arith.constant 0 : i32
    %dma_start3A_97 = tpu.memref_slice %arg11[%dma_start3A_94, %dma_start3A_95, %dma_start3A_96] : memref<8x128x32xbf16, #tpu.memory_space<vmem>> -> memref<1x128x32xbf16, #tpu.memory_space<vmem>>
    %dma_start3A_98 = tpu.memref_squeeze %dma_start3A_97 : memref<1x128x32xbf16, #tpu.memory_space<vmem>> -> memref<128x32xbf16, #tpu.memory_space<vmem>>
    %dma_start3A_99 = arith.constant 0 : i32
    %dma_start3A_100 = tpu.memref_slice %arg9[%dma_start3A_93, %dma_start3A_99] : memref<160x128xi32, #tpu.memory_space<vmem>> -> memref<1x128xi32, #tpu.memory_space<vmem>>
    %dma_start3A_101 = tpu.memref_squeeze %dma_start3A_100 : memref<1x128xi32, #tpu.memory_space<vmem>> -> memref<128xi32, #tpu.memory_space<vmem>>
    %dma_start3A_102 = arith.constant 0 : i32
    %dma_start3A_103 = arith.constant 0 : i32
    %dma_start3A_104 = tpu.memref_slice %arg13[%dma_start3A_102, %dma_start3A_103] : memref<10240x32xbf16, #tpu.memory_space<vmem_shared>> -> memref<10240x32xbf16, #tpu.memory_space<vmem_shared>>
    tpu.enqueue_indirect_dma source(%dma_start3A_104 : memref<10240x32xbf16, #tpu.memory_space<vmem_shared>>) target(%dma_start3A_98 : memref<128x32xbf16, #tpu.memory_space<vmem>>) offsets(%dma_start3A_101 : memref<128xi32, #tpu.memory_space<vmem>>) semaphore(%arg17 : memref<!tpu.dma_semaphore, #tpu.memory_space<semaphore_mem>>)
    %dma_start3A_105 = arith.constant 4 : i32
    %dma_start3A_106 = arith.constant 4 : i32
    %dma_start3A_107 = arith.constant 0 : i32
    %dma_start3A_108 = arith.constant 0 : i32
    %dma_start3A_109 = tpu.memref_slice %arg11[%dma_start3A_106, %dma_start3A_107, %dma_start3A_108] : memref<8x128x32xbf16, #tpu.memory_space<vmem>> -> memref<1x128x32xbf16, #tpu.memory_space<vmem>>
    %dma_start3A_110 = tpu.memref_squeeze %dma_start3A_109 : memref<1x128x32xbf16, #tpu.memory_space<vmem>> -> memref<128x32xbf16, #tpu.memory_space<vmem>>
    %dma_start3A_111 = arith.constant 0 : i32
    %dma_start3A_112 = tpu.memref_slice %arg9[%dma_start3A_105, %dma_start3A_111] : memref<160x128xi32, #tpu.memory_space<vmem>> -> memref<1x128xi32, #tpu.memory_space<vmem>>
    %dma_start3A_113 = tpu.memref_squeeze %dma_start3A_112 : memref<1x128xi32, #tpu.memory_space<vmem>> -> memref<128xi32, #tpu.memory_space<vmem>>
    %dma_start3A_114 = arith.constant 0 : i32
    %dma_start3A_115 = arith.constant 0 : i32
    %dma_start3A_116 = tpu.memref_slice %arg13[%dma_start3A_114, %dma_start3A_115] : memref<10240x32xbf16, #tpu.memory_space<vmem_shared>> -> memref<10240x32xbf16, #tpu.memory_space<vmem_shared>>
    tpu.enqueue_indirect_dma source(%dma_start3A_116 : memref<10240x32xbf16, #tpu.memory_space<vmem_shared>>) target(%dma_start3A_110 : memref<128x32xbf16, #tpu.memory_space<vmem>>) offsets(%dma_start3A_113 : memref<128xi32, #tpu.memory_space<vmem>>) semaphore(%arg18 : memref<!tpu.dma_semaphore, #tpu.memory_space<semaphore_mem>>)
    %dma_start3A_117 = arith.constant 5 : i32
    %dma_start3A_118 = arith.constant 5 : i32
    %dma_start3A_119 = arith.constant 0 : i32
    %dma_start3A_120 = arith.constant 0 : i32
    %dma_start3A_121 = tpu.memref_slice %arg11[%dma_start3A_118, %dma_start3A_119, %dma_start3A_120] : memref<8x128x32xbf16, #tpu.memory_space<vmem>> -> memref<1x128x32xbf16, #tpu.memory_space<vmem>>
    %dma_start3A_122 = tpu.memref_squeeze %dma_start3A_121 : memref<1x128x32xbf16, #tpu.memory_space<vmem>> -> memref<128x32xbf16, #tpu.memory_space<vmem>>
    %dma_start3A_123 = arith.constant 0 : i32
    %dma_start3A_124 = tpu.memref_slice %arg9[%dma_start3A_117, %dma_start3A_123] : memref<160x128xi32, #tpu.memory_space<vmem>> -> memref<1x128xi32, #tpu.memory_space<vmem>>
    %dma_start3A_125 = tpu.memref_squeeze %dma_start3A_124 : memref<1x128xi32, #tpu.memory_space<vmem>> -> memref<128xi32, #tpu.memory_space<vmem>>
    %dma_start3A_126 = arith.constant 0 : i32
    %dma_start3A_127 = arith.constant 0 : i32
    %dma_start3A_128 = tpu.memref_slice %arg13[%dma_start3A_126, %dma_start3A_127] : memref<10240x32xbf16, #tpu.memory_space<vmem_shared>> -> memref<10240x32xbf16, #tpu.memory_space<vmem_shared>>
    tpu.enqueue_indirect_dma source(%dma_start3A_128 : memref<10240x32xbf16, #tpu.memory_space<vmem_shared>>) target(%dma_start3A_122 : memref<128x32xbf16, #tpu.memory_space<vmem>>) offsets(%dma_start3A_125 : memref<128xi32, #tpu.memory_space<vmem>>) semaphore(%arg19 : memref<!tpu.dma_semaphore, #tpu.memory_space<semaphore_mem>>)
    %dma_start3A_129 = arith.constant 6 : i32
    %dma_start3A_130 = arith.constant 6 : i32
    %dma_start3A_131 = arith.constant 0 : i32
    %dma_start3A_132 = arith.constant 0 : i32
    %dma_start3A_133 = tpu.memref_slice %arg11[%dma_start3A_130, %dma_start3A_131, %dma_start3A_132] : memref<8x128x32xbf16, #tpu.memory_space<vmem>> -> memref<1x128x32xbf16, #tpu.memory_space<vmem>>
    %dma_start3A_134 = tpu.memref_squeeze %dma_start3A_133 : memref<1x128x32xbf16, #tpu.memory_space<vmem>> -> memref<128x32xbf16, #tpu.memory_space<vmem>>
    %dma_start3A_135 = arith.constant 0 : i32
    %dma_start3A_136 = tpu.memref_slice %arg9[%dma_start3A_129, %dma_start3A_135] : memref<160x128xi32, #tpu.memory_space<vmem>> -> memref<1x128xi32, #tpu.memory_space<vmem>>
    %dma_start3A_137 = tpu.memref_squeeze %dma_start3A_136 : memref<1x128xi32, #tpu.memory_space<vmem>> -> memref<128xi32, #tpu.memory_space<vmem>>
    %dma_start3A_138 = arith.constant 0 : i32
    %dma_start3A_139 = arith.constant 0 : i32
    %dma_start3A_140 = tpu.memref_slice %arg13[%dma_start3A_138, %dma_start3A_139] : memref<10240x32xbf16, #tpu.memory_space<vmem_shared>> -> memref<10240x32xbf16, #tpu.memory_space<vmem_shared>>
    tpu.enqueue_indirect_dma source(%dma_start3A_140 : memref<10240x32xbf16, #tpu.memory_space<vmem_shared>>) target(%dma_start3A_134 : memref<128x32xbf16, #tpu.memory_space<vmem>>) offsets(%dma_start3A_137 : memref<128xi32, #tpu.memory_space<vmem>>) semaphore(%arg20 : memref<!tpu.dma_semaphore, #tpu.memory_space<semaphore_mem>>)
    %dma_start3A_141 = arith.constant 7 : i32
    %dma_start3A_142 = arith.constant 7 : i32
    %dma_start3A_143 = arith.constant 0 : i32
    %dma_start3A_144 = arith.constant 0 : i32
    %dma_start3A_145 = tpu.memref_slice %arg11[%dma_start3A_142, %dma_start3A_143, %dma_start3A_144] : memref<8x128x32xbf16, #tpu.memory_space<vmem>> -> memref<1x128x32xbf16, #tpu.memory_space<vmem>>
    %dma_start3A_146 = tpu.memref_squeeze %dma_start3A_145 : memref<1x128x32xbf16, #tpu.memory_space<vmem>> -> memref<128x32xbf16, #tpu.memory_space<vmem>>
    %dma_start3A_147 = arith.constant 0 : i32
    %dma_start3A_148 = tpu.memref_slice %arg9[%dma_start3A_141, %dma_start3A_147] : memref<160x128xi32, #tpu.memory_space<vmem>> -> memref<1x128xi32, #tpu.memory_space<vmem>>
    %dma_start3A_149 = tpu.memref_squeeze %dma_start3A_148 : memref<1x128xi32, #tpu.memory_space<vmem>> -> memref<128xi32, #tpu.memory_space<vmem>>
    %dma_start3A_150 = arith.constant 0 : i32
    %dma_start3A_151 = arith.constant 0 : i32
    %dma_start3A_152 = tpu.memref_slice %arg13[%dma_start3A_150, %dma_start3A_151] : memref<10240x32xbf16, #tpu.memory_space<vmem_shared>> -> memref<10240x32xbf16, #tpu.memory_space<vmem_shared>>
    tpu.enqueue_indirect_dma source(%dma_start3A_152 : memref<10240x32xbf16, #tpu.memory_space<vmem_shared>>) target(%dma_start3A_146 : memref<128x32xbf16, #tpu.memory_space<vmem>>) offsets(%dma_start3A_149 : memref<128xi32, #tpu.memory_space<vmem>>) semaphore(%arg21 : memref<!tpu.dma_semaphore, #tpu.memory_space<semaphore_mem>>)
    %scan3A = arith.constant 0 : i32
    %scan3A_153 = arith.constant 0 : i32
    %scan3A_154 = arith.constant 20 : i32
    %scan3A_155 = arith.addi %scan3A_153, %scan3A_154 : i32
    %scan3A_156 = arith.constant 1 : i32
    scf.for %scan3A_234 = %scan3A_153 to %scan3A_155 step %scan3A_156  : i32 {
      %mul3A_235 = arith.constant 8 : i32
      %mul3A_236 = arith.muli %mul3A_235, %scan3A_234 : i32
      %add3A_237 = arith.constant 0 : i32
      %add3A_238 = arith.addi %mul3A_236, %add3A_237 : i32
      %dma_wait3A = arith.constant 0 : i32
      %dma_wait3A_239 = arith.constant 0 : i32
      %dma_wait3A_240 = arith.constant 0 : i32
      %dma_wait3A_241 = tpu.memref_slice %arg11[%dma_wait3A, %dma_wait3A_239, %dma_wait3A_240] : memref<8x128x32xbf16, #tpu.memory_space<vmem>> -> memref<1x128x32xbf16, #tpu.memory_space<vmem>>
      %dma_wait3A_242 = tpu.memref_squeeze %dma_wait3A_241 : memref<1x128x32xbf16, #tpu.memory_space<vmem>> -> memref<128x32xbf16, #tpu.memory_space<vmem>>
      %dma_wait3A_243 = arith.constant 0 : i32
      %dma_wait3A_244 = tpu.memref_slice %arg9[%add3A_238, %dma_wait3A_243] : memref<160x128xi32, #tpu.memory_space<vmem>> -> memref<1x128xi32, #tpu.memory_space<vmem>>
      %dma_wait3A_245 = tpu.memref_squeeze %dma_wait3A_244 : memref<1x128xi32, #tpu.memory_space<vmem>> -> memref<128xi32, #tpu.memory_space<vmem>>
      %dma_wait3A_246 = arith.constant 0 : i32
      %dma_wait3A_247 = arith.constant 0 : i32
      %dma_wait3A_248 = tpu.memref_slice %arg13[%dma_wait3A_246, %dma_wait3A_247] : memref<10240x32xbf16, #tpu.memory_space<vmem_shared>> -> memref<10240x32xbf16, #tpu.memory_space<vmem_shared>>
      tpu.wait_indirect_dma semaphore(%arg14 : memref<!tpu.dma_semaphore, #tpu.memory_space<semaphore_mem>>) src(%dma_wait3A_248 : memref<10240x32xbf16, #tpu.memory_space<vmem_shared>>) dst(%dma_wait3A_242 : memref<128x32xbf16, #tpu.memory_space<vmem>>)
      %add3A_249 = arith.constant 0 : i32
      %add3A_250 = arith.addi %mul3A_236, %add3A_249 : i32
      %dma_start3A_251 = arith.constant 0 : i32
      %dma_start3A_252 = arith.constant 0 : i32
      %dma_start3A_253 = arith.constant 0 : i32
      %dma_start3A_254 = tpu.memref_slice %arg11[%dma_start3A_251, %dma_start3A_252, %dma_start3A_253] : memref<8x128x32xbf16, #tpu.memory_space<vmem>> -> memref<1x128x32xbf16, #tpu.memory_space<vmem>>
      %dma_start3A_255 = tpu.memref_squeeze %dma_start3A_254 : memref<1x128x32xbf16, #tpu.memory_space<vmem>> -> memref<128x32xbf16, #tpu.memory_space<vmem>>
      %dma_start3A_256 = arith.constant 0 : i32
      %dma_start3A_257 = tpu.memref_slice %arg10[%add3A_250, %dma_start3A_256] : memref<160x128xi32, #tpu.memory_space<vmem>> -> memref<1x128xi32, #tpu.memory_space<vmem>>
      %dma_start3A_258 = tpu.memref_squeeze %dma_start3A_257 : memref<1x128xi32, #tpu.memory_space<vmem>> -> memref<128xi32, #tpu.memory_space<vmem>>
      %dma_start3A_259 = arith.constant 0 : i32
      %dma_start3A_260 = arith.constant 0 : i32
      %dma_start3A_261 = tpu.memref_slice %arg12[%dma_start3A_259, %dma_start3A_260] : memref<10240x32xbf16, #tpu.memory_space<vmem_shared>> -> memref<10240x32xbf16, #tpu.memory_space<vmem_shared>>
      tpu.enqueue_indirect_dma source(%dma_start3A_255 : memref<128x32xbf16, #tpu.memory_space<vmem>>) target(%dma_start3A_261 : memref<10240x32xbf16, #tpu.memory_space<vmem_shared>>) offsets(%dma_start3A_258 : memref<128xi32, #tpu.memory_space<vmem>>) semaphore(%arg22 : memref<!tpu.dma_semaphore, #tpu.memory_space<semaphore_mem>>) {add = true}
      %add3A_262 = arith.constant 1 : i32
      %add3A_263 = arith.addi %mul3A_236, %add3A_262 : i32
      %dma_wait3A_264 = arith.constant 1 : i32
      %dma_wait3A_265 = arith.constant 0 : i32
      %dma_wait3A_266 = arith.constant 0 : i32
      %dma_wait3A_267 = tpu.memref_slice %arg11[%dma_wait3A_264, %dma_wait3A_265, %dma_wait3A_266] : memref<8x128x32xbf16, #tpu.memory_space<vmem>> -> memref<1x128x32xbf16, #tpu.memory_space<vmem>>
      %dma_wait3A_268 = tpu.memref_squeeze %dma_wait3A_267 : memref<1x128x32xbf16, #tpu.memory_space<vmem>> -> memref<128x32xbf16, #tpu.memory_space<vmem>>
      %dma_wait3A_269 = arith.constant 0 : i32
      %dma_wait3A_270 = tpu.memref_slice %arg9[%add3A_263, %dma_wait3A_269] : memref<160x128xi32, #tpu.memory_space<vmem>> -> memref<1x128xi32, #tpu.memory_space<vmem>>
      %dma_wait3A_271 = tpu.memref_squeeze %dma_wait3A_270 : memref<1x128xi32, #tpu.memory_space<vmem>> -> memref<128xi32, #tpu.memory_space<vmem>>
      %dma_wait3A_272 = arith.constant 0 : i32
      %dma_wait3A_273 = arith.constant 0 : i32
      %dma_wait3A_274 = tpu.memref_slice %arg13[%dma_wait3A_272, %dma_wait3A_273] : memref<10240x32xbf16, #tpu.memory_space<vmem_shared>> -> memref<10240x32xbf16, #tpu.memory_space<vmem_shared>>
      tpu.wait_indirect_dma semaphore(%arg15 : memref<!tpu.dma_semaphore, #tpu.memory_space<semaphore_mem>>) src(%dma_wait3A_274 : memref<10240x32xbf16, #tpu.memory_space<vmem_shared>>) dst(%dma_wait3A_268 : memref<128x32xbf16, #tpu.memory_space<vmem>>)
      %add3A_275 = arith.constant 1 : i32
      %add3A_276 = arith.addi %mul3A_236, %add3A_275 : i32
      %dma_start3A_277 = arith.constant 1 : i32
      %dma_start3A_278 = arith.constant 0 : i32
      %dma_start3A_279 = arith.constant 0 : i32
      %dma_start3A_280 = tpu.memref_slice %arg11[%dma_start3A_277, %dma_start3A_278, %dma_start3A_279] : memref<8x128x32xbf16, #tpu.memory_space<vmem>> -> memref<1x128x32xbf16, #tpu.memory_space<vmem>>
      %dma_start3A_281 = tpu.memref_squeeze %dma_start3A_280 : memref<1x128x32xbf16, #tpu.memory_space<vmem>> -> memref<128x32xbf16, #tpu.memory_space<vmem>>
      %dma_start3A_282 = arith.constant 0 : i32
      %dma_start3A_283 = tpu.memref_slice %arg10[%add3A_276, %dma_start3A_282] : memref<160x128xi32, #tpu.memory_space<vmem>> -> memref<1x128xi32, #tpu.memory_space<vmem>>
      %dma_start3A_284 = tpu.memref_squeeze %dma_start3A_283 : memref<1x128xi32, #tpu.memory_space<vmem>> -> memref<128xi32, #tpu.memory_space<vmem>>
      %dma_start3A_285 = arith.constant 0 : i32
      %dma_start3A_286 = arith.constant 0 : i32
      %dma_start3A_287 = tpu.memref_slice %arg12[%dma_start3A_285, %dma_start3A_286] : memref<10240x32xbf16, #tpu.memory_space<vmem_shared>> -> memref<10240x32xbf16, #tpu.memory_space<vmem_shared>>
      tpu.enqueue_indirect_dma source(%dma_start3A_281 : memref<128x32xbf16, #tpu.memory_space<vmem>>) target(%dma_start3A_287 : memref<10240x32xbf16, #tpu.memory_space<vmem_shared>>) offsets(%dma_start3A_284 : memref<128xi32, #tpu.memory_space<vmem>>) semaphore(%arg22 : memref<!tpu.dma_semaphore, #tpu.memory_space<semaphore_mem>>) {add = true}
      %add3A_288 = arith.constant 2 : i32
      %add3A_289 = arith.addi %mul3A_236, %add3A_288 : i32
      %dma_wait3A_290 = arith.constant 2 : i32
      %dma_wait3A_291 = arith.constant 0 : i32
      %dma_wait3A_292 = arith.constant 0 : i32
      %dma_wait3A_293 = tpu.memref_slice %arg11[%dma_wait3A_290, %dma_wait3A_291, %dma_wait3A_292] : memref<8x128x32xbf16, #tpu.memory_space<vmem>> -> memref<1x128x32xbf16, #tpu.memory_space<vmem>>
      %dma_wait3A_294 = tpu.memref_squeeze %dma_wait3A_293 : memref<1x128x32xbf16, #tpu.memory_space<vmem>> -> memref<128x32xbf16, #tpu.memory_space<vmem>>
      %dma_wait3A_295 = arith.constant 0 : i32
      %dma_wait3A_296 = tpu.memref_slice %arg9[%add3A_289, %dma_wait3A_295] : memref<160x128xi32, #tpu.memory_space<vmem>> -> memref<1x128xi32, #tpu.memory_space<vmem>>
      %dma_wait3A_297 = tpu.memref_squeeze %dma_wait3A_296 : memref<1x128xi32, #tpu.memory_space<vmem>> -> memref<128xi32, #tpu.memory_space<vmem>>
      %dma_wait3A_298 = arith.constant 0 : i32
      %dma_wait3A_299 = arith.constant 0 : i32
      %dma_wait3A_300 = tpu.memref_slice %arg13[%dma_wait3A_298, %dma_wait3A_299] : memref<10240x32xbf16, #tpu.memory_space<vmem_shared>> -> memref<10240x32xbf16, #tpu.memory_space<vmem_shared>>
      tpu.wait_indirect_dma semaphore(%arg16 : memref<!tpu.dma_semaphore, #tpu.memory_space<semaphore_mem>>) src(%dma_wait3A_300 : memref<10240x32xbf16, #tpu.memory_space<vmem_shared>>) dst(%dma_wait3A_294 : memref<128x32xbf16, #tpu.memory_space<vmem>>)
      %add3A_301 = arith.constant 2 : i32
      %add3A_302 = arith.addi %mul3A_236, %add3A_301 : i32
      %dma_start3A_303 = arith.constant 2 : i32
      %dma_start3A_304 = arith.constant 0 : i32
      %dma_start3A_305 = arith.constant 0 : i32
      %dma_start3A_306 = tpu.memref_slice %arg11[%dma_start3A_303, %dma_start3A_304, %dma_start3A_305] : memref<8x128x32xbf16, #tpu.memory_space<vmem>> -> memref<1x128x32xbf16, #tpu.memory_space<vmem>>
      %dma_start3A_307 = tpu.memref_squeeze %dma_start3A_306 : memref<1x128x32xbf16, #tpu.memory_space<vmem>> -> memref<128x32xbf16, #tpu.memory_space<vmem>>
      %dma_start3A_308 = arith.constant 0 : i32
      %dma_start3A_309 = tpu.memref_slice %arg10[%add3A_302, %dma_start3A_308] : memref<160x128xi32, #tpu.memory_space<vmem>> -> memref<1x128xi32, #tpu.memory_space<vmem>>
      %dma_start3A_310 = tpu.memref_squeeze %dma_start3A_309 : memref<1x128xi32, #tpu.memory_space<vmem>> -> memref<128xi32, #tpu.memory_space<vmem>>
      %dma_start3A_311 = arith.constant 0 : i32
      %dma_start3A_312 = arith.constant 0 : i32
      %dma_start3A_313 = tpu.memref_slice %arg12[%dma_start3A_311, %dma_start3A_312] : memref<10240x32xbf16, #tpu.memory_space<vmem_shared>> -> memref<10240x32xbf16, #tpu.memory_space<vmem_shared>>
      tpu.enqueue_indirect_dma source(%dma_start3A_307 : memref<128x32xbf16, #tpu.memory_space<vmem>>) target(%dma_start3A_313 : memref<10240x32xbf16, #tpu.memory_space<vmem_shared>>) offsets(%dma_start3A_310 : memref<128xi32, #tpu.memory_space<vmem>>) semaphore(%arg22 : memref<!tpu.dma_semaphore, #tpu.memory_space<semaphore_mem>>) {add = true}
      %add3A_314 = arith.constant 3 : i32
      %add3A_315 = arith.addi %mul3A_236, %add3A_314 : i32
      %dma_wait3A_316 = arith.constant 3 : i32
      %dma_wait3A_317 = arith.constant 0 : i32
      %dma_wait3A_318 = arith.constant 0 : i32
      %dma_wait3A_319 = tpu.memref_slice %arg11[%dma_wait3A_316, %dma_wait3A_317, %dma_wait3A_318] : memref<8x128x32xbf16, #tpu.memory_space<vmem>> -> memref<1x128x32xbf16, #tpu.memory_space<vmem>>
      %dma_wait3A_320 = tpu.memref_squeeze %dma_wait3A_319 : memref<1x128x32xbf16, #tpu.memory_space<vmem>> -> memref<128x32xbf16, #tpu.memory_space<vmem>>
      %dma_wait3A_321 = arith.constant 0 : i32
      %dma_wait3A_322 = tpu.memref_slice %arg9[%add3A_315, %dma_wait3A_321] : memref<160x128xi32, #tpu.memory_space<vmem>> -> memref<1x128xi32, #tpu.memory_space<vmem>>
      %dma_wait3A_323 = tpu.memref_squeeze %dma_wait3A_322 : memref<1x128xi32, #tpu.memory_space<vmem>> -> memref<128xi32, #tpu.memory_space<vmem>>
      %dma_wait3A_324 = arith.constant 0 : i32
      %dma_wait3A_325 = arith.constant 0 : i32
      %dma_wait3A_326 = tpu.memref_slice %arg13[%dma_wait3A_324, %dma_wait3A_325] : memref<10240x32xbf16, #tpu.memory_space<vmem_shared>> -> memref<10240x32xbf16, #tpu.memory_space<vmem_shared>>
      tpu.wait_indirect_dma semaphore(%arg17 : memref<!tpu.dma_semaphore, #tpu.memory_space<semaphore_mem>>) src(%dma_wait3A_326 : memref<10240x32xbf16, #tpu.memory_space<vmem_shared>>) dst(%dma_wait3A_320 : memref<128x32xbf16, #tpu.memory_space<vmem>>)
      %add3A_327 = arith.constant 3 : i32
      %add3A_328 = arith.addi %mul3A_236, %add3A_327 : i32
      %dma_start3A_329 = arith.constant 3 : i32
      %dma_start3A_330 = arith.constant 0 : i32
      %dma_start3A_331 = arith.constant 0 : i32
      %dma_start3A_332 = tpu.memref_slice %arg11[%dma_start3A_329, %dma_start3A_330, %dma_start3A_331] : memref<8x128x32xbf16, #tpu.memory_space<vmem>> -> memref<1x128x32xbf16, #tpu.memory_space<vmem>>
      %dma_start3A_333 = tpu.memref_squeeze %dma_start3A_332 : memref<1x128x32xbf16, #tpu.memory_space<vmem>> -> memref<128x32xbf16, #tpu.memory_space<vmem>>
      %dma_start3A_334 = arith.constant 0 : i32
      %dma_start3A_335 = tpu.memref_slice %arg10[%add3A_328, %dma_start3A_334] : memref<160x128xi32, #tpu.memory_space<vmem>> -> memref<1x128xi32, #tpu.memory_space<vmem>>
      %dma_start3A_336 = tpu.memref_squeeze %dma_start3A_335 : memref<1x128xi32, #tpu.memory_space<vmem>> -> memref<128xi32, #tpu.memory_space<vmem>>
      %dma_start3A_337 = arith.constant 0 : i32
      %dma_start3A_338 = arith.constant 0 : i32
      %dma_start3A_339 = tpu.memref_slice %arg12[%dma_start3A_337, %dma_start3A_338] : memref<10240x32xbf16, #tpu.memory_space<vmem_shared>> -> memref<10240x32xbf16, #tpu.memory_space<vmem_shared>>
      tpu.enqueue_indirect_dma source(%dma_start3A_333 : memref<128x32xbf16, #tpu.memory_space<vmem>>) target(%dma_start3A_339 : memref<10240x32xbf16, #tpu.memory_space<vmem_shared>>) offsets(%dma_start3A_336 : memref<128xi32, #tpu.memory_space<vmem>>) semaphore(%arg22 : memref<!tpu.dma_semaphore, #tpu.memory_space<semaphore_mem>>) {add = true}
      %add3A_340 = arith.constant 4 : i32
      %add3A_341 = arith.addi %mul3A_236, %add3A_340 : i32
      %dma_wait3A_342 = arith.constant 4 : i32
      %dma_wait3A_343 = arith.constant 0 : i32
      %dma_wait3A_344 = arith.constant 0 : i32
      %dma_wait3A_345 = tpu.memref_slice %arg11[%dma_wait3A_342, %dma_wait3A_343, %dma_wait3A_344] : memref<8x128x32xbf16, #tpu.memory_space<vmem>> -> memref<1x128x32xbf16, #tpu.memory_space<vmem>>
      %dma_wait3A_346 = tpu.memref_squeeze %dma_wait3A_345 : memref<1x128x32xbf16, #tpu.memory_space<vmem>> -> memref<128x32xbf16, #tpu.memory_space<vmem>>
      %dma_wait3A_347 = arith.constant 0 : i32
      %dma_wait3A_348 = tpu.memref_slice %arg9[%add3A_341, %dma_wait3A_347] : memref<160x128xi32, #tpu.memory_space<vmem>> -> memref<1x128xi32, #tpu.memory_space<vmem>>
      %dma_wait3A_349 = tpu.memref_squeeze %dma_wait3A_348 : memref<1x128xi32, #tpu.memory_space<vmem>> -> memref<128xi32, #tpu.memory_space<vmem>>
      %dma_wait3A_350 = arith.constant 0 : i32
      %dma_wait3A_351 = arith.constant 0 : i32
      %dma_wait3A_352 = tpu.memref_slice %arg13[%dma_wait3A_350, %dma_wait3A_351] : memref<10240x32xbf16, #tpu.memory_space<vmem_shared>> -> memref<10240x32xbf16, #tpu.memory_space<vmem_shared>>
      tpu.wait_indirect_dma semaphore(%arg18 : memref<!tpu.dma_semaphore, #tpu.memory_space<semaphore_mem>>) src(%dma_wait3A_352 : memref<10240x32xbf16, #tpu.memory_space<vmem_shared>>) dst(%dma_wait3A_346 : memref<128x32xbf16, #tpu.memory_space<vmem>>)
      %add3A_353 = arith.constant 4 : i32
      %add3A_354 = arith.addi %mul3A_236, %add3A_353 : i32
      %dma_start3A_355 = arith.constant 4 : i32
      %dma_start3A_356 = arith.constant 0 : i32
      %dma_start3A_357 = arith.constant 0 : i32
      %dma_start3A_358 = tpu.memref_slice %arg11[%dma_start3A_355, %dma_start3A_356, %dma_start3A_357] : memref<8x128x32xbf16, #tpu.memory_space<vmem>> -> memref<1x128x32xbf16, #tpu.memory_space<vmem>>
      %dma_start3A_359 = tpu.memref_squeeze %dma_start3A_358 : memref<1x128x32xbf16, #tpu.memory_space<vmem>> -> memref<128x32xbf16, #tpu.memory_space<vmem>>
      %dma_start3A_360 = arith.constant 0 : i32
      %dma_start3A_361 = tpu.memref_slice %arg10[%add3A_354, %dma_start3A_360] : memref<160x128xi32, #tpu.memory_space<vmem>> -> memref<1x128xi32, #tpu.memory_space<vmem>>
      %dma_start3A_362 = tpu.memref_squeeze %dma_start3A_361 : memref<1x128xi32, #tpu.memory_space<vmem>> -> memref<128xi32, #tpu.memory_space<vmem>>
      %dma_start3A_363 = arith.constant 0 : i32
      %dma_start3A_364 = arith.constant 0 : i32
      %dma_start3A_365 = tpu.memref_slice %arg12[%dma_start3A_363, %dma_start3A_364] : memref<10240x32xbf16, #tpu.memory_space<vmem_shared>> -> memref<10240x32xbf16, #tpu.memory_space<vmem_shared>>
      tpu.enqueue_indirect_dma source(%dma_start3A_359 : memref<128x32xbf16, #tpu.memory_space<vmem>>) target(%dma_start3A_365 : memref<10240x32xbf16, #tpu.memory_space<vmem_shared>>) offsets(%dma_start3A_362 : memref<128xi32, #tpu.memory_space<vmem>>) semaphore(%arg22 : memref<!tpu.dma_semaphore, #tpu.memory_space<semaphore_mem>>) {add = true}
      %add3A_366 = arith.constant 5 : i32
      %add3A_367 = arith.addi %mul3A_236, %add3A_366 : i32
      %dma_wait3A_368 = arith.constant 5 : i32
      %dma_wait3A_369 = arith.constant 0 : i32
      %dma_wait3A_370 = arith.constant 0 : i32
      %dma_wait3A_371 = tpu.memref_slice %arg11[%dma_wait3A_368, %dma_wait3A_369, %dma_wait3A_370] : memref<8x128x32xbf16, #tpu.memory_space<vmem>> -> memref<1x128x32xbf16, #tpu.memory_space<vmem>>
      %dma_wait3A_372 = tpu.memref_squeeze %dma_wait3A_371 : memref<1x128x32xbf16, #tpu.memory_space<vmem>> -> memref<128x32xbf16, #tpu.memory_space<vmem>>
      %dma_wait3A_373 = arith.constant 0 : i32
      %dma_wait3A_374 = tpu.memref_slice %arg9[%add3A_367, %dma_wait3A_373] : memref<160x128xi32, #tpu.memory_space<vmem>> -> memref<1x128xi32, #tpu.memory_space<vmem>>
      %dma_wait3A_375 = tpu.memref_squeeze %dma_wait3A_374 : memref<1x128xi32, #tpu.memory_space<vmem>> -> memref<128xi32, #tpu.memory_space<vmem>>
      %dma_wait3A_376 = arith.constant 0 : i32
      %dma_wait3A_377 = arith.constant 0 : i32
      %dma_wait3A_378 = tpu.memref_slice %arg13[%dma_wait3A_376, %dma_wait3A_377] : memref<10240x32xbf16, #tpu.memory_space<vmem_shared>> -> memref<10240x32xbf16, #tpu.memory_space<vmem_shared>>
      tpu.wait_indirect_dma semaphore(%arg19 : memref<!tpu.dma_semaphore, #tpu.memory_space<semaphore_mem>>) src(%dma_wait3A_378 : memref<10240x32xbf16, #tpu.memory_space<vmem_shared>>) dst(%dma_wait3A_372 : memref<128x32xbf16, #tpu.memory_space<vmem>>)
      %add3A_379 = arith.constant 5 : i32
      %add3A_380 = arith.addi %mul3A_236, %add3A_379 : i32
      %dma_start3A_381 = arith.constant 5 : i32
      %dma_start3A_382 = arith.constant 0 : i32
      %dma_start3A_383 = arith.constant 0 : i32
      %dma_start3A_384 = tpu.memref_slice %arg11[%dma_start3A_381, %dma_start3A_382, %dma_start3A_383] : memref<8x128x32xbf16, #tpu.memory_space<vmem>> -> memref<1x128x32xbf16, #tpu.memory_space<vmem>>
      %dma_start3A_385 = tpu.memref_squeeze %dma_start3A_384 : memref<1x128x32xbf16, #tpu.memory_space<vmem>> -> memref<128x32xbf16, #tpu.memory_space<vmem>>
      %dma_start3A_386 = arith.constant 0 : i32
      %dma_start3A_387 = tpu.memref_slice %arg10[%add3A_380, %dma_start3A_386] : memref<160x128xi32, #tpu.memory_space<vmem>> -> memref<1x128xi32, #tpu.memory_space<vmem>>
      %dma_start3A_388 = tpu.memref_squeeze %dma_start3A_387 : memref<1x128xi32, #tpu.memory_space<vmem>> -> memref<128xi32, #tpu.memory_space<vmem>>
      %dma_start3A_389 = arith.constant 0 : i32
      %dma_start3A_390 = arith.constant 0 : i32
      %dma_start3A_391 = tpu.memref_slice %arg12[%dma_start3A_389, %dma_start3A_390] : memref<10240x32xbf16, #tpu.memory_space<vmem_shared>> -> memref<10240x32xbf16, #tpu.memory_space<vmem_shared>>
      tpu.enqueue_indirect_dma source(%dma_start3A_385 : memref<128x32xbf16, #tpu.memory_space<vmem>>) target(%dma_start3A_391 : memref<10240x32xbf16, #tpu.memory_space<vmem_shared>>) offsets(%dma_start3A_388 : memref<128xi32, #tpu.memory_space<vmem>>) semaphore(%arg22 : memref<!tpu.dma_semaphore, #tpu.memory_space<semaphore_mem>>) {add = true}
      %add3A_392 = arith.constant 6 : i32
      %add3A_393 = arith.addi %mul3A_236, %add3A_392 : i32
      %dma_wait3A_394 = arith.constant 6 : i32
      %dma_wait3A_395 = arith.constant 0 : i32
      %dma_wait3A_396 = arith.constant 0 : i32
      %dma_wait3A_397 = tpu.memref_slice %arg11[%dma_wait3A_394, %dma_wait3A_395, %dma_wait3A_396] : memref<8x128x32xbf16, #tpu.memory_space<vmem>> -> memref<1x128x32xbf16, #tpu.memory_space<vmem>>
      %dma_wait3A_398 = tpu.memref_squeeze %dma_wait3A_397 : memref<1x128x32xbf16, #tpu.memory_space<vmem>> -> memref<128x32xbf16, #tpu.memory_space<vmem>>
      %dma_wait3A_399 = arith.constant 0 : i32
      %dma_wait3A_400 = tpu.memref_slice %arg9[%add3A_393, %dma_wait3A_399] : memref<160x128xi32, #tpu.memory_space<vmem>> -> memref<1x128xi32, #tpu.memory_space<vmem>>
      %dma_wait3A_401 = tpu.memref_squeeze %dma_wait3A_400 : memref<1x128xi32, #tpu.memory_space<vmem>> -> memref<128xi32, #tpu.memory_space<vmem>>
      %dma_wait3A_402 = arith.constant 0 : i32
      %dma_wait3A_403 = arith.constant 0 : i32
      %dma_wait3A_404 = tpu.memref_slice %arg13[%dma_wait3A_402, %dma_wait3A_403] : memref<10240x32xbf16, #tpu.memory_space<vmem_shared>> -> memref<10240x32xbf16, #tpu.memory_space<vmem_shared>>
      tpu.wait_indirect_dma semaphore(%arg20 : memref<!tpu.dma_semaphore, #tpu.memory_space<semaphore_mem>>) src(%dma_wait3A_404 : memref<10240x32xbf16, #tpu.memory_space<vmem_shared>>) dst(%dma_wait3A_398 : memref<128x32xbf16, #tpu.memory_space<vmem>>)
      %add3A_405 = arith.constant 6 : i32
      %add3A_406 = arith.addi %mul3A_236, %add3A_405 : i32
      %dma_start3A_407 = arith.constant 6 : i32
      %dma_start3A_408 = arith.constant 0 : i32
      %dma_start3A_409 = arith.constant 0 : i32
      %dma_start3A_410 = tpu.memref_slice %arg11[%dma_start3A_407, %dma_start3A_408, %dma_start3A_409] : memref<8x128x32xbf16, #tpu.memory_space<vmem>> -> memref<1x128x32xbf16, #tpu.memory_space<vmem>>
      %dma_start3A_411 = tpu.memref_squeeze %dma_start3A_410 : memref<1x128x32xbf16, #tpu.memory_space<vmem>> -> memref<128x32xbf16, #tpu.memory_space<vmem>>
      %dma_start3A_412 = arith.constant 0 : i32
      %dma_start3A_413 = tpu.memref_slice %arg10[%add3A_406, %dma_start3A_412] : memref<160x128xi32, #tpu.memory_space<vmem>> -> memref<1x128xi32, #tpu.memory_space<vmem>>
      %dma_start3A_414 = tpu.memref_squeeze %dma_start3A_413 : memref<1x128xi32, #tpu.memory_space<vmem>> -> memref<128xi32, #tpu.memory_space<vmem>>
      %dma_start3A_415 = arith.constant 0 : i32
      %dma_start3A_416 = arith.constant 0 : i32
      %dma_start3A_417 = tpu.memref_slice %arg12[%dma_start3A_415, %dma_start3A_416] : memref<10240x32xbf16, #tpu.memory_space<vmem_shared>> -> memref<10240x32xbf16, #tpu.memory_space<vmem_shared>>
      tpu.enqueue_indirect_dma source(%dma_start3A_411 : memref<128x32xbf16, #tpu.memory_space<vmem>>) target(%dma_start3A_417 : memref<10240x32xbf16, #tpu.memory_space<vmem_shared>>) offsets(%dma_start3A_414 : memref<128xi32, #tpu.memory_space<vmem>>) semaphore(%arg22 : memref<!tpu.dma_semaphore, #tpu.memory_space<semaphore_mem>>) {add = true}
      %add3A_418 = arith.constant 7 : i32
      %add3A_419 = arith.addi %mul3A_236, %add3A_418 : i32
      %dma_wait3A_420 = arith.constant 7 : i32
      %dma_wait3A_421 = arith.constant 0 : i32
      %dma_wait3A_422 = arith.constant 0 : i32
      %dma_wait3A_423 = tpu.memref_slice %arg11[%dma_wait3A_420, %dma_wait3A_421, %dma_wait3A_422] : memref<8x128x32xbf16, #tpu.memory_space<vmem>> -> memref<1x128x32xbf16, #tpu.memory_space<vmem>>
      %dma_wait3A_424 = tpu.memref_squeeze %dma_wait3A_423 : memref<1x128x32xbf16, #tpu.memory_space<vmem>> -> memref<128x32xbf16, #tpu.memory_space<vmem>>
      %dma_wait3A_425 = arith.constant 0 : i32
      %dma_wait3A_426 = tpu.memref_slice %arg9[%add3A_419, %dma_wait3A_425] : memref<160x128xi32, #tpu.memory_space<vmem>> -> memref<1x128xi32, #tpu.memory_space<vmem>>
      %dma_wait3A_427 = tpu.memref_squeeze %dma_wait3A_426 : memref<1x128xi32, #tpu.memory_space<vmem>> -> memref<128xi32, #tpu.memory_space<vmem>>
      %dma_wait3A_428 = arith.constant 0 : i32
      %dma_wait3A_429 = arith.constant 0 : i32
      %dma_wait3A_430 = tpu.memref_slice %arg13[%dma_wait3A_428, %dma_wait3A_429] : memref<10240x32xbf16, #tpu.memory_space<vmem_shared>> -> memref<10240x32xbf16, #tpu.memory_space<vmem_shared>>
      tpu.wait_indirect_dma semaphore(%arg21 : memref<!tpu.dma_semaphore, #tpu.memory_space<semaphore_mem>>) src(%dma_wait3A_430 : memref<10240x32xbf16, #tpu.memory_space<vmem_shared>>) dst(%dma_wait3A_424 : memref<128x32xbf16, #tpu.memory_space<vmem>>)
      %add3A_431 = arith.constant 7 : i32
      %add3A_432 = arith.addi %mul3A_236, %add3A_431 : i32
      %dma_start3A_433 = arith.constant 7 : i32
      %dma_start3A_434 = arith.constant 0 : i32
      %dma_start3A_435 = arith.constant 0 : i32
      %dma_start3A_436 = tpu.memref_slice %arg11[%dma_start3A_433, %dma_start3A_434, %dma_start3A_435] : memref<8x128x32xbf16, #tpu.memory_space<vmem>> -> memref<1x128x32xbf16, #tpu.memory_space<vmem>>
      %dma_start3A_437 = tpu.memref_squeeze %dma_start3A_436 : memref<1x128x32xbf16, #tpu.memory_space<vmem>> -> memref<128x32xbf16, #tpu.memory_space<vmem>>
      %dma_start3A_438 = arith.constant 0 : i32
      %dma_start3A_439 = tpu.memref_slice %arg10[%add3A_432, %dma_start3A_438] : memref<160x128xi32, #tpu.memory_space<vmem>> -> memref<1x128xi32, #tpu.memory_space<vmem>>
      %dma_start3A_440 = tpu.memref_squeeze %dma_start3A_439 : memref<1x128xi32, #tpu.memory_space<vmem>> -> memref<128xi32, #tpu.memory_space<vmem>>
      %dma_start3A_441 = arith.constant 0 : i32
      %dma_start3A_442 = arith.constant 0 : i32
      %dma_start3A_443 = tpu.memref_slice %arg12[%dma_start3A_441, %dma_start3A_442] : memref<10240x32xbf16, #tpu.memory_space<vmem_shared>> -> memref<10240x32xbf16, #tpu.memory_space<vmem_shared>>
      tpu.enqueue_indirect_dma source(%dma_start3A_437 : memref<128x32xbf16, #tpu.memory_space<vmem>>) target(%dma_start3A_443 : memref<10240x32xbf16, #tpu.memory_space<vmem_shared>>) offsets(%dma_start3A_440 : memref<128xi32, #tpu.memory_space<vmem>>) semaphore(%arg22 : memref<!tpu.dma_semaphore, #tpu.memory_space<semaphore_mem>>) {add = true}
      %add3A_444 = arith.constant 0 : i32
      %add3A_445 = arith.addi %mul3A_236, %add3A_444 : i32
      %dma_wait3A_446 = arith.constant 0 : i32
      %dma_wait3A_447 = arith.constant 0 : i32
      %dma_wait3A_448 = arith.constant 0 : i32
      %dma_wait3A_449 = tpu.memref_slice %arg11[%dma_wait3A_446, %dma_wait3A_447, %dma_wait3A_448] : memref<8x128x32xbf16, #tpu.memory_space<vmem>> -> memref<1x128x32xbf16, #tpu.memory_space<vmem>>
      %dma_wait3A_450 = tpu.memref_squeeze %dma_wait3A_449 : memref<1x128x32xbf16, #tpu.memory_space<vmem>> -> memref<128x32xbf16, #tpu.memory_space<vmem>>
      %dma_wait3A_451 = arith.constant 0 : i32
      %dma_wait3A_452 = tpu.memref_slice %arg10[%add3A_445, %dma_wait3A_451] : memref<160x128xi32, #tpu.memory_space<vmem>> -> memref<1x128xi32, #tpu.memory_space<vmem>>
      %dma_wait3A_453 = tpu.memref_squeeze %dma_wait3A_452 : memref<1x128xi32, #tpu.memory_space<vmem>> -> memref<128xi32, #tpu.memory_space<vmem>>
      %dma_wait3A_454 = arith.constant 0 : i32
      %dma_wait3A_455 = arith.constant 0 : i32
      %dma_wait3A_456 = tpu.memref_slice %arg12[%dma_wait3A_454, %dma_wait3A_455] : memref<10240x32xbf16, #tpu.memory_space<vmem_shared>> -> memref<10240x32xbf16, #tpu.memory_space<vmem_shared>>
      tpu.wait_indirect_dma semaphore(%arg22 : memref<!tpu.dma_semaphore, #tpu.memory_space<semaphore_mem>>) src(%dma_wait3A_450 : memref<128x32xbf16, #tpu.memory_space<vmem>>) dst(%dma_wait3A_456 : memref<10240x32xbf16, #tpu.memory_space<vmem_shared>>)
      %add3A_457 = arith.constant 1 : i32
      %add3A_458 = arith.addi %mul3A_236, %add3A_457 : i32
      %dma_wait3A_459 = arith.constant 1 : i32
      %dma_wait3A_460 = arith.constant 0 : i32
      %dma_wait3A_461 = arith.constant 0 : i32
      %dma_wait3A_462 = tpu.memref_slice %arg11[%dma_wait3A_459, %dma_wait3A_460, %dma_wait3A_461] : memref<8x128x32xbf16, #tpu.memory_space<vmem>> -> memref<1x128x32xbf16, #tpu.memory_space<vmem>>
      %dma_wait3A_463 = tpu.memref_squeeze %dma_wait3A_462 : memref<1x128x32xbf16, #tpu.memory_space<vmem>> -> memref<128x32xbf16, #tpu.memory_space<vmem>>
      %dma_wait3A_464 = arith.constant 0 : i32
      %dma_wait3A_465 = tpu.memref_slice %arg10[%add3A_458, %dma_wait3A_464] : memref<160x128xi32, #tpu.memory_space<vmem>> -> memref<1x128xi32, #tpu.memory_space<vmem>>
      %dma_wait3A_466 = tpu.memref_squeeze %dma_wait3A_465 : memref<1x128xi32, #tpu.memory_space<vmem>> -> memref<128xi32, #tpu.memory_space<vmem>>
      %dma_wait3A_467 = arith.constant 0 : i32
      %dma_wait3A_468 = arith.constant 0 : i32
      %dma_wait3A_469 = tpu.memref_slice %arg12[%dma_wait3A_467, %dma_wait3A_468] : memref<10240x32xbf16, #tpu.memory_space<vmem_shared>> -> memref<10240x32xbf16, #tpu.memory_space<vmem_shared>>
      tpu.wait_indirect_dma semaphore(%arg22 : memref<!tpu.dma_semaphore, #tpu.memory_space<semaphore_mem>>) src(%dma_wait3A_463 : memref<128x32xbf16, #tpu.memory_space<vmem>>) dst(%dma_wait3A_469 : memref<10240x32xbf16, #tpu.memory_space<vmem_shared>>)
      %add3A_470 = arith.constant 2 : i32
      %add3A_471 = arith.addi %mul3A_236, %add3A_470 : i32
      %dma_wait3A_472 = arith.constant 2 : i32
      %dma_wait3A_473 = arith.constant 0 : i32
      %dma_wait3A_474 = arith.constant 0 : i32
      %dma_wait3A_475 = tpu.memref_slice %arg11[%dma_wait3A_472, %dma_wait3A_473, %dma_wait3A_474] : memref<8x128x32xbf16, #tpu.memory_space<vmem>> -> memref<1x128x32xbf16, #tpu.memory_space<vmem>>
      %dma_wait3A_476 = tpu.memref_squeeze %dma_wait3A_475 : memref<1x128x32xbf16, #tpu.memory_space<vmem>> -> memref<128x32xbf16, #tpu.memory_space<vmem>>
      %dma_wait3A_477 = arith.constant 0 : i32
      %dma_wait3A_478 = tpu.memref_slice %arg10[%add3A_471, %dma_wait3A_477] : memref<160x128xi32, #tpu.memory_space<vmem>> -> memref<1x128xi32, #tpu.memory_space<vmem>>
      %dma_wait3A_479 = tpu.memref_squeeze %dma_wait3A_478 : memref<1x128xi32, #tpu.memory_space<vmem>> -> memref<128xi32, #tpu.memory_space<vmem>>
      %dma_wait3A_480 = arith.constant 0 : i32
      %dma_wait3A_481 = arith.constant 0 : i32
      %dma_wait3A_482 = tpu.memref_slice %arg12[%dma_wait3A_480, %dma_wait3A_481] : memref<10240x32xbf16, #tpu.memory_space<vmem_shared>> -> memref<10240x32xbf16, #tpu.memory_space<vmem_shared>>
      tpu.wait_indirect_dma semaphore(%arg22 : memref<!tpu.dma_semaphore, #tpu.memory_space<semaphore_mem>>) src(%dma_wait3A_476 : memref<128x32xbf16, #tpu.memory_space<vmem>>) dst(%dma_wait3A_482 : memref<10240x32xbf16, #tpu.memory_space<vmem_shared>>)
      %add3A_483 = arith.constant 3 : i32
      %add3A_484 = arith.addi %mul3A_236, %add3A_483 : i32
      %dma_wait3A_485 = arith.constant 3 : i32
      %dma_wait3A_486 = arith.constant 0 : i32
      %dma_wait3A_487 = arith.constant 0 : i32
      %dma_wait3A_488 = tpu.memref_slice %arg11[%dma_wait3A_485, %dma_wait3A_486, %dma_wait3A_487] : memref<8x128x32xbf16, #tpu.memory_space<vmem>> -> memref<1x128x32xbf16, #tpu.memory_space<vmem>>
      %dma_wait3A_489 = tpu.memref_squeeze %dma_wait3A_488 : memref<1x128x32xbf16, #tpu.memory_space<vmem>> -> memref<128x32xbf16, #tpu.memory_space<vmem>>
      %dma_wait3A_490 = arith.constant 0 : i32
      %dma_wait3A_491 = tpu.memref_slice %arg10[%add3A_484, %dma_wait3A_490] : memref<160x128xi32, #tpu.memory_space<vmem>> -> memref<1x128xi32, #tpu.memory_space<vmem>>
      %dma_wait3A_492 = tpu.memref_squeeze %dma_wait3A_491 : memref<1x128xi32, #tpu.memory_space<vmem>> -> memref<128xi32, #tpu.memory_space<vmem>>
      %dma_wait3A_493 = arith.constant 0 : i32
      %dma_wait3A_494 = arith.constant 0 : i32
      %dma_wait3A_495 = tpu.memref_slice %arg12[%dma_wait3A_493, %dma_wait3A_494] : memref<10240x32xbf16, #tpu.memory_space<vmem_shared>> -> memref<10240x32xbf16, #tpu.memory_space<vmem_shared>>
      tpu.wait_indirect_dma semaphore(%arg22 : memref<!tpu.dma_semaphore, #tpu.memory_space<semaphore_mem>>) src(%dma_wait3A_489 : memref<128x32xbf16, #tpu.memory_space<vmem>>) dst(%dma_wait3A_495 : memref<10240x32xbf16, #tpu.memory_space<vmem_shared>>)
      %add3A_496 = arith.constant 4 : i32
      %add3A_497 = arith.addi %mul3A_236, %add3A_496 : i32
      %dma_wait3A_498 = arith.constant 4 : i32
      %dma_wait3A_499 = arith.constant 0 : i32
      %dma_wait3A_500 = arith.constant 0 : i32
      %dma_wait3A_501 = tpu.memref_slice %arg11[%dma_wait3A_498, %dma_wait3A_499, %dma_wait3A_500] : memref<8x128x32xbf16, #tpu.memory_space<vmem>> -> memref<1x128x32xbf16, #tpu.memory_space<vmem>>
      %dma_wait3A_502 = tpu.memref_squeeze %dma_wait3A_501 : memref<1x128x32xbf16, #tpu.memory_space<vmem>> -> memref<128x32xbf16, #tpu.memory_space<vmem>>
      %dma_wait3A_503 = arith.constant 0 : i32
      %dma_wait3A_504 = tpu.memref_slice %arg10[%add3A_497, %dma_wait3A_503] : memref<160x128xi32, #tpu.memory_space<vmem>> -> memref<1x128xi32, #tpu.memory_space<vmem>>
      %dma_wait3A_505 = tpu.memref_squeeze %dma_wait3A_504 : memref<1x128xi32, #tpu.memory_space<vmem>> -> memref<128xi32, #tpu.memory_space<vmem>>
      %dma_wait3A_506 = arith.constant 0 : i32
      %dma_wait3A_507 = arith.constant 0 : i32
      %dma_wait3A_508 = tpu.memref_slice %arg12[%dma_wait3A_506, %dma_wait3A_507] : memref<10240x32xbf16, #tpu.memory_space<vmem_shared>> -> memref<10240x32xbf16, #tpu.memory_space<vmem_shared>>
      tpu.wait_indirect_dma semaphore(%arg22 : memref<!tpu.dma_semaphore, #tpu.memory_space<semaphore_mem>>) src(%dma_wait3A_502 : memref<128x32xbf16, #tpu.memory_space<vmem>>) dst(%dma_wait3A_508 : memref<10240x32xbf16, #tpu.memory_space<vmem_shared>>)
      %add3A_509 = arith.constant 5 : i32
      %add3A_510 = arith.addi %mul3A_236, %add3A_509 : i32
      %dma_wait3A_511 = arith.constant 5 : i32
      %dma_wait3A_512 = arith.constant 0 : i32
      %dma_wait3A_513 = arith.constant 0 : i32
      %dma_wait3A_514 = tpu.memref_slice %arg11[%dma_wait3A_511, %dma_wait3A_512, %dma_wait3A_513] : memref<8x128x32xbf16, #tpu.memory_space<vmem>> -> memref<1x128x32xbf16, #tpu.memory_space<vmem>>
      %dma_wait3A_515 = tpu.memref_squeeze %dma_wait3A_514 : memref<1x128x32xbf16, #tpu.memory_space<vmem>> -> memref<128x32xbf16, #tpu.memory_space<vmem>>
      %dma_wait3A_516 = arith.constant 0 : i32
      %dma_wait3A_517 = tpu.memref_slice %arg10[%add3A_510, %dma_wait3A_516] : memref<160x128xi32, #tpu.memory_space<vmem>> -> memref<1x128xi32, #tpu.memory_space<vmem>>
      %dma_wait3A_518 = tpu.memref_squeeze %dma_wait3A_517 : memref<1x128xi32, #tpu.memory_space<vmem>> -> memref<128xi32, #tpu.memory_space<vmem>>
      %dma_wait3A_519 = arith.constant 0 : i32
      %dma_wait3A_520 = arith.constant 0 : i32
      %dma_wait3A_521 = tpu.memref_slice %arg12[%dma_wait3A_519, %dma_wait3A_520] : memref<10240x32xbf16, #tpu.memory_space<vmem_shared>> -> memref<10240x32xbf16, #tpu.memory_space<vmem_shared>>
      tpu.wait_indirect_dma semaphore(%arg22 : memref<!tpu.dma_semaphore, #tpu.memory_space<semaphore_mem>>) src(%dma_wait3A_515 : memref<128x32xbf16, #tpu.memory_space<vmem>>) dst(%dma_wait3A_521 : memref<10240x32xbf16, #tpu.memory_space<vmem_shared>>)
      %add3A_522 = arith.constant 6 : i32
      %add3A_523 = arith.addi %mul3A_236, %add3A_522 : i32
      %dma_wait3A_524 = arith.constant 6 : i32
      %dma_wait3A_525 = arith.constant 0 : i32
      %dma_wait3A_526 = arith.constant 0 : i32
      %dma_wait3A_527 = tpu.memref_slice %arg11[%dma_wait3A_524, %dma_wait3A_525, %dma_wait3A_526] : memref<8x128x32xbf16, #tpu.memory_space<vmem>> -> memref<1x128x32xbf16, #tpu.memory_space<vmem>>
      %dma_wait3A_528 = tpu.memref_squeeze %dma_wait3A_527 : memref<1x128x32xbf16, #tpu.memory_space<vmem>> -> memref<128x32xbf16, #tpu.memory_space<vmem>>
      %dma_wait3A_529 = arith.constant 0 : i32
      %dma_wait3A_530 = tpu.memref_slice %arg10[%add3A_523, %dma_wait3A_529] : memref<160x128xi32, #tpu.memory_space<vmem>> -> memref<1x128xi32, #tpu.memory_space<vmem>>
      %dma_wait3A_531 = tpu.memref_squeeze %dma_wait3A_530 : memref<1x128xi32, #tpu.memory_space<vmem>> -> memref<128xi32, #tpu.memory_space<vmem>>
      %dma_wait3A_532 = arith.constant 0 : i32
      %dma_wait3A_533 = arith.constant 0 : i32
      %dma_wait3A_534 = tpu.memref_slice %arg12[%dma_wait3A_532, %dma_wait3A_533] : memref<10240x32xbf16, #tpu.memory_space<vmem_shared>> -> memref<10240x32xbf16, #tpu.memory_space<vmem_shared>>
      tpu.wait_indirect_dma semaphore(%arg22 : memref<!tpu.dma_semaphore, #tpu.memory_space<semaphore_mem>>) src(%dma_wait3A_528 : memref<128x32xbf16, #tpu.memory_space<vmem>>) dst(%dma_wait3A_534 : memref<10240x32xbf16, #tpu.memory_space<vmem_shared>>)
      %add3A_535 = arith.constant 7 : i32
      %add3A_536 = arith.addi %mul3A_236, %add3A_535 : i32
      %dma_wait3A_537 = arith.constant 7 : i32
      %dma_wait3A_538 = arith.constant 0 : i32
      %dma_wait3A_539 = arith.constant 0 : i32
      %dma_wait3A_540 = tpu.memref_slice %arg11[%dma_wait3A_537, %dma_wait3A_538, %dma_wait3A_539] : memref<8x128x32xbf16, #tpu.memory_space<vmem>> -> memref<1x128x32xbf16, #tpu.memory_space<vmem>>
      %dma_wait3A_541 = tpu.memref_squeeze %dma_wait3A_540 : memref<1x128x32xbf16, #tpu.memory_space<vmem>> -> memref<128x32xbf16, #tpu.memory_space<vmem>>
      %dma_wait3A_542 = arith.constant 0 : i32
      %dma_wait3A_543 = tpu.memref_slice %arg10[%add3A_536, %dma_wait3A_542] : memref<160x128xi32, #tpu.memory_space<vmem>> -> memref<1x128xi32, #tpu.memory_space<vmem>>
      %dma_wait3A_544 = tpu.memref_squeeze %dma_wait3A_543 : memref<1x128xi32, #tpu.memory_space<vmem>> -> memref<128xi32, #tpu.memory_space<vmem>>
      %dma_wait3A_545 = arith.constant 0 : i32
      %dma_wait3A_546 = arith.constant 0 : i32
      %dma_wait3A_547 = tpu.memref_slice %arg12[%dma_wait3A_545, %dma_wait3A_546] : memref<10240x32xbf16, #tpu.memory_space<vmem_shared>> -> memref<10240x32xbf16, #tpu.memory_space<vmem_shared>>
      tpu.wait_indirect_dma semaphore(%arg22 : memref<!tpu.dma_semaphore, #tpu.memory_space<semaphore_mem>>) src(%dma_wait3A_541 : memref<128x32xbf16, #tpu.memory_space<vmem>>) dst(%dma_wait3A_547 : memref<10240x32xbf16, #tpu.memory_space<vmem_shared>>)
      %lt3A = arith.constant 19 : i32
      %lt3A_548 = arith.cmpi slt, %scan3A_234, %lt3A : i32
      %convert_element_type3A_549 = arith.extui %lt3A_548 : i1 to i32
      %cond3A_550 = arith.constant 0 : i32
      %cond3A_551 = arith.cmpi ne, %convert_element_type3A_549, %cond3A_550 : i32
      scf.if %cond3A_551 {
        %add3A_552 = arith.constant 8 : i32
        %add3A_553 = arith.addi %mul3A_236, %add3A_552 : i32
        %add3A_554 = arith.constant 0 : i32
        %add3A_555 = arith.addi %add3A_553, %add3A_554 : i32
        %dma_start3A_556 = arith.constant 0 : i32
        %dma_start3A_557 = arith.constant 0 : i32
        %dma_start3A_558 = arith.constant 0 : i32
        %dma_start3A_559 = tpu.memref_slice %arg11[%dma_start3A_556, %dma_start3A_557, %dma_start3A_558] : memref<8x128x32xbf16, #tpu.memory_space<vmem>> -> memref<1x128x32xbf16, #tpu.memory_space<vmem>>
        %dma_start3A_560 = tpu.memref_squeeze %dma_start3A_559 : memref<1x128x32xbf16, #tpu.memory_space<vmem>> -> memref<128x32xbf16, #tpu.memory_space<vmem>>
        %dma_start3A_561 = arith.constant 0 : i32
        %dma_start3A_562 = tpu.memref_slice %arg9[%add3A_555, %dma_start3A_561] : memref<160x128xi32, #tpu.memory_space<vmem>> -> memref<1x128xi32, #tpu.memory_space<vmem>>
        %dma_start3A_563 = tpu.memref_squeeze %dma_start3A_562 : memref<1x128xi32, #tpu.memory_space<vmem>> -> memref<128xi32, #tpu.memory_space<vmem>>
        %dma_start3A_564 = arith.constant 0 : i32
        %dma_start3A_565 = arith.constant 0 : i32
        %dma_start3A_566 = tpu.memref_slice %arg13[%dma_start3A_564, %dma_start3A_565] : memref<10240x32xbf16, #tpu.memory_space<vmem_shared>> -> memref<10240x32xbf16, #tpu.memory_space<vmem_shared>>
        tpu.enqueue_indirect_dma source(%dma_start3A_566 : memref<10240x32xbf16, #tpu.memory_space<vmem_shared>>) target(%dma_start3A_560 : memref<128x32xbf16, #tpu.memory_space<vmem>>) offsets(%dma_start3A_563 : memref<128xi32, #tpu.memory_space<vmem>>) semaphore(%arg14 : memref<!tpu.dma_semaphore, #tpu.memory_space<semaphore_mem>>)
        %add3A_567 = arith.constant 8 : i32
        %add3A_568 = arith.addi %mul3A_236, %add3A_567 : i32
        %add3A_569 = arith.constant 1 : i32
        %add3A_570 = arith.addi %add3A_568, %add3A_569 : i32
        %dma_start3A_571 = arith.constant 1 : i32
        %dma_start3A_572 = arith.constant 0 : i32
        %dma_start3A_573 = arith.constant 0 : i32
        %dma_start3A_574 = tpu.memref_slice %arg11[%dma_start3A_571, %dma_start3A_572, %dma_start3A_573] : memref<8x128x32xbf16, #tpu.memory_space<vmem>> -> memref<1x128x32xbf16, #tpu.memory_space<vmem>>
        %dma_start3A_575 = tpu.memref_squeeze %dma_start3A_574 : memref<1x128x32xbf16, #tpu.memory_space<vmem>> -> memref<128x32xbf16, #tpu.memory_space<vmem>>
        %dma_start3A_576 = arith.constant 0 : i32
        %dma_start3A_577 = tpu.memref_slice %arg9[%add3A_570, %dma_start3A_576] : memref<160x128xi32, #tpu.memory_space<vmem>> -> memref<1x128xi32, #tpu.memory_space<vmem>>
        %dma_start3A_578 = tpu.memref_squeeze %dma_start3A_577 : memref<1x128xi32, #tpu.memory_space<vmem>> -> memref<128xi32, #tpu.memory_space<vmem>>
        %dma_start3A_579 = arith.constant 0 : i32
        %dma_start3A_580 = arith.constant 0 : i32
        %dma_start3A_581 = tpu.memref_slice %arg13[%dma_start3A_579, %dma_start3A_580] : memref<10240x32xbf16, #tpu.memory_space<vmem_shared>> -> memref<10240x32xbf16, #tpu.memory_space<vmem_shared>>
        tpu.enqueue_indirect_dma source(%dma_start3A_581 : memref<10240x32xbf16, #tpu.memory_space<vmem_shared>>) target(%dma_start3A_575 : memref<128x32xbf16, #tpu.memory_space<vmem>>) offsets(%dma_start3A_578 : memref<128xi32, #tpu.memory_space<vmem>>) semaphore(%arg15 : memref<!tpu.dma_semaphore, #tpu.memory_space<semaphore_mem>>)
        %add3A_582 = arith.constant 8 : i32
        %add3A_583 = arith.addi %mul3A_236, %add3A_582 : i32
        %add3A_584 = arith.constant 2 : i32
        %add3A_585 = arith.addi %add3A_583, %add3A_584 : i32
        %dma_start3A_586 = arith.constant 2 : i32
        %dma_start3A_587 = arith.constant 0 : i32
        %dma_start3A_588 = arith.constant 0 : i32
        %dma_start3A_589 = tpu.memref_slice %arg11[%dma_start3A_586, %dma_start3A_587, %dma_start3A_588] : memref<8x128x32xbf16, #tpu.memory_space<vmem>> -> memref<1x128x32xbf16, #tpu.memory_space<vmem>>
        %dma_start3A_590 = tpu.memref_squeeze %dma_start3A_589 : memref<1x128x32xbf16, #tpu.memory_space<vmem>> -> memref<128x32xbf16, #tpu.memory_space<vmem>>
        %dma_start3A_591 = arith.constant 0 : i32
        %dma_start3A_592 = tpu.memref_slice %arg9[%add3A_585, %dma_start3A_591] : memref<160x128xi32, #tpu.memory_space<vmem>> -> memref<1x128xi32, #tpu.memory_space<vmem>>
        %dma_start3A_593 = tpu.memref_squeeze %dma_start3A_592 : memref<1x128xi32, #tpu.memory_space<vmem>> -> memref<128xi32, #tpu.memory_space<vmem>>
        %dma_start3A_594 = arith.constant 0 : i32
        %dma_start3A_595 = arith.constant 0 : i32
        %dma_start3A_596 = tpu.memref_slice %arg13[%dma_start3A_594, %dma_start3A_595] : memref<10240x32xbf16, #tpu.memory_space<vmem_shared>> -> memref<10240x32xbf16, #tpu.memory_space<vmem_shared>>
        tpu.enqueue_indirect_dma source(%dma_start3A_596 : memref<10240x32xbf16, #tpu.memory_space<vmem_shared>>) target(%dma_start3A_590 : memref<128x32xbf16, #tpu.memory_space<vmem>>) offsets(%dma_start3A_593 : memref<128xi32, #tpu.memory_space<vmem>>) semaphore(%arg16 : memref<!tpu.dma_semaphore, #tpu.memory_space<semaphore_mem>>)
        %add3A_597 = arith.constant 8 : i32
        %add3A_598 = arith.addi %mul3A_236, %add3A_597 : i32
        %add3A_599 = arith.constant 3 : i32
        %add3A_600 = arith.addi %add3A_598, %add3A_599 : i32
        %dma_start3A_601 = arith.constant 3 : i32
        %dma_start3A_602 = arith.constant 0 : i32
        %dma_start3A_603 = arith.constant 0 : i32
        %dma_start3A_604 = tpu.memref_slice %arg11[%dma_start3A_601, %dma_start3A_602, %dma_start3A_603] : memref<8x128x32xbf16, #tpu.memory_space<vmem>> -> memref<1x128x32xbf16, #tpu.memory_space<vmem>>
        %dma_start3A_605 = tpu.memref_squeeze %dma_start3A_604 : memref<1x128x32xbf16, #tpu.memory_space<vmem>> -> memref<128x32xbf16, #tpu.memory_space<vmem>>
        %dma_start3A_606 = arith.constant 0 : i32
        %dma_start3A_607 = tpu.memref_slice %arg9[%add3A_600, %dma_start3A_606] : memref<160x128xi32, #tpu.memory_space<vmem>> -> memref<1x128xi32, #tpu.memory_space<vmem>>
        %dma_start3A_608 = tpu.memref_squeeze %dma_start3A_607 : memref<1x128xi32, #tpu.memory_space<vmem>> -> memref<128xi32, #tpu.memory_space<vmem>>
        %dma_start3A_609 = arith.constant 0 : i32
        %dma_start3A_610 = arith.constant 0 : i32
        %dma_start3A_611 = tpu.memref_slice %arg13[%dma_start3A_609, %dma_start3A_610] : memref<10240x32xbf16, #tpu.memory_space<vmem_shared>> -> memref<10240x32xbf16, #tpu.memory_space<vmem_shared>>
        tpu.enqueue_indirect_dma source(%dma_start3A_611 : memref<10240x32xbf16, #tpu.memory_space<vmem_shared>>) target(%dma_start3A_605 : memref<128x32xbf16, #tpu.memory_space<vmem>>) offsets(%dma_start3A_608 : memref<128xi32, #tpu.memory_space<vmem>>) semaphore(%arg17 : memref<!tpu.dma_semaphore, #tpu.memory_space<semaphore_mem>>)
        %add3A_612 = arith.constant 8 : i32
        %add3A_613 = arith.addi %mul3A_236, %add3A_612 : i32
        %add3A_614 = arith.constant 4 : i32
        %add3A_615 = arith.addi %add3A_613, %add3A_614 : i32
        %dma_start3A_616 = arith.constant 4 : i32
        %dma_start3A_617 = arith.constant 0 : i32
        %dma_start3A_618 = arith.constant 0 : i32
        %dma_start3A_619 = tpu.memref_slice %arg11[%dma_start3A_616, %dma_start3A_617, %dma_start3A_618] : memref<8x128x32xbf16, #tpu.memory_space<vmem>> -> memref<1x128x32xbf16, #tpu.memory_space<vmem>>
        %dma_start3A_620 = tpu.memref_squeeze %dma_start3A_619 : memref<1x128x32xbf16, #tpu.memory_space<vmem>> -> memref<128x32xbf16, #tpu.memory_space<vmem>>
        %dma_start3A_621 = arith.constant 0 : i32
        %dma_start3A_622 = tpu.memref_slice %arg9[%add3A_615, %dma_start3A_621] : memref<160x128xi32, #tpu.memory_space<vmem>> -> memref<1x128xi32, #tpu.memory_space<vmem>>
        %dma_start3A_623 = tpu.memref_squeeze %dma_start3A_622 : memref<1x128xi32, #tpu.memory_space<vmem>> -> memref<128xi32, #tpu.memory_space<vmem>>
        %dma_start3A_624 = arith.constant 0 : i32
        %dma_start3A_625 = arith.constant 0 : i32
        %dma_start3A_626 = tpu.memref_slice %arg13[%dma_start3A_624, %dma_start3A_625] : memref<10240x32xbf16, #tpu.memory_space<vmem_shared>> -> memref<10240x32xbf16, #tpu.memory_space<vmem_shared>>
        tpu.enqueue_indirect_dma source(%dma_start3A_626 : memref<10240x32xbf16, #tpu.memory_space<vmem_shared>>) target(%dma_start3A_620 : memref<128x32xbf16, #tpu.memory_space<vmem>>) offsets(%dma_start3A_623 : memref<128xi32, #tpu.memory_space<vmem>>) semaphore(%arg18 : memref<!tpu.dma_semaphore, #tpu.memory_space<semaphore_mem>>)
        %add3A_627 = arith.constant 8 : i32
        %add3A_628 = arith.addi %mul3A_236, %add3A_627 : i32
        %add3A_629 = arith.constant 5 : i32
        %add3A_630 = arith.addi %add3A_628, %add3A_629 : i32
        %dma_start3A_631 = arith.constant 5 : i32
        %dma_start3A_632 = arith.constant 0 : i32
        %dma_start3A_633 = arith.constant 0 : i32
        %dma_start3A_634 = tpu.memref_slice %arg11[%dma_start3A_631, %dma_start3A_632, %dma_start3A_633] : memref<8x128x32xbf16, #tpu.memory_space<vmem>> -> memref<1x128x32xbf16, #tpu.memory_space<vmem>>
        %dma_start3A_635 = tpu.memref_squeeze %dma_start3A_634 : memref<1x128x32xbf16, #tpu.memory_space<vmem>> -> memref<128x32xbf16, #tpu.memory_space<vmem>>
        %dma_start3A_636 = arith.constant 0 : i32
        %dma_start3A_637 = tpu.memref_slice %arg9[%add3A_630, %dma_start3A_636] : memref<160x128xi32, #tpu.memory_space<vmem>> -> memref<1x128xi32, #tpu.memory_space<vmem>>
        %dma_start3A_638 = tpu.memref_squeeze %dma_start3A_637 : memref<1x128xi32, #tpu.memory_space<vmem>> -> memref<128xi32, #tpu.memory_space<vmem>>
        %dma_start3A_639 = arith.constant 0 : i32
        %dma_start3A_640 = arith.constant 0 : i32
        %dma_start3A_641 = tpu.memref_slice %arg13[%dma_start3A_639, %dma_start3A_640] : memref<10240x32xbf16, #tpu.memory_space<vmem_shared>> -> memref<10240x32xbf16, #tpu.memory_space<vmem_shared>>
        tpu.enqueue_indirect_dma source(%dma_start3A_641 : memref<10240x32xbf16, #tpu.memory_space<vmem_shared>>) target(%dma_start3A_635 : memref<128x32xbf16, #tpu.memory_space<vmem>>) offsets(%dma_start3A_638 : memref<128xi32, #tpu.memory_space<vmem>>) semaphore(%arg19 : memref<!tpu.dma_semaphore, #tpu.memory_space<semaphore_mem>>)
        %add3A_642 = arith.constant 8 : i32
        %add3A_643 = arith.addi %mul3A_236, %add3A_642 : i32
        %add3A_644 = arith.constant 6 : i32
        %add3A_645 = arith.addi %add3A_643, %add3A_644 : i32
        %dma_start3A_646 = arith.constant 6 : i32
        %dma_start3A_647 = arith.constant 0 : i32
        %dma_start3A_648 = arith.constant 0 : i32
        %dma_start3A_649 = tpu.memref_slice %arg11[%dma_start3A_646, %dma_start3A_647, %dma_start3A_648] : memref<8x128x32xbf16, #tpu.memory_space<vmem>> -> memref<1x128x32xbf16, #tpu.memory_space<vmem>>
        %dma_start3A_650 = tpu.memref_squeeze %dma_start3A_649 : memref<1x128x32xbf16, #tpu.memory_space<vmem>> -> memref<128x32xbf16, #tpu.memory_space<vmem>>
        %dma_start3A_651 = arith.constant 0 : i32
        %dma_start3A_652 = tpu.memref_slice %arg9[%add3A_645, %dma_start3A_651] : memref<160x128xi32, #tpu.memory_space<vmem>> -> memref<1x128xi32, #tpu.memory_space<vmem>>
        %dma_start3A_653 = tpu.memref_squeeze %dma_start3A_652 : memref<1x128xi32, #tpu.memory_space<vmem>> -> memref<128xi32, #tpu.memory_space<vmem>>
        %dma_start3A_654 = arith.constant 0 : i32
        %dma_start3A_655 = arith.constant 0 : i32
        %dma_start3A_656 = tpu.memref_slice %arg13[%dma_start3A_654, %dma_start3A_655] : memref<10240x32xbf16, #tpu.memory_space<vmem_shared>> -> memref<10240x32xbf16, #tpu.memory_space<vmem_shared>>
        tpu.enqueue_indirect_dma source(%dma_start3A_656 : memref<10240x32xbf16, #tpu.memory_space<vmem_shared>>) target(%dma_start3A_650 : memref<128x32xbf16, #tpu.memory_space<vmem>>) offsets(%dma_start3A_653 : memref<128xi32, #tpu.memory_space<vmem>>) semaphore(%arg20 : memref<!tpu.dma_semaphore, #tpu.memory_space<semaphore_mem>>)
        %add3A_657 = arith.constant 8 : i32
        %add3A_658 = arith.addi %mul3A_236, %add3A_657 : i32
        %add3A_659 = arith.constant 7 : i32
        %add3A_660 = arith.addi %add3A_658, %add3A_659 : i32
        %dma_start3A_661 = arith.constant 7 : i32
        %dma_start3A_662 = arith.constant 0 : i32
        %dma_start3A_663 = arith.constant 0 : i32
        %dma_start3A_664 = tpu.memref_slice %arg11[%dma_start3A_661, %dma_start3A_662, %dma_start3A_663] : memref<8x128x32xbf16, #tpu.memory_space<vmem>> -> memref<1x128x32xbf16, #tpu.memory_space<vmem>>
        %dma_start3A_665 = tpu.memref_squeeze %dma_start3A_664 : memref<1x128x32xbf16, #tpu.memory_space<vmem>> -> memref<128x32xbf16, #tpu.memory_space<vmem>>
        %dma_start3A_666 = arith.constant 0 : i32
        %dma_start3A_667 = tpu.memref_slice %arg9[%add3A_660, %dma_start3A_666] : memref<160x128xi32, #tpu.memory_space<vmem>> -> memref<1x128xi32, #tpu.memory_space<vmem>>
        %dma_start3A_668 = tpu.memref_squeeze %dma_start3A_667 : memref<1x128xi32, #tpu.memory_space<vmem>> -> memref<128xi32, #tpu.memory_space<vmem>>
        %dma_start3A_669 = arith.constant 0 : i32
        %dma_start3A_670 = arith.constant 0 : i32
        %dma_start3A_671 = tpu.memref_slice %arg13[%dma_start3A_669, %dma_start3A_670] : memref<10240x32xbf16, #tpu.memory_space<vmem_shared>> -> memref<10240x32xbf16, #tpu.memory_space<vmem_shared>>
        tpu.enqueue_indirect_dma source(%dma_start3A_671 : memref<10240x32xbf16, #tpu.memory_space<vmem_shared>>) target(%dma_start3A_665 : memref<128x32xbf16, #tpu.memory_space<vmem>>) offsets(%dma_start3A_668 : memref<128xi32, #tpu.memory_space<vmem>>) semaphore(%arg21 : memref<!tpu.dma_semaphore, #tpu.memory_space<semaphore_mem>>)
      } else {
      }
    }
    %scan3A_157 = arith.constant 20 : i32
    %barrier3A_158 = arith.constant 0 : index
    tpu.barrier barrier_id(%barrier3A_158)
    %mul3A_159 = arith.constant 640 : i32
    %mul3A_160 = arith.muli %arg1, %mul3A_159 : i32
    %add3A_161 = arith.constant 0 : i32
    %add3A_162 = arith.addi %mul3A_160, %add3A_161 : i32
    %run_scoped3A_163 = arith.constant 0 : i32
    "tpu.region"() ({
      %run_scoped3A_234 = tpu.sem_alloc : memref<!tpu.dma_semaphore, #tpu.memory_space<semaphore_mem>>
      %dma_start3A_235 = arith.constant 0 : i32
      %dma_start3A_236 = arith.constant 0 : i32
      %dma_start3A_237 = tpu.memref_slice %arg11[%run_scoped3A_163, %dma_start3A_235, %dma_start3A_236] : memref<8x128x32xbf16, #tpu.memory_space<vmem>> -> memref<1x128x32xbf16, #tpu.memory_space<vmem>>
      %dma_start3A_238 = tpu.memref_squeeze %dma_start3A_237 : memref<1x128x32xbf16, #tpu.memory_space<vmem>> -> memref<128x32xbf16, #tpu.memory_space<vmem>>
      %dma_start3A_239 = arith.constant 0 : i32
      %dma_start3A_240 = tpu.memref_slice %arg12[%add3A_162, %dma_start3A_239] : memref<10240x32xbf16, #tpu.memory_space<vmem_shared>> -> memref<128x32xbf16, #tpu.memory_space<vmem_shared>>
      %dma_start3A_241 = arith.constant 0 : i32
      %dma_start3A_242 = arith.constant 0 : i32
      %dma_start3A_243 = tpu.memref_slice %arg11[%run_scoped3A_163, %dma_start3A_241, %dma_start3A_242] : memref<8x128x32xbf16, #tpu.memory_space<vmem>> -> memref<1x128x32xbf16, #tpu.memory_space<vmem>>
      %dma_start3A_244 = tpu.memref_squeeze %dma_start3A_243 : memref<1x128x32xbf16, #tpu.memory_space<vmem>> -> memref<128x32xbf16, #tpu.memory_space<vmem>>
      %dma_start3A_245 = arith.constant 0 : i32
      %dma_start3A_246 = tpu.memref_slice %arg12[%add3A_162, %dma_start3A_245] : memref<10240x32xbf16, #tpu.memory_space<vmem_shared>> -> memref<128x32xbf16, #tpu.memory_space<vmem_shared>>
      tpu.enqueue_dma source(%dma_start3A_246 : memref<128x32xbf16, #tpu.memory_space<vmem_shared>>) target(%dma_start3A_244 : memref<128x32xbf16, #tpu.memory_space<vmem>>) target_semaphore(%run_scoped3A_234 : memref<!tpu.dma_semaphore, #tpu.memory_space<semaphore_mem>>)
      %dma_wait3A = arith.constant 0 : i32
      %dma_wait3A_247 = arith.constant 0 : i32
      %dma_wait3A_248 = tpu.memref_slice %arg11[%run_scoped3A_163, %dma_wait3A, %dma_wait3A_247] : memref<8x128x32xbf16, #tpu.memory_space<vmem>> -> memref<1x128x32xbf16, #tpu.memory_space<vmem>>
      %dma_wait3A_249 = tpu.memref_squeeze %dma_wait3A_248 : memref<1x128x32xbf16, #tpu.memory_space<vmem>> -> memref<128x32xbf16, #tpu.memory_space<vmem>>
      %dma_wait3A_250 = arith.constant 0 : i32
      %dma_wait3A_251 = tpu.memref_slice %arg12[%add3A_162, %dma_wait3A_250] : memref<10240x32xbf16, #tpu.memory_space<vmem_shared>> -> memref<128x32xbf16, #tpu.memory_space<vmem_shared>>
      %dma_wait3A_252 = arith.constant 0 : i32
      %dma_wait3A_253 = arith.constant 0 : i32
      %dma_wait3A_254 = tpu.memref_slice %arg11[%run_scoped3A_163, %dma_wait3A_252, %dma_wait3A_253] : memref<8x128x32xbf16, #tpu.memory_space<vmem>> -> memref<1x128x32xbf16, #tpu.memory_space<vmem>>
      %dma_wait3A_255 = tpu.memref_squeeze %dma_wait3A_254 : memref<1x128x32xbf16, #tpu.memory_space<vmem>> -> memref<128x32xbf16, #tpu.memory_space<vmem>>
      %dma_wait3A_256 = arith.constant 0 : i32
      %dma_wait3A_257 = tpu.memref_slice %arg12[%add3A_162, %dma_wait3A_256] : memref<10240x32xbf16, #tpu.memory_space<vmem_shared>> -> memref<128x32xbf16, #tpu.memory_space<vmem_shared>>
      tpu.wait_dma2 semaphore(%run_scoped3A_234 : memref<!tpu.dma_semaphore, #tpu.memory_space<semaphore_mem>>) src(%dma_wait3A_257 : memref<128x32xbf16, #tpu.memory_space<vmem_shared>>) dst(%dma_wait3A_255 : memref<128x32xbf16, #tpu.memory_space<vmem>>)
      tpu.yield
    }) : () -> ()
    %eq3A_164 = arith.constant 0 : i32
    %eq3A_165 = arith.cmpi eq, %arg0, %eq3A_164 : i32
    %convert_element_type3A_166 = arith.extui %eq3A_165 : i1 to i32
    %cond3A_167 = arith.constant 0 : i32
    %cond3A_168 = arith.cmpi ne, %convert_element_type3A_166, %cond3A_167 : i32
    scf.if %cond3A_168 {
      %mul3A_234 = arith.constant 640 : i32
      %mul3A_235 = arith.muli %arg1, %mul3A_234 : i32
      %add3A_236 = arith.constant 0 : i32
      %add3A_237 = arith.addi %mul3A_235, %add3A_236 : i32
      %run_scoped3A_238 = arith.constant 0 : i32
      "tpu.region"() ({
        %run_scoped3A_239 = tpu.sem_alloc : memref<!tpu.dma_semaphore, #tpu.memory_space<semaphore_mem>>
        %dma_start3A_240 = arith.constant 0 : i32
        %dma_start3A_241 = arith.constant 0 : i32
        %dma_start3A_242 = tpu.memref_slice %arg11[%run_scoped3A_238, %dma_start3A_240, %dma_start3A_241] : memref<8x128x32xbf16, #tpu.memory_space<vmem>> -> memref<1x128x32xbf16, #tpu.memory_space<vmem>>
        %dma_start3A_243 = tpu.memref_squeeze %dma_start3A_242 : memref<1x128x32xbf16, #tpu.memory_space<vmem>> -> memref<128x32xbf16, #tpu.memory_space<vmem>>
        %dma_start3A_244 = arith.constant 0 : i32
        %dma_start3A_245 = tpu.memref_slice %arg7[%add3A_237, %dma_start3A_244] : memref<10240x32xbf16, #tpu.memory_space<hbm>> -> memref<128x32xbf16, #tpu.memory_space<hbm>>
        %dma_start3A_246 = arith.constant 0 : i32
        %dma_start3A_247 = tpu.memref_slice %arg7[%add3A_237, %dma_start3A_246] : memref<10240x32xbf16, #tpu.memory_space<hbm>> -> memref<128x32xbf16, #tpu.memory_space<hbm>>
        %dma_start3A_248 = arith.constant 0 : i32
        %dma_start3A_249 = arith.constant 0 : i32
        %dma_start3A_250 = tpu.memref_slice %arg11[%run_scoped3A_238, %dma_start3A_248, %dma_start3A_249] : memref<8x128x32xbf16, #tpu.memory_space<vmem>> -> memref<1x128x32xbf16, #tpu.memory_space<vmem>>
        %dma_start3A_251 = tpu.memref_squeeze %dma_start3A_250 : memref<1x128x32xbf16, #tpu.memory_space<vmem>> -> memref<128x32xbf16, #tpu.memory_space<vmem>>
        tpu.enqueue_dma source(%dma_start3A_251 : memref<128x32xbf16, #tpu.memory_space<vmem>>) target(%dma_start3A_247 : memref<128x32xbf16, #tpu.memory_space<hbm>>) target_semaphore(%run_scoped3A_239 : memref<!tpu.dma_semaphore, #tpu.memory_space<semaphore_mem>>)
        %dma_wait3A = arith.constant 0 : i32
        %dma_wait3A_252 = arith.constant 0 : i32
        %dma_wait3A_253 = tpu.memref_slice %arg11[%run_scoped3A_238, %dma_wait3A, %dma_wait3A_252] : memref<8x128x32xbf16, #tpu.memory_space<vmem>> -> memref<1x128x32xbf16, #tpu.memory_space<vmem>>
        %dma_wait3A_254 = tpu.memref_squeeze %dma_wait3A_253 : memref<1x128x32xbf16, #tpu.memory_space<vmem>> -> memref<128x32xbf16, #tpu.memory_space<vmem>>
        %dma_wait3A_255 = arith.constant 0 : i32
        %dma_wait3A_256 = tpu.memref_slice %arg7[%add3A_237, %dma_wait3A_255] : memref<10240x32xbf16, #tpu.memory_space<hbm>> -> memref<128x32xbf16, #tpu.memory_space<hbm>>
        %dma_wait3A_257 = arith.constant 0 : i32
        %dma_wait3A_258 = tpu.memref_slice %arg7[%add3A_237, %dma_wait3A_257] : memref<10240x32xbf16, #tpu.memory_space<hbm>> -> memref<128x32xbf16, #tpu.memory_space<hbm>>
        %dma_wait3A_259 = arith.constant 0 : i32
        %dma_wait3A_260 = arith.constant 0 : i32
        %dma_wait3A_261 = tpu.memref_slice %arg11[%run_scoped3A_238, %dma_wait3A_259, %dma_wait3A_260] : memref<8x128x32xbf16, #tpu.memory_space<vmem>> -> memref<1x128x32xbf16, #tpu.memory_space<vmem>>
        %dma_wait3A_262 = tpu.memref_squeeze %dma_wait3A_261 : memref<1x128x32xbf16, #tpu.memory_space<vmem>> -> memref<128x32xbf16, #tpu.memory_space<vmem>>
        tpu.wait_dma2 semaphore(%run_scoped3A_239 : memref<!tpu.dma_semaphore, #tpu.memory_space<semaphore_mem>>) src(%dma_wait3A_262 : memref<128x32xbf16, #tpu.memory_space<vmem>>) dst(%dma_wait3A_258 : memref<128x32xbf16, #tpu.memory_space<hbm>>)
        tpu.yield
      }) : () -> ()
    } else {
    }
    %eq3A_169 = arith.constant 1 : i32
    %eq3A_170 = arith.cmpi eq, %arg0, %eq3A_169 : i32
    %convert_element_type3A_171 = arith.extui %eq3A_170 : i1 to i32
    %cond3A_172 = arith.constant 0 : i32
    %cond3A_173 = arith.cmpi ne, %convert_element_type3A_171, %cond3A_172 : i32
    scf.if %cond3A_173 {
      %mul3A_234 = arith.constant 640 : i32
      %mul3A_235 = arith.muli %arg1, %mul3A_234 : i32
      %add3A_236 = arith.constant 0 : i32
      %add3A_237 = arith.addi %mul3A_235, %add3A_236 : i32
      %run_scoped3A_238 = arith.constant 0 : i32
      "tpu.region"() ({
        %run_scoped3A_239 = tpu.sem_alloc : memref<!tpu.dma_semaphore, #tpu.memory_space<semaphore_mem>>
        %dma_start3A_240 = arith.constant 0 : i32
        %dma_start3A_241 = arith.constant 0 : i32
        %dma_start3A_242 = tpu.memref_slice %arg11[%run_scoped3A_238, %dma_start3A_240, %dma_start3A_241] : memref<8x128x32xbf16, #tpu.memory_space<vmem>> -> memref<1x128x32xbf16, #tpu.memory_space<vmem>>
        %dma_start3A_243 = tpu.memref_squeeze %dma_start3A_242 : memref<1x128x32xbf16, #tpu.memory_space<vmem>> -> memref<128x32xbf16, #tpu.memory_space<vmem>>
        %dma_start3A_244 = arith.constant 0 : i32
        %dma_start3A_245 = tpu.memref_slice %arg8[%add3A_237, %dma_start3A_244] : memref<10240x32xbf16, #tpu.memory_space<hbm>> -> memref<128x32xbf16, #tpu.memory_space<hbm>>
        %dma_start3A_246 = arith.constant 0 : i32
        %dma_start3A_247 = tpu.memref_slice %arg8[%add3A_237, %dma_start3A_246] : memref<10240x32xbf16, #tpu.memory_space<hbm>> -> memref<128x32xbf16, #tpu.memory_space<hbm>>
        %dma_start3A_248 = arith.constant 0 : i32
        %dma_start3A_249 = arith.constant 0 : i32
        %dma_start3A_250 = tpu.memref_slice %arg11[%run_scoped3A_238, %dma_start3A_248, %dma_start3A_249] : memref<8x128x32xbf16, #tpu.memory_space<vmem>> -> memref<1x128x32xbf16, #tpu.memory_space<vmem>>
        %dma_start3A_251 = tpu.memref_squeeze %dma_start3A_250 : memref<1x128x32xbf16, #tpu.memory_space<vmem>> -> memref<128x32xbf16, #tpu.memory_space<vmem>>
        tpu.enqueue_dma source(%dma_start3A_251 : memref<128x32xbf16, #tpu.memory_space<vmem>>) target(%dma_start3A_247 : memref<128x32xbf16, #tpu.memory_space<hbm>>) target_semaphore(%run_scoped3A_239 : memref<!tpu.dma_semaphore, #tpu.memory_space<semaphore_mem>>)
        %dma_wait3A = arith.constant 0 : i32
        %dma_wait3A_252 = arith.constant 0 : i32
        %dma_wait3A_253 = tpu.memref_slice %arg11[%run_scoped3A_238, %dma_wait3A, %dma_wait3A_252] : memref<8x128x32xbf16, #tpu.memory_space<vmem>> -> memref<1x128x32xbf16, #tpu.memory_space<vmem>>
        %dma_wait3A_254 = tpu.memref_squeeze %dma_wait3A_253 : memref<1x128x32xbf16, #tpu.memory_space<vmem>> -> memref<128x32xbf16, #tpu.memory_space<vmem>>
        %dma_wait3A_255 = arith.constant 0 : i32
        %dma_wait3A_256 = tpu.memref_slice %arg8[%add3A_237, %dma_wait3A_255] : memref<10240x32xbf16, #tpu.memory_space<hbm>> -> memref<128x32xbf16, #tpu.memory_space<hbm>>
        %dma_wait3A_257 = arith.constant 0 : i32
        %dma_wait3A_258 = tpu.memref_slice %arg8[%add3A_237, %dma_wait3A_257] : memref<10240x32xbf16, #tpu.memory_space<hbm>> -> memref<128x32xbf16, #tpu.memory_space<hbm>>
        %dma_wait3A_259 = arith.constant 0 : i32
        %dma_wait3A_260 = arith.constant 0 : i32
        %dma_wait3A_261 = tpu.memref_slice %arg11[%run_scoped3A_238, %dma_wait3A_259, %dma_wait3A_260] : memref<8x128x32xbf16, #tpu.memory_space<vmem>> -> memref<1x128x32xbf16, #tpu.memory_space<vmem>>
        %dma_wait3A_262 = tpu.memref_squeeze %dma_wait3A_261 : memref<1x128x32xbf16, #tpu.memory_space<vmem>> -> memref<128x32xbf16, #tpu.memory_space<vmem>>
        tpu.wait_dma2 semaphore(%run_scoped3A_239 : memref<!tpu.dma_semaphore, #tpu.memory_space<semaphore_mem>>) src(%dma_wait3A_262 : memref<128x32xbf16, #tpu.memory_space<vmem>>) dst(%dma_wait3A_258 : memref<128x32xbf16, #tpu.memory_space<hbm>>)
        tpu.yield
      }) : () -> ()
    } else {
    }
    %mul3A_174 = arith.constant 640 : i32
    %mul3A_175 = arith.muli %arg1, %mul3A_174 : i32
    %add3A_176 = arith.constant 128 : i32
    %add3A_177 = arith.addi %mul3A_175, %add3A_176 : i32
    %run_scoped3A_178 = arith.constant 0 : i32
    "tpu.region"() ({
      %run_scoped3A_234 = tpu.sem_alloc : memref<!tpu.dma_semaphore, #tpu.memory_space<semaphore_mem>>
      %dma_start3A_235 = arith.constant 0 : i32
      %dma_start3A_236 = arith.constant 0 : i32
      %dma_start3A_237 = tpu.memref_slice %arg11[%run_scoped3A_178, %dma_start3A_235, %dma_start3A_236] : memref<8x128x32xbf16, #tpu.memory_space<vmem>> -> memref<1x128x32xbf16, #tpu.memory_space<vmem>>
      %dma_start3A_238 = tpu.memref_squeeze %dma_start3A_237 : memref<1x128x32xbf16, #tpu.memory_space<vmem>> -> memref<128x32xbf16, #tpu.memory_space<vmem>>
      %dma_start3A_239 = arith.constant 0 : i32
      %dma_start3A_240 = tpu.memref_slice %arg12[%add3A_177, %dma_start3A_239] : memref<10240x32xbf16, #tpu.memory_space<vmem_shared>> -> memref<128x32xbf16, #tpu.memory_space<vmem_shared>>
      %dma_start3A_241 = arith.constant 0 : i32
      %dma_start3A_242 = arith.constant 0 : i32
      %dma_start3A_243 = tpu.memref_slice %arg11[%run_scoped3A_178, %dma_start3A_241, %dma_start3A_242] : memref<8x128x32xbf16, #tpu.memory_space<vmem>> -> memref<1x128x32xbf16, #tpu.memory_space<vmem>>
      %dma_start3A_244 = tpu.memref_squeeze %dma_start3A_243 : memref<1x128x32xbf16, #tpu.memory_space<vmem>> -> memref<128x32xbf16, #tpu.memory_space<vmem>>
      %dma_start3A_245 = arith.constant 0 : i32
      %dma_start3A_246 = tpu.memref_slice %arg12[%add3A_177, %dma_start3A_245] : memref<10240x32xbf16, #tpu.memory_space<vmem_shared>> -> memref<128x32xbf16, #tpu.memory_space<vmem_shared>>
      tpu.enqueue_dma source(%dma_start3A_246 : memref<128x32xbf16, #tpu.memory_space<vmem_shared>>) target(%dma_start3A_244 : memref<128x32xbf16, #tpu.memory_space<vmem>>) target_semaphore(%run_scoped3A_234 : memref<!tpu.dma_semaphore, #tpu.memory_space<semaphore_mem>>)
      %dma_wait3A = arith.constant 0 : i32
      %dma_wait3A_247 = arith.constant 0 : i32
      %dma_wait3A_248 = tpu.memref_slice %arg11[%run_scoped3A_178, %dma_wait3A, %dma_wait3A_247] : memref<8x128x32xbf16, #tpu.memory_space<vmem>> -> memref<1x128x32xbf16, #tpu.memory_space<vmem>>
      %dma_wait3A_249 = tpu.memref_squeeze %dma_wait3A_248 : memref<1x128x32xbf16, #tpu.memory_space<vmem>> -> memref<128x32xbf16, #tpu.memory_space<vmem>>
      %dma_wait3A_250 = arith.constant 0 : i32
      %dma_wait3A_251 = tpu.memref_slice %arg12[%add3A_177, %dma_wait3A_250] : memref<10240x32xbf16, #tpu.memory_space<vmem_shared>> -> memref<128x32xbf16, #tpu.memory_space<vmem_shared>>
      %dma_wait3A_252 = arith.constant 0 : i32
      %dma_wait3A_253 = arith.constant 0 : i32
      %dma_wait3A_254 = tpu.memref_slice %arg11[%run_scoped3A_178, %dma_wait3A_252, %dma_wait3A_253] : memref<8x128x32xbf16, #tpu.memory_space<vmem>> -> memref<1x128x32xbf16, #tpu.memory_space<vmem>>
      %dma_wait3A_255 = tpu.memref_squeeze %dma_wait3A_254 : memref<1x128x32xbf16, #tpu.memory_space<vmem>> -> memref<128x32xbf16, #tpu.memory_space<vmem>>
      %dma_wait3A_256 = arith.constant 0 : i32
      %dma_wait3A_257 = tpu.memref_slice %arg12[%add3A_177, %dma_wait3A_256] : memref<10240x32xbf16, #tpu.memory_space<vmem_shared>> -> memref<128x32xbf16, #tpu.memory_space<vmem_shared>>
      tpu.wait_dma2 semaphore(%run_scoped3A_234 : memref<!tpu.dma_semaphore, #tpu.memory_space<semaphore_mem>>) src(%dma_wait3A_257 : memref<128x32xbf16, #tpu.memory_space<vmem_shared>>) dst(%dma_wait3A_255 : memref<128x32xbf16, #tpu.memory_space<vmem>>)
      tpu.yield
    }) : () -> ()
    %eq3A_179 = arith.constant 0 : i32
    %eq3A_180 = arith.cmpi eq, %arg0, %eq3A_179 : i32
    %convert_element_type3A_181 = arith.extui %eq3A_180 : i1 to i32
    %cond3A_182 = arith.constant 0 : i32
    %cond3A_183 = arith.cmpi ne, %convert_element_type3A_181, %cond3A_182 : i32
    scf.if %cond3A_183 {
      %mul3A_234 = arith.constant 640 : i32
      %mul3A_235 = arith.muli %arg1, %mul3A_234 : i32
      %add3A_236 = arith.constant 128 : i32
      %add3A_237 = arith.addi %mul3A_235, %add3A_236 : i32
      %run_scoped3A_238 = arith.constant 0 : i32
      "tpu.region"() ({
        %run_scoped3A_239 = tpu.sem_alloc : memref<!tpu.dma_semaphore, #tpu.memory_space<semaphore_mem>>
        %dma_start3A_240 = arith.constant 0 : i32
        %dma_start3A_241 = arith.constant 0 : i32
        %dma_start3A_242 = tpu.memref_slice %arg11[%run_scoped3A_238, %dma_start3A_240, %dma_start3A_241] : memref<8x128x32xbf16, #tpu.memory_space<vmem>> -> memref<1x128x32xbf16, #tpu.memory_space<vmem>>
        %dma_start3A_243 = tpu.memref_squeeze %dma_start3A_242 : memref<1x128x32xbf16, #tpu.memory_space<vmem>> -> memref<128x32xbf16, #tpu.memory_space<vmem>>
        %dma_start3A_244 = arith.constant 0 : i32
        %dma_start3A_245 = tpu.memref_slice %arg7[%add3A_237, %dma_start3A_244] : memref<10240x32xbf16, #tpu.memory_space<hbm>> -> memref<128x32xbf16, #tpu.memory_space<hbm>>
        %dma_start3A_246 = arith.constant 0 : i32
        %dma_start3A_247 = tpu.memref_slice %arg7[%add3A_237, %dma_start3A_246] : memref<10240x32xbf16, #tpu.memory_space<hbm>> -> memref<128x32xbf16, #tpu.memory_space<hbm>>
        %dma_start3A_248 = arith.constant 0 : i32
        %dma_start3A_249 = arith.constant 0 : i32
        %dma_start3A_250 = tpu.memref_slice %arg11[%run_scoped3A_238, %dma_start3A_248, %dma_start3A_249] : memref<8x128x32xbf16, #tpu.memory_space<vmem>> -> memref<1x128x32xbf16, #tpu.memory_space<vmem>>
        %dma_start3A_251 = tpu.memref_squeeze %dma_start3A_250 : memref<1x128x32xbf16, #tpu.memory_space<vmem>> -> memref<128x32xbf16, #tpu.memory_space<vmem>>
        tpu.enqueue_dma source(%dma_start3A_251 : memref<128x32xbf16, #tpu.memory_space<vmem>>) target(%dma_start3A_247 : memref<128x32xbf16, #tpu.memory_space<hbm>>) target_semaphore(%run_scoped3A_239 : memref<!tpu.dma_semaphore, #tpu.memory_space<semaphore_mem>>)
        %dma_wait3A = arith.constant 0 : i32
        %dma_wait3A_252 = arith.constant 0 : i32
        %dma_wait3A_253 = tpu.memref_slice %arg11[%run_scoped3A_238, %dma_wait3A, %dma_wait3A_252] : memref<8x128x32xbf16, #tpu.memory_space<vmem>> -> memref<1x128x32xbf16, #tpu.memory_space<vmem>>
        %dma_wait3A_254 = tpu.memref_squeeze %dma_wait3A_253 : memref<1x128x32xbf16, #tpu.memory_space<vmem>> -> memref<128x32xbf16, #tpu.memory_space<vmem>>
        %dma_wait3A_255 = arith.constant 0 : i32
        %dma_wait3A_256 = tpu.memref_slice %arg7[%add3A_237, %dma_wait3A_255] : memref<10240x32xbf16, #tpu.memory_space<hbm>> -> memref<128x32xbf16, #tpu.memory_space<hbm>>
        %dma_wait3A_257 = arith.constant 0 : i32
        %dma_wait3A_258 = tpu.memref_slice %arg7[%add3A_237, %dma_wait3A_257] : memref<10240x32xbf16, #tpu.memory_space<hbm>> -> memref<128x32xbf16, #tpu.memory_space<hbm>>
        %dma_wait3A_259 = arith.constant 0 : i32
        %dma_wait3A_260 = arith.constant 0 : i32
        %dma_wait3A_261 = tpu.memref_slice %arg11[%run_scoped3A_238, %dma_wait3A_259, %dma_wait3A_260] : memref<8x128x32xbf16, #tpu.memory_space<vmem>> -> memref<1x128x32xbf16, #tpu.memory_space<vmem>>
        %dma_wait3A_262 = tpu.memref_squeeze %dma_wait3A_261 : memref<1x128x32xbf16, #tpu.memory_space<vmem>> -> memref<128x32xbf16, #tpu.memory_space<vmem>>
        tpu.wait_dma2 semaphore(%run_scoped3A_239 : memref<!tpu.dma_semaphore, #tpu.memory_space<semaphore_mem>>) src(%dma_wait3A_262 : memref<128x32xbf16, #tpu.memory_space<vmem>>) dst(%dma_wait3A_258 : memref<128x32xbf16, #tpu.memory_space<hbm>>)
        tpu.yield
      }) : () -> ()
    } else {
    }
    %eq3A_184 = arith.constant 1 : i32
    %eq3A_185 = arith.cmpi eq, %arg0, %eq3A_184 : i32
    %convert_element_type3A_186 = arith.extui %eq3A_185 : i1 to i32
    %cond3A_187 = arith.constant 0 : i32
    %cond3A_188 = arith.cmpi ne, %convert_element_type3A_186, %cond3A_187 : i32
    scf.if %cond3A_188 {
      %mul3A_234 = arith.constant 640 : i32
      %mul3A_235 = arith.muli %arg1, %mul3A_234 : i32
      %add3A_236 = arith.constant 128 : i32
      %add3A_237 = arith.addi %mul3A_235, %add3A_236 : i32
      %run_scoped3A_238 = arith.constant 0 : i32
      "tpu.region"() ({
        %run_scoped3A_239 = tpu.sem_alloc : memref<!tpu.dma_semaphore, #tpu.memory_space<semaphore_mem>>
        %dma_start3A_240 = arith.constant 0 : i32
        %dma_start3A_241 = arith.constant 0 : i32
        %dma_start3A_242 = tpu.memref_slice %arg11[%run_scoped3A_238, %dma_start3A_240, %dma_start3A_241] : memref<8x128x32xbf16, #tpu.memory_space<vmem>> -> memref<1x128x32xbf16, #tpu.memory_space<vmem>>
        %dma_start3A_243 = tpu.memref_squeeze %dma_start3A_242 : memref<1x128x32xbf16, #tpu.memory_space<vmem>> -> memref<128x32xbf16, #tpu.memory_space<vmem>>
        %dma_start3A_244 = arith.constant 0 : i32
        %dma_start3A_245 = tpu.memref_slice %arg8[%add3A_237, %dma_start3A_244] : memref<10240x32xbf16, #tpu.memory_space<hbm>> -> memref<128x32xbf16, #tpu.memory_space<hbm>>
        %dma_start3A_246 = arith.constant 0 : i32
        %dma_start3A_247 = tpu.memref_slice %arg8[%add3A_237, %dma_start3A_246] : memref<10240x32xbf16, #tpu.memory_space<hbm>> -> memref<128x32xbf16, #tpu.memory_space<hbm>>
        %dma_start3A_248 = arith.constant 0 : i32
        %dma_start3A_249 = arith.constant 0 : i32
        %dma_start3A_250 = tpu.memref_slice %arg11[%run_scoped3A_238, %dma_start3A_248, %dma_start3A_249] : memref<8x128x32xbf16, #tpu.memory_space<vmem>> -> memref<1x128x32xbf16, #tpu.memory_space<vmem>>
        %dma_start3A_251 = tpu.memref_squeeze %dma_start3A_250 : memref<1x128x32xbf16, #tpu.memory_space<vmem>> -> memref<128x32xbf16, #tpu.memory_space<vmem>>
        tpu.enqueue_dma source(%dma_start3A_251 : memref<128x32xbf16, #tpu.memory_space<vmem>>) target(%dma_start3A_247 : memref<128x32xbf16, #tpu.memory_space<hbm>>) target_semaphore(%run_scoped3A_239 : memref<!tpu.dma_semaphore, #tpu.memory_space<semaphore_mem>>)
        %dma_wait3A = arith.constant 0 : i32
        %dma_wait3A_252 = arith.constant 0 : i32
        %dma_wait3A_253 = tpu.memref_slice %arg11[%run_scoped3A_238, %dma_wait3A, %dma_wait3A_252] : memref<8x128x32xbf16, #tpu.memory_space<vmem>> -> memref<1x128x32xbf16, #tpu.memory_space<vmem>>
        %dma_wait3A_254 = tpu.memref_squeeze %dma_wait3A_253 : memref<1x128x32xbf16, #tpu.memory_space<vmem>> -> memref<128x32xbf16, #tpu.memory_space<vmem>>
        %dma_wait3A_255 = arith.constant 0 : i32
        %dma_wait3A_256 = tpu.memref_slice %arg8[%add3A_237, %dma_wait3A_255] : memref<10240x32xbf16, #tpu.memory_space<hbm>> -> memref<128x32xbf16, #tpu.memory_space<hbm>>
        %dma_wait3A_257 = arith.constant 0 : i32
        %dma_wait3A_258 = tpu.memref_slice %arg8[%add3A_237, %dma_wait3A_257] : memref<10240x32xbf16, #tpu.memory_space<hbm>> -> memref<128x32xbf16, #tpu.memory_space<hbm>>
        %dma_wait3A_259 = arith.constant 0 : i32
        %dma_wait3A_260 = arith.constant 0 : i32
        %dma_wait3A_261 = tpu.memref_slice %arg11[%run_scoped3A_238, %dma_wait3A_259, %dma_wait3A_260] : memref<8x128x32xbf16, #tpu.memory_space<vmem>> -> memref<1x128x32xbf16, #tpu.memory_space<vmem>>
        %dma_wait3A_262 = tpu.memref_squeeze %dma_wait3A_261 : memref<1x128x32xbf16, #tpu.memory_space<vmem>> -> memref<128x32xbf16, #tpu.memory_space<vmem>>
        tpu.wait_dma2 semaphore(%run_scoped3A_239 : memref<!tpu.dma_semaphore, #tpu.memory_space<semaphore_mem>>) src(%dma_wait3A_262 : memref<128x32xbf16, #tpu.memory_space<vmem>>) dst(%dma_wait3A_258 : memref<128x32xbf16, #tpu.memory_space<hbm>>)
        tpu.yield
      }) : () -> ()
    } else {
    }
    %mul3A_189 = arith.constant 640 : i32
    %mul3A_190 = arith.muli %arg1, %mul3A_189 : i32
    %add3A_191 = arith.constant 256 : i32
    %add3A_192 = arith.addi %mul3A_190, %add3A_191 : i32
    %run_scoped3A_193 = arith.constant 0 : i32
    "tpu.region"() ({
      %run_scoped3A_234 = tpu.sem_alloc : memref<!tpu.dma_semaphore, #tpu.memory_space<semaphore_mem>>
      %dma_start3A_235 = arith.constant 0 : i32
      %dma_start3A_236 = arith.constant 0 : i32
      %dma_start3A_237 = tpu.memref_slice %arg11[%run_scoped3A_193, %dma_start3A_235, %dma_start3A_236] : memref<8x128x32xbf16, #tpu.memory_space<vmem>> -> memref<1x128x32xbf16, #tpu.memory_space<vmem>>
      %dma_start3A_238 = tpu.memref_squeeze %dma_start3A_237 : memref<1x128x32xbf16, #tpu.memory_space<vmem>> -> memref<128x32xbf16, #tpu.memory_space<vmem>>
      %dma_start3A_239 = arith.constant 0 : i32
      %dma_start3A_240 = tpu.memref_slice %arg12[%add3A_192, %dma_start3A_239] : memref<10240x32xbf16, #tpu.memory_space<vmem_shared>> -> memref<128x32xbf16, #tpu.memory_space<vmem_shared>>
      %dma_start3A_241 = arith.constant 0 : i32
      %dma_start3A_242 = arith.constant 0 : i32
      %dma_start3A_243 = tpu.memref_slice %arg11[%run_scoped3A_193, %dma_start3A_241, %dma_start3A_242] : memref<8x128x32xbf16, #tpu.memory_space<vmem>> -> memref<1x128x32xbf16, #tpu.memory_space<vmem>>
      %dma_start3A_244 = tpu.memref_squeeze %dma_start3A_243 : memref<1x128x32xbf16, #tpu.memory_space<vmem>> -> memref<128x32xbf16, #tpu.memory_space<vmem>>
      %dma_start3A_245 = arith.constant 0 : i32
      %dma_start3A_246 = tpu.memref_slice %arg12[%add3A_192, %dma_start3A_245] : memref<10240x32xbf16, #tpu.memory_space<vmem_shared>> -> memref<128x32xbf16, #tpu.memory_space<vmem_shared>>
      tpu.enqueue_dma source(%dma_start3A_246 : memref<128x32xbf16, #tpu.memory_space<vmem_shared>>) target(%dma_start3A_244 : memref<128x32xbf16, #tpu.memory_space<vmem>>) target_semaphore(%run_scoped3A_234 : memref<!tpu.dma_semaphore, #tpu.memory_space<semaphore_mem>>)
      %dma_wait3A = arith.constant 0 : i32
      %dma_wait3A_247 = arith.constant 0 : i32
      %dma_wait3A_248 = tpu.memref_slice %arg11[%run_scoped3A_193, %dma_wait3A, %dma_wait3A_247] : memref<8x128x32xbf16, #tpu.memory_space<vmem>> -> memref<1x128x32xbf16, #tpu.memory_space<vmem>>
      %dma_wait3A_249 = tpu.memref_squeeze %dma_wait3A_248 : memref<1x128x32xbf16, #tpu.memory_space<vmem>> -> memref<128x32xbf16, #tpu.memory_space<vmem>>
      %dma_wait3A_250 = arith.constant 0 : i32
      %dma_wait3A_251 = tpu.memref_slice %arg12[%add3A_192, %dma_wait3A_250] : memref<10240x32xbf16, #tpu.memory_space<vmem_shared>> -> memref<128x32xbf16, #tpu.memory_space<vmem_shared>>
      %dma_wait3A_252 = arith.constant 0 : i32
      %dma_wait3A_253 = arith.constant 0 : i32
      %dma_wait3A_254 = tpu.memref_slice %arg11[%run_scoped3A_193, %dma_wait3A_252, %dma_wait3A_253] : memref<8x128x32xbf16, #tpu.memory_space<vmem>> -> memref<1x128x32xbf16, #tpu.memory_space<vmem>>
      %dma_wait3A_255 = tpu.memref_squeeze %dma_wait3A_254 : memref<1x128x32xbf16, #tpu.memory_space<vmem>> -> memref<128x32xbf16, #tpu.memory_space<vmem>>
      %dma_wait3A_256 = arith.constant 0 : i32
      %dma_wait3A_257 = tpu.memref_slice %arg12[%add3A_192, %dma_wait3A_256] : memref<10240x32xbf16, #tpu.memory_space<vmem_shared>> -> memref<128x32xbf16, #tpu.memory_space<vmem_shared>>
      tpu.wait_dma2 semaphore(%run_scoped3A_234 : memref<!tpu.dma_semaphore, #tpu.memory_space<semaphore_mem>>) src(%dma_wait3A_257 : memref<128x32xbf16, #tpu.memory_space<vmem_shared>>) dst(%dma_wait3A_255 : memref<128x32xbf16, #tpu.memory_space<vmem>>)
      tpu.yield
    }) : () -> ()
    %eq3A_194 = arith.constant 0 : i32
    %eq3A_195 = arith.cmpi eq, %arg0, %eq3A_194 : i32
    %convert_element_type3A_196 = arith.extui %eq3A_195 : i1 to i32
    %cond3A_197 = arith.constant 0 : i32
    %cond3A_198 = arith.cmpi ne, %convert_element_type3A_196, %cond3A_197 : i32
    scf.if %cond3A_198 {
      %mul3A_234 = arith.constant 640 : i32
      %mul3A_235 = arith.muli %arg1, %mul3A_234 : i32
      %add3A_236 = arith.constant 256 : i32
      %add3A_237 = arith.addi %mul3A_235, %add3A_236 : i32
      %run_scoped3A_238 = arith.constant 0 : i32
      "tpu.region"() ({
        %run_scoped3A_239 = tpu.sem_alloc : memref<!tpu.dma_semaphore, #tpu.memory_space<semaphore_mem>>
        %dma_start3A_240 = arith.constant 0 : i32
        %dma_start3A_241 = arith.constant 0 : i32
        %dma_start3A_242 = tpu.memref_slice %arg11[%run_scoped3A_238, %dma_start3A_240, %dma_start3A_241] : memref<8x128x32xbf16, #tpu.memory_space<vmem>> -> memref<1x128x32xbf16, #tpu.memory_space<vmem>>
        %dma_start3A_243 = tpu.memref_squeeze %dma_start3A_242 : memref<1x128x32xbf16, #tpu.memory_space<vmem>> -> memref<128x32xbf16, #tpu.memory_space<vmem>>
        %dma_start3A_244 = arith.constant 0 : i32
        %dma_start3A_245 = tpu.memref_slice %arg7[%add3A_237, %dma_start3A_244] : memref<10240x32xbf16, #tpu.memory_space<hbm>> -> memref<128x32xbf16, #tpu.memory_space<hbm>>
        %dma_start3A_246 = arith.constant 0 : i32
        %dma_start3A_247 = tpu.memref_slice %arg7[%add3A_237, %dma_start3A_246] : memref<10240x32xbf16, #tpu.memory_space<hbm>> -> memref<128x32xbf16, #tpu.memory_space<hbm>>
        %dma_start3A_248 = arith.constant 0 : i32
        %dma_start3A_249 = arith.constant 0 : i32
        %dma_start3A_250 = tpu.memref_slice %arg11[%run_scoped3A_238, %dma_start3A_248, %dma_start3A_249] : memref<8x128x32xbf16, #tpu.memory_space<vmem>> -> memref<1x128x32xbf16, #tpu.memory_space<vmem>>
        %dma_start3A_251 = tpu.memref_squeeze %dma_start3A_250 : memref<1x128x32xbf16, #tpu.memory_space<vmem>> -> memref<128x32xbf16, #tpu.memory_space<vmem>>
        tpu.enqueue_dma source(%dma_start3A_251 : memref<128x32xbf16, #tpu.memory_space<vmem>>) target(%dma_start3A_247 : memref<128x32xbf16, #tpu.memory_space<hbm>>) target_semaphore(%run_scoped3A_239 : memref<!tpu.dma_semaphore, #tpu.memory_space<semaphore_mem>>)
        %dma_wait3A = arith.constant 0 : i32
        %dma_wait3A_252 = arith.constant 0 : i32
        %dma_wait3A_253 = tpu.memref_slice %arg11[%run_scoped3A_238, %dma_wait3A, %dma_wait3A_252] : memref<8x128x32xbf16, #tpu.memory_space<vmem>> -> memref<1x128x32xbf16, #tpu.memory_space<vmem>>
        %dma_wait3A_254 = tpu.memref_squeeze %dma_wait3A_253 : memref<1x128x32xbf16, #tpu.memory_space<vmem>> -> memref<128x32xbf16, #tpu.memory_space<vmem>>
        %dma_wait3A_255 = arith.constant 0 : i32
        %dma_wait3A_256 = tpu.memref_slice %arg7[%add3A_237, %dma_wait3A_255] : memref<10240x32xbf16, #tpu.memory_space<hbm>> -> memref<128x32xbf16, #tpu.memory_space<hbm>>
        %dma_wait3A_257 = arith.constant 0 : i32
        %dma_wait3A_258 = tpu.memref_slice %arg7[%add3A_237, %dma_wait3A_257] : memref<10240x32xbf16, #tpu.memory_space<hbm>> -> memref<128x32xbf16, #tpu.memory_space<hbm>>
        %dma_wait3A_259 = arith.constant 0 : i32
        %dma_wait3A_260 = arith.constant 0 : i32
        %dma_wait3A_261 = tpu.memref_slice %arg11[%run_scoped3A_238, %dma_wait3A_259, %dma_wait3A_260] : memref<8x128x32xbf16, #tpu.memory_space<vmem>> -> memref<1x128x32xbf16, #tpu.memory_space<vmem>>
        %dma_wait3A_262 = tpu.memref_squeeze %dma_wait3A_261 : memref<1x128x32xbf16, #tpu.memory_space<vmem>> -> memref<128x32xbf16, #tpu.memory_space<vmem>>
        tpu.wait_dma2 semaphore(%run_scoped3A_239 : memref<!tpu.dma_semaphore, #tpu.memory_space<semaphore_mem>>) src(%dma_wait3A_262 : memref<128x32xbf16, #tpu.memory_space<vmem>>) dst(%dma_wait3A_258 : memref<128x32xbf16, #tpu.memory_space<hbm>>)
        tpu.yield
      }) : () -> ()
    } else {
    }
    %eq3A_199 = arith.constant 1 : i32
    %eq3A_200 = arith.cmpi eq, %arg0, %eq3A_199 : i32
    %convert_element_type3A_201 = arith.extui %eq3A_200 : i1 to i32
    %cond3A_202 = arith.constant 0 : i32
    %cond3A_203 = arith.cmpi ne, %convert_element_type3A_201, %cond3A_202 : i32
    scf.if %cond3A_203 {
      %mul3A_234 = arith.constant 640 : i32
      %mul3A_235 = arith.muli %arg1, %mul3A_234 : i32
      %add3A_236 = arith.constant 256 : i32
      %add3A_237 = arith.addi %mul3A_235, %add3A_236 : i32
      %run_scoped3A_238 = arith.constant 0 : i32
      "tpu.region"() ({
        %run_scoped3A_239 = tpu.sem_alloc : memref<!tpu.dma_semaphore, #tpu.memory_space<semaphore_mem>>
        %dma_start3A_240 = arith.constant 0 : i32
        %dma_start3A_241 = arith.constant 0 : i32
        %dma_start3A_242 = tpu.memref_slice %arg11[%run_scoped3A_238, %dma_start3A_240, %dma_start3A_241] : memref<8x128x32xbf16, #tpu.memory_space<vmem>> -> memref<1x128x32xbf16, #tpu.memory_space<vmem>>
        %dma_start3A_243 = tpu.memref_squeeze %dma_start3A_242 : memref<1x128x32xbf16, #tpu.memory_space<vmem>> -> memref<128x32xbf16, #tpu.memory_space<vmem>>
        %dma_start3A_244 = arith.constant 0 : i32
        %dma_start3A_245 = tpu.memref_slice %arg8[%add3A_237, %dma_start3A_244] : memref<10240x32xbf16, #tpu.memory_space<hbm>> -> memref<128x32xbf16, #tpu.memory_space<hbm>>
        %dma_start3A_246 = arith.constant 0 : i32
        %dma_start3A_247 = tpu.memref_slice %arg8[%add3A_237, %dma_start3A_246] : memref<10240x32xbf16, #tpu.memory_space<hbm>> -> memref<128x32xbf16, #tpu.memory_space<hbm>>
        %dma_start3A_248 = arith.constant 0 : i32
        %dma_start3A_249 = arith.constant 0 : i32
        %dma_start3A_250 = tpu.memref_slice %arg11[%run_scoped3A_238, %dma_start3A_248, %dma_start3A_249] : memref<8x128x32xbf16, #tpu.memory_space<vmem>> -> memref<1x128x32xbf16, #tpu.memory_space<vmem>>
        %dma_start3A_251 = tpu.memref_squeeze %dma_start3A_250 : memref<1x128x32xbf16, #tpu.memory_space<vmem>> -> memref<128x32xbf16, #tpu.memory_space<vmem>>
        tpu.enqueue_dma source(%dma_start3A_251 : memref<128x32xbf16, #tpu.memory_space<vmem>>) target(%dma_start3A_247 : memref<128x32xbf16, #tpu.memory_space<hbm>>) target_semaphore(%run_scoped3A_239 : memref<!tpu.dma_semaphore, #tpu.memory_space<semaphore_mem>>)
        %dma_wait3A = arith.constant 0 : i32
        %dma_wait3A_252 = arith.constant 0 : i32
        %dma_wait3A_253 = tpu.memref_slice %arg11[%run_scoped3A_238, %dma_wait3A, %dma_wait3A_252] : memref<8x128x32xbf16, #tpu.memory_space<vmem>> -> memref<1x128x32xbf16, #tpu.memory_space<vmem>>
        %dma_wait3A_254 = tpu.memref_squeeze %dma_wait3A_253 : memref<1x128x32xbf16, #tpu.memory_space<vmem>> -> memref<128x32xbf16, #tpu.memory_space<vmem>>
        %dma_wait3A_255 = arith.constant 0 : i32
        %dma_wait3A_256 = tpu.memref_slice %arg8[%add3A_237, %dma_wait3A_255] : memref<10240x32xbf16, #tpu.memory_space<hbm>> -> memref<128x32xbf16, #tpu.memory_space<hbm>>
        %dma_wait3A_257 = arith.constant 0 : i32
        %dma_wait3A_258 = tpu.memref_slice %arg8[%add3A_237, %dma_wait3A_257] : memref<10240x32xbf16, #tpu.memory_space<hbm>> -> memref<128x32xbf16, #tpu.memory_space<hbm>>
        %dma_wait3A_259 = arith.constant 0 : i32
        %dma_wait3A_260 = arith.constant 0 : i32
        %dma_wait3A_261 = tpu.memref_slice %arg11[%run_scoped3A_238, %dma_wait3A_259, %dma_wait3A_260] : memref<8x128x32xbf16, #tpu.memory_space<vmem>> -> memref<1x128x32xbf16, #tpu.memory_space<vmem>>
        %dma_wait3A_262 = tpu.memref_squeeze %dma_wait3A_261 : memref<1x128x32xbf16, #tpu.memory_space<vmem>> -> memref<128x32xbf16, #tpu.memory_space<vmem>>
        tpu.wait_dma2 semaphore(%run_scoped3A_239 : memref<!tpu.dma_semaphore, #tpu.memory_space<semaphore_mem>>) src(%dma_wait3A_262 : memref<128x32xbf16, #tpu.memory_space<vmem>>) dst(%dma_wait3A_258 : memref<128x32xbf16, #tpu.memory_space<hbm>>)
        tpu.yield
      }) : () -> ()
    } else {
    }
    %mul3A_204 = arith.constant 640 : i32
    %mul3A_205 = arith.muli %arg1, %mul3A_204 : i32
    %add3A_206 = arith.constant 384 : i32
    %add3A_207 = arith.addi %mul3A_205, %add3A_206 : i32
    %run_scoped3A_208 = arith.constant 0 : i32
    "tpu.region"() ({
      %run_scoped3A_234 = tpu.sem_alloc : memref<!tpu.dma_semaphore, #tpu.memory_space<semaphore_mem>>
      %dma_start3A_235 = arith.constant 0 : i32
      %dma_start3A_236 = arith.constant 0 : i32
      %dma_start3A_237 = tpu.memref_slice %arg11[%run_scoped3A_208, %dma_start3A_235, %dma_start3A_236] : memref<8x128x32xbf16, #tpu.memory_space<vmem>> -> memref<1x128x32xbf16, #tpu.memory_space<vmem>>
      %dma_start3A_238 = tpu.memref_squeeze %dma_start3A_237 : memref<1x128x32xbf16, #tpu.memory_space<vmem>> -> memref<128x32xbf16, #tpu.memory_space<vmem>>
      %dma_start3A_239 = arith.constant 0 : i32
      %dma_start3A_240 = tpu.memref_slice %arg12[%add3A_207, %dma_start3A_239] : memref<10240x32xbf16, #tpu.memory_space<vmem_shared>> -> memref<128x32xbf16, #tpu.memory_space<vmem_shared>>
      %dma_start3A_241 = arith.constant 0 : i32
      %dma_start3A_242 = arith.constant 0 : i32
      %dma_start3A_243 = tpu.memref_slice %arg11[%run_scoped3A_208, %dma_start3A_241, %dma_start3A_242] : memref<8x128x32xbf16, #tpu.memory_space<vmem>> -> memref<1x128x32xbf16, #tpu.memory_space<vmem>>
      %dma_start3A_244 = tpu.memref_squeeze %dma_start3A_243 : memref<1x128x32xbf16, #tpu.memory_space<vmem>> -> memref<128x32xbf16, #tpu.memory_space<vmem>>
      %dma_start3A_245 = arith.constant 0 : i32
      %dma_start3A_246 = tpu.memref_slice %arg12[%add3A_207, %dma_start3A_245] : memref<10240x32xbf16, #tpu.memory_space<vmem_shared>> -> memref<128x32xbf16, #tpu.memory_space<vmem_shared>>
      tpu.enqueue_dma source(%dma_start3A_246 : memref<128x32xbf16, #tpu.memory_space<vmem_shared>>) target(%dma_start3A_244 : memref<128x32xbf16, #tpu.memory_space<vmem>>) target_semaphore(%run_scoped3A_234 : memref<!tpu.dma_semaphore, #tpu.memory_space<semaphore_mem>>)
      %dma_wait3A = arith.constant 0 : i32
      %dma_wait3A_247 = arith.constant 0 : i32
      %dma_wait3A_248 = tpu.memref_slice %arg11[%run_scoped3A_208, %dma_wait3A, %dma_wait3A_247] : memref<8x128x32xbf16, #tpu.memory_space<vmem>> -> memref<1x128x32xbf16, #tpu.memory_space<vmem>>
      %dma_wait3A_249 = tpu.memref_squeeze %dma_wait3A_248 : memref<1x128x32xbf16, #tpu.memory_space<vmem>> -> memref<128x32xbf16, #tpu.memory_space<vmem>>
      %dma_wait3A_250 = arith.constant 0 : i32
      %dma_wait3A_251 = tpu.memref_slice %arg12[%add3A_207, %dma_wait3A_250] : memref<10240x32xbf16, #tpu.memory_space<vmem_shared>> -> memref<128x32xbf16, #tpu.memory_space<vmem_shared>>
      %dma_wait3A_252 = arith.constant 0 : i32
      %dma_wait3A_253 = arith.constant 0 : i32
      %dma_wait3A_254 = tpu.memref_slice %arg11[%run_scoped3A_208, %dma_wait3A_252, %dma_wait3A_253] : memref<8x128x32xbf16, #tpu.memory_space<vmem>> -> memref<1x128x32xbf16, #tpu.memory_space<vmem>>
      %dma_wait3A_255 = tpu.memref_squeeze %dma_wait3A_254 : memref<1x128x32xbf16, #tpu.memory_space<vmem>> -> memref<128x32xbf16, #tpu.memory_space<vmem>>
      %dma_wait3A_256 = arith.constant 0 : i32
      %dma_wait3A_257 = tpu.memref_slice %arg12[%add3A_207, %dma_wait3A_256] : memref<10240x32xbf16, #tpu.memory_space<vmem_shared>> -> memref<128x32xbf16, #tpu.memory_space<vmem_shared>>
      tpu.wait_dma2 semaphore(%run_scoped3A_234 : memref<!tpu.dma_semaphore, #tpu.memory_space<semaphore_mem>>) src(%dma_wait3A_257 : memref<128x32xbf16, #tpu.memory_space<vmem_shared>>) dst(%dma_wait3A_255 : memref<128x32xbf16, #tpu.memory_space<vmem>>)
      tpu.yield
    }) : () -> ()
    %eq3A_209 = arith.constant 0 : i32
    %eq3A_210 = arith.cmpi eq, %arg0, %eq3A_209 : i32
    %convert_element_type3A_211 = arith.extui %eq3A_210 : i1 to i32
    %cond3A_212 = arith.constant 0 : i32
    %cond3A_213 = arith.cmpi ne, %convert_element_type3A_211, %cond3A_212 : i32
    scf.if %cond3A_213 {
      %mul3A_234 = arith.constant 640 : i32
      %mul3A_235 = arith.muli %arg1, %mul3A_234 : i32
      %add3A_236 = arith.constant 384 : i32
      %add3A_237 = arith.addi %mul3A_235, %add3A_236 : i32
      %run_scoped3A_238 = arith.constant 0 : i32
      "tpu.region"() ({
        %run_scoped3A_239 = tpu.sem_alloc : memref<!tpu.dma_semaphore, #tpu.memory_space<semaphore_mem>>
        %dma_start3A_240 = arith.constant 0 : i32
        %dma_start3A_241 = arith.constant 0 : i32
        %dma_start3A_242 = tpu.memref_slice %arg11[%run_scoped3A_238, %dma_start3A_240, %dma_start3A_241] : memref<8x128x32xbf16, #tpu.memory_space<vmem>> -> memref<1x128x32xbf16, #tpu.memory_space<vmem>>
        %dma_start3A_243 = tpu.memref_squeeze %dma_start3A_242 : memref<1x128x32xbf16, #tpu.memory_space<vmem>> -> memref<128x32xbf16, #tpu.memory_space<vmem>>
        %dma_start3A_244 = arith.constant 0 : i32
        %dma_start3A_245 = tpu.memref_slice %arg7[%add3A_237, %dma_start3A_244] : memref<10240x32xbf16, #tpu.memory_space<hbm>> -> memref<128x32xbf16, #tpu.memory_space<hbm>>
        %dma_start3A_246 = arith.constant 0 : i32
        %dma_start3A_247 = tpu.memref_slice %arg7[%add3A_237, %dma_start3A_246] : memref<10240x32xbf16, #tpu.memory_space<hbm>> -> memref<128x32xbf16, #tpu.memory_space<hbm>>
        %dma_start3A_248 = arith.constant 0 : i32
        %dma_start3A_249 = arith.constant 0 : i32
        %dma_start3A_250 = tpu.memref_slice %arg11[%run_scoped3A_238, %dma_start3A_248, %dma_start3A_249] : memref<8x128x32xbf16, #tpu.memory_space<vmem>> -> memref<1x128x32xbf16, #tpu.memory_space<vmem>>
        %dma_start3A_251 = tpu.memref_squeeze %dma_start3A_250 : memref<1x128x32xbf16, #tpu.memory_space<vmem>> -> memref<128x32xbf16, #tpu.memory_space<vmem>>
        tpu.enqueue_dma source(%dma_start3A_251 : memref<128x32xbf16, #tpu.memory_space<vmem>>) target(%dma_start3A_247 : memref<128x32xbf16, #tpu.memory_space<hbm>>) target_semaphore(%run_scoped3A_239 : memref<!tpu.dma_semaphore, #tpu.memory_space<semaphore_mem>>)
        %dma_wait3A = arith.constant 0 : i32
        %dma_wait3A_252 = arith.constant 0 : i32
        %dma_wait3A_253 = tpu.memref_slice %arg11[%run_scoped3A_238, %dma_wait3A, %dma_wait3A_252] : memref<8x128x32xbf16, #tpu.memory_space<vmem>> -> memref<1x128x32xbf16, #tpu.memory_space<vmem>>
        %dma_wait3A_254 = tpu.memref_squeeze %dma_wait3A_253 : memref<1x128x32xbf16, #tpu.memory_space<vmem>> -> memref<128x32xbf16, #tpu.memory_space<vmem>>
        %dma_wait3A_255 = arith.constant 0 : i32
        %dma_wait3A_256 = tpu.memref_slice %arg7[%add3A_237, %dma_wait3A_255] : memref<10240x32xbf16, #tpu.memory_space<hbm>> -> memref<128x32xbf16, #tpu.memory_space<hbm>>
        %dma_wait3A_257 = arith.constant 0 : i32
        %dma_wait3A_258 = tpu.memref_slice %arg7[%add3A_237, %dma_wait3A_257] : memref<10240x32xbf16, #tpu.memory_space<hbm>> -> memref<128x32xbf16, #tpu.memory_space<hbm>>
        %dma_wait3A_259 = arith.constant 0 : i32
        %dma_wait3A_260 = arith.constant 0 : i32
        %dma_wait3A_261 = tpu.memref_slice %arg11[%run_scoped3A_238, %dma_wait3A_259, %dma_wait3A_260] : memref<8x128x32xbf16, #tpu.memory_space<vmem>> -> memref<1x128x32xbf16, #tpu.memory_space<vmem>>
        %dma_wait3A_262 = tpu.memref_squeeze %dma_wait3A_261 : memref<1x128x32xbf16, #tpu.memory_space<vmem>> -> memref<128x32xbf16, #tpu.memory_space<vmem>>
        tpu.wait_dma2 semaphore(%run_scoped3A_239 : memref<!tpu.dma_semaphore, #tpu.memory_space<semaphore_mem>>) src(%dma_wait3A_262 : memref<128x32xbf16, #tpu.memory_space<vmem>>) dst(%dma_wait3A_258 : memref<128x32xbf16, #tpu.memory_space<hbm>>)
        tpu.yield
      }) : () -> ()
    } else {
    }
    %eq3A_214 = arith.constant 1 : i32
    %eq3A_215 = arith.cmpi eq, %arg0, %eq3A_214 : i32
    %convert_element_type3A_216 = arith.extui %eq3A_215 : i1 to i32
    %cond3A_217 = arith.constant 0 : i32
    %cond3A_218 = arith.cmpi ne, %convert_element_type3A_216, %cond3A_217 : i32
    scf.if %cond3A_218 {
      %mul3A_234 = arith.constant 640 : i32
      %mul3A_235 = arith.muli %arg1, %mul3A_234 : i32
      %add3A_236 = arith.constant 384 : i32
      %add3A_237 = arith.addi %mul3A_235, %add3A_236 : i32
      %run_scoped3A_238 = arith.constant 0 : i32
      "tpu.region"() ({
        %run_scoped3A_239 = tpu.sem_alloc : memref<!tpu.dma_semaphore, #tpu.memory_space<semaphore_mem>>
        %dma_start3A_240 = arith.constant 0 : i32
        %dma_start3A_241 = arith.constant 0 : i32
        %dma_start3A_242 = tpu.memref_slice %arg11[%run_scoped3A_238, %dma_start3A_240, %dma_start3A_241] : memref<8x128x32xbf16, #tpu.memory_space<vmem>> -> memref<1x128x32xbf16, #tpu.memory_space<vmem>>
        %dma_start3A_243 = tpu.memref_squeeze %dma_start3A_242 : memref<1x128x32xbf16, #tpu.memory_space<vmem>> -> memref<128x32xbf16, #tpu.memory_space<vmem>>
        %dma_start3A_244 = arith.constant 0 : i32
        %dma_start3A_245 = tpu.memref_slice %arg8[%add3A_237, %dma_start3A_244] : memref<10240x32xbf16, #tpu.memory_space<hbm>> -> memref<128x32xbf16, #tpu.memory_space<hbm>>
        %dma_start3A_246 = arith.constant 0 : i32
        %dma_start3A_247 = tpu.memref_slice %arg8[%add3A_237, %dma_start3A_246] : memref<10240x32xbf16, #tpu.memory_space<hbm>> -> memref<128x32xbf16, #tpu.memory_space<hbm>>
        %dma_start3A_248 = arith.constant 0 : i32
        %dma_start3A_249 = arith.constant 0 : i32
        %dma_start3A_250 = tpu.memref_slice %arg11[%run_scoped3A_238, %dma_start3A_248, %dma_start3A_249] : memref<8x128x32xbf16, #tpu.memory_space<vmem>> -> memref<1x128x32xbf16, #tpu.memory_space<vmem>>
        %dma_start3A_251 = tpu.memref_squeeze %dma_start3A_250 : memref<1x128x32xbf16, #tpu.memory_space<vmem>> -> memref<128x32xbf16, #tpu.memory_space<vmem>>
        tpu.enqueue_dma source(%dma_start3A_251 : memref<128x32xbf16, #tpu.memory_space<vmem>>) target(%dma_start3A_247 : memref<128x32xbf16, #tpu.memory_space<hbm>>) target_semaphore(%run_scoped3A_239 : memref<!tpu.dma_semaphore, #tpu.memory_space<semaphore_mem>>)
        %dma_wait3A = arith.constant 0 : i32
        %dma_wait3A_252 = arith.constant 0 : i32
        %dma_wait3A_253 = tpu.memref_slice %arg11[%run_scoped3A_238, %dma_wait3A, %dma_wait3A_252] : memref<8x128x32xbf16, #tpu.memory_space<vmem>> -> memref<1x128x32xbf16, #tpu.memory_space<vmem>>
        %dma_wait3A_254 = tpu.memref_squeeze %dma_wait3A_253 : memref<1x128x32xbf16, #tpu.memory_space<vmem>> -> memref<128x32xbf16, #tpu.memory_space<vmem>>
        %dma_wait3A_255 = arith.constant 0 : i32
        %dma_wait3A_256 = tpu.memref_slice %arg8[%add3A_237, %dma_wait3A_255] : memref<10240x32xbf16, #tpu.memory_space<hbm>> -> memref<128x32xbf16, #tpu.memory_space<hbm>>
        %dma_wait3A_257 = arith.constant 0 : i32
        %dma_wait3A_258 = tpu.memref_slice %arg8[%add3A_237, %dma_wait3A_257] : memref<10240x32xbf16, #tpu.memory_space<hbm>> -> memref<128x32xbf16, #tpu.memory_space<hbm>>
        %dma_wait3A_259 = arith.constant 0 : i32
        %dma_wait3A_260 = arith.constant 0 : i32
        %dma_wait3A_261 = tpu.memref_slice %arg11[%run_scoped3A_238, %dma_wait3A_259, %dma_wait3A_260] : memref<8x128x32xbf16, #tpu.memory_space<vmem>> -> memref<1x128x32xbf16, #tpu.memory_space<vmem>>
        %dma_wait3A_262 = tpu.memref_squeeze %dma_wait3A_261 : memref<1x128x32xbf16, #tpu.memory_space<vmem>> -> memref<128x32xbf16, #tpu.memory_space<vmem>>
        tpu.wait_dma2 semaphore(%run_scoped3A_239 : memref<!tpu.dma_semaphore, #tpu.memory_space<semaphore_mem>>) src(%dma_wait3A_262 : memref<128x32xbf16, #tpu.memory_space<vmem>>) dst(%dma_wait3A_258 : memref<128x32xbf16, #tpu.memory_space<hbm>>)
        tpu.yield
      }) : () -> ()
    } else {
    }
    %mul3A_219 = arith.constant 640 : i32
    %mul3A_220 = arith.muli %arg1, %mul3A_219 : i32
    %add3A_221 = arith.constant 512 : i32
    %add3A_222 = arith.addi %mul3A_220, %add3A_221 : i32
    %run_scoped3A_223 = arith.constant 0 : i32
    "tpu.region"() ({
      %run_scoped3A_234 = tpu.sem_alloc : memref<!tpu.dma_semaphore, #tpu.memory_space<semaphore_mem>>
      %dma_start3A_235 = arith.constant 0 : i32
      %dma_start3A_236 = arith.constant 0 : i32
      %dma_start3A_237 = tpu.memref_slice %arg11[%run_scoped3A_223, %dma_start3A_235, %dma_start3A_236] : memref<8x128x32xbf16, #tpu.memory_space<vmem>> -> memref<1x128x32xbf16, #tpu.memory_space<vmem>>
      %dma_start3A_238 = tpu.memref_squeeze %dma_start3A_237 : memref<1x128x32xbf16, #tpu.memory_space<vmem>> -> memref<128x32xbf16, #tpu.memory_space<vmem>>
      %dma_start3A_239 = arith.constant 0 : i32
      %dma_start3A_240 = tpu.memref_slice %arg12[%add3A_222, %dma_start3A_239] : memref<10240x32xbf16, #tpu.memory_space<vmem_shared>> -> memref<128x32xbf16, #tpu.memory_space<vmem_shared>>
      %dma_start3A_241 = arith.constant 0 : i32
      %dma_start3A_242 = arith.constant 0 : i32
      %dma_start3A_243 = tpu.memref_slice %arg11[%run_scoped3A_223, %dma_start3A_241, %dma_start3A_242] : memref<8x128x32xbf16, #tpu.memory_space<vmem>> -> memref<1x128x32xbf16, #tpu.memory_space<vmem>>
      %dma_start3A_244 = tpu.memref_squeeze %dma_start3A_243 : memref<1x128x32xbf16, #tpu.memory_space<vmem>> -> memref<128x32xbf16, #tpu.memory_space<vmem>>
      %dma_start3A_245 = arith.constant 0 : i32
      %dma_start3A_246 = tpu.memref_slice %arg12[%add3A_222, %dma_start3A_245] : memref<10240x32xbf16, #tpu.memory_space<vmem_shared>> -> memref<128x32xbf16, #tpu.memory_space<vmem_shared>>
      tpu.enqueue_dma source(%dma_start3A_246 : memref<128x32xbf16, #tpu.memory_space<vmem_shared>>) target(%dma_start3A_244 : memref<128x32xbf16, #tpu.memory_space<vmem>>) target_semaphore(%run_scoped3A_234 : memref<!tpu.dma_semaphore, #tpu.memory_space<semaphore_mem>>)
      %dma_wait3A = arith.constant 0 : i32
      %dma_wait3A_247 = arith.constant 0 : i32
      %dma_wait3A_248 = tpu.memref_slice %arg11[%run_scoped3A_223, %dma_wait3A, %dma_wait3A_247] : memref<8x128x32xbf16, #tpu.memory_space<vmem>> -> memref<1x128x32xbf16, #tpu.memory_space<vmem>>
      %dma_wait3A_249 = tpu.memref_squeeze %dma_wait3A_248 : memref<1x128x32xbf16, #tpu.memory_space<vmem>> -> memref<128x32xbf16, #tpu.memory_space<vmem>>
      %dma_wait3A_250 = arith.constant 0 : i32
      %dma_wait3A_251 = tpu.memref_slice %arg12[%add3A_222, %dma_wait3A_250] : memref<10240x32xbf16, #tpu.memory_space<vmem_shared>> -> memref<128x32xbf16, #tpu.memory_space<vmem_shared>>
      %dma_wait3A_252 = arith.constant 0 : i32
      %dma_wait3A_253 = arith.constant 0 : i32
      %dma_wait3A_254 = tpu.memref_slice %arg11[%run_scoped3A_223, %dma_wait3A_252, %dma_wait3A_253] : memref<8x128x32xbf16, #tpu.memory_space<vmem>> -> memref<1x128x32xbf16, #tpu.memory_space<vmem>>
      %dma_wait3A_255 = tpu.memref_squeeze %dma_wait3A_254 : memref<1x128x32xbf16, #tpu.memory_space<vmem>> -> memref<128x32xbf16, #tpu.memory_space<vmem>>
      %dma_wait3A_256 = arith.constant 0 : i32
      %dma_wait3A_257 = tpu.memref_slice %arg12[%add3A_222, %dma_wait3A_256] : memref<10240x32xbf16, #tpu.memory_space<vmem_shared>> -> memref<128x32xbf16, #tpu.memory_space<vmem_shared>>
      tpu.wait_dma2 semaphore(%run_scoped3A_234 : memref<!tpu.dma_semaphore, #tpu.memory_space<semaphore_mem>>) src(%dma_wait3A_257 : memref<128x32xbf16, #tpu.memory_space<vmem_shared>>) dst(%dma_wait3A_255 : memref<128x32xbf16, #tpu.memory_space<vmem>>)
      tpu.yield
    }) : () -> ()
    %eq3A_224 = arith.constant 0 : i32
    %eq3A_225 = arith.cmpi eq, %arg0, %eq3A_224 : i32
    %convert_element_type3A_226 = arith.extui %eq3A_225 : i1 to i32
    %cond3A_227 = arith.constant 0 : i32
    %cond3A_228 = arith.cmpi ne, %convert_element_type3A_226, %cond3A_227 : i32
    scf.if %cond3A_228 {
      %mul3A_234 = arith.constant 640 : i32
      %mul3A_235 = arith.muli %arg1, %mul3A_234 : i32
      %add3A_236 = arith.constant 512 : i32
      %add3A_237 = arith.addi %mul3A_235, %add3A_236 : i32
      %run_scoped3A_238 = arith.constant 0 : i32
      "tpu.region"() ({
        %run_scoped3A_239 = tpu.sem_alloc : memref<!tpu.dma_semaphore, #tpu.memory_space<semaphore_mem>>
        %dma_start3A_240 = arith.constant 0 : i32
        %dma_start3A_241 = arith.constant 0 : i32
        %dma_start3A_242 = tpu.memref_slice %arg11[%run_scoped3A_238, %dma_start3A_240, %dma_start3A_241] : memref<8x128x32xbf16, #tpu.memory_space<vmem>> -> memref<1x128x32xbf16, #tpu.memory_space<vmem>>
        %dma_start3A_243 = tpu.memref_squeeze %dma_start3A_242 : memref<1x128x32xbf16, #tpu.memory_space<vmem>> -> memref<128x32xbf16, #tpu.memory_space<vmem>>
        %dma_start3A_244 = arith.constant 0 : i32
        %dma_start3A_245 = tpu.memref_slice %arg7[%add3A_237, %dma_start3A_244] : memref<10240x32xbf16, #tpu.memory_space<hbm>> -> memref<128x32xbf16, #tpu.memory_space<hbm>>
        %dma_start3A_246 = arith.constant 0 : i32
        %dma_start3A_247 = tpu.memref_slice %arg7[%add3A_237, %dma_start3A_246] : memref<10240x32xbf16, #tpu.memory_space<hbm>> -> memref<128x32xbf16, #tpu.memory_space<hbm>>
        %dma_start3A_248 = arith.constant 0 : i32
        %dma_start3A_249 = arith.constant 0 : i32
        %dma_start3A_250 = tpu.memref_slice %arg11[%run_scoped3A_238, %dma_start3A_248, %dma_start3A_249] : memref<8x128x32xbf16, #tpu.memory_space<vmem>> -> memref<1x128x32xbf16, #tpu.memory_space<vmem>>
        %dma_start3A_251 = tpu.memref_squeeze %dma_start3A_250 : memref<1x128x32xbf16, #tpu.memory_space<vmem>> -> memref<128x32xbf16, #tpu.memory_space<vmem>>
        tpu.enqueue_dma source(%dma_start3A_251 : memref<128x32xbf16, #tpu.memory_space<vmem>>) target(%dma_start3A_247 : memref<128x32xbf16, #tpu.memory_space<hbm>>) target_semaphore(%run_scoped3A_239 : memref<!tpu.dma_semaphore, #tpu.memory_space<semaphore_mem>>)
        %dma_wait3A = arith.constant 0 : i32
        %dma_wait3A_252 = arith.constant 0 : i32
        %dma_wait3A_253 = tpu.memref_slice %arg11[%run_scoped3A_238, %dma_wait3A, %dma_wait3A_252] : memref<8x128x32xbf16, #tpu.memory_space<vmem>> -> memref<1x128x32xbf16, #tpu.memory_space<vmem>>
        %dma_wait3A_254 = tpu.memref_squeeze %dma_wait3A_253 : memref<1x128x32xbf16, #tpu.memory_space<vmem>> -> memref<128x32xbf16, #tpu.memory_space<vmem>>
        %dma_wait3A_255 = arith.constant 0 : i32
        %dma_wait3A_256 = tpu.memref_slice %arg7[%add3A_237, %dma_wait3A_255] : memref<10240x32xbf16, #tpu.memory_space<hbm>> -> memref<128x32xbf16, #tpu.memory_space<hbm>>
        %dma_wait3A_257 = arith.constant 0 : i32
        %dma_wait3A_258 = tpu.memref_slice %arg7[%add3A_237, %dma_wait3A_257] : memref<10240x32xbf16, #tpu.memory_space<hbm>> -> memref<128x32xbf16, #tpu.memory_space<hbm>>
        %dma_wait3A_259 = arith.constant 0 : i32
        %dma_wait3A_260 = arith.constant 0 : i32
        %dma_wait3A_261 = tpu.memref_slice %arg11[%run_scoped3A_238, %dma_wait3A_259, %dma_wait3A_260] : memref<8x128x32xbf16, #tpu.memory_space<vmem>> -> memref<1x128x32xbf16, #tpu.memory_space<vmem>>
        %dma_wait3A_262 = tpu.memref_squeeze %dma_wait3A_261 : memref<1x128x32xbf16, #tpu.memory_space<vmem>> -> memref<128x32xbf16, #tpu.memory_space<vmem>>
        tpu.wait_dma2 semaphore(%run_scoped3A_239 : memref<!tpu.dma_semaphore, #tpu.memory_space<semaphore_mem>>) src(%dma_wait3A_262 : memref<128x32xbf16, #tpu.memory_space<vmem>>) dst(%dma_wait3A_258 : memref<128x32xbf16, #tpu.memory_space<hbm>>)
        tpu.yield
      }) : () -> ()
    } else {
    }
    %eq3A_229 = arith.constant 1 : i32
    %eq3A_230 = arith.cmpi eq, %arg0, %eq3A_229 : i32
    %convert_element_type3A_231 = arith.extui %eq3A_230 : i1 to i32
    %cond3A_232 = arith.constant 0 : i32
    %cond3A_233 = arith.cmpi ne, %convert_element_type3A_231, %cond3A_232 : i32
    scf.if %cond3A_233 {
      %mul3A_234 = arith.constant 640 : i32
      %mul3A_235 = arith.muli %arg1, %mul3A_234 : i32
      %add3A_236 = arith.constant 512 : i32
      %add3A_237 = arith.addi %mul3A_235, %add3A_236 : i32
      %run_scoped3A_238 = arith.constant 0 : i32
      "tpu.region"() ({
        %run_scoped3A_239 = tpu.sem_alloc : memref<!tpu.dma_semaphore, #tpu.memory_space<semaphore_mem>>
        %dma_start3A_240 = arith.constant 0 : i32
        %dma_start3A_241 = arith.constant 0 : i32
        %dma_start3A_242 = tpu.memref_slice %arg11[%run_scoped3A_238, %dma_start3A_240, %dma_start3A_241] : memref<8x128x32xbf16, #tpu.memory_space<vmem>> -> memref<1x128x32xbf16, #tpu.memory_space<vmem>>
        %dma_start3A_243 = tpu.memref_squeeze %dma_start3A_242 : memref<1x128x32xbf16, #tpu.memory_space<vmem>> -> memref<128x32xbf16, #tpu.memory_space<vmem>>
        %dma_start3A_244 = arith.constant 0 : i32
        %dma_start3A_245 = tpu.memref_slice %arg8[%add3A_237, %dma_start3A_244] : memref<10240x32xbf16, #tpu.memory_space<hbm>> -> memref<128x32xbf16, #tpu.memory_space<hbm>>
        %dma_start3A_246 = arith.constant 0 : i32
        %dma_start3A_247 = tpu.memref_slice %arg8[%add3A_237, %dma_start3A_246] : memref<10240x32xbf16, #tpu.memory_space<hbm>> -> memref<128x32xbf16, #tpu.memory_space<hbm>>
        %dma_start3A_248 = arith.constant 0 : i32
        %dma_start3A_249 = arith.constant 0 : i32
        %dma_start3A_250 = tpu.memref_slice %arg11[%run_scoped3A_238, %dma_start3A_248, %dma_start3A_249] : memref<8x128x32xbf16, #tpu.memory_space<vmem>> -> memref<1x128x32xbf16, #tpu.memory_space<vmem>>
        %dma_start3A_251 = tpu.memref_squeeze %dma_start3A_250 : memref<1x128x32xbf16, #tpu.memory_space<vmem>> -> memref<128x32xbf16, #tpu.memory_space<vmem>>
        tpu.enqueue_dma source(%dma_start3A_251 : memref<128x32xbf16, #tpu.memory_space<vmem>>) target(%dma_start3A_247 : memref<128x32xbf16, #tpu.memory_space<hbm>>) target_semaphore(%run_scoped3A_239 : memref<!tpu.dma_semaphore, #tpu.memory_space<semaphore_mem>>)
        %dma_wait3A = arith.constant 0 : i32
        %dma_wait3A_252 = arith.constant 0 : i32
        %dma_wait3A_253 = tpu.memref_slice %arg11[%run_scoped3A_238, %dma_wait3A, %dma_wait3A_252] : memref<8x128x32xbf16, #tpu.memory_space<vmem>> -> memref<1x128x32xbf16, #tpu.memory_space<vmem>>
        %dma_wait3A_254 = tpu.memref_squeeze %dma_wait3A_253 : memref<1x128x32xbf16, #tpu.memory_space<vmem>> -> memref<128x32xbf16, #tpu.memory_space<vmem>>
        %dma_wait3A_255 = arith.constant 0 : i32
        %dma_wait3A_256 = tpu.memref_slice %arg8[%add3A_237, %dma_wait3A_255] : memref<10240x32xbf16, #tpu.memory_space<hbm>> -> memref<128x32xbf16, #tpu.memory_space<hbm>>
        %dma_wait3A_257 = arith.constant 0 : i32
        %dma_wait3A_258 = tpu.memref_slice %arg8[%add3A_237, %dma_wait3A_257] : memref<10240x32xbf16, #tpu.memory_space<hbm>> -> memref<128x32xbf16, #tpu.memory_space<hbm>>
        %dma_wait3A_259 = arith.constant 0 : i32
        %dma_wait3A_260 = arith.constant 0 : i32
        %dma_wait3A_261 = tpu.memref_slice %arg11[%run_scoped3A_238, %dma_wait3A_259, %dma_wait3A_260] : memref<8x128x32xbf16, #tpu.memory_space<vmem>> -> memref<1x128x32xbf16, #tpu.memory_space<vmem>>
        %dma_wait3A_262 = tpu.memref_squeeze %dma_wait3A_261 : memref<1x128x32xbf16, #tpu.memory_space<vmem>> -> memref<128x32xbf16, #tpu.memory_space<vmem>>
        tpu.wait_dma2 semaphore(%run_scoped3A_239 : memref<!tpu.dma_semaphore, #tpu.memory_space<semaphore_mem>>) src(%dma_wait3A_262 : memref<128x32xbf16, #tpu.memory_space<vmem>>) dst(%dma_wait3A_258 : memref<128x32xbf16, #tpu.memory_space<hbm>>)
        tpu.yield
      }) : () -> ()
    } else {
    }
    return
  }
}

#map = affine_map<(d0, d1) -> (0, 0)>
module attributes {stable_mosaic.version = 14 : i64} {
  func.func @_agg(%arg0: i32, %arg1: i32, %arg2: memref<10240x8xf32, #tpu.memory_space<hbm>>, %arg3: memref<2560x128xi32, #tpu.memory_space<hbm>>, %arg4: memref<2560x128xi32, #tpu.memory_space<hbm>>, %arg5: memref<10240x8xf32, #tpu.memory_space<hbm>>, %arg6: memref<20480x8xf32, #tpu.memory_space<hbm>>, %arg7: memref<80x128xi32, #tpu.memory_space<vmem>>, %arg8: memref<80x128xi32, #tpu.memory_space<vmem>>, %arg9: memref<8x128x8xf32, #tpu.memory_space<vmem>>, %arg10: memref<10240x8xf32, #tpu.memory_space<vmem_shared>>, %arg11: memref<10240x8xf32, #tpu.memory_space<vmem_shared>>, %arg12: memref<!tpu.dma_semaphore, #tpu.memory_space<semaphore_mem>>, %arg13: memref<!tpu.dma_semaphore, #tpu.memory_space<semaphore_mem>>, %arg14: memref<!tpu.dma_semaphore, #tpu.memory_space<semaphore_mem>>, %arg15: memref<!tpu.dma_semaphore, #tpu.memory_space<semaphore_mem>>, %arg16: memref<!tpu.dma_semaphore, #tpu.memory_space<semaphore_mem>>, %arg17: memref<!tpu.dma_semaphore, #tpu.memory_space<semaphore_mem>>, %arg18: memref<!tpu.dma_semaphore, #tpu.memory_space<semaphore_mem>>, %arg19: memref<!tpu.dma_semaphore, #tpu.memory_space<semaphore_mem>>, %arg20: memref<!tpu.dma_semaphore, #tpu.memory_space<semaphore_mem>>) attributes {dimension_semantics = [#tpu.dimension_semantics<core_parallel>, #tpu.dimension_semantics<subcore_parallel>], iteration_bounds = array<i64: 2, 16>, scalar_prefetch = 0 : i64, scratch_operands = 14 : i64, tpu.core_type = #tpu.core_type<sc_vector_subcore>, window_params = [{transform_indices = #map}, {transform_indices = #map}, {transform_indices = #map}, {transform_indices = #map}, {transform_indices = #map}]} {
    %mul3A = arith.constant 2 : i32
    %mul3A_0 = arith.muli %arg1, %mul3A : i32
    %add3A = arith.addi %mul3A_0, %arg0 : i32
    %mul3A_1 = arith.constant 640 : i32
    %mul3A_2 = arith.muli %arg1, %mul3A_1 : i32
    %mul3A_3 = arith.constant 640 : i32
    %mul3A_4 = arith.muli %arg1, %mul3A_3 : i32
    "tpu.region"() ({
      %run_scoped3A_224 = tpu.sem_alloc : memref<!tpu.dma_semaphore, #tpu.memory_space<semaphore_mem>>
      %dma_start3A_225 = arith.constant 0 : i32
      %dma_start3A_226 = tpu.memref_slice %arg11[%mul3A_4, %dma_start3A_225] : memref<10240x8xf32, #tpu.memory_space<vmem_shared>> -> memref<640x8xf32, #tpu.memory_space<vmem_shared>>
      %dma_start3A_227 = arith.constant 0 : i32
      %dma_start3A_228 = tpu.memref_slice %arg2[%mul3A_2, %dma_start3A_227] : memref<10240x8xf32, #tpu.memory_space<hbm>> -> memref<640x8xf32, #tpu.memory_space<hbm>>
      tpu.enqueue_dma source(%dma_start3A_228 : memref<640x8xf32, #tpu.memory_space<hbm>>) target(%dma_start3A_226 : memref<640x8xf32, #tpu.memory_space<vmem_shared>>) target_semaphore(%run_scoped3A_224 : memref<!tpu.dma_semaphore, #tpu.memory_space<semaphore_mem>>)
      %dma_wait3A = arith.constant 0 : i32
      %dma_wait3A_229 = tpu.memref_slice %arg11[%mul3A_4, %dma_wait3A] : memref<10240x8xf32, #tpu.memory_space<vmem_shared>> -> memref<640x8xf32, #tpu.memory_space<vmem_shared>>
      %dma_wait3A_230 = arith.constant 0 : i32
      %dma_wait3A_231 = tpu.memref_slice %arg2[%mul3A_2, %dma_wait3A_230] : memref<10240x8xf32, #tpu.memory_space<hbm>> -> memref<640x8xf32, #tpu.memory_space<hbm>>
      tpu.wait_dma2 semaphore(%run_scoped3A_224 : memref<!tpu.dma_semaphore, #tpu.memory_space<semaphore_mem>>) src(%dma_wait3A_231 : memref<640x8xf32, #tpu.memory_space<hbm>>) dst(%dma_wait3A_229 : memref<640x8xf32, #tpu.memory_space<vmem_shared>>)
      tpu.yield
    }) : () -> ()
    %mul3A_5 = arith.constant 640 : i32
    %mul3A_6 = arith.muli %arg1, %mul3A_5 : i32
    %add3A_7 = arith.constant 0 : i32
    %add3A_8 = arith.addi %mul3A_6, %add3A_7 : i32
    %run_scoped3A = arith.constant 0 : i32
    "tpu.region"() ({
      %run_scoped3A_224 = tpu.sem_alloc : memref<!tpu.dma_semaphore, #tpu.memory_space<semaphore_mem>>
      %dma_start3A_225 = arith.constant 0 : i32
      %dma_start3A_226 = arith.constant 0 : i32
      %dma_start3A_227 = tpu.memref_slice %arg9[%run_scoped3A, %dma_start3A_225, %dma_start3A_226] : memref<8x128x8xf32, #tpu.memory_space<vmem>> -> memref<1x128x8xf32, #tpu.memory_space<vmem>>
      %dma_start3A_228 = tpu.memref_squeeze %dma_start3A_227 : memref<1x128x8xf32, #tpu.memory_space<vmem>> -> memref<128x8xf32, #tpu.memory_space<vmem>>
      %dma_start3A_229 = arith.constant 0 : i32
      %dma_start3A_230 = tpu.memref_slice %arg5[%add3A_8, %dma_start3A_229] : memref<10240x8xf32, #tpu.memory_space<hbm>> -> memref<128x8xf32, #tpu.memory_space<hbm>>
      %dma_start3A_231 = arith.constant 0 : i32
      %dma_start3A_232 = arith.constant 0 : i32
      %dma_start3A_233 = tpu.memref_slice %arg9[%run_scoped3A, %dma_start3A_231, %dma_start3A_232] : memref<8x128x8xf32, #tpu.memory_space<vmem>> -> memref<1x128x8xf32, #tpu.memory_space<vmem>>
      %dma_start3A_234 = tpu.memref_squeeze %dma_start3A_233 : memref<1x128x8xf32, #tpu.memory_space<vmem>> -> memref<128x8xf32, #tpu.memory_space<vmem>>
      %dma_start3A_235 = arith.constant 0 : i32
      %dma_start3A_236 = tpu.memref_slice %arg5[%add3A_8, %dma_start3A_235] : memref<10240x8xf32, #tpu.memory_space<hbm>> -> memref<128x8xf32, #tpu.memory_space<hbm>>
      tpu.enqueue_dma source(%dma_start3A_236 : memref<128x8xf32, #tpu.memory_space<hbm>>) target(%dma_start3A_234 : memref<128x8xf32, #tpu.memory_space<vmem>>) target_semaphore(%run_scoped3A_224 : memref<!tpu.dma_semaphore, #tpu.memory_space<semaphore_mem>>)
      %dma_wait3A = arith.constant 0 : i32
      %dma_wait3A_237 = arith.constant 0 : i32
      %dma_wait3A_238 = tpu.memref_slice %arg9[%run_scoped3A, %dma_wait3A, %dma_wait3A_237] : memref<8x128x8xf32, #tpu.memory_space<vmem>> -> memref<1x128x8xf32, #tpu.memory_space<vmem>>
      %dma_wait3A_239 = tpu.memref_squeeze %dma_wait3A_238 : memref<1x128x8xf32, #tpu.memory_space<vmem>> -> memref<128x8xf32, #tpu.memory_space<vmem>>
      %dma_wait3A_240 = arith.constant 0 : i32
      %dma_wait3A_241 = tpu.memref_slice %arg5[%add3A_8, %dma_wait3A_240] : memref<10240x8xf32, #tpu.memory_space<hbm>> -> memref<128x8xf32, #tpu.memory_space<hbm>>
      %dma_wait3A_242 = arith.constant 0 : i32
      %dma_wait3A_243 = arith.constant 0 : i32
      %dma_wait3A_244 = tpu.memref_slice %arg9[%run_scoped3A, %dma_wait3A_242, %dma_wait3A_243] : memref<8x128x8xf32, #tpu.memory_space<vmem>> -> memref<1x128x8xf32, #tpu.memory_space<vmem>>
      %dma_wait3A_245 = tpu.memref_squeeze %dma_wait3A_244 : memref<1x128x8xf32, #tpu.memory_space<vmem>> -> memref<128x8xf32, #tpu.memory_space<vmem>>
      %dma_wait3A_246 = arith.constant 0 : i32
      %dma_wait3A_247 = tpu.memref_slice %arg5[%add3A_8, %dma_wait3A_246] : memref<10240x8xf32, #tpu.memory_space<hbm>> -> memref<128x8xf32, #tpu.memory_space<hbm>>
      tpu.wait_dma2 semaphore(%run_scoped3A_224 : memref<!tpu.dma_semaphore, #tpu.memory_space<semaphore_mem>>) src(%dma_wait3A_247 : memref<128x8xf32, #tpu.memory_space<hbm>>) dst(%dma_wait3A_245 : memref<128x8xf32, #tpu.memory_space<vmem>>)
      tpu.yield
    }) : () -> ()
    %mul3A_9 = arith.constant 640 : i32
    %mul3A_10 = arith.muli %arg1, %mul3A_9 : i32
    %add3A_11 = arith.constant 0 : i32
    %add3A_12 = arith.addi %mul3A_10, %add3A_11 : i32
    %run_scoped3A_13 = arith.constant 0 : i32
    "tpu.region"() ({
      %run_scoped3A_224 = tpu.sem_alloc : memref<!tpu.dma_semaphore, #tpu.memory_space<semaphore_mem>>
      %dma_start3A_225 = arith.constant 0 : i32
      %dma_start3A_226 = arith.constant 0 : i32
      %dma_start3A_227 = tpu.memref_slice %arg9[%run_scoped3A_13, %dma_start3A_225, %dma_start3A_226] : memref<8x128x8xf32, #tpu.memory_space<vmem>> -> memref<1x128x8xf32, #tpu.memory_space<vmem>>
      %dma_start3A_228 = tpu.memref_squeeze %dma_start3A_227 : memref<1x128x8xf32, #tpu.memory_space<vmem>> -> memref<128x8xf32, #tpu.memory_space<vmem>>
      %dma_start3A_229 = arith.constant 0 : i32
      %dma_start3A_230 = tpu.memref_slice %arg10[%add3A_12, %dma_start3A_229] : memref<10240x8xf32, #tpu.memory_space<vmem_shared>> -> memref<128x8xf32, #tpu.memory_space<vmem_shared>>
      %dma_start3A_231 = arith.constant 0 : i32
      %dma_start3A_232 = tpu.memref_slice %arg10[%add3A_12, %dma_start3A_231] : memref<10240x8xf32, #tpu.memory_space<vmem_shared>> -> memref<128x8xf32, #tpu.memory_space<vmem_shared>>
      %dma_start3A_233 = arith.constant 0 : i32
      %dma_start3A_234 = arith.constant 0 : i32
      %dma_start3A_235 = tpu.memref_slice %arg9[%run_scoped3A_13, %dma_start3A_233, %dma_start3A_234] : memref<8x128x8xf32, #tpu.memory_space<vmem>> -> memref<1x128x8xf32, #tpu.memory_space<vmem>>
      %dma_start3A_236 = tpu.memref_squeeze %dma_start3A_235 : memref<1x128x8xf32, #tpu.memory_space<vmem>> -> memref<128x8xf32, #tpu.memory_space<vmem>>
      tpu.enqueue_dma source(%dma_start3A_236 : memref<128x8xf32, #tpu.memory_space<vmem>>) target(%dma_start3A_232 : memref<128x8xf32, #tpu.memory_space<vmem_shared>>) target_semaphore(%run_scoped3A_224 : memref<!tpu.dma_semaphore, #tpu.memory_space<semaphore_mem>>)
      %dma_wait3A = arith.constant 0 : i32
      %dma_wait3A_237 = arith.constant 0 : i32
      %dma_wait3A_238 = tpu.memref_slice %arg9[%run_scoped3A_13, %dma_wait3A, %dma_wait3A_237] : memref<8x128x8xf32, #tpu.memory_space<vmem>> -> memref<1x128x8xf32, #tpu.memory_space<vmem>>
      %dma_wait3A_239 = tpu.memref_squeeze %dma_wait3A_238 : memref<1x128x8xf32, #tpu.memory_space<vmem>> -> memref<128x8xf32, #tpu.memory_space<vmem>>
      %dma_wait3A_240 = arith.constant 0 : i32
      %dma_wait3A_241 = tpu.memref_slice %arg10[%add3A_12, %dma_wait3A_240] : memref<10240x8xf32, #tpu.memory_space<vmem_shared>> -> memref<128x8xf32, #tpu.memory_space<vmem_shared>>
      %dma_wait3A_242 = arith.constant 0 : i32
      %dma_wait3A_243 = tpu.memref_slice %arg10[%add3A_12, %dma_wait3A_242] : memref<10240x8xf32, #tpu.memory_space<vmem_shared>> -> memref<128x8xf32, #tpu.memory_space<vmem_shared>>
      %dma_wait3A_244 = arith.constant 0 : i32
      %dma_wait3A_245 = arith.constant 0 : i32
      %dma_wait3A_246 = tpu.memref_slice %arg9[%run_scoped3A_13, %dma_wait3A_244, %dma_wait3A_245] : memref<8x128x8xf32, #tpu.memory_space<vmem>> -> memref<1x128x8xf32, #tpu.memory_space<vmem>>
      %dma_wait3A_247 = tpu.memref_squeeze %dma_wait3A_246 : memref<1x128x8xf32, #tpu.memory_space<vmem>> -> memref<128x8xf32, #tpu.memory_space<vmem>>
      tpu.wait_dma2 semaphore(%run_scoped3A_224 : memref<!tpu.dma_semaphore, #tpu.memory_space<semaphore_mem>>) src(%dma_wait3A_247 : memref<128x8xf32, #tpu.memory_space<vmem>>) dst(%dma_wait3A_243 : memref<128x8xf32, #tpu.memory_space<vmem_shared>>)
      tpu.yield
    }) : () -> ()
    %mul3A_14 = arith.constant 640 : i32
    %mul3A_15 = arith.muli %arg1, %mul3A_14 : i32
    %add3A_16 = arith.constant 128 : i32
    %add3A_17 = arith.addi %mul3A_15, %add3A_16 : i32
    %run_scoped3A_18 = arith.constant 0 : i32
    "tpu.region"() ({
      %run_scoped3A_224 = tpu.sem_alloc : memref<!tpu.dma_semaphore, #tpu.memory_space<semaphore_mem>>
      %dma_start3A_225 = arith.constant 0 : i32
      %dma_start3A_226 = arith.constant 0 : i32
      %dma_start3A_227 = tpu.memref_slice %arg9[%run_scoped3A_18, %dma_start3A_225, %dma_start3A_226] : memref<8x128x8xf32, #tpu.memory_space<vmem>> -> memref<1x128x8xf32, #tpu.memory_space<vmem>>
      %dma_start3A_228 = tpu.memref_squeeze %dma_start3A_227 : memref<1x128x8xf32, #tpu.memory_space<vmem>> -> memref<128x8xf32, #tpu.memory_space<vmem>>
      %dma_start3A_229 = arith.constant 0 : i32
      %dma_start3A_230 = tpu.memref_slice %arg5[%add3A_17, %dma_start3A_229] : memref<10240x8xf32, #tpu.memory_space<hbm>> -> memref<128x8xf32, #tpu.memory_space<hbm>>
      %dma_start3A_231 = arith.constant 0 : i32
      %dma_start3A_232 = arith.constant 0 : i32
      %dma_start3A_233 = tpu.memref_slice %arg9[%run_scoped3A_18, %dma_start3A_231, %dma_start3A_232] : memref<8x128x8xf32, #tpu.memory_space<vmem>> -> memref<1x128x8xf32, #tpu.memory_space<vmem>>
      %dma_start3A_234 = tpu.memref_squeeze %dma_start3A_233 : memref<1x128x8xf32, #tpu.memory_space<vmem>> -> memref<128x8xf32, #tpu.memory_space<vmem>>
      %dma_start3A_235 = arith.constant 0 : i32
      %dma_start3A_236 = tpu.memref_slice %arg5[%add3A_17, %dma_start3A_235] : memref<10240x8xf32, #tpu.memory_space<hbm>> -> memref<128x8xf32, #tpu.memory_space<hbm>>
      tpu.enqueue_dma source(%dma_start3A_236 : memref<128x8xf32, #tpu.memory_space<hbm>>) target(%dma_start3A_234 : memref<128x8xf32, #tpu.memory_space<vmem>>) target_semaphore(%run_scoped3A_224 : memref<!tpu.dma_semaphore, #tpu.memory_space<semaphore_mem>>)
      %dma_wait3A = arith.constant 0 : i32
      %dma_wait3A_237 = arith.constant 0 : i32
      %dma_wait3A_238 = tpu.memref_slice %arg9[%run_scoped3A_18, %dma_wait3A, %dma_wait3A_237] : memref<8x128x8xf32, #tpu.memory_space<vmem>> -> memref<1x128x8xf32, #tpu.memory_space<vmem>>
      %dma_wait3A_239 = tpu.memref_squeeze %dma_wait3A_238 : memref<1x128x8xf32, #tpu.memory_space<vmem>> -> memref<128x8xf32, #tpu.memory_space<vmem>>
      %dma_wait3A_240 = arith.constant 0 : i32
      %dma_wait3A_241 = tpu.memref_slice %arg5[%add3A_17, %dma_wait3A_240] : memref<10240x8xf32, #tpu.memory_space<hbm>> -> memref<128x8xf32, #tpu.memory_space<hbm>>
      %dma_wait3A_242 = arith.constant 0 : i32
      %dma_wait3A_243 = arith.constant 0 : i32
      %dma_wait3A_244 = tpu.memref_slice %arg9[%run_scoped3A_18, %dma_wait3A_242, %dma_wait3A_243] : memref<8x128x8xf32, #tpu.memory_space<vmem>> -> memref<1x128x8xf32, #tpu.memory_space<vmem>>
      %dma_wait3A_245 = tpu.memref_squeeze %dma_wait3A_244 : memref<1x128x8xf32, #tpu.memory_space<vmem>> -> memref<128x8xf32, #tpu.memory_space<vmem>>
      %dma_wait3A_246 = arith.constant 0 : i32
      %dma_wait3A_247 = tpu.memref_slice %arg5[%add3A_17, %dma_wait3A_246] : memref<10240x8xf32, #tpu.memory_space<hbm>> -> memref<128x8xf32, #tpu.memory_space<hbm>>
      tpu.wait_dma2 semaphore(%run_scoped3A_224 : memref<!tpu.dma_semaphore, #tpu.memory_space<semaphore_mem>>) src(%dma_wait3A_247 : memref<128x8xf32, #tpu.memory_space<hbm>>) dst(%dma_wait3A_245 : memref<128x8xf32, #tpu.memory_space<vmem>>)
      tpu.yield
    }) : () -> ()
    %mul3A_19 = arith.constant 640 : i32
    %mul3A_20 = arith.muli %arg1, %mul3A_19 : i32
    %add3A_21 = arith.constant 128 : i32
    %add3A_22 = arith.addi %mul3A_20, %add3A_21 : i32
    %run_scoped3A_23 = arith.constant 0 : i32
    "tpu.region"() ({
      %run_scoped3A_224 = tpu.sem_alloc : memref<!tpu.dma_semaphore, #tpu.memory_space<semaphore_mem>>
      %dma_start3A_225 = arith.constant 0 : i32
      %dma_start3A_226 = arith.constant 0 : i32
      %dma_start3A_227 = tpu.memref_slice %arg9[%run_scoped3A_23, %dma_start3A_225, %dma_start3A_226] : memref<8x128x8xf32, #tpu.memory_space<vmem>> -> memref<1x128x8xf32, #tpu.memory_space<vmem>>
      %dma_start3A_228 = tpu.memref_squeeze %dma_start3A_227 : memref<1x128x8xf32, #tpu.memory_space<vmem>> -> memref<128x8xf32, #tpu.memory_space<vmem>>
      %dma_start3A_229 = arith.constant 0 : i32
      %dma_start3A_230 = tpu.memref_slice %arg10[%add3A_22, %dma_start3A_229] : memref<10240x8xf32, #tpu.memory_space<vmem_shared>> -> memref<128x8xf32, #tpu.memory_space<vmem_shared>>
      %dma_start3A_231 = arith.constant 0 : i32
      %dma_start3A_232 = tpu.memref_slice %arg10[%add3A_22, %dma_start3A_231] : memref<10240x8xf32, #tpu.memory_space<vmem_shared>> -> memref<128x8xf32, #tpu.memory_space<vmem_shared>>
      %dma_start3A_233 = arith.constant 0 : i32
      %dma_start3A_234 = arith.constant 0 : i32
      %dma_start3A_235 = tpu.memref_slice %arg9[%run_scoped3A_23, %dma_start3A_233, %dma_start3A_234] : memref<8x128x8xf32, #tpu.memory_space<vmem>> -> memref<1x128x8xf32, #tpu.memory_space<vmem>>
      %dma_start3A_236 = tpu.memref_squeeze %dma_start3A_235 : memref<1x128x8xf32, #tpu.memory_space<vmem>> -> memref<128x8xf32, #tpu.memory_space<vmem>>
      tpu.enqueue_dma source(%dma_start3A_236 : memref<128x8xf32, #tpu.memory_space<vmem>>) target(%dma_start3A_232 : memref<128x8xf32, #tpu.memory_space<vmem_shared>>) target_semaphore(%run_scoped3A_224 : memref<!tpu.dma_semaphore, #tpu.memory_space<semaphore_mem>>)
      %dma_wait3A = arith.constant 0 : i32
      %dma_wait3A_237 = arith.constant 0 : i32
      %dma_wait3A_238 = tpu.memref_slice %arg9[%run_scoped3A_23, %dma_wait3A, %dma_wait3A_237] : memref<8x128x8xf32, #tpu.memory_space<vmem>> -> memref<1x128x8xf32, #tpu.memory_space<vmem>>
      %dma_wait3A_239 = tpu.memref_squeeze %dma_wait3A_238 : memref<1x128x8xf32, #tpu.memory_space<vmem>> -> memref<128x8xf32, #tpu.memory_space<vmem>>
      %dma_wait3A_240 = arith.constant 0 : i32
      %dma_wait3A_241 = tpu.memref_slice %arg10[%add3A_22, %dma_wait3A_240] : memref<10240x8xf32, #tpu.memory_space<vmem_shared>> -> memref<128x8xf32, #tpu.memory_space<vmem_shared>>
      %dma_wait3A_242 = arith.constant 0 : i32
      %dma_wait3A_243 = tpu.memref_slice %arg10[%add3A_22, %dma_wait3A_242] : memref<10240x8xf32, #tpu.memory_space<vmem_shared>> -> memref<128x8xf32, #tpu.memory_space<vmem_shared>>
      %dma_wait3A_244 = arith.constant 0 : i32
      %dma_wait3A_245 = arith.constant 0 : i32
      %dma_wait3A_246 = tpu.memref_slice %arg9[%run_scoped3A_23, %dma_wait3A_244, %dma_wait3A_245] : memref<8x128x8xf32, #tpu.memory_space<vmem>> -> memref<1x128x8xf32, #tpu.memory_space<vmem>>
      %dma_wait3A_247 = tpu.memref_squeeze %dma_wait3A_246 : memref<1x128x8xf32, #tpu.memory_space<vmem>> -> memref<128x8xf32, #tpu.memory_space<vmem>>
      tpu.wait_dma2 semaphore(%run_scoped3A_224 : memref<!tpu.dma_semaphore, #tpu.memory_space<semaphore_mem>>) src(%dma_wait3A_247 : memref<128x8xf32, #tpu.memory_space<vmem>>) dst(%dma_wait3A_243 : memref<128x8xf32, #tpu.memory_space<vmem_shared>>)
      tpu.yield
    }) : () -> ()
    %mul3A_24 = arith.constant 640 : i32
    %mul3A_25 = arith.muli %arg1, %mul3A_24 : i32
    %add3A_26 = arith.constant 256 : i32
    %add3A_27 = arith.addi %mul3A_25, %add3A_26 : i32
    %run_scoped3A_28 = arith.constant 0 : i32
    "tpu.region"() ({
      %run_scoped3A_224 = tpu.sem_alloc : memref<!tpu.dma_semaphore, #tpu.memory_space<semaphore_mem>>
      %dma_start3A_225 = arith.constant 0 : i32
      %dma_start3A_226 = arith.constant 0 : i32
      %dma_start3A_227 = tpu.memref_slice %arg9[%run_scoped3A_28, %dma_start3A_225, %dma_start3A_226] : memref<8x128x8xf32, #tpu.memory_space<vmem>> -> memref<1x128x8xf32, #tpu.memory_space<vmem>>
      %dma_start3A_228 = tpu.memref_squeeze %dma_start3A_227 : memref<1x128x8xf32, #tpu.memory_space<vmem>> -> memref<128x8xf32, #tpu.memory_space<vmem>>
      %dma_start3A_229 = arith.constant 0 : i32
      %dma_start3A_230 = tpu.memref_slice %arg5[%add3A_27, %dma_start3A_229] : memref<10240x8xf32, #tpu.memory_space<hbm>> -> memref<128x8xf32, #tpu.memory_space<hbm>>
      %dma_start3A_231 = arith.constant 0 : i32
      %dma_start3A_232 = arith.constant 0 : i32
      %dma_start3A_233 = tpu.memref_slice %arg9[%run_scoped3A_28, %dma_start3A_231, %dma_start3A_232] : memref<8x128x8xf32, #tpu.memory_space<vmem>> -> memref<1x128x8xf32, #tpu.memory_space<vmem>>
      %dma_start3A_234 = tpu.memref_squeeze %dma_start3A_233 : memref<1x128x8xf32, #tpu.memory_space<vmem>> -> memref<128x8xf32, #tpu.memory_space<vmem>>
      %dma_start3A_235 = arith.constant 0 : i32
      %dma_start3A_236 = tpu.memref_slice %arg5[%add3A_27, %dma_start3A_235] : memref<10240x8xf32, #tpu.memory_space<hbm>> -> memref<128x8xf32, #tpu.memory_space<hbm>>
      tpu.enqueue_dma source(%dma_start3A_236 : memref<128x8xf32, #tpu.memory_space<hbm>>) target(%dma_start3A_234 : memref<128x8xf32, #tpu.memory_space<vmem>>) target_semaphore(%run_scoped3A_224 : memref<!tpu.dma_semaphore, #tpu.memory_space<semaphore_mem>>)
      %dma_wait3A = arith.constant 0 : i32
      %dma_wait3A_237 = arith.constant 0 : i32
      %dma_wait3A_238 = tpu.memref_slice %arg9[%run_scoped3A_28, %dma_wait3A, %dma_wait3A_237] : memref<8x128x8xf32, #tpu.memory_space<vmem>> -> memref<1x128x8xf32, #tpu.memory_space<vmem>>
      %dma_wait3A_239 = tpu.memref_squeeze %dma_wait3A_238 : memref<1x128x8xf32, #tpu.memory_space<vmem>> -> memref<128x8xf32, #tpu.memory_space<vmem>>
      %dma_wait3A_240 = arith.constant 0 : i32
      %dma_wait3A_241 = tpu.memref_slice %arg5[%add3A_27, %dma_wait3A_240] : memref<10240x8xf32, #tpu.memory_space<hbm>> -> memref<128x8xf32, #tpu.memory_space<hbm>>
      %dma_wait3A_242 = arith.constant 0 : i32
      %dma_wait3A_243 = arith.constant 0 : i32
      %dma_wait3A_244 = tpu.memref_slice %arg9[%run_scoped3A_28, %dma_wait3A_242, %dma_wait3A_243] : memref<8x128x8xf32, #tpu.memory_space<vmem>> -> memref<1x128x8xf32, #tpu.memory_space<vmem>>
      %dma_wait3A_245 = tpu.memref_squeeze %dma_wait3A_244 : memref<1x128x8xf32, #tpu.memory_space<vmem>> -> memref<128x8xf32, #tpu.memory_space<vmem>>
      %dma_wait3A_246 = arith.constant 0 : i32
      %dma_wait3A_247 = tpu.memref_slice %arg5[%add3A_27, %dma_wait3A_246] : memref<10240x8xf32, #tpu.memory_space<hbm>> -> memref<128x8xf32, #tpu.memory_space<hbm>>
      tpu.wait_dma2 semaphore(%run_scoped3A_224 : memref<!tpu.dma_semaphore, #tpu.memory_space<semaphore_mem>>) src(%dma_wait3A_247 : memref<128x8xf32, #tpu.memory_space<hbm>>) dst(%dma_wait3A_245 : memref<128x8xf32, #tpu.memory_space<vmem>>)
      tpu.yield
    }) : () -> ()
    %mul3A_29 = arith.constant 640 : i32
    %mul3A_30 = arith.muli %arg1, %mul3A_29 : i32
    %add3A_31 = arith.constant 256 : i32
    %add3A_32 = arith.addi %mul3A_30, %add3A_31 : i32
    %run_scoped3A_33 = arith.constant 0 : i32
    "tpu.region"() ({
      %run_scoped3A_224 = tpu.sem_alloc : memref<!tpu.dma_semaphore, #tpu.memory_space<semaphore_mem>>
      %dma_start3A_225 = arith.constant 0 : i32
      %dma_start3A_226 = arith.constant 0 : i32
      %dma_start3A_227 = tpu.memref_slice %arg9[%run_scoped3A_33, %dma_start3A_225, %dma_start3A_226] : memref<8x128x8xf32, #tpu.memory_space<vmem>> -> memref<1x128x8xf32, #tpu.memory_space<vmem>>
      %dma_start3A_228 = tpu.memref_squeeze %dma_start3A_227 : memref<1x128x8xf32, #tpu.memory_space<vmem>> -> memref<128x8xf32, #tpu.memory_space<vmem>>
      %dma_start3A_229 = arith.constant 0 : i32
      %dma_start3A_230 = tpu.memref_slice %arg10[%add3A_32, %dma_start3A_229] : memref<10240x8xf32, #tpu.memory_space<vmem_shared>> -> memref<128x8xf32, #tpu.memory_space<vmem_shared>>
      %dma_start3A_231 = arith.constant 0 : i32
      %dma_start3A_232 = tpu.memref_slice %arg10[%add3A_32, %dma_start3A_231] : memref<10240x8xf32, #tpu.memory_space<vmem_shared>> -> memref<128x8xf32, #tpu.memory_space<vmem_shared>>
      %dma_start3A_233 = arith.constant 0 : i32
      %dma_start3A_234 = arith.constant 0 : i32
      %dma_start3A_235 = tpu.memref_slice %arg9[%run_scoped3A_33, %dma_start3A_233, %dma_start3A_234] : memref<8x128x8xf32, #tpu.memory_space<vmem>> -> memref<1x128x8xf32, #tpu.memory_space<vmem>>
      %dma_start3A_236 = tpu.memref_squeeze %dma_start3A_235 : memref<1x128x8xf32, #tpu.memory_space<vmem>> -> memref<128x8xf32, #tpu.memory_space<vmem>>
      tpu.enqueue_dma source(%dma_start3A_236 : memref<128x8xf32, #tpu.memory_space<vmem>>) target(%dma_start3A_232 : memref<128x8xf32, #tpu.memory_space<vmem_shared>>) target_semaphore(%run_scoped3A_224 : memref<!tpu.dma_semaphore, #tpu.memory_space<semaphore_mem>>)
      %dma_wait3A = arith.constant 0 : i32
      %dma_wait3A_237 = arith.constant 0 : i32
      %dma_wait3A_238 = tpu.memref_slice %arg9[%run_scoped3A_33, %dma_wait3A, %dma_wait3A_237] : memref<8x128x8xf32, #tpu.memory_space<vmem>> -> memref<1x128x8xf32, #tpu.memory_space<vmem>>
      %dma_wait3A_239 = tpu.memref_squeeze %dma_wait3A_238 : memref<1x128x8xf32, #tpu.memory_space<vmem>> -> memref<128x8xf32, #tpu.memory_space<vmem>>
      %dma_wait3A_240 = arith.constant 0 : i32
      %dma_wait3A_241 = tpu.memref_slice %arg10[%add3A_32, %dma_wait3A_240] : memref<10240x8xf32, #tpu.memory_space<vmem_shared>> -> memref<128x8xf32, #tpu.memory_space<vmem_shared>>
      %dma_wait3A_242 = arith.constant 0 : i32
      %dma_wait3A_243 = tpu.memref_slice %arg10[%add3A_32, %dma_wait3A_242] : memref<10240x8xf32, #tpu.memory_space<vmem_shared>> -> memref<128x8xf32, #tpu.memory_space<vmem_shared>>
      %dma_wait3A_244 = arith.constant 0 : i32
      %dma_wait3A_245 = arith.constant 0 : i32
      %dma_wait3A_246 = tpu.memref_slice %arg9[%run_scoped3A_33, %dma_wait3A_244, %dma_wait3A_245] : memref<8x128x8xf32, #tpu.memory_space<vmem>> -> memref<1x128x8xf32, #tpu.memory_space<vmem>>
      %dma_wait3A_247 = tpu.memref_squeeze %dma_wait3A_246 : memref<1x128x8xf32, #tpu.memory_space<vmem>> -> memref<128x8xf32, #tpu.memory_space<vmem>>
      tpu.wait_dma2 semaphore(%run_scoped3A_224 : memref<!tpu.dma_semaphore, #tpu.memory_space<semaphore_mem>>) src(%dma_wait3A_247 : memref<128x8xf32, #tpu.memory_space<vmem>>) dst(%dma_wait3A_243 : memref<128x8xf32, #tpu.memory_space<vmem_shared>>)
      tpu.yield
    }) : () -> ()
    %mul3A_34 = arith.constant 640 : i32
    %mul3A_35 = arith.muli %arg1, %mul3A_34 : i32
    %add3A_36 = arith.constant 384 : i32
    %add3A_37 = arith.addi %mul3A_35, %add3A_36 : i32
    %run_scoped3A_38 = arith.constant 0 : i32
    "tpu.region"() ({
      %run_scoped3A_224 = tpu.sem_alloc : memref<!tpu.dma_semaphore, #tpu.memory_space<semaphore_mem>>
      %dma_start3A_225 = arith.constant 0 : i32
      %dma_start3A_226 = arith.constant 0 : i32
      %dma_start3A_227 = tpu.memref_slice %arg9[%run_scoped3A_38, %dma_start3A_225, %dma_start3A_226] : memref<8x128x8xf32, #tpu.memory_space<vmem>> -> memref<1x128x8xf32, #tpu.memory_space<vmem>>
      %dma_start3A_228 = tpu.memref_squeeze %dma_start3A_227 : memref<1x128x8xf32, #tpu.memory_space<vmem>> -> memref<128x8xf32, #tpu.memory_space<vmem>>
      %dma_start3A_229 = arith.constant 0 : i32
      %dma_start3A_230 = tpu.memref_slice %arg5[%add3A_37, %dma_start3A_229] : memref<10240x8xf32, #tpu.memory_space<hbm>> -> memref<128x8xf32, #tpu.memory_space<hbm>>
      %dma_start3A_231 = arith.constant 0 : i32
      %dma_start3A_232 = arith.constant 0 : i32
      %dma_start3A_233 = tpu.memref_slice %arg9[%run_scoped3A_38, %dma_start3A_231, %dma_start3A_232] : memref<8x128x8xf32, #tpu.memory_space<vmem>> -> memref<1x128x8xf32, #tpu.memory_space<vmem>>
      %dma_start3A_234 = tpu.memref_squeeze %dma_start3A_233 : memref<1x128x8xf32, #tpu.memory_space<vmem>> -> memref<128x8xf32, #tpu.memory_space<vmem>>
      %dma_start3A_235 = arith.constant 0 : i32
      %dma_start3A_236 = tpu.memref_slice %arg5[%add3A_37, %dma_start3A_235] : memref<10240x8xf32, #tpu.memory_space<hbm>> -> memref<128x8xf32, #tpu.memory_space<hbm>>
      tpu.enqueue_dma source(%dma_start3A_236 : memref<128x8xf32, #tpu.memory_space<hbm>>) target(%dma_start3A_234 : memref<128x8xf32, #tpu.memory_space<vmem>>) target_semaphore(%run_scoped3A_224 : memref<!tpu.dma_semaphore, #tpu.memory_space<semaphore_mem>>)
      %dma_wait3A = arith.constant 0 : i32
      %dma_wait3A_237 = arith.constant 0 : i32
      %dma_wait3A_238 = tpu.memref_slice %arg9[%run_scoped3A_38, %dma_wait3A, %dma_wait3A_237] : memref<8x128x8xf32, #tpu.memory_space<vmem>> -> memref<1x128x8xf32, #tpu.memory_space<vmem>>
      %dma_wait3A_239 = tpu.memref_squeeze %dma_wait3A_238 : memref<1x128x8xf32, #tpu.memory_space<vmem>> -> memref<128x8xf32, #tpu.memory_space<vmem>>
      %dma_wait3A_240 = arith.constant 0 : i32
      %dma_wait3A_241 = tpu.memref_slice %arg5[%add3A_37, %dma_wait3A_240] : memref<10240x8xf32, #tpu.memory_space<hbm>> -> memref<128x8xf32, #tpu.memory_space<hbm>>
      %dma_wait3A_242 = arith.constant 0 : i32
      %dma_wait3A_243 = arith.constant 0 : i32
      %dma_wait3A_244 = tpu.memref_slice %arg9[%run_scoped3A_38, %dma_wait3A_242, %dma_wait3A_243] : memref<8x128x8xf32, #tpu.memory_space<vmem>> -> memref<1x128x8xf32, #tpu.memory_space<vmem>>
      %dma_wait3A_245 = tpu.memref_squeeze %dma_wait3A_244 : memref<1x128x8xf32, #tpu.memory_space<vmem>> -> memref<128x8xf32, #tpu.memory_space<vmem>>
      %dma_wait3A_246 = arith.constant 0 : i32
      %dma_wait3A_247 = tpu.memref_slice %arg5[%add3A_37, %dma_wait3A_246] : memref<10240x8xf32, #tpu.memory_space<hbm>> -> memref<128x8xf32, #tpu.memory_space<hbm>>
      tpu.wait_dma2 semaphore(%run_scoped3A_224 : memref<!tpu.dma_semaphore, #tpu.memory_space<semaphore_mem>>) src(%dma_wait3A_247 : memref<128x8xf32, #tpu.memory_space<hbm>>) dst(%dma_wait3A_245 : memref<128x8xf32, #tpu.memory_space<vmem>>)
      tpu.yield
    }) : () -> ()
    %mul3A_39 = arith.constant 640 : i32
    %mul3A_40 = arith.muli %arg1, %mul3A_39 : i32
    %add3A_41 = arith.constant 384 : i32
    %add3A_42 = arith.addi %mul3A_40, %add3A_41 : i32
    %run_scoped3A_43 = arith.constant 0 : i32
    "tpu.region"() ({
      %run_scoped3A_224 = tpu.sem_alloc : memref<!tpu.dma_semaphore, #tpu.memory_space<semaphore_mem>>
      %dma_start3A_225 = arith.constant 0 : i32
      %dma_start3A_226 = arith.constant 0 : i32
      %dma_start3A_227 = tpu.memref_slice %arg9[%run_scoped3A_43, %dma_start3A_225, %dma_start3A_226] : memref<8x128x8xf32, #tpu.memory_space<vmem>> -> memref<1x128x8xf32, #tpu.memory_space<vmem>>
      %dma_start3A_228 = tpu.memref_squeeze %dma_start3A_227 : memref<1x128x8xf32, #tpu.memory_space<vmem>> -> memref<128x8xf32, #tpu.memory_space<vmem>>
      %dma_start3A_229 = arith.constant 0 : i32
      %dma_start3A_230 = tpu.memref_slice %arg10[%add3A_42, %dma_start3A_229] : memref<10240x8xf32, #tpu.memory_space<vmem_shared>> -> memref<128x8xf32, #tpu.memory_space<vmem_shared>>
      %dma_start3A_231 = arith.constant 0 : i32
      %dma_start3A_232 = tpu.memref_slice %arg10[%add3A_42, %dma_start3A_231] : memref<10240x8xf32, #tpu.memory_space<vmem_shared>> -> memref<128x8xf32, #tpu.memory_space<vmem_shared>>
      %dma_start3A_233 = arith.constant 0 : i32
      %dma_start3A_234 = arith.constant 0 : i32
      %dma_start3A_235 = tpu.memref_slice %arg9[%run_scoped3A_43, %dma_start3A_233, %dma_start3A_234] : memref<8x128x8xf32, #tpu.memory_space<vmem>> -> memref<1x128x8xf32, #tpu.memory_space<vmem>>
      %dma_start3A_236 = tpu.memref_squeeze %dma_start3A_235 : memref<1x128x8xf32, #tpu.memory_space<vmem>> -> memref<128x8xf32, #tpu.memory_space<vmem>>
      tpu.enqueue_dma source(%dma_start3A_236 : memref<128x8xf32, #tpu.memory_space<vmem>>) target(%dma_start3A_232 : memref<128x8xf32, #tpu.memory_space<vmem_shared>>) target_semaphore(%run_scoped3A_224 : memref<!tpu.dma_semaphore, #tpu.memory_space<semaphore_mem>>)
      %dma_wait3A = arith.constant 0 : i32
      %dma_wait3A_237 = arith.constant 0 : i32
      %dma_wait3A_238 = tpu.memref_slice %arg9[%run_scoped3A_43, %dma_wait3A, %dma_wait3A_237] : memref<8x128x8xf32, #tpu.memory_space<vmem>> -> memref<1x128x8xf32, #tpu.memory_space<vmem>>
      %dma_wait3A_239 = tpu.memref_squeeze %dma_wait3A_238 : memref<1x128x8xf32, #tpu.memory_space<vmem>> -> memref<128x8xf32, #tpu.memory_space<vmem>>
      %dma_wait3A_240 = arith.constant 0 : i32
      %dma_wait3A_241 = tpu.memref_slice %arg10[%add3A_42, %dma_wait3A_240] : memref<10240x8xf32, #tpu.memory_space<vmem_shared>> -> memref<128x8xf32, #tpu.memory_space<vmem_shared>>
      %dma_wait3A_242 = arith.constant 0 : i32
      %dma_wait3A_243 = tpu.memref_slice %arg10[%add3A_42, %dma_wait3A_242] : memref<10240x8xf32, #tpu.memory_space<vmem_shared>> -> memref<128x8xf32, #tpu.memory_space<vmem_shared>>
      %dma_wait3A_244 = arith.constant 0 : i32
      %dma_wait3A_245 = arith.constant 0 : i32
      %dma_wait3A_246 = tpu.memref_slice %arg9[%run_scoped3A_43, %dma_wait3A_244, %dma_wait3A_245] : memref<8x128x8xf32, #tpu.memory_space<vmem>> -> memref<1x128x8xf32, #tpu.memory_space<vmem>>
      %dma_wait3A_247 = tpu.memref_squeeze %dma_wait3A_246 : memref<1x128x8xf32, #tpu.memory_space<vmem>> -> memref<128x8xf32, #tpu.memory_space<vmem>>
      tpu.wait_dma2 semaphore(%run_scoped3A_224 : memref<!tpu.dma_semaphore, #tpu.memory_space<semaphore_mem>>) src(%dma_wait3A_247 : memref<128x8xf32, #tpu.memory_space<vmem>>) dst(%dma_wait3A_243 : memref<128x8xf32, #tpu.memory_space<vmem_shared>>)
      tpu.yield
    }) : () -> ()
    %mul3A_44 = arith.constant 640 : i32
    %mul3A_45 = arith.muli %arg1, %mul3A_44 : i32
    %add3A_46 = arith.constant 512 : i32
    %add3A_47 = arith.addi %mul3A_45, %add3A_46 : i32
    %run_scoped3A_48 = arith.constant 0 : i32
    "tpu.region"() ({
      %run_scoped3A_224 = tpu.sem_alloc : memref<!tpu.dma_semaphore, #tpu.memory_space<semaphore_mem>>
      %dma_start3A_225 = arith.constant 0 : i32
      %dma_start3A_226 = arith.constant 0 : i32
      %dma_start3A_227 = tpu.memref_slice %arg9[%run_scoped3A_48, %dma_start3A_225, %dma_start3A_226] : memref<8x128x8xf32, #tpu.memory_space<vmem>> -> memref<1x128x8xf32, #tpu.memory_space<vmem>>
      %dma_start3A_228 = tpu.memref_squeeze %dma_start3A_227 : memref<1x128x8xf32, #tpu.memory_space<vmem>> -> memref<128x8xf32, #tpu.memory_space<vmem>>
      %dma_start3A_229 = arith.constant 0 : i32
      %dma_start3A_230 = tpu.memref_slice %arg5[%add3A_47, %dma_start3A_229] : memref<10240x8xf32, #tpu.memory_space<hbm>> -> memref<128x8xf32, #tpu.memory_space<hbm>>
      %dma_start3A_231 = arith.constant 0 : i32
      %dma_start3A_232 = arith.constant 0 : i32
      %dma_start3A_233 = tpu.memref_slice %arg9[%run_scoped3A_48, %dma_start3A_231, %dma_start3A_232] : memref<8x128x8xf32, #tpu.memory_space<vmem>> -> memref<1x128x8xf32, #tpu.memory_space<vmem>>
      %dma_start3A_234 = tpu.memref_squeeze %dma_start3A_233 : memref<1x128x8xf32, #tpu.memory_space<vmem>> -> memref<128x8xf32, #tpu.memory_space<vmem>>
      %dma_start3A_235 = arith.constant 0 : i32
      %dma_start3A_236 = tpu.memref_slice %arg5[%add3A_47, %dma_start3A_235] : memref<10240x8xf32, #tpu.memory_space<hbm>> -> memref<128x8xf32, #tpu.memory_space<hbm>>
      tpu.enqueue_dma source(%dma_start3A_236 : memref<128x8xf32, #tpu.memory_space<hbm>>) target(%dma_start3A_234 : memref<128x8xf32, #tpu.memory_space<vmem>>) target_semaphore(%run_scoped3A_224 : memref<!tpu.dma_semaphore, #tpu.memory_space<semaphore_mem>>)
      %dma_wait3A = arith.constant 0 : i32
      %dma_wait3A_237 = arith.constant 0 : i32
      %dma_wait3A_238 = tpu.memref_slice %arg9[%run_scoped3A_48, %dma_wait3A, %dma_wait3A_237] : memref<8x128x8xf32, #tpu.memory_space<vmem>> -> memref<1x128x8xf32, #tpu.memory_space<vmem>>
      %dma_wait3A_239 = tpu.memref_squeeze %dma_wait3A_238 : memref<1x128x8xf32, #tpu.memory_space<vmem>> -> memref<128x8xf32, #tpu.memory_space<vmem>>
      %dma_wait3A_240 = arith.constant 0 : i32
      %dma_wait3A_241 = tpu.memref_slice %arg5[%add3A_47, %dma_wait3A_240] : memref<10240x8xf32, #tpu.memory_space<hbm>> -> memref<128x8xf32, #tpu.memory_space<hbm>>
      %dma_wait3A_242 = arith.constant 0 : i32
      %dma_wait3A_243 = arith.constant 0 : i32
      %dma_wait3A_244 = tpu.memref_slice %arg9[%run_scoped3A_48, %dma_wait3A_242, %dma_wait3A_243] : memref<8x128x8xf32, #tpu.memory_space<vmem>> -> memref<1x128x8xf32, #tpu.memory_space<vmem>>
      %dma_wait3A_245 = tpu.memref_squeeze %dma_wait3A_244 : memref<1x128x8xf32, #tpu.memory_space<vmem>> -> memref<128x8xf32, #tpu.memory_space<vmem>>
      %dma_wait3A_246 = arith.constant 0 : i32
      %dma_wait3A_247 = tpu.memref_slice %arg5[%add3A_47, %dma_wait3A_246] : memref<10240x8xf32, #tpu.memory_space<hbm>> -> memref<128x8xf32, #tpu.memory_space<hbm>>
      tpu.wait_dma2 semaphore(%run_scoped3A_224 : memref<!tpu.dma_semaphore, #tpu.memory_space<semaphore_mem>>) src(%dma_wait3A_247 : memref<128x8xf32, #tpu.memory_space<hbm>>) dst(%dma_wait3A_245 : memref<128x8xf32, #tpu.memory_space<vmem>>)
      tpu.yield
    }) : () -> ()
    %mul3A_49 = arith.constant 640 : i32
    %mul3A_50 = arith.muli %arg1, %mul3A_49 : i32
    %add3A_51 = arith.constant 512 : i32
    %add3A_52 = arith.addi %mul3A_50, %add3A_51 : i32
    %run_scoped3A_53 = arith.constant 0 : i32
    "tpu.region"() ({
      %run_scoped3A_224 = tpu.sem_alloc : memref<!tpu.dma_semaphore, #tpu.memory_space<semaphore_mem>>
      %dma_start3A_225 = arith.constant 0 : i32
      %dma_start3A_226 = arith.constant 0 : i32
      %dma_start3A_227 = tpu.memref_slice %arg9[%run_scoped3A_53, %dma_start3A_225, %dma_start3A_226] : memref<8x128x8xf32, #tpu.memory_space<vmem>> -> memref<1x128x8xf32, #tpu.memory_space<vmem>>
      %dma_start3A_228 = tpu.memref_squeeze %dma_start3A_227 : memref<1x128x8xf32, #tpu.memory_space<vmem>> -> memref<128x8xf32, #tpu.memory_space<vmem>>
      %dma_start3A_229 = arith.constant 0 : i32
      %dma_start3A_230 = tpu.memref_slice %arg10[%add3A_52, %dma_start3A_229] : memref<10240x8xf32, #tpu.memory_space<vmem_shared>> -> memref<128x8xf32, #tpu.memory_space<vmem_shared>>
      %dma_start3A_231 = arith.constant 0 : i32
      %dma_start3A_232 = tpu.memref_slice %arg10[%add3A_52, %dma_start3A_231] : memref<10240x8xf32, #tpu.memory_space<vmem_shared>> -> memref<128x8xf32, #tpu.memory_space<vmem_shared>>
      %dma_start3A_233 = arith.constant 0 : i32
      %dma_start3A_234 = arith.constant 0 : i32
      %dma_start3A_235 = tpu.memref_slice %arg9[%run_scoped3A_53, %dma_start3A_233, %dma_start3A_234] : memref<8x128x8xf32, #tpu.memory_space<vmem>> -> memref<1x128x8xf32, #tpu.memory_space<vmem>>
      %dma_start3A_236 = tpu.memref_squeeze %dma_start3A_235 : memref<1x128x8xf32, #tpu.memory_space<vmem>> -> memref<128x8xf32, #tpu.memory_space<vmem>>
      tpu.enqueue_dma source(%dma_start3A_236 : memref<128x8xf32, #tpu.memory_space<vmem>>) target(%dma_start3A_232 : memref<128x8xf32, #tpu.memory_space<vmem_shared>>) target_semaphore(%run_scoped3A_224 : memref<!tpu.dma_semaphore, #tpu.memory_space<semaphore_mem>>)
      %dma_wait3A = arith.constant 0 : i32
      %dma_wait3A_237 = arith.constant 0 : i32
      %dma_wait3A_238 = tpu.memref_slice %arg9[%run_scoped3A_53, %dma_wait3A, %dma_wait3A_237] : memref<8x128x8xf32, #tpu.memory_space<vmem>> -> memref<1x128x8xf32, #tpu.memory_space<vmem>>
      %dma_wait3A_239 = tpu.memref_squeeze %dma_wait3A_238 : memref<1x128x8xf32, #tpu.memory_space<vmem>> -> memref<128x8xf32, #tpu.memory_space<vmem>>
      %dma_wait3A_240 = arith.constant 0 : i32
      %dma_wait3A_241 = tpu.memref_slice %arg10[%add3A_52, %dma_wait3A_240] : memref<10240x8xf32, #tpu.memory_space<vmem_shared>> -> memref<128x8xf32, #tpu.memory_space<vmem_shared>>
      %dma_wait3A_242 = arith.constant 0 : i32
      %dma_wait3A_243 = tpu.memref_slice %arg10[%add3A_52, %dma_wait3A_242] : memref<10240x8xf32, #tpu.memory_space<vmem_shared>> -> memref<128x8xf32, #tpu.memory_space<vmem_shared>>
      %dma_wait3A_244 = arith.constant 0 : i32
      %dma_wait3A_245 = arith.constant 0 : i32
      %dma_wait3A_246 = tpu.memref_slice %arg9[%run_scoped3A_53, %dma_wait3A_244, %dma_wait3A_245] : memref<8x128x8xf32, #tpu.memory_space<vmem>> -> memref<1x128x8xf32, #tpu.memory_space<vmem>>
      %dma_wait3A_247 = tpu.memref_squeeze %dma_wait3A_246 : memref<1x128x8xf32, #tpu.memory_space<vmem>> -> memref<128x8xf32, #tpu.memory_space<vmem>>
      tpu.wait_dma2 semaphore(%run_scoped3A_224 : memref<!tpu.dma_semaphore, #tpu.memory_space<semaphore_mem>>) src(%dma_wait3A_247 : memref<128x8xf32, #tpu.memory_space<vmem>>) dst(%dma_wait3A_243 : memref<128x8xf32, #tpu.memory_space<vmem_shared>>)
      tpu.yield
    }) : () -> ()
    %mul3A_54 = arith.constant 80 : i32
    %mul3A_55 = arith.muli %add3A, %mul3A_54 : i32
    "tpu.region"() ({
      %run_scoped3A_224 = tpu.sem_alloc : memref<!tpu.dma_semaphore, #tpu.memory_space<semaphore_mem>>
      %dma_start3A_225 = arith.constant 0 : i32
      %dma_start3A_226 = tpu.memref_slice %arg3[%mul3A_55, %dma_start3A_225] : memref<2560x128xi32, #tpu.memory_space<hbm>> -> memref<80x128xi32, #tpu.memory_space<hbm>>
      %dma_start3A_227 = arith.constant 0 : i32
      %dma_start3A_228 = tpu.memref_slice %arg3[%mul3A_55, %dma_start3A_227] : memref<2560x128xi32, #tpu.memory_space<hbm>> -> memref<80x128xi32, #tpu.memory_space<hbm>>
      tpu.enqueue_dma source(%dma_start3A_228 : memref<80x128xi32, #tpu.memory_space<hbm>>) target(%arg7 : memref<80x128xi32, #tpu.memory_space<vmem>>) target_semaphore(%run_scoped3A_224 : memref<!tpu.dma_semaphore, #tpu.memory_space<semaphore_mem>>)
      %dma_wait3A = arith.constant 0 : i32
      %dma_wait3A_229 = tpu.memref_slice %arg3[%mul3A_55, %dma_wait3A] : memref<2560x128xi32, #tpu.memory_space<hbm>> -> memref<80x128xi32, #tpu.memory_space<hbm>>
      %dma_wait3A_230 = arith.constant 0 : i32
      %dma_wait3A_231 = tpu.memref_slice %arg3[%mul3A_55, %dma_wait3A_230] : memref<2560x128xi32, #tpu.memory_space<hbm>> -> memref<80x128xi32, #tpu.memory_space<hbm>>
      tpu.wait_dma2 semaphore(%run_scoped3A_224 : memref<!tpu.dma_semaphore, #tpu.memory_space<semaphore_mem>>) src(%dma_wait3A_231 : memref<80x128xi32, #tpu.memory_space<hbm>>) dst(%arg7 : memref<80x128xi32, #tpu.memory_space<vmem>>)
      tpu.yield
    }) : () -> ()
    %mul3A_56 = arith.constant 80 : i32
    %mul3A_57 = arith.muli %add3A, %mul3A_56 : i32
    "tpu.region"() ({
      %run_scoped3A_224 = tpu.sem_alloc : memref<!tpu.dma_semaphore, #tpu.memory_space<semaphore_mem>>
      %dma_start3A_225 = arith.constant 0 : i32
      %dma_start3A_226 = tpu.memref_slice %arg4[%mul3A_57, %dma_start3A_225] : memref<2560x128xi32, #tpu.memory_space<hbm>> -> memref<80x128xi32, #tpu.memory_space<hbm>>
      %dma_start3A_227 = arith.constant 0 : i32
      %dma_start3A_228 = tpu.memref_slice %arg4[%mul3A_57, %dma_start3A_227] : memref<2560x128xi32, #tpu.memory_space<hbm>> -> memref<80x128xi32, #tpu.memory_space<hbm>>
      tpu.enqueue_dma source(%dma_start3A_228 : memref<80x128xi32, #tpu.memory_space<hbm>>) target(%arg8 : memref<80x128xi32, #tpu.memory_space<vmem>>) target_semaphore(%run_scoped3A_224 : memref<!tpu.dma_semaphore, #tpu.memory_space<semaphore_mem>>)
      %dma_wait3A = arith.constant 0 : i32
      %dma_wait3A_229 = tpu.memref_slice %arg4[%mul3A_57, %dma_wait3A] : memref<2560x128xi32, #tpu.memory_space<hbm>> -> memref<80x128xi32, #tpu.memory_space<hbm>>
      %dma_wait3A_230 = arith.constant 0 : i32
      %dma_wait3A_231 = tpu.memref_slice %arg4[%mul3A_57, %dma_wait3A_230] : memref<2560x128xi32, #tpu.memory_space<hbm>> -> memref<80x128xi32, #tpu.memory_space<hbm>>
      tpu.wait_dma2 semaphore(%run_scoped3A_224 : memref<!tpu.dma_semaphore, #tpu.memory_space<semaphore_mem>>) src(%dma_wait3A_231 : memref<80x128xi32, #tpu.memory_space<hbm>>) dst(%arg8 : memref<80x128xi32, #tpu.memory_space<vmem>>)
      tpu.yield
    }) : () -> ()
    %barrier3A = arith.constant 0 : index
    tpu.barrier barrier_id(%barrier3A)
    %dma_start3A = arith.constant 0 : i32
    %dma_start3A_58 = arith.constant 0 : i32
    %dma_start3A_59 = arith.constant 0 : i32
    %dma_start3A_60 = arith.constant 0 : i32
    %dma_start3A_61 = tpu.memref_slice %arg9[%dma_start3A_58, %dma_start3A_59, %dma_start3A_60] : memref<8x128x8xf32, #tpu.memory_space<vmem>> -> memref<1x128x8xf32, #tpu.memory_space<vmem>>
    %dma_start3A_62 = tpu.memref_squeeze %dma_start3A_61 : memref<1x128x8xf32, #tpu.memory_space<vmem>> -> memref<128x8xf32, #tpu.memory_space<vmem>>
    %dma_start3A_63 = arith.constant 0 : i32
    %dma_start3A_64 = tpu.memref_slice %arg7[%dma_start3A, %dma_start3A_63] : memref<80x128xi32, #tpu.memory_space<vmem>> -> memref<1x128xi32, #tpu.memory_space<vmem>>
    %dma_start3A_65 = tpu.memref_squeeze %dma_start3A_64 : memref<1x128xi32, #tpu.memory_space<vmem>> -> memref<128xi32, #tpu.memory_space<vmem>>
    %dma_start3A_66 = arith.constant 0 : i32
    %dma_start3A_67 = arith.constant 0 : i32
    %dma_start3A_68 = tpu.memref_slice %arg11[%dma_start3A_66, %dma_start3A_67] : memref<10240x8xf32, #tpu.memory_space<vmem_shared>> -> memref<10240x8xf32, #tpu.memory_space<vmem_shared>>
    tpu.enqueue_indirect_dma source(%dma_start3A_68 : memref<10240x8xf32, #tpu.memory_space<vmem_shared>>) target(%dma_start3A_62 : memref<128x8xf32, #tpu.memory_space<vmem>>) offsets(%dma_start3A_65 : memref<128xi32, #tpu.memory_space<vmem>>) semaphore(%arg12 : memref<!tpu.dma_semaphore, #tpu.memory_space<semaphore_mem>>)
    %dma_start3A_69 = arith.constant 1 : i32
    %dma_start3A_70 = arith.constant 1 : i32
    %dma_start3A_71 = arith.constant 0 : i32
    %dma_start3A_72 = arith.constant 0 : i32
    %dma_start3A_73 = tpu.memref_slice %arg9[%dma_start3A_70, %dma_start3A_71, %dma_start3A_72] : memref<8x128x8xf32, #tpu.memory_space<vmem>> -> memref<1x128x8xf32, #tpu.memory_space<vmem>>
    %dma_start3A_74 = tpu.memref_squeeze %dma_start3A_73 : memref<1x128x8xf32, #tpu.memory_space<vmem>> -> memref<128x8xf32, #tpu.memory_space<vmem>>
    %dma_start3A_75 = arith.constant 0 : i32
    %dma_start3A_76 = tpu.memref_slice %arg7[%dma_start3A_69, %dma_start3A_75] : memref<80x128xi32, #tpu.memory_space<vmem>> -> memref<1x128xi32, #tpu.memory_space<vmem>>
    %dma_start3A_77 = tpu.memref_squeeze %dma_start3A_76 : memref<1x128xi32, #tpu.memory_space<vmem>> -> memref<128xi32, #tpu.memory_space<vmem>>
    %dma_start3A_78 = arith.constant 0 : i32
    %dma_start3A_79 = arith.constant 0 : i32
    %dma_start3A_80 = tpu.memref_slice %arg11[%dma_start3A_78, %dma_start3A_79] : memref<10240x8xf32, #tpu.memory_space<vmem_shared>> -> memref<10240x8xf32, #tpu.memory_space<vmem_shared>>
    tpu.enqueue_indirect_dma source(%dma_start3A_80 : memref<10240x8xf32, #tpu.memory_space<vmem_shared>>) target(%dma_start3A_74 : memref<128x8xf32, #tpu.memory_space<vmem>>) offsets(%dma_start3A_77 : memref<128xi32, #tpu.memory_space<vmem>>) semaphore(%arg13 : memref<!tpu.dma_semaphore, #tpu.memory_space<semaphore_mem>>)
    %dma_start3A_81 = arith.constant 2 : i32
    %dma_start3A_82 = arith.constant 2 : i32
    %dma_start3A_83 = arith.constant 0 : i32
    %dma_start3A_84 = arith.constant 0 : i32
    %dma_start3A_85 = tpu.memref_slice %arg9[%dma_start3A_82, %dma_start3A_83, %dma_start3A_84] : memref<8x128x8xf32, #tpu.memory_space<vmem>> -> memref<1x128x8xf32, #tpu.memory_space<vmem>>
    %dma_start3A_86 = tpu.memref_squeeze %dma_start3A_85 : memref<1x128x8xf32, #tpu.memory_space<vmem>> -> memref<128x8xf32, #tpu.memory_space<vmem>>
    %dma_start3A_87 = arith.constant 0 : i32
    %dma_start3A_88 = tpu.memref_slice %arg7[%dma_start3A_81, %dma_start3A_87] : memref<80x128xi32, #tpu.memory_space<vmem>> -> memref<1x128xi32, #tpu.memory_space<vmem>>
    %dma_start3A_89 = tpu.memref_squeeze %dma_start3A_88 : memref<1x128xi32, #tpu.memory_space<vmem>> -> memref<128xi32, #tpu.memory_space<vmem>>
    %dma_start3A_90 = arith.constant 0 : i32
    %dma_start3A_91 = arith.constant 0 : i32
    %dma_start3A_92 = tpu.memref_slice %arg11[%dma_start3A_90, %dma_start3A_91] : memref<10240x8xf32, #tpu.memory_space<vmem_shared>> -> memref<10240x8xf32, #tpu.memory_space<vmem_shared>>
    tpu.enqueue_indirect_dma source(%dma_start3A_92 : memref<10240x8xf32, #tpu.memory_space<vmem_shared>>) target(%dma_start3A_86 : memref<128x8xf32, #tpu.memory_space<vmem>>) offsets(%dma_start3A_89 : memref<128xi32, #tpu.memory_space<vmem>>) semaphore(%arg14 : memref<!tpu.dma_semaphore, #tpu.memory_space<semaphore_mem>>)
    %dma_start3A_93 = arith.constant 3 : i32
    %dma_start3A_94 = arith.constant 3 : i32
    %dma_start3A_95 = arith.constant 0 : i32
    %dma_start3A_96 = arith.constant 0 : i32
    %dma_start3A_97 = tpu.memref_slice %arg9[%dma_start3A_94, %dma_start3A_95, %dma_start3A_96] : memref<8x128x8xf32, #tpu.memory_space<vmem>> -> memref<1x128x8xf32, #tpu.memory_space<vmem>>
    %dma_start3A_98 = tpu.memref_squeeze %dma_start3A_97 : memref<1x128x8xf32, #tpu.memory_space<vmem>> -> memref<128x8xf32, #tpu.memory_space<vmem>>
    %dma_start3A_99 = arith.constant 0 : i32
    %dma_start3A_100 = tpu.memref_slice %arg7[%dma_start3A_93, %dma_start3A_99] : memref<80x128xi32, #tpu.memory_space<vmem>> -> memref<1x128xi32, #tpu.memory_space<vmem>>
    %dma_start3A_101 = tpu.memref_squeeze %dma_start3A_100 : memref<1x128xi32, #tpu.memory_space<vmem>> -> memref<128xi32, #tpu.memory_space<vmem>>
    %dma_start3A_102 = arith.constant 0 : i32
    %dma_start3A_103 = arith.constant 0 : i32
    %dma_start3A_104 = tpu.memref_slice %arg11[%dma_start3A_102, %dma_start3A_103] : memref<10240x8xf32, #tpu.memory_space<vmem_shared>> -> memref<10240x8xf32, #tpu.memory_space<vmem_shared>>
    tpu.enqueue_indirect_dma source(%dma_start3A_104 : memref<10240x8xf32, #tpu.memory_space<vmem_shared>>) target(%dma_start3A_98 : memref<128x8xf32, #tpu.memory_space<vmem>>) offsets(%dma_start3A_101 : memref<128xi32, #tpu.memory_space<vmem>>) semaphore(%arg15 : memref<!tpu.dma_semaphore, #tpu.memory_space<semaphore_mem>>)
    %dma_start3A_105 = arith.constant 4 : i32
    %dma_start3A_106 = arith.constant 4 : i32
    %dma_start3A_107 = arith.constant 0 : i32
    %dma_start3A_108 = arith.constant 0 : i32
    %dma_start3A_109 = tpu.memref_slice %arg9[%dma_start3A_106, %dma_start3A_107, %dma_start3A_108] : memref<8x128x8xf32, #tpu.memory_space<vmem>> -> memref<1x128x8xf32, #tpu.memory_space<vmem>>
    %dma_start3A_110 = tpu.memref_squeeze %dma_start3A_109 : memref<1x128x8xf32, #tpu.memory_space<vmem>> -> memref<128x8xf32, #tpu.memory_space<vmem>>
    %dma_start3A_111 = arith.constant 0 : i32
    %dma_start3A_112 = tpu.memref_slice %arg7[%dma_start3A_105, %dma_start3A_111] : memref<80x128xi32, #tpu.memory_space<vmem>> -> memref<1x128xi32, #tpu.memory_space<vmem>>
    %dma_start3A_113 = tpu.memref_squeeze %dma_start3A_112 : memref<1x128xi32, #tpu.memory_space<vmem>> -> memref<128xi32, #tpu.memory_space<vmem>>
    %dma_start3A_114 = arith.constant 0 : i32
    %dma_start3A_115 = arith.constant 0 : i32
    %dma_start3A_116 = tpu.memref_slice %arg11[%dma_start3A_114, %dma_start3A_115] : memref<10240x8xf32, #tpu.memory_space<vmem_shared>> -> memref<10240x8xf32, #tpu.memory_space<vmem_shared>>
    tpu.enqueue_indirect_dma source(%dma_start3A_116 : memref<10240x8xf32, #tpu.memory_space<vmem_shared>>) target(%dma_start3A_110 : memref<128x8xf32, #tpu.memory_space<vmem>>) offsets(%dma_start3A_113 : memref<128xi32, #tpu.memory_space<vmem>>) semaphore(%arg16 : memref<!tpu.dma_semaphore, #tpu.memory_space<semaphore_mem>>)
    %dma_start3A_117 = arith.constant 5 : i32
    %dma_start3A_118 = arith.constant 5 : i32
    %dma_start3A_119 = arith.constant 0 : i32
    %dma_start3A_120 = arith.constant 0 : i32
    %dma_start3A_121 = tpu.memref_slice %arg9[%dma_start3A_118, %dma_start3A_119, %dma_start3A_120] : memref<8x128x8xf32, #tpu.memory_space<vmem>> -> memref<1x128x8xf32, #tpu.memory_space<vmem>>
    %dma_start3A_122 = tpu.memref_squeeze %dma_start3A_121 : memref<1x128x8xf32, #tpu.memory_space<vmem>> -> memref<128x8xf32, #tpu.memory_space<vmem>>
    %dma_start3A_123 = arith.constant 0 : i32
    %dma_start3A_124 = tpu.memref_slice %arg7[%dma_start3A_117, %dma_start3A_123] : memref<80x128xi32, #tpu.memory_space<vmem>> -> memref<1x128xi32, #tpu.memory_space<vmem>>
    %dma_start3A_125 = tpu.memref_squeeze %dma_start3A_124 : memref<1x128xi32, #tpu.memory_space<vmem>> -> memref<128xi32, #tpu.memory_space<vmem>>
    %dma_start3A_126 = arith.constant 0 : i32
    %dma_start3A_127 = arith.constant 0 : i32
    %dma_start3A_128 = tpu.memref_slice %arg11[%dma_start3A_126, %dma_start3A_127] : memref<10240x8xf32, #tpu.memory_space<vmem_shared>> -> memref<10240x8xf32, #tpu.memory_space<vmem_shared>>
    tpu.enqueue_indirect_dma source(%dma_start3A_128 : memref<10240x8xf32, #tpu.memory_space<vmem_shared>>) target(%dma_start3A_122 : memref<128x8xf32, #tpu.memory_space<vmem>>) offsets(%dma_start3A_125 : memref<128xi32, #tpu.memory_space<vmem>>) semaphore(%arg17 : memref<!tpu.dma_semaphore, #tpu.memory_space<semaphore_mem>>)
    %dma_start3A_129 = arith.constant 6 : i32
    %dma_start3A_130 = arith.constant 6 : i32
    %dma_start3A_131 = arith.constant 0 : i32
    %dma_start3A_132 = arith.constant 0 : i32
    %dma_start3A_133 = tpu.memref_slice %arg9[%dma_start3A_130, %dma_start3A_131, %dma_start3A_132] : memref<8x128x8xf32, #tpu.memory_space<vmem>> -> memref<1x128x8xf32, #tpu.memory_space<vmem>>
    %dma_start3A_134 = tpu.memref_squeeze %dma_start3A_133 : memref<1x128x8xf32, #tpu.memory_space<vmem>> -> memref<128x8xf32, #tpu.memory_space<vmem>>
    %dma_start3A_135 = arith.constant 0 : i32
    %dma_start3A_136 = tpu.memref_slice %arg7[%dma_start3A_129, %dma_start3A_135] : memref<80x128xi32, #tpu.memory_space<vmem>> -> memref<1x128xi32, #tpu.memory_space<vmem>>
    %dma_start3A_137 = tpu.memref_squeeze %dma_start3A_136 : memref<1x128xi32, #tpu.memory_space<vmem>> -> memref<128xi32, #tpu.memory_space<vmem>>
    %dma_start3A_138 = arith.constant 0 : i32
    %dma_start3A_139 = arith.constant 0 : i32
    %dma_start3A_140 = tpu.memref_slice %arg11[%dma_start3A_138, %dma_start3A_139] : memref<10240x8xf32, #tpu.memory_space<vmem_shared>> -> memref<10240x8xf32, #tpu.memory_space<vmem_shared>>
    tpu.enqueue_indirect_dma source(%dma_start3A_140 : memref<10240x8xf32, #tpu.memory_space<vmem_shared>>) target(%dma_start3A_134 : memref<128x8xf32, #tpu.memory_space<vmem>>) offsets(%dma_start3A_137 : memref<128xi32, #tpu.memory_space<vmem>>) semaphore(%arg18 : memref<!tpu.dma_semaphore, #tpu.memory_space<semaphore_mem>>)
    %dma_start3A_141 = arith.constant 7 : i32
    %dma_start3A_142 = arith.constant 7 : i32
    %dma_start3A_143 = arith.constant 0 : i32
    %dma_start3A_144 = arith.constant 0 : i32
    %dma_start3A_145 = tpu.memref_slice %arg9[%dma_start3A_142, %dma_start3A_143, %dma_start3A_144] : memref<8x128x8xf32, #tpu.memory_space<vmem>> -> memref<1x128x8xf32, #tpu.memory_space<vmem>>
    %dma_start3A_146 = tpu.memref_squeeze %dma_start3A_145 : memref<1x128x8xf32, #tpu.memory_space<vmem>> -> memref<128x8xf32, #tpu.memory_space<vmem>>
    %dma_start3A_147 = arith.constant 0 : i32
    %dma_start3A_148 = tpu.memref_slice %arg7[%dma_start3A_141, %dma_start3A_147] : memref<80x128xi32, #tpu.memory_space<vmem>> -> memref<1x128xi32, #tpu.memory_space<vmem>>
    %dma_start3A_149 = tpu.memref_squeeze %dma_start3A_148 : memref<1x128xi32, #tpu.memory_space<vmem>> -> memref<128xi32, #tpu.memory_space<vmem>>
    %dma_start3A_150 = arith.constant 0 : i32
    %dma_start3A_151 = arith.constant 0 : i32
    %dma_start3A_152 = tpu.memref_slice %arg11[%dma_start3A_150, %dma_start3A_151] : memref<10240x8xf32, #tpu.memory_space<vmem_shared>> -> memref<10240x8xf32, #tpu.memory_space<vmem_shared>>
    tpu.enqueue_indirect_dma source(%dma_start3A_152 : memref<10240x8xf32, #tpu.memory_space<vmem_shared>>) target(%dma_start3A_146 : memref<128x8xf32, #tpu.memory_space<vmem>>) offsets(%dma_start3A_149 : memref<128xi32, #tpu.memory_space<vmem>>) semaphore(%arg19 : memref<!tpu.dma_semaphore, #tpu.memory_space<semaphore_mem>>)
    %scan3A = arith.constant 0 : i32
    %scan3A_153 = arith.constant 0 : i32
    %scan3A_154 = arith.constant 10 : i32
    %scan3A_155 = arith.addi %scan3A_153, %scan3A_154 : i32
    %scan3A_156 = arith.constant 1 : i32
    scf.for %scan3A_224 = %scan3A_153 to %scan3A_155 step %scan3A_156  : i32 {
      %mul3A_225 = arith.constant 8 : i32
      %mul3A_226 = arith.muli %mul3A_225, %scan3A_224 : i32
      %add3A_227 = arith.constant 0 : i32
      %add3A_228 = arith.addi %mul3A_226, %add3A_227 : i32
      %dma_wait3A = arith.constant 0 : i32
      %dma_wait3A_229 = arith.constant 0 : i32
      %dma_wait3A_230 = arith.constant 0 : i32
      %dma_wait3A_231 = tpu.memref_slice %arg9[%dma_wait3A, %dma_wait3A_229, %dma_wait3A_230] : memref<8x128x8xf32, #tpu.memory_space<vmem>> -> memref<1x128x8xf32, #tpu.memory_space<vmem>>
      %dma_wait3A_232 = tpu.memref_squeeze %dma_wait3A_231 : memref<1x128x8xf32, #tpu.memory_space<vmem>> -> memref<128x8xf32, #tpu.memory_space<vmem>>
      %dma_wait3A_233 = arith.constant 0 : i32
      %dma_wait3A_234 = tpu.memref_slice %arg7[%add3A_228, %dma_wait3A_233] : memref<80x128xi32, #tpu.memory_space<vmem>> -> memref<1x128xi32, #tpu.memory_space<vmem>>
      %dma_wait3A_235 = tpu.memref_squeeze %dma_wait3A_234 : memref<1x128xi32, #tpu.memory_space<vmem>> -> memref<128xi32, #tpu.memory_space<vmem>>
      %dma_wait3A_236 = arith.constant 0 : i32
      %dma_wait3A_237 = arith.constant 0 : i32
      %dma_wait3A_238 = tpu.memref_slice %arg11[%dma_wait3A_236, %dma_wait3A_237] : memref<10240x8xf32, #tpu.memory_space<vmem_shared>> -> memref<10240x8xf32, #tpu.memory_space<vmem_shared>>
      tpu.wait_indirect_dma semaphore(%arg12 : memref<!tpu.dma_semaphore, #tpu.memory_space<semaphore_mem>>) src(%dma_wait3A_238 : memref<10240x8xf32, #tpu.memory_space<vmem_shared>>) dst(%dma_wait3A_232 : memref<128x8xf32, #tpu.memory_space<vmem>>)
      %add3A_239 = arith.constant 0 : i32
      %add3A_240 = arith.addi %mul3A_226, %add3A_239 : i32
      %dma_start3A_241 = arith.constant 0 : i32
      %dma_start3A_242 = arith.constant 0 : i32
      %dma_start3A_243 = arith.constant 0 : i32
      %dma_start3A_244 = tpu.memref_slice %arg9[%dma_start3A_241, %dma_start3A_242, %dma_start3A_243] : memref<8x128x8xf32, #tpu.memory_space<vmem>> -> memref<1x128x8xf32, #tpu.memory_space<vmem>>
      %dma_start3A_245 = tpu.memref_squeeze %dma_start3A_244 : memref<1x128x8xf32, #tpu.memory_space<vmem>> -> memref<128x8xf32, #tpu.memory_space<vmem>>
      %dma_start3A_246 = arith.constant 0 : i32
      %dma_start3A_247 = tpu.memref_slice %arg8[%add3A_240, %dma_start3A_246] : memref<80x128xi32, #tpu.memory_space<vmem>> -> memref<1x128xi32, #tpu.memory_space<vmem>>
      %dma_start3A_248 = tpu.memref_squeeze %dma_start3A_247 : memref<1x128xi32, #tpu.memory_space<vmem>> -> memref<128xi32, #tpu.memory_space<vmem>>
      %dma_start3A_249 = arith.constant 0 : i32
      %dma_start3A_250 = arith.constant 0 : i32
      %dma_start3A_251 = tpu.memref_slice %arg10[%dma_start3A_249, %dma_start3A_250] : memref<10240x8xf32, #tpu.memory_space<vmem_shared>> -> memref<10240x8xf32, #tpu.memory_space<vmem_shared>>
      tpu.enqueue_indirect_dma source(%dma_start3A_245 : memref<128x8xf32, #tpu.memory_space<vmem>>) target(%dma_start3A_251 : memref<10240x8xf32, #tpu.memory_space<vmem_shared>>) offsets(%dma_start3A_248 : memref<128xi32, #tpu.memory_space<vmem>>) semaphore(%arg20 : memref<!tpu.dma_semaphore, #tpu.memory_space<semaphore_mem>>) {add = true}
      %add3A_252 = arith.constant 1 : i32
      %add3A_253 = arith.addi %mul3A_226, %add3A_252 : i32
      %dma_wait3A_254 = arith.constant 1 : i32
      %dma_wait3A_255 = arith.constant 0 : i32
      %dma_wait3A_256 = arith.constant 0 : i32
      %dma_wait3A_257 = tpu.memref_slice %arg9[%dma_wait3A_254, %dma_wait3A_255, %dma_wait3A_256] : memref<8x128x8xf32, #tpu.memory_space<vmem>> -> memref<1x128x8xf32, #tpu.memory_space<vmem>>
      %dma_wait3A_258 = tpu.memref_squeeze %dma_wait3A_257 : memref<1x128x8xf32, #tpu.memory_space<vmem>> -> memref<128x8xf32, #tpu.memory_space<vmem>>
      %dma_wait3A_259 = arith.constant 0 : i32
      %dma_wait3A_260 = tpu.memref_slice %arg7[%add3A_253, %dma_wait3A_259] : memref<80x128xi32, #tpu.memory_space<vmem>> -> memref<1x128xi32, #tpu.memory_space<vmem>>
      %dma_wait3A_261 = tpu.memref_squeeze %dma_wait3A_260 : memref<1x128xi32, #tpu.memory_space<vmem>> -> memref<128xi32, #tpu.memory_space<vmem>>
      %dma_wait3A_262 = arith.constant 0 : i32
      %dma_wait3A_263 = arith.constant 0 : i32
      %dma_wait3A_264 = tpu.memref_slice %arg11[%dma_wait3A_262, %dma_wait3A_263] : memref<10240x8xf32, #tpu.memory_space<vmem_shared>> -> memref<10240x8xf32, #tpu.memory_space<vmem_shared>>
      tpu.wait_indirect_dma semaphore(%arg13 : memref<!tpu.dma_semaphore, #tpu.memory_space<semaphore_mem>>) src(%dma_wait3A_264 : memref<10240x8xf32, #tpu.memory_space<vmem_shared>>) dst(%dma_wait3A_258 : memref<128x8xf32, #tpu.memory_space<vmem>>)
      %add3A_265 = arith.constant 1 : i32
      %add3A_266 = arith.addi %mul3A_226, %add3A_265 : i32
      %dma_start3A_267 = arith.constant 1 : i32
      %dma_start3A_268 = arith.constant 0 : i32
      %dma_start3A_269 = arith.constant 0 : i32
      %dma_start3A_270 = tpu.memref_slice %arg9[%dma_start3A_267, %dma_start3A_268, %dma_start3A_269] : memref<8x128x8xf32, #tpu.memory_space<vmem>> -> memref<1x128x8xf32, #tpu.memory_space<vmem>>
      %dma_start3A_271 = tpu.memref_squeeze %dma_start3A_270 : memref<1x128x8xf32, #tpu.memory_space<vmem>> -> memref<128x8xf32, #tpu.memory_space<vmem>>
      %dma_start3A_272 = arith.constant 0 : i32
      %dma_start3A_273 = tpu.memref_slice %arg8[%add3A_266, %dma_start3A_272] : memref<80x128xi32, #tpu.memory_space<vmem>> -> memref<1x128xi32, #tpu.memory_space<vmem>>
      %dma_start3A_274 = tpu.memref_squeeze %dma_start3A_273 : memref<1x128xi32, #tpu.memory_space<vmem>> -> memref<128xi32, #tpu.memory_space<vmem>>
      %dma_start3A_275 = arith.constant 0 : i32
      %dma_start3A_276 = arith.constant 0 : i32
      %dma_start3A_277 = tpu.memref_slice %arg10[%dma_start3A_275, %dma_start3A_276] : memref<10240x8xf32, #tpu.memory_space<vmem_shared>> -> memref<10240x8xf32, #tpu.memory_space<vmem_shared>>
      tpu.enqueue_indirect_dma source(%dma_start3A_271 : memref<128x8xf32, #tpu.memory_space<vmem>>) target(%dma_start3A_277 : memref<10240x8xf32, #tpu.memory_space<vmem_shared>>) offsets(%dma_start3A_274 : memref<128xi32, #tpu.memory_space<vmem>>) semaphore(%arg20 : memref<!tpu.dma_semaphore, #tpu.memory_space<semaphore_mem>>) {add = true}
      %add3A_278 = arith.constant 2 : i32
      %add3A_279 = arith.addi %mul3A_226, %add3A_278 : i32
      %dma_wait3A_280 = arith.constant 2 : i32
      %dma_wait3A_281 = arith.constant 0 : i32
      %dma_wait3A_282 = arith.constant 0 : i32
      %dma_wait3A_283 = tpu.memref_slice %arg9[%dma_wait3A_280, %dma_wait3A_281, %dma_wait3A_282] : memref<8x128x8xf32, #tpu.memory_space<vmem>> -> memref<1x128x8xf32, #tpu.memory_space<vmem>>
      %dma_wait3A_284 = tpu.memref_squeeze %dma_wait3A_283 : memref<1x128x8xf32, #tpu.memory_space<vmem>> -> memref<128x8xf32, #tpu.memory_space<vmem>>
      %dma_wait3A_285 = arith.constant 0 : i32
      %dma_wait3A_286 = tpu.memref_slice %arg7[%add3A_279, %dma_wait3A_285] : memref<80x128xi32, #tpu.memory_space<vmem>> -> memref<1x128xi32, #tpu.memory_space<vmem>>
      %dma_wait3A_287 = tpu.memref_squeeze %dma_wait3A_286 : memref<1x128xi32, #tpu.memory_space<vmem>> -> memref<128xi32, #tpu.memory_space<vmem>>
      %dma_wait3A_288 = arith.constant 0 : i32
      %dma_wait3A_289 = arith.constant 0 : i32
      %dma_wait3A_290 = tpu.memref_slice %arg11[%dma_wait3A_288, %dma_wait3A_289] : memref<10240x8xf32, #tpu.memory_space<vmem_shared>> -> memref<10240x8xf32, #tpu.memory_space<vmem_shared>>
      tpu.wait_indirect_dma semaphore(%arg14 : memref<!tpu.dma_semaphore, #tpu.memory_space<semaphore_mem>>) src(%dma_wait3A_290 : memref<10240x8xf32, #tpu.memory_space<vmem_shared>>) dst(%dma_wait3A_284 : memref<128x8xf32, #tpu.memory_space<vmem>>)
      %add3A_291 = arith.constant 2 : i32
      %add3A_292 = arith.addi %mul3A_226, %add3A_291 : i32
      %dma_start3A_293 = arith.constant 2 : i32
      %dma_start3A_294 = arith.constant 0 : i32
      %dma_start3A_295 = arith.constant 0 : i32
      %dma_start3A_296 = tpu.memref_slice %arg9[%dma_start3A_293, %dma_start3A_294, %dma_start3A_295] : memref<8x128x8xf32, #tpu.memory_space<vmem>> -> memref<1x128x8xf32, #tpu.memory_space<vmem>>
      %dma_start3A_297 = tpu.memref_squeeze %dma_start3A_296 : memref<1x128x8xf32, #tpu.memory_space<vmem>> -> memref<128x8xf32, #tpu.memory_space<vmem>>
      %dma_start3A_298 = arith.constant 0 : i32
      %dma_start3A_299 = tpu.memref_slice %arg8[%add3A_292, %dma_start3A_298] : memref<80x128xi32, #tpu.memory_space<vmem>> -> memref<1x128xi32, #tpu.memory_space<vmem>>
      %dma_start3A_300 = tpu.memref_squeeze %dma_start3A_299 : memref<1x128xi32, #tpu.memory_space<vmem>> -> memref<128xi32, #tpu.memory_space<vmem>>
      %dma_start3A_301 = arith.constant 0 : i32
      %dma_start3A_302 = arith.constant 0 : i32
      %dma_start3A_303 = tpu.memref_slice %arg10[%dma_start3A_301, %dma_start3A_302] : memref<10240x8xf32, #tpu.memory_space<vmem_shared>> -> memref<10240x8xf32, #tpu.memory_space<vmem_shared>>
      tpu.enqueue_indirect_dma source(%dma_start3A_297 : memref<128x8xf32, #tpu.memory_space<vmem>>) target(%dma_start3A_303 : memref<10240x8xf32, #tpu.memory_space<vmem_shared>>) offsets(%dma_start3A_300 : memref<128xi32, #tpu.memory_space<vmem>>) semaphore(%arg20 : memref<!tpu.dma_semaphore, #tpu.memory_space<semaphore_mem>>) {add = true}
      %add3A_304 = arith.constant 3 : i32
      %add3A_305 = arith.addi %mul3A_226, %add3A_304 : i32
      %dma_wait3A_306 = arith.constant 3 : i32
      %dma_wait3A_307 = arith.constant 0 : i32
      %dma_wait3A_308 = arith.constant 0 : i32
      %dma_wait3A_309 = tpu.memref_slice %arg9[%dma_wait3A_306, %dma_wait3A_307, %dma_wait3A_308] : memref<8x128x8xf32, #tpu.memory_space<vmem>> -> memref<1x128x8xf32, #tpu.memory_space<vmem>>
      %dma_wait3A_310 = tpu.memref_squeeze %dma_wait3A_309 : memref<1x128x8xf32, #tpu.memory_space<vmem>> -> memref<128x8xf32, #tpu.memory_space<vmem>>
      %dma_wait3A_311 = arith.constant 0 : i32
      %dma_wait3A_312 = tpu.memref_slice %arg7[%add3A_305, %dma_wait3A_311] : memref<80x128xi32, #tpu.memory_space<vmem>> -> memref<1x128xi32, #tpu.memory_space<vmem>>
      %dma_wait3A_313 = tpu.memref_squeeze %dma_wait3A_312 : memref<1x128xi32, #tpu.memory_space<vmem>> -> memref<128xi32, #tpu.memory_space<vmem>>
      %dma_wait3A_314 = arith.constant 0 : i32
      %dma_wait3A_315 = arith.constant 0 : i32
      %dma_wait3A_316 = tpu.memref_slice %arg11[%dma_wait3A_314, %dma_wait3A_315] : memref<10240x8xf32, #tpu.memory_space<vmem_shared>> -> memref<10240x8xf32, #tpu.memory_space<vmem_shared>>
      tpu.wait_indirect_dma semaphore(%arg15 : memref<!tpu.dma_semaphore, #tpu.memory_space<semaphore_mem>>) src(%dma_wait3A_316 : memref<10240x8xf32, #tpu.memory_space<vmem_shared>>) dst(%dma_wait3A_310 : memref<128x8xf32, #tpu.memory_space<vmem>>)
      %add3A_317 = arith.constant 3 : i32
      %add3A_318 = arith.addi %mul3A_226, %add3A_317 : i32
      %dma_start3A_319 = arith.constant 3 : i32
      %dma_start3A_320 = arith.constant 0 : i32
      %dma_start3A_321 = arith.constant 0 : i32
      %dma_start3A_322 = tpu.memref_slice %arg9[%dma_start3A_319, %dma_start3A_320, %dma_start3A_321] : memref<8x128x8xf32, #tpu.memory_space<vmem>> -> memref<1x128x8xf32, #tpu.memory_space<vmem>>
      %dma_start3A_323 = tpu.memref_squeeze %dma_start3A_322 : memref<1x128x8xf32, #tpu.memory_space<vmem>> -> memref<128x8xf32, #tpu.memory_space<vmem>>
      %dma_start3A_324 = arith.constant 0 : i32
      %dma_start3A_325 = tpu.memref_slice %arg8[%add3A_318, %dma_start3A_324] : memref<80x128xi32, #tpu.memory_space<vmem>> -> memref<1x128xi32, #tpu.memory_space<vmem>>
      %dma_start3A_326 = tpu.memref_squeeze %dma_start3A_325 : memref<1x128xi32, #tpu.memory_space<vmem>> -> memref<128xi32, #tpu.memory_space<vmem>>
      %dma_start3A_327 = arith.constant 0 : i32
      %dma_start3A_328 = arith.constant 0 : i32
      %dma_start3A_329 = tpu.memref_slice %arg10[%dma_start3A_327, %dma_start3A_328] : memref<10240x8xf32, #tpu.memory_space<vmem_shared>> -> memref<10240x8xf32, #tpu.memory_space<vmem_shared>>
      tpu.enqueue_indirect_dma source(%dma_start3A_323 : memref<128x8xf32, #tpu.memory_space<vmem>>) target(%dma_start3A_329 : memref<10240x8xf32, #tpu.memory_space<vmem_shared>>) offsets(%dma_start3A_326 : memref<128xi32, #tpu.memory_space<vmem>>) semaphore(%arg20 : memref<!tpu.dma_semaphore, #tpu.memory_space<semaphore_mem>>) {add = true}
      %add3A_330 = arith.constant 4 : i32
      %add3A_331 = arith.addi %mul3A_226, %add3A_330 : i32
      %dma_wait3A_332 = arith.constant 4 : i32
      %dma_wait3A_333 = arith.constant 0 : i32
      %dma_wait3A_334 = arith.constant 0 : i32
      %dma_wait3A_335 = tpu.memref_slice %arg9[%dma_wait3A_332, %dma_wait3A_333, %dma_wait3A_334] : memref<8x128x8xf32, #tpu.memory_space<vmem>> -> memref<1x128x8xf32, #tpu.memory_space<vmem>>
      %dma_wait3A_336 = tpu.memref_squeeze %dma_wait3A_335 : memref<1x128x8xf32, #tpu.memory_space<vmem>> -> memref<128x8xf32, #tpu.memory_space<vmem>>
      %dma_wait3A_337 = arith.constant 0 : i32
      %dma_wait3A_338 = tpu.memref_slice %arg7[%add3A_331, %dma_wait3A_337] : memref<80x128xi32, #tpu.memory_space<vmem>> -> memref<1x128xi32, #tpu.memory_space<vmem>>
      %dma_wait3A_339 = tpu.memref_squeeze %dma_wait3A_338 : memref<1x128xi32, #tpu.memory_space<vmem>> -> memref<128xi32, #tpu.memory_space<vmem>>
      %dma_wait3A_340 = arith.constant 0 : i32
      %dma_wait3A_341 = arith.constant 0 : i32
      %dma_wait3A_342 = tpu.memref_slice %arg11[%dma_wait3A_340, %dma_wait3A_341] : memref<10240x8xf32, #tpu.memory_space<vmem_shared>> -> memref<10240x8xf32, #tpu.memory_space<vmem_shared>>
      tpu.wait_indirect_dma semaphore(%arg16 : memref<!tpu.dma_semaphore, #tpu.memory_space<semaphore_mem>>) src(%dma_wait3A_342 : memref<10240x8xf32, #tpu.memory_space<vmem_shared>>) dst(%dma_wait3A_336 : memref<128x8xf32, #tpu.memory_space<vmem>>)
      %add3A_343 = arith.constant 4 : i32
      %add3A_344 = arith.addi %mul3A_226, %add3A_343 : i32
      %dma_start3A_345 = arith.constant 4 : i32
      %dma_start3A_346 = arith.constant 0 : i32
      %dma_start3A_347 = arith.constant 0 : i32
      %dma_start3A_348 = tpu.memref_slice %arg9[%dma_start3A_345, %dma_start3A_346, %dma_start3A_347] : memref<8x128x8xf32, #tpu.memory_space<vmem>> -> memref<1x128x8xf32, #tpu.memory_space<vmem>>
      %dma_start3A_349 = tpu.memref_squeeze %dma_start3A_348 : memref<1x128x8xf32, #tpu.memory_space<vmem>> -> memref<128x8xf32, #tpu.memory_space<vmem>>
      %dma_start3A_350 = arith.constant 0 : i32
      %dma_start3A_351 = tpu.memref_slice %arg8[%add3A_344, %dma_start3A_350] : memref<80x128xi32, #tpu.memory_space<vmem>> -> memref<1x128xi32, #tpu.memory_space<vmem>>
      %dma_start3A_352 = tpu.memref_squeeze %dma_start3A_351 : memref<1x128xi32, #tpu.memory_space<vmem>> -> memref<128xi32, #tpu.memory_space<vmem>>
      %dma_start3A_353 = arith.constant 0 : i32
      %dma_start3A_354 = arith.constant 0 : i32
      %dma_start3A_355 = tpu.memref_slice %arg10[%dma_start3A_353, %dma_start3A_354] : memref<10240x8xf32, #tpu.memory_space<vmem_shared>> -> memref<10240x8xf32, #tpu.memory_space<vmem_shared>>
      tpu.enqueue_indirect_dma source(%dma_start3A_349 : memref<128x8xf32, #tpu.memory_space<vmem>>) target(%dma_start3A_355 : memref<10240x8xf32, #tpu.memory_space<vmem_shared>>) offsets(%dma_start3A_352 : memref<128xi32, #tpu.memory_space<vmem>>) semaphore(%arg20 : memref<!tpu.dma_semaphore, #tpu.memory_space<semaphore_mem>>) {add = true}
      %add3A_356 = arith.constant 5 : i32
      %add3A_357 = arith.addi %mul3A_226, %add3A_356 : i32
      %dma_wait3A_358 = arith.constant 5 : i32
      %dma_wait3A_359 = arith.constant 0 : i32
      %dma_wait3A_360 = arith.constant 0 : i32
      %dma_wait3A_361 = tpu.memref_slice %arg9[%dma_wait3A_358, %dma_wait3A_359, %dma_wait3A_360] : memref<8x128x8xf32, #tpu.memory_space<vmem>> -> memref<1x128x8xf32, #tpu.memory_space<vmem>>
      %dma_wait3A_362 = tpu.memref_squeeze %dma_wait3A_361 : memref<1x128x8xf32, #tpu.memory_space<vmem>> -> memref<128x8xf32, #tpu.memory_space<vmem>>
      %dma_wait3A_363 = arith.constant 0 : i32
      %dma_wait3A_364 = tpu.memref_slice %arg7[%add3A_357, %dma_wait3A_363] : memref<80x128xi32, #tpu.memory_space<vmem>> -> memref<1x128xi32, #tpu.memory_space<vmem>>
      %dma_wait3A_365 = tpu.memref_squeeze %dma_wait3A_364 : memref<1x128xi32, #tpu.memory_space<vmem>> -> memref<128xi32, #tpu.memory_space<vmem>>
      %dma_wait3A_366 = arith.constant 0 : i32
      %dma_wait3A_367 = arith.constant 0 : i32
      %dma_wait3A_368 = tpu.memref_slice %arg11[%dma_wait3A_366, %dma_wait3A_367] : memref<10240x8xf32, #tpu.memory_space<vmem_shared>> -> memref<10240x8xf32, #tpu.memory_space<vmem_shared>>
      tpu.wait_indirect_dma semaphore(%arg17 : memref<!tpu.dma_semaphore, #tpu.memory_space<semaphore_mem>>) src(%dma_wait3A_368 : memref<10240x8xf32, #tpu.memory_space<vmem_shared>>) dst(%dma_wait3A_362 : memref<128x8xf32, #tpu.memory_space<vmem>>)
      %add3A_369 = arith.constant 5 : i32
      %add3A_370 = arith.addi %mul3A_226, %add3A_369 : i32
      %dma_start3A_371 = arith.constant 5 : i32
      %dma_start3A_372 = arith.constant 0 : i32
      %dma_start3A_373 = arith.constant 0 : i32
      %dma_start3A_374 = tpu.memref_slice %arg9[%dma_start3A_371, %dma_start3A_372, %dma_start3A_373] : memref<8x128x8xf32, #tpu.memory_space<vmem>> -> memref<1x128x8xf32, #tpu.memory_space<vmem>>
      %dma_start3A_375 = tpu.memref_squeeze %dma_start3A_374 : memref<1x128x8xf32, #tpu.memory_space<vmem>> -> memref<128x8xf32, #tpu.memory_space<vmem>>
      %dma_start3A_376 = arith.constant 0 : i32
      %dma_start3A_377 = tpu.memref_slice %arg8[%add3A_370, %dma_start3A_376] : memref<80x128xi32, #tpu.memory_space<vmem>> -> memref<1x128xi32, #tpu.memory_space<vmem>>
      %dma_start3A_378 = tpu.memref_squeeze %dma_start3A_377 : memref<1x128xi32, #tpu.memory_space<vmem>> -> memref<128xi32, #tpu.memory_space<vmem>>
      %dma_start3A_379 = arith.constant 0 : i32
      %dma_start3A_380 = arith.constant 0 : i32
      %dma_start3A_381 = tpu.memref_slice %arg10[%dma_start3A_379, %dma_start3A_380] : memref<10240x8xf32, #tpu.memory_space<vmem_shared>> -> memref<10240x8xf32, #tpu.memory_space<vmem_shared>>
      tpu.enqueue_indirect_dma source(%dma_start3A_375 : memref<128x8xf32, #tpu.memory_space<vmem>>) target(%dma_start3A_381 : memref<10240x8xf32, #tpu.memory_space<vmem_shared>>) offsets(%dma_start3A_378 : memref<128xi32, #tpu.memory_space<vmem>>) semaphore(%arg20 : memref<!tpu.dma_semaphore, #tpu.memory_space<semaphore_mem>>) {add = true}
      %add3A_382 = arith.constant 6 : i32
      %add3A_383 = arith.addi %mul3A_226, %add3A_382 : i32
      %dma_wait3A_384 = arith.constant 6 : i32
      %dma_wait3A_385 = arith.constant 0 : i32
      %dma_wait3A_386 = arith.constant 0 : i32
      %dma_wait3A_387 = tpu.memref_slice %arg9[%dma_wait3A_384, %dma_wait3A_385, %dma_wait3A_386] : memref<8x128x8xf32, #tpu.memory_space<vmem>> -> memref<1x128x8xf32, #tpu.memory_space<vmem>>
      %dma_wait3A_388 = tpu.memref_squeeze %dma_wait3A_387 : memref<1x128x8xf32, #tpu.memory_space<vmem>> -> memref<128x8xf32, #tpu.memory_space<vmem>>
      %dma_wait3A_389 = arith.constant 0 : i32
      %dma_wait3A_390 = tpu.memref_slice %arg7[%add3A_383, %dma_wait3A_389] : memref<80x128xi32, #tpu.memory_space<vmem>> -> memref<1x128xi32, #tpu.memory_space<vmem>>
      %dma_wait3A_391 = tpu.memref_squeeze %dma_wait3A_390 : memref<1x128xi32, #tpu.memory_space<vmem>> -> memref<128xi32, #tpu.memory_space<vmem>>
      %dma_wait3A_392 = arith.constant 0 : i32
      %dma_wait3A_393 = arith.constant 0 : i32
      %dma_wait3A_394 = tpu.memref_slice %arg11[%dma_wait3A_392, %dma_wait3A_393] : memref<10240x8xf32, #tpu.memory_space<vmem_shared>> -> memref<10240x8xf32, #tpu.memory_space<vmem_shared>>
      tpu.wait_indirect_dma semaphore(%arg18 : memref<!tpu.dma_semaphore, #tpu.memory_space<semaphore_mem>>) src(%dma_wait3A_394 : memref<10240x8xf32, #tpu.memory_space<vmem_shared>>) dst(%dma_wait3A_388 : memref<128x8xf32, #tpu.memory_space<vmem>>)
      %add3A_395 = arith.constant 6 : i32
      %add3A_396 = arith.addi %mul3A_226, %add3A_395 : i32
      %dma_start3A_397 = arith.constant 6 : i32
      %dma_start3A_398 = arith.constant 0 : i32
      %dma_start3A_399 = arith.constant 0 : i32
      %dma_start3A_400 = tpu.memref_slice %arg9[%dma_start3A_397, %dma_start3A_398, %dma_start3A_399] : memref<8x128x8xf32, #tpu.memory_space<vmem>> -> memref<1x128x8xf32, #tpu.memory_space<vmem>>
      %dma_start3A_401 = tpu.memref_squeeze %dma_start3A_400 : memref<1x128x8xf32, #tpu.memory_space<vmem>> -> memref<128x8xf32, #tpu.memory_space<vmem>>
      %dma_start3A_402 = arith.constant 0 : i32
      %dma_start3A_403 = tpu.memref_slice %arg8[%add3A_396, %dma_start3A_402] : memref<80x128xi32, #tpu.memory_space<vmem>> -> memref<1x128xi32, #tpu.memory_space<vmem>>
      %dma_start3A_404 = tpu.memref_squeeze %dma_start3A_403 : memref<1x128xi32, #tpu.memory_space<vmem>> -> memref<128xi32, #tpu.memory_space<vmem>>
      %dma_start3A_405 = arith.constant 0 : i32
      %dma_start3A_406 = arith.constant 0 : i32
      %dma_start3A_407 = tpu.memref_slice %arg10[%dma_start3A_405, %dma_start3A_406] : memref<10240x8xf32, #tpu.memory_space<vmem_shared>> -> memref<10240x8xf32, #tpu.memory_space<vmem_shared>>
      tpu.enqueue_indirect_dma source(%dma_start3A_401 : memref<128x8xf32, #tpu.memory_space<vmem>>) target(%dma_start3A_407 : memref<10240x8xf32, #tpu.memory_space<vmem_shared>>) offsets(%dma_start3A_404 : memref<128xi32, #tpu.memory_space<vmem>>) semaphore(%arg20 : memref<!tpu.dma_semaphore, #tpu.memory_space<semaphore_mem>>) {add = true}
      %add3A_408 = arith.constant 7 : i32
      %add3A_409 = arith.addi %mul3A_226, %add3A_408 : i32
      %dma_wait3A_410 = arith.constant 7 : i32
      %dma_wait3A_411 = arith.constant 0 : i32
      %dma_wait3A_412 = arith.constant 0 : i32
      %dma_wait3A_413 = tpu.memref_slice %arg9[%dma_wait3A_410, %dma_wait3A_411, %dma_wait3A_412] : memref<8x128x8xf32, #tpu.memory_space<vmem>> -> memref<1x128x8xf32, #tpu.memory_space<vmem>>
      %dma_wait3A_414 = tpu.memref_squeeze %dma_wait3A_413 : memref<1x128x8xf32, #tpu.memory_space<vmem>> -> memref<128x8xf32, #tpu.memory_space<vmem>>
      %dma_wait3A_415 = arith.constant 0 : i32
      %dma_wait3A_416 = tpu.memref_slice %arg7[%add3A_409, %dma_wait3A_415] : memref<80x128xi32, #tpu.memory_space<vmem>> -> memref<1x128xi32, #tpu.memory_space<vmem>>
      %dma_wait3A_417 = tpu.memref_squeeze %dma_wait3A_416 : memref<1x128xi32, #tpu.memory_space<vmem>> -> memref<128xi32, #tpu.memory_space<vmem>>
      %dma_wait3A_418 = arith.constant 0 : i32
      %dma_wait3A_419 = arith.constant 0 : i32
      %dma_wait3A_420 = tpu.memref_slice %arg11[%dma_wait3A_418, %dma_wait3A_419] : memref<10240x8xf32, #tpu.memory_space<vmem_shared>> -> memref<10240x8xf32, #tpu.memory_space<vmem_shared>>
      tpu.wait_indirect_dma semaphore(%arg19 : memref<!tpu.dma_semaphore, #tpu.memory_space<semaphore_mem>>) src(%dma_wait3A_420 : memref<10240x8xf32, #tpu.memory_space<vmem_shared>>) dst(%dma_wait3A_414 : memref<128x8xf32, #tpu.memory_space<vmem>>)
      %add3A_421 = arith.constant 7 : i32
      %add3A_422 = arith.addi %mul3A_226, %add3A_421 : i32
      %dma_start3A_423 = arith.constant 7 : i32
      %dma_start3A_424 = arith.constant 0 : i32
      %dma_start3A_425 = arith.constant 0 : i32
      %dma_start3A_426 = tpu.memref_slice %arg9[%dma_start3A_423, %dma_start3A_424, %dma_start3A_425] : memref<8x128x8xf32, #tpu.memory_space<vmem>> -> memref<1x128x8xf32, #tpu.memory_space<vmem>>
      %dma_start3A_427 = tpu.memref_squeeze %dma_start3A_426 : memref<1x128x8xf32, #tpu.memory_space<vmem>> -> memref<128x8xf32, #tpu.memory_space<vmem>>
      %dma_start3A_428 = arith.constant 0 : i32
      %dma_start3A_429 = tpu.memref_slice %arg8[%add3A_422, %dma_start3A_428] : memref<80x128xi32, #tpu.memory_space<vmem>> -> memref<1x128xi32, #tpu.memory_space<vmem>>
      %dma_start3A_430 = tpu.memref_squeeze %dma_start3A_429 : memref<1x128xi32, #tpu.memory_space<vmem>> -> memref<128xi32, #tpu.memory_space<vmem>>
      %dma_start3A_431 = arith.constant 0 : i32
      %dma_start3A_432 = arith.constant 0 : i32
      %dma_start3A_433 = tpu.memref_slice %arg10[%dma_start3A_431, %dma_start3A_432] : memref<10240x8xf32, #tpu.memory_space<vmem_shared>> -> memref<10240x8xf32, #tpu.memory_space<vmem_shared>>
      tpu.enqueue_indirect_dma source(%dma_start3A_427 : memref<128x8xf32, #tpu.memory_space<vmem>>) target(%dma_start3A_433 : memref<10240x8xf32, #tpu.memory_space<vmem_shared>>) offsets(%dma_start3A_430 : memref<128xi32, #tpu.memory_space<vmem>>) semaphore(%arg20 : memref<!tpu.dma_semaphore, #tpu.memory_space<semaphore_mem>>) {add = true}
      %add3A_434 = arith.constant 0 : i32
      %add3A_435 = arith.addi %mul3A_226, %add3A_434 : i32
      %dma_wait3A_436 = arith.constant 0 : i32
      %dma_wait3A_437 = arith.constant 0 : i32
      %dma_wait3A_438 = arith.constant 0 : i32
      %dma_wait3A_439 = tpu.memref_slice %arg9[%dma_wait3A_436, %dma_wait3A_437, %dma_wait3A_438] : memref<8x128x8xf32, #tpu.memory_space<vmem>> -> memref<1x128x8xf32, #tpu.memory_space<vmem>>
      %dma_wait3A_440 = tpu.memref_squeeze %dma_wait3A_439 : memref<1x128x8xf32, #tpu.memory_space<vmem>> -> memref<128x8xf32, #tpu.memory_space<vmem>>
      %dma_wait3A_441 = arith.constant 0 : i32
      %dma_wait3A_442 = tpu.memref_slice %arg8[%add3A_435, %dma_wait3A_441] : memref<80x128xi32, #tpu.memory_space<vmem>> -> memref<1x128xi32, #tpu.memory_space<vmem>>
      %dma_wait3A_443 = tpu.memref_squeeze %dma_wait3A_442 : memref<1x128xi32, #tpu.memory_space<vmem>> -> memref<128xi32, #tpu.memory_space<vmem>>
      %dma_wait3A_444 = arith.constant 0 : i32
      %dma_wait3A_445 = arith.constant 0 : i32
      %dma_wait3A_446 = tpu.memref_slice %arg10[%dma_wait3A_444, %dma_wait3A_445] : memref<10240x8xf32, #tpu.memory_space<vmem_shared>> -> memref<10240x8xf32, #tpu.memory_space<vmem_shared>>
      tpu.wait_indirect_dma semaphore(%arg20 : memref<!tpu.dma_semaphore, #tpu.memory_space<semaphore_mem>>) src(%dma_wait3A_440 : memref<128x8xf32, #tpu.memory_space<vmem>>) dst(%dma_wait3A_446 : memref<10240x8xf32, #tpu.memory_space<vmem_shared>>)
      %add3A_447 = arith.constant 1 : i32
      %add3A_448 = arith.addi %mul3A_226, %add3A_447 : i32
      %dma_wait3A_449 = arith.constant 1 : i32
      %dma_wait3A_450 = arith.constant 0 : i32
      %dma_wait3A_451 = arith.constant 0 : i32
      %dma_wait3A_452 = tpu.memref_slice %arg9[%dma_wait3A_449, %dma_wait3A_450, %dma_wait3A_451] : memref<8x128x8xf32, #tpu.memory_space<vmem>> -> memref<1x128x8xf32, #tpu.memory_space<vmem>>
      %dma_wait3A_453 = tpu.memref_squeeze %dma_wait3A_452 : memref<1x128x8xf32, #tpu.memory_space<vmem>> -> memref<128x8xf32, #tpu.memory_space<vmem>>
      %dma_wait3A_454 = arith.constant 0 : i32
      %dma_wait3A_455 = tpu.memref_slice %arg8[%add3A_448, %dma_wait3A_454] : memref<80x128xi32, #tpu.memory_space<vmem>> -> memref<1x128xi32, #tpu.memory_space<vmem>>
      %dma_wait3A_456 = tpu.memref_squeeze %dma_wait3A_455 : memref<1x128xi32, #tpu.memory_space<vmem>> -> memref<128xi32, #tpu.memory_space<vmem>>
      %dma_wait3A_457 = arith.constant 0 : i32
      %dma_wait3A_458 = arith.constant 0 : i32
      %dma_wait3A_459 = tpu.memref_slice %arg10[%dma_wait3A_457, %dma_wait3A_458] : memref<10240x8xf32, #tpu.memory_space<vmem_shared>> -> memref<10240x8xf32, #tpu.memory_space<vmem_shared>>
      tpu.wait_indirect_dma semaphore(%arg20 : memref<!tpu.dma_semaphore, #tpu.memory_space<semaphore_mem>>) src(%dma_wait3A_453 : memref<128x8xf32, #tpu.memory_space<vmem>>) dst(%dma_wait3A_459 : memref<10240x8xf32, #tpu.memory_space<vmem_shared>>)
      %add3A_460 = arith.constant 2 : i32
      %add3A_461 = arith.addi %mul3A_226, %add3A_460 : i32
      %dma_wait3A_462 = arith.constant 2 : i32
      %dma_wait3A_463 = arith.constant 0 : i32
      %dma_wait3A_464 = arith.constant 0 : i32
      %dma_wait3A_465 = tpu.memref_slice %arg9[%dma_wait3A_462, %dma_wait3A_463, %dma_wait3A_464] : memref<8x128x8xf32, #tpu.memory_space<vmem>> -> memref<1x128x8xf32, #tpu.memory_space<vmem>>
      %dma_wait3A_466 = tpu.memref_squeeze %dma_wait3A_465 : memref<1x128x8xf32, #tpu.memory_space<vmem>> -> memref<128x8xf32, #tpu.memory_space<vmem>>
      %dma_wait3A_467 = arith.constant 0 : i32
      %dma_wait3A_468 = tpu.memref_slice %arg8[%add3A_461, %dma_wait3A_467] : memref<80x128xi32, #tpu.memory_space<vmem>> -> memref<1x128xi32, #tpu.memory_space<vmem>>
      %dma_wait3A_469 = tpu.memref_squeeze %dma_wait3A_468 : memref<1x128xi32, #tpu.memory_space<vmem>> -> memref<128xi32, #tpu.memory_space<vmem>>
      %dma_wait3A_470 = arith.constant 0 : i32
      %dma_wait3A_471 = arith.constant 0 : i32
      %dma_wait3A_472 = tpu.memref_slice %arg10[%dma_wait3A_470, %dma_wait3A_471] : memref<10240x8xf32, #tpu.memory_space<vmem_shared>> -> memref<10240x8xf32, #tpu.memory_space<vmem_shared>>
      tpu.wait_indirect_dma semaphore(%arg20 : memref<!tpu.dma_semaphore, #tpu.memory_space<semaphore_mem>>) src(%dma_wait3A_466 : memref<128x8xf32, #tpu.memory_space<vmem>>) dst(%dma_wait3A_472 : memref<10240x8xf32, #tpu.memory_space<vmem_shared>>)
      %add3A_473 = arith.constant 3 : i32
      %add3A_474 = arith.addi %mul3A_226, %add3A_473 : i32
      %dma_wait3A_475 = arith.constant 3 : i32
      %dma_wait3A_476 = arith.constant 0 : i32
      %dma_wait3A_477 = arith.constant 0 : i32
      %dma_wait3A_478 = tpu.memref_slice %arg9[%dma_wait3A_475, %dma_wait3A_476, %dma_wait3A_477] : memref<8x128x8xf32, #tpu.memory_space<vmem>> -> memref<1x128x8xf32, #tpu.memory_space<vmem>>
      %dma_wait3A_479 = tpu.memref_squeeze %dma_wait3A_478 : memref<1x128x8xf32, #tpu.memory_space<vmem>> -> memref<128x8xf32, #tpu.memory_space<vmem>>
      %dma_wait3A_480 = arith.constant 0 : i32
      %dma_wait3A_481 = tpu.memref_slice %arg8[%add3A_474, %dma_wait3A_480] : memref<80x128xi32, #tpu.memory_space<vmem>> -> memref<1x128xi32, #tpu.memory_space<vmem>>
      %dma_wait3A_482 = tpu.memref_squeeze %dma_wait3A_481 : memref<1x128xi32, #tpu.memory_space<vmem>> -> memref<128xi32, #tpu.memory_space<vmem>>
      %dma_wait3A_483 = arith.constant 0 : i32
      %dma_wait3A_484 = arith.constant 0 : i32
      %dma_wait3A_485 = tpu.memref_slice %arg10[%dma_wait3A_483, %dma_wait3A_484] : memref<10240x8xf32, #tpu.memory_space<vmem_shared>> -> memref<10240x8xf32, #tpu.memory_space<vmem_shared>>
      tpu.wait_indirect_dma semaphore(%arg20 : memref<!tpu.dma_semaphore, #tpu.memory_space<semaphore_mem>>) src(%dma_wait3A_479 : memref<128x8xf32, #tpu.memory_space<vmem>>) dst(%dma_wait3A_485 : memref<10240x8xf32, #tpu.memory_space<vmem_shared>>)
      %add3A_486 = arith.constant 4 : i32
      %add3A_487 = arith.addi %mul3A_226, %add3A_486 : i32
      %dma_wait3A_488 = arith.constant 4 : i32
      %dma_wait3A_489 = arith.constant 0 : i32
      %dma_wait3A_490 = arith.constant 0 : i32
      %dma_wait3A_491 = tpu.memref_slice %arg9[%dma_wait3A_488, %dma_wait3A_489, %dma_wait3A_490] : memref<8x128x8xf32, #tpu.memory_space<vmem>> -> memref<1x128x8xf32, #tpu.memory_space<vmem>>
      %dma_wait3A_492 = tpu.memref_squeeze %dma_wait3A_491 : memref<1x128x8xf32, #tpu.memory_space<vmem>> -> memref<128x8xf32, #tpu.memory_space<vmem>>
      %dma_wait3A_493 = arith.constant 0 : i32
      %dma_wait3A_494 = tpu.memref_slice %arg8[%add3A_487, %dma_wait3A_493] : memref<80x128xi32, #tpu.memory_space<vmem>> -> memref<1x128xi32, #tpu.memory_space<vmem>>
      %dma_wait3A_495 = tpu.memref_squeeze %dma_wait3A_494 : memref<1x128xi32, #tpu.memory_space<vmem>> -> memref<128xi32, #tpu.memory_space<vmem>>
      %dma_wait3A_496 = arith.constant 0 : i32
      %dma_wait3A_497 = arith.constant 0 : i32
      %dma_wait3A_498 = tpu.memref_slice %arg10[%dma_wait3A_496, %dma_wait3A_497] : memref<10240x8xf32, #tpu.memory_space<vmem_shared>> -> memref<10240x8xf32, #tpu.memory_space<vmem_shared>>
      tpu.wait_indirect_dma semaphore(%arg20 : memref<!tpu.dma_semaphore, #tpu.memory_space<semaphore_mem>>) src(%dma_wait3A_492 : memref<128x8xf32, #tpu.memory_space<vmem>>) dst(%dma_wait3A_498 : memref<10240x8xf32, #tpu.memory_space<vmem_shared>>)
      %add3A_499 = arith.constant 5 : i32
      %add3A_500 = arith.addi %mul3A_226, %add3A_499 : i32
      %dma_wait3A_501 = arith.constant 5 : i32
      %dma_wait3A_502 = arith.constant 0 : i32
      %dma_wait3A_503 = arith.constant 0 : i32
      %dma_wait3A_504 = tpu.memref_slice %arg9[%dma_wait3A_501, %dma_wait3A_502, %dma_wait3A_503] : memref<8x128x8xf32, #tpu.memory_space<vmem>> -> memref<1x128x8xf32, #tpu.memory_space<vmem>>
      %dma_wait3A_505 = tpu.memref_squeeze %dma_wait3A_504 : memref<1x128x8xf32, #tpu.memory_space<vmem>> -> memref<128x8xf32, #tpu.memory_space<vmem>>
      %dma_wait3A_506 = arith.constant 0 : i32
      %dma_wait3A_507 = tpu.memref_slice %arg8[%add3A_500, %dma_wait3A_506] : memref<80x128xi32, #tpu.memory_space<vmem>> -> memref<1x128xi32, #tpu.memory_space<vmem>>
      %dma_wait3A_508 = tpu.memref_squeeze %dma_wait3A_507 : memref<1x128xi32, #tpu.memory_space<vmem>> -> memref<128xi32, #tpu.memory_space<vmem>>
      %dma_wait3A_509 = arith.constant 0 : i32
      %dma_wait3A_510 = arith.constant 0 : i32
      %dma_wait3A_511 = tpu.memref_slice %arg10[%dma_wait3A_509, %dma_wait3A_510] : memref<10240x8xf32, #tpu.memory_space<vmem_shared>> -> memref<10240x8xf32, #tpu.memory_space<vmem_shared>>
      tpu.wait_indirect_dma semaphore(%arg20 : memref<!tpu.dma_semaphore, #tpu.memory_space<semaphore_mem>>) src(%dma_wait3A_505 : memref<128x8xf32, #tpu.memory_space<vmem>>) dst(%dma_wait3A_511 : memref<10240x8xf32, #tpu.memory_space<vmem_shared>>)
      %add3A_512 = arith.constant 6 : i32
      %add3A_513 = arith.addi %mul3A_226, %add3A_512 : i32
      %dma_wait3A_514 = arith.constant 6 : i32
      %dma_wait3A_515 = arith.constant 0 : i32
      %dma_wait3A_516 = arith.constant 0 : i32
      %dma_wait3A_517 = tpu.memref_slice %arg9[%dma_wait3A_514, %dma_wait3A_515, %dma_wait3A_516] : memref<8x128x8xf32, #tpu.memory_space<vmem>> -> memref<1x128x8xf32, #tpu.memory_space<vmem>>
      %dma_wait3A_518 = tpu.memref_squeeze %dma_wait3A_517 : memref<1x128x8xf32, #tpu.memory_space<vmem>> -> memref<128x8xf32, #tpu.memory_space<vmem>>
      %dma_wait3A_519 = arith.constant 0 : i32
      %dma_wait3A_520 = tpu.memref_slice %arg8[%add3A_513, %dma_wait3A_519] : memref<80x128xi32, #tpu.memory_space<vmem>> -> memref<1x128xi32, #tpu.memory_space<vmem>>
      %dma_wait3A_521 = tpu.memref_squeeze %dma_wait3A_520 : memref<1x128xi32, #tpu.memory_space<vmem>> -> memref<128xi32, #tpu.memory_space<vmem>>
      %dma_wait3A_522 = arith.constant 0 : i32
      %dma_wait3A_523 = arith.constant 0 : i32
      %dma_wait3A_524 = tpu.memref_slice %arg10[%dma_wait3A_522, %dma_wait3A_523] : memref<10240x8xf32, #tpu.memory_space<vmem_shared>> -> memref<10240x8xf32, #tpu.memory_space<vmem_shared>>
      tpu.wait_indirect_dma semaphore(%arg20 : memref<!tpu.dma_semaphore, #tpu.memory_space<semaphore_mem>>) src(%dma_wait3A_518 : memref<128x8xf32, #tpu.memory_space<vmem>>) dst(%dma_wait3A_524 : memref<10240x8xf32, #tpu.memory_space<vmem_shared>>)
      %add3A_525 = arith.constant 7 : i32
      %add3A_526 = arith.addi %mul3A_226, %add3A_525 : i32
      %dma_wait3A_527 = arith.constant 7 : i32
      %dma_wait3A_528 = arith.constant 0 : i32
      %dma_wait3A_529 = arith.constant 0 : i32
      %dma_wait3A_530 = tpu.memref_slice %arg9[%dma_wait3A_527, %dma_wait3A_528, %dma_wait3A_529] : memref<8x128x8xf32, #tpu.memory_space<vmem>> -> memref<1x128x8xf32, #tpu.memory_space<vmem>>
      %dma_wait3A_531 = tpu.memref_squeeze %dma_wait3A_530 : memref<1x128x8xf32, #tpu.memory_space<vmem>> -> memref<128x8xf32, #tpu.memory_space<vmem>>
      %dma_wait3A_532 = arith.constant 0 : i32
      %dma_wait3A_533 = tpu.memref_slice %arg8[%add3A_526, %dma_wait3A_532] : memref<80x128xi32, #tpu.memory_space<vmem>> -> memref<1x128xi32, #tpu.memory_space<vmem>>
      %dma_wait3A_534 = tpu.memref_squeeze %dma_wait3A_533 : memref<1x128xi32, #tpu.memory_space<vmem>> -> memref<128xi32, #tpu.memory_space<vmem>>
      %dma_wait3A_535 = arith.constant 0 : i32
      %dma_wait3A_536 = arith.constant 0 : i32
      %dma_wait3A_537 = tpu.memref_slice %arg10[%dma_wait3A_535, %dma_wait3A_536] : memref<10240x8xf32, #tpu.memory_space<vmem_shared>> -> memref<10240x8xf32, #tpu.memory_space<vmem_shared>>
      tpu.wait_indirect_dma semaphore(%arg20 : memref<!tpu.dma_semaphore, #tpu.memory_space<semaphore_mem>>) src(%dma_wait3A_531 : memref<128x8xf32, #tpu.memory_space<vmem>>) dst(%dma_wait3A_537 : memref<10240x8xf32, #tpu.memory_space<vmem_shared>>)
      %lt3A = arith.constant 9 : i32
      %lt3A_538 = arith.cmpi slt, %scan3A_224, %lt3A : i32
      %convert_element_type3A = arith.extui %lt3A_538 : i1 to i32
      %cond3A = arith.constant 0 : i32
      %cond3A_539 = arith.cmpi ne, %convert_element_type3A, %cond3A : i32
      scf.if %cond3A_539 {
        %add3A_540 = arith.constant 8 : i32
        %add3A_541 = arith.addi %mul3A_226, %add3A_540 : i32
        %add3A_542 = arith.constant 0 : i32
        %add3A_543 = arith.addi %add3A_541, %add3A_542 : i32
        %dma_start3A_544 = arith.constant 0 : i32
        %dma_start3A_545 = arith.constant 0 : i32
        %dma_start3A_546 = arith.constant 0 : i32
        %dma_start3A_547 = tpu.memref_slice %arg9[%dma_start3A_544, %dma_start3A_545, %dma_start3A_546] : memref<8x128x8xf32, #tpu.memory_space<vmem>> -> memref<1x128x8xf32, #tpu.memory_space<vmem>>
        %dma_start3A_548 = tpu.memref_squeeze %dma_start3A_547 : memref<1x128x8xf32, #tpu.memory_space<vmem>> -> memref<128x8xf32, #tpu.memory_space<vmem>>
        %dma_start3A_549 = arith.constant 0 : i32
        %dma_start3A_550 = tpu.memref_slice %arg7[%add3A_543, %dma_start3A_549] : memref<80x128xi32, #tpu.memory_space<vmem>> -> memref<1x128xi32, #tpu.memory_space<vmem>>
        %dma_start3A_551 = tpu.memref_squeeze %dma_start3A_550 : memref<1x128xi32, #tpu.memory_space<vmem>> -> memref<128xi32, #tpu.memory_space<vmem>>
        %dma_start3A_552 = arith.constant 0 : i32
        %dma_start3A_553 = arith.constant 0 : i32
        %dma_start3A_554 = tpu.memref_slice %arg11[%dma_start3A_552, %dma_start3A_553] : memref<10240x8xf32, #tpu.memory_space<vmem_shared>> -> memref<10240x8xf32, #tpu.memory_space<vmem_shared>>
        tpu.enqueue_indirect_dma source(%dma_start3A_554 : memref<10240x8xf32, #tpu.memory_space<vmem_shared>>) target(%dma_start3A_548 : memref<128x8xf32, #tpu.memory_space<vmem>>) offsets(%dma_start3A_551 : memref<128xi32, #tpu.memory_space<vmem>>) semaphore(%arg12 : memref<!tpu.dma_semaphore, #tpu.memory_space<semaphore_mem>>)
        %add3A_555 = arith.constant 8 : i32
        %add3A_556 = arith.addi %mul3A_226, %add3A_555 : i32
        %add3A_557 = arith.constant 1 : i32
        %add3A_558 = arith.addi %add3A_556, %add3A_557 : i32
        %dma_start3A_559 = arith.constant 1 : i32
        %dma_start3A_560 = arith.constant 0 : i32
        %dma_start3A_561 = arith.constant 0 : i32
        %dma_start3A_562 = tpu.memref_slice %arg9[%dma_start3A_559, %dma_start3A_560, %dma_start3A_561] : memref<8x128x8xf32, #tpu.memory_space<vmem>> -> memref<1x128x8xf32, #tpu.memory_space<vmem>>
        %dma_start3A_563 = tpu.memref_squeeze %dma_start3A_562 : memref<1x128x8xf32, #tpu.memory_space<vmem>> -> memref<128x8xf32, #tpu.memory_space<vmem>>
        %dma_start3A_564 = arith.constant 0 : i32
        %dma_start3A_565 = tpu.memref_slice %arg7[%add3A_558, %dma_start3A_564] : memref<80x128xi32, #tpu.memory_space<vmem>> -> memref<1x128xi32, #tpu.memory_space<vmem>>
        %dma_start3A_566 = tpu.memref_squeeze %dma_start3A_565 : memref<1x128xi32, #tpu.memory_space<vmem>> -> memref<128xi32, #tpu.memory_space<vmem>>
        %dma_start3A_567 = arith.constant 0 : i32
        %dma_start3A_568 = arith.constant 0 : i32
        %dma_start3A_569 = tpu.memref_slice %arg11[%dma_start3A_567, %dma_start3A_568] : memref<10240x8xf32, #tpu.memory_space<vmem_shared>> -> memref<10240x8xf32, #tpu.memory_space<vmem_shared>>
        tpu.enqueue_indirect_dma source(%dma_start3A_569 : memref<10240x8xf32, #tpu.memory_space<vmem_shared>>) target(%dma_start3A_563 : memref<128x8xf32, #tpu.memory_space<vmem>>) offsets(%dma_start3A_566 : memref<128xi32, #tpu.memory_space<vmem>>) semaphore(%arg13 : memref<!tpu.dma_semaphore, #tpu.memory_space<semaphore_mem>>)
        %add3A_570 = arith.constant 8 : i32
        %add3A_571 = arith.addi %mul3A_226, %add3A_570 : i32
        %add3A_572 = arith.constant 2 : i32
        %add3A_573 = arith.addi %add3A_571, %add3A_572 : i32
        %dma_start3A_574 = arith.constant 2 : i32
        %dma_start3A_575 = arith.constant 0 : i32
        %dma_start3A_576 = arith.constant 0 : i32
        %dma_start3A_577 = tpu.memref_slice %arg9[%dma_start3A_574, %dma_start3A_575, %dma_start3A_576] : memref<8x128x8xf32, #tpu.memory_space<vmem>> -> memref<1x128x8xf32, #tpu.memory_space<vmem>>
        %dma_start3A_578 = tpu.memref_squeeze %dma_start3A_577 : memref<1x128x8xf32, #tpu.memory_space<vmem>> -> memref<128x8xf32, #tpu.memory_space<vmem>>
        %dma_start3A_579 = arith.constant 0 : i32
        %dma_start3A_580 = tpu.memref_slice %arg7[%add3A_573, %dma_start3A_579] : memref<80x128xi32, #tpu.memory_space<vmem>> -> memref<1x128xi32, #tpu.memory_space<vmem>>
        %dma_start3A_581 = tpu.memref_squeeze %dma_start3A_580 : memref<1x128xi32, #tpu.memory_space<vmem>> -> memref<128xi32, #tpu.memory_space<vmem>>
        %dma_start3A_582 = arith.constant 0 : i32
        %dma_start3A_583 = arith.constant 0 : i32
        %dma_start3A_584 = tpu.memref_slice %arg11[%dma_start3A_582, %dma_start3A_583] : memref<10240x8xf32, #tpu.memory_space<vmem_shared>> -> memref<10240x8xf32, #tpu.memory_space<vmem_shared>>
        tpu.enqueue_indirect_dma source(%dma_start3A_584 : memref<10240x8xf32, #tpu.memory_space<vmem_shared>>) target(%dma_start3A_578 : memref<128x8xf32, #tpu.memory_space<vmem>>) offsets(%dma_start3A_581 : memref<128xi32, #tpu.memory_space<vmem>>) semaphore(%arg14 : memref<!tpu.dma_semaphore, #tpu.memory_space<semaphore_mem>>)
        %add3A_585 = arith.constant 8 : i32
        %add3A_586 = arith.addi %mul3A_226, %add3A_585 : i32
        %add3A_587 = arith.constant 3 : i32
        %add3A_588 = arith.addi %add3A_586, %add3A_587 : i32
        %dma_start3A_589 = arith.constant 3 : i32
        %dma_start3A_590 = arith.constant 0 : i32
        %dma_start3A_591 = arith.constant 0 : i32
        %dma_start3A_592 = tpu.memref_slice %arg9[%dma_start3A_589, %dma_start3A_590, %dma_start3A_591] : memref<8x128x8xf32, #tpu.memory_space<vmem>> -> memref<1x128x8xf32, #tpu.memory_space<vmem>>
        %dma_start3A_593 = tpu.memref_squeeze %dma_start3A_592 : memref<1x128x8xf32, #tpu.memory_space<vmem>> -> memref<128x8xf32, #tpu.memory_space<vmem>>
        %dma_start3A_594 = arith.constant 0 : i32
        %dma_start3A_595 = tpu.memref_slice %arg7[%add3A_588, %dma_start3A_594] : memref<80x128xi32, #tpu.memory_space<vmem>> -> memref<1x128xi32, #tpu.memory_space<vmem>>
        %dma_start3A_596 = tpu.memref_squeeze %dma_start3A_595 : memref<1x128xi32, #tpu.memory_space<vmem>> -> memref<128xi32, #tpu.memory_space<vmem>>
        %dma_start3A_597 = arith.constant 0 : i32
        %dma_start3A_598 = arith.constant 0 : i32
        %dma_start3A_599 = tpu.memref_slice %arg11[%dma_start3A_597, %dma_start3A_598] : memref<10240x8xf32, #tpu.memory_space<vmem_shared>> -> memref<10240x8xf32, #tpu.memory_space<vmem_shared>>
        tpu.enqueue_indirect_dma source(%dma_start3A_599 : memref<10240x8xf32, #tpu.memory_space<vmem_shared>>) target(%dma_start3A_593 : memref<128x8xf32, #tpu.memory_space<vmem>>) offsets(%dma_start3A_596 : memref<128xi32, #tpu.memory_space<vmem>>) semaphore(%arg15 : memref<!tpu.dma_semaphore, #tpu.memory_space<semaphore_mem>>)
        %add3A_600 = arith.constant 8 : i32
        %add3A_601 = arith.addi %mul3A_226, %add3A_600 : i32
        %add3A_602 = arith.constant 4 : i32
        %add3A_603 = arith.addi %add3A_601, %add3A_602 : i32
        %dma_start3A_604 = arith.constant 4 : i32
        %dma_start3A_605 = arith.constant 0 : i32
        %dma_start3A_606 = arith.constant 0 : i32
        %dma_start3A_607 = tpu.memref_slice %arg9[%dma_start3A_604, %dma_start3A_605, %dma_start3A_606] : memref<8x128x8xf32, #tpu.memory_space<vmem>> -> memref<1x128x8xf32, #tpu.memory_space<vmem>>
        %dma_start3A_608 = tpu.memref_squeeze %dma_start3A_607 : memref<1x128x8xf32, #tpu.memory_space<vmem>> -> memref<128x8xf32, #tpu.memory_space<vmem>>
        %dma_start3A_609 = arith.constant 0 : i32
        %dma_start3A_610 = tpu.memref_slice %arg7[%add3A_603, %dma_start3A_609] : memref<80x128xi32, #tpu.memory_space<vmem>> -> memref<1x128xi32, #tpu.memory_space<vmem>>
        %dma_start3A_611 = tpu.memref_squeeze %dma_start3A_610 : memref<1x128xi32, #tpu.memory_space<vmem>> -> memref<128xi32, #tpu.memory_space<vmem>>
        %dma_start3A_612 = arith.constant 0 : i32
        %dma_start3A_613 = arith.constant 0 : i32
        %dma_start3A_614 = tpu.memref_slice %arg11[%dma_start3A_612, %dma_start3A_613] : memref<10240x8xf32, #tpu.memory_space<vmem_shared>> -> memref<10240x8xf32, #tpu.memory_space<vmem_shared>>
        tpu.enqueue_indirect_dma source(%dma_start3A_614 : memref<10240x8xf32, #tpu.memory_space<vmem_shared>>) target(%dma_start3A_608 : memref<128x8xf32, #tpu.memory_space<vmem>>) offsets(%dma_start3A_611 : memref<128xi32, #tpu.memory_space<vmem>>) semaphore(%arg16 : memref<!tpu.dma_semaphore, #tpu.memory_space<semaphore_mem>>)
        %add3A_615 = arith.constant 8 : i32
        %add3A_616 = arith.addi %mul3A_226, %add3A_615 : i32
        %add3A_617 = arith.constant 5 : i32
        %add3A_618 = arith.addi %add3A_616, %add3A_617 : i32
        %dma_start3A_619 = arith.constant 5 : i32
        %dma_start3A_620 = arith.constant 0 : i32
        %dma_start3A_621 = arith.constant 0 : i32
        %dma_start3A_622 = tpu.memref_slice %arg9[%dma_start3A_619, %dma_start3A_620, %dma_start3A_621] : memref<8x128x8xf32, #tpu.memory_space<vmem>> -> memref<1x128x8xf32, #tpu.memory_space<vmem>>
        %dma_start3A_623 = tpu.memref_squeeze %dma_start3A_622 : memref<1x128x8xf32, #tpu.memory_space<vmem>> -> memref<128x8xf32, #tpu.memory_space<vmem>>
        %dma_start3A_624 = arith.constant 0 : i32
        %dma_start3A_625 = tpu.memref_slice %arg7[%add3A_618, %dma_start3A_624] : memref<80x128xi32, #tpu.memory_space<vmem>> -> memref<1x128xi32, #tpu.memory_space<vmem>>
        %dma_start3A_626 = tpu.memref_squeeze %dma_start3A_625 : memref<1x128xi32, #tpu.memory_space<vmem>> -> memref<128xi32, #tpu.memory_space<vmem>>
        %dma_start3A_627 = arith.constant 0 : i32
        %dma_start3A_628 = arith.constant 0 : i32
        %dma_start3A_629 = tpu.memref_slice %arg11[%dma_start3A_627, %dma_start3A_628] : memref<10240x8xf32, #tpu.memory_space<vmem_shared>> -> memref<10240x8xf32, #tpu.memory_space<vmem_shared>>
        tpu.enqueue_indirect_dma source(%dma_start3A_629 : memref<10240x8xf32, #tpu.memory_space<vmem_shared>>) target(%dma_start3A_623 : memref<128x8xf32, #tpu.memory_space<vmem>>) offsets(%dma_start3A_626 : memref<128xi32, #tpu.memory_space<vmem>>) semaphore(%arg17 : memref<!tpu.dma_semaphore, #tpu.memory_space<semaphore_mem>>)
        %add3A_630 = arith.constant 8 : i32
        %add3A_631 = arith.addi %mul3A_226, %add3A_630 : i32
        %add3A_632 = arith.constant 6 : i32
        %add3A_633 = arith.addi %add3A_631, %add3A_632 : i32
        %dma_start3A_634 = arith.constant 6 : i32
        %dma_start3A_635 = arith.constant 0 : i32
        %dma_start3A_636 = arith.constant 0 : i32
        %dma_start3A_637 = tpu.memref_slice %arg9[%dma_start3A_634, %dma_start3A_635, %dma_start3A_636] : memref<8x128x8xf32, #tpu.memory_space<vmem>> -> memref<1x128x8xf32, #tpu.memory_space<vmem>>
        %dma_start3A_638 = tpu.memref_squeeze %dma_start3A_637 : memref<1x128x8xf32, #tpu.memory_space<vmem>> -> memref<128x8xf32, #tpu.memory_space<vmem>>
        %dma_start3A_639 = arith.constant 0 : i32
        %dma_start3A_640 = tpu.memref_slice %arg7[%add3A_633, %dma_start3A_639] : memref<80x128xi32, #tpu.memory_space<vmem>> -> memref<1x128xi32, #tpu.memory_space<vmem>>
        %dma_start3A_641 = tpu.memref_squeeze %dma_start3A_640 : memref<1x128xi32, #tpu.memory_space<vmem>> -> memref<128xi32, #tpu.memory_space<vmem>>
        %dma_start3A_642 = arith.constant 0 : i32
        %dma_start3A_643 = arith.constant 0 : i32
        %dma_start3A_644 = tpu.memref_slice %arg11[%dma_start3A_642, %dma_start3A_643] : memref<10240x8xf32, #tpu.memory_space<vmem_shared>> -> memref<10240x8xf32, #tpu.memory_space<vmem_shared>>
        tpu.enqueue_indirect_dma source(%dma_start3A_644 : memref<10240x8xf32, #tpu.memory_space<vmem_shared>>) target(%dma_start3A_638 : memref<128x8xf32, #tpu.memory_space<vmem>>) offsets(%dma_start3A_641 : memref<128xi32, #tpu.memory_space<vmem>>) semaphore(%arg18 : memref<!tpu.dma_semaphore, #tpu.memory_space<semaphore_mem>>)
        %add3A_645 = arith.constant 8 : i32
        %add3A_646 = arith.addi %mul3A_226, %add3A_645 : i32
        %add3A_647 = arith.constant 7 : i32
        %add3A_648 = arith.addi %add3A_646, %add3A_647 : i32
        %dma_start3A_649 = arith.constant 7 : i32
        %dma_start3A_650 = arith.constant 0 : i32
        %dma_start3A_651 = arith.constant 0 : i32
        %dma_start3A_652 = tpu.memref_slice %arg9[%dma_start3A_649, %dma_start3A_650, %dma_start3A_651] : memref<8x128x8xf32, #tpu.memory_space<vmem>> -> memref<1x128x8xf32, #tpu.memory_space<vmem>>
        %dma_start3A_653 = tpu.memref_squeeze %dma_start3A_652 : memref<1x128x8xf32, #tpu.memory_space<vmem>> -> memref<128x8xf32, #tpu.memory_space<vmem>>
        %dma_start3A_654 = arith.constant 0 : i32
        %dma_start3A_655 = tpu.memref_slice %arg7[%add3A_648, %dma_start3A_654] : memref<80x128xi32, #tpu.memory_space<vmem>> -> memref<1x128xi32, #tpu.memory_space<vmem>>
        %dma_start3A_656 = tpu.memref_squeeze %dma_start3A_655 : memref<1x128xi32, #tpu.memory_space<vmem>> -> memref<128xi32, #tpu.memory_space<vmem>>
        %dma_start3A_657 = arith.constant 0 : i32
        %dma_start3A_658 = arith.constant 0 : i32
        %dma_start3A_659 = tpu.memref_slice %arg11[%dma_start3A_657, %dma_start3A_658] : memref<10240x8xf32, #tpu.memory_space<vmem_shared>> -> memref<10240x8xf32, #tpu.memory_space<vmem_shared>>
        tpu.enqueue_indirect_dma source(%dma_start3A_659 : memref<10240x8xf32, #tpu.memory_space<vmem_shared>>) target(%dma_start3A_653 : memref<128x8xf32, #tpu.memory_space<vmem>>) offsets(%dma_start3A_656 : memref<128xi32, #tpu.memory_space<vmem>>) semaphore(%arg19 : memref<!tpu.dma_semaphore, #tpu.memory_space<semaphore_mem>>)
      } else {
      }
    }
    %scan3A_157 = arith.constant 10 : i32
    %barrier3A_158 = arith.constant 0 : index
    tpu.barrier barrier_id(%barrier3A_158)
    %mul3A_159 = arith.constant 640 : i32
    %mul3A_160 = arith.muli %arg1, %mul3A_159 : i32
    %add3A_161 = arith.constant 0 : i32
    %add3A_162 = arith.addi %mul3A_160, %add3A_161 : i32
    %run_scoped3A_163 = arith.constant 0 : i32
    "tpu.region"() ({
      %run_scoped3A_224 = tpu.sem_alloc : memref<!tpu.dma_semaphore, #tpu.memory_space<semaphore_mem>>
      %dma_start3A_225 = arith.constant 0 : i32
      %dma_start3A_226 = arith.constant 0 : i32
      %dma_start3A_227 = tpu.memref_slice %arg9[%run_scoped3A_163, %dma_start3A_225, %dma_start3A_226] : memref<8x128x8xf32, #tpu.memory_space<vmem>> -> memref<1x128x8xf32, #tpu.memory_space<vmem>>
      %dma_start3A_228 = tpu.memref_squeeze %dma_start3A_227 : memref<1x128x8xf32, #tpu.memory_space<vmem>> -> memref<128x8xf32, #tpu.memory_space<vmem>>
      %dma_start3A_229 = arith.constant 0 : i32
      %dma_start3A_230 = tpu.memref_slice %arg10[%add3A_162, %dma_start3A_229] : memref<10240x8xf32, #tpu.memory_space<vmem_shared>> -> memref<128x8xf32, #tpu.memory_space<vmem_shared>>
      %dma_start3A_231 = arith.constant 0 : i32
      %dma_start3A_232 = arith.constant 0 : i32
      %dma_start3A_233 = tpu.memref_slice %arg9[%run_scoped3A_163, %dma_start3A_231, %dma_start3A_232] : memref<8x128x8xf32, #tpu.memory_space<vmem>> -> memref<1x128x8xf32, #tpu.memory_space<vmem>>
      %dma_start3A_234 = tpu.memref_squeeze %dma_start3A_233 : memref<1x128x8xf32, #tpu.memory_space<vmem>> -> memref<128x8xf32, #tpu.memory_space<vmem>>
      %dma_start3A_235 = arith.constant 0 : i32
      %dma_start3A_236 = tpu.memref_slice %arg10[%add3A_162, %dma_start3A_235] : memref<10240x8xf32, #tpu.memory_space<vmem_shared>> -> memref<128x8xf32, #tpu.memory_space<vmem_shared>>
      tpu.enqueue_dma source(%dma_start3A_236 : memref<128x8xf32, #tpu.memory_space<vmem_shared>>) target(%dma_start3A_234 : memref<128x8xf32, #tpu.memory_space<vmem>>) target_semaphore(%run_scoped3A_224 : memref<!tpu.dma_semaphore, #tpu.memory_space<semaphore_mem>>)
      %dma_wait3A = arith.constant 0 : i32
      %dma_wait3A_237 = arith.constant 0 : i32
      %dma_wait3A_238 = tpu.memref_slice %arg9[%run_scoped3A_163, %dma_wait3A, %dma_wait3A_237] : memref<8x128x8xf32, #tpu.memory_space<vmem>> -> memref<1x128x8xf32, #tpu.memory_space<vmem>>
      %dma_wait3A_239 = tpu.memref_squeeze %dma_wait3A_238 : memref<1x128x8xf32, #tpu.memory_space<vmem>> -> memref<128x8xf32, #tpu.memory_space<vmem>>
      %dma_wait3A_240 = arith.constant 0 : i32
      %dma_wait3A_241 = tpu.memref_slice %arg10[%add3A_162, %dma_wait3A_240] : memref<10240x8xf32, #tpu.memory_space<vmem_shared>> -> memref<128x8xf32, #tpu.memory_space<vmem_shared>>
      %dma_wait3A_242 = arith.constant 0 : i32
      %dma_wait3A_243 = arith.constant 0 : i32
      %dma_wait3A_244 = tpu.memref_slice %arg9[%run_scoped3A_163, %dma_wait3A_242, %dma_wait3A_243] : memref<8x128x8xf32, #tpu.memory_space<vmem>> -> memref<1x128x8xf32, #tpu.memory_space<vmem>>
      %dma_wait3A_245 = tpu.memref_squeeze %dma_wait3A_244 : memref<1x128x8xf32, #tpu.memory_space<vmem>> -> memref<128x8xf32, #tpu.memory_space<vmem>>
      %dma_wait3A_246 = arith.constant 0 : i32
      %dma_wait3A_247 = tpu.memref_slice %arg10[%add3A_162, %dma_wait3A_246] : memref<10240x8xf32, #tpu.memory_space<vmem_shared>> -> memref<128x8xf32, #tpu.memory_space<vmem_shared>>
      tpu.wait_dma2 semaphore(%run_scoped3A_224 : memref<!tpu.dma_semaphore, #tpu.memory_space<semaphore_mem>>) src(%dma_wait3A_247 : memref<128x8xf32, #tpu.memory_space<vmem_shared>>) dst(%dma_wait3A_245 : memref<128x8xf32, #tpu.memory_space<vmem>>)
      tpu.yield
    }) : () -> ()
    %mul3A_164 = arith.constant 10240 : i32
    %mul3A_165 = arith.muli %arg0, %mul3A_164 : i32
    %mul3A_166 = arith.constant 640 : i32
    %mul3A_167 = arith.muli %arg1, %mul3A_166 : i32
    %add3A_168 = arith.addi %mul3A_165, %mul3A_167 : i32
    %add3A_169 = arith.constant 0 : i32
    %add3A_170 = arith.addi %add3A_168, %add3A_169 : i32
    %run_scoped3A_171 = arith.constant 0 : i32
    "tpu.region"() ({
      %run_scoped3A_224 = tpu.sem_alloc : memref<!tpu.dma_semaphore, #tpu.memory_space<semaphore_mem>>
      %dma_start3A_225 = arith.constant 0 : i32
      %dma_start3A_226 = arith.constant 0 : i32
      %dma_start3A_227 = tpu.memref_slice %arg9[%run_scoped3A_171, %dma_start3A_225, %dma_start3A_226] : memref<8x128x8xf32, #tpu.memory_space<vmem>> -> memref<1x128x8xf32, #tpu.memory_space<vmem>>
      %dma_start3A_228 = tpu.memref_squeeze %dma_start3A_227 : memref<1x128x8xf32, #tpu.memory_space<vmem>> -> memref<128x8xf32, #tpu.memory_space<vmem>>
      %dma_start3A_229 = arith.constant 0 : i32
      %dma_start3A_230 = tpu.memref_slice %arg6[%add3A_170, %dma_start3A_229] : memref<20480x8xf32, #tpu.memory_space<hbm>> -> memref<128x8xf32, #tpu.memory_space<hbm>>
      %dma_start3A_231 = arith.constant 0 : i32
      %dma_start3A_232 = tpu.memref_slice %arg6[%add3A_170, %dma_start3A_231] : memref<20480x8xf32, #tpu.memory_space<hbm>> -> memref<128x8xf32, #tpu.memory_space<hbm>>
      %dma_start3A_233 = arith.constant 0 : i32
      %dma_start3A_234 = arith.constant 0 : i32
      %dma_start3A_235 = tpu.memref_slice %arg9[%run_scoped3A_171, %dma_start3A_233, %dma_start3A_234] : memref<8x128x8xf32, #tpu.memory_space<vmem>> -> memref<1x128x8xf32, #tpu.memory_space<vmem>>
      %dma_start3A_236 = tpu.memref_squeeze %dma_start3A_235 : memref<1x128x8xf32, #tpu.memory_space<vmem>> -> memref<128x8xf32, #tpu.memory_space<vmem>>
      tpu.enqueue_dma source(%dma_start3A_236 : memref<128x8xf32, #tpu.memory_space<vmem>>) target(%dma_start3A_232 : memref<128x8xf32, #tpu.memory_space<hbm>>) target_semaphore(%run_scoped3A_224 : memref<!tpu.dma_semaphore, #tpu.memory_space<semaphore_mem>>)
      %dma_wait3A = arith.constant 0 : i32
      %dma_wait3A_237 = arith.constant 0 : i32
      %dma_wait3A_238 = tpu.memref_slice %arg9[%run_scoped3A_171, %dma_wait3A, %dma_wait3A_237] : memref<8x128x8xf32, #tpu.memory_space<vmem>> -> memref<1x128x8xf32, #tpu.memory_space<vmem>>
      %dma_wait3A_239 = tpu.memref_squeeze %dma_wait3A_238 : memref<1x128x8xf32, #tpu.memory_space<vmem>> -> memref<128x8xf32, #tpu.memory_space<vmem>>
      %dma_wait3A_240 = arith.constant 0 : i32
      %dma_wait3A_241 = tpu.memref_slice %arg6[%add3A_170, %dma_wait3A_240] : memref<20480x8xf32, #tpu.memory_space<hbm>> -> memref<128x8xf32, #tpu.memory_space<hbm>>
      %dma_wait3A_242 = arith.constant 0 : i32
      %dma_wait3A_243 = tpu.memref_slice %arg6[%add3A_170, %dma_wait3A_242] : memref<20480x8xf32, #tpu.memory_space<hbm>> -> memref<128x8xf32, #tpu.memory_space<hbm>>
      %dma_wait3A_244 = arith.constant 0 : i32
      %dma_wait3A_245 = arith.constant 0 : i32
      %dma_wait3A_246 = tpu.memref_slice %arg9[%run_scoped3A_171, %dma_wait3A_244, %dma_wait3A_245] : memref<8x128x8xf32, #tpu.memory_space<vmem>> -> memref<1x128x8xf32, #tpu.memory_space<vmem>>
      %dma_wait3A_247 = tpu.memref_squeeze %dma_wait3A_246 : memref<1x128x8xf32, #tpu.memory_space<vmem>> -> memref<128x8xf32, #tpu.memory_space<vmem>>
      tpu.wait_dma2 semaphore(%run_scoped3A_224 : memref<!tpu.dma_semaphore, #tpu.memory_space<semaphore_mem>>) src(%dma_wait3A_247 : memref<128x8xf32, #tpu.memory_space<vmem>>) dst(%dma_wait3A_243 : memref<128x8xf32, #tpu.memory_space<hbm>>)
      tpu.yield
    }) : () -> ()
    %mul3A_172 = arith.constant 640 : i32
    %mul3A_173 = arith.muli %arg1, %mul3A_172 : i32
    %add3A_174 = arith.constant 128 : i32
    %add3A_175 = arith.addi %mul3A_173, %add3A_174 : i32
    %run_scoped3A_176 = arith.constant 0 : i32
    "tpu.region"() ({
      %run_scoped3A_224 = tpu.sem_alloc : memref<!tpu.dma_semaphore, #tpu.memory_space<semaphore_mem>>
      %dma_start3A_225 = arith.constant 0 : i32
      %dma_start3A_226 = arith.constant 0 : i32
      %dma_start3A_227 = tpu.memref_slice %arg9[%run_scoped3A_176, %dma_start3A_225, %dma_start3A_226] : memref<8x128x8xf32, #tpu.memory_space<vmem>> -> memref<1x128x8xf32, #tpu.memory_space<vmem>>
      %dma_start3A_228 = tpu.memref_squeeze %dma_start3A_227 : memref<1x128x8xf32, #tpu.memory_space<vmem>> -> memref<128x8xf32, #tpu.memory_space<vmem>>
      %dma_start3A_229 = arith.constant 0 : i32
      %dma_start3A_230 = tpu.memref_slice %arg10[%add3A_175, %dma_start3A_229] : memref<10240x8xf32, #tpu.memory_space<vmem_shared>> -> memref<128x8xf32, #tpu.memory_space<vmem_shared>>
      %dma_start3A_231 = arith.constant 0 : i32
      %dma_start3A_232 = arith.constant 0 : i32
      %dma_start3A_233 = tpu.memref_slice %arg9[%run_scoped3A_176, %dma_start3A_231, %dma_start3A_232] : memref<8x128x8xf32, #tpu.memory_space<vmem>> -> memref<1x128x8xf32, #tpu.memory_space<vmem>>
      %dma_start3A_234 = tpu.memref_squeeze %dma_start3A_233 : memref<1x128x8xf32, #tpu.memory_space<vmem>> -> memref<128x8xf32, #tpu.memory_space<vmem>>
      %dma_start3A_235 = arith.constant 0 : i32
      %dma_start3A_236 = tpu.memref_slice %arg10[%add3A_175, %dma_start3A_235] : memref<10240x8xf32, #tpu.memory_space<vmem_shared>> -> memref<128x8xf32, #tpu.memory_space<vmem_shared>>
      tpu.enqueue_dma source(%dma_start3A_236 : memref<128x8xf32, #tpu.memory_space<vmem_shared>>) target(%dma_start3A_234 : memref<128x8xf32, #tpu.memory_space<vmem>>) target_semaphore(%run_scoped3A_224 : memref<!tpu.dma_semaphore, #tpu.memory_space<semaphore_mem>>)
      %dma_wait3A = arith.constant 0 : i32
      %dma_wait3A_237 = arith.constant 0 : i32
      %dma_wait3A_238 = tpu.memref_slice %arg9[%run_scoped3A_176, %dma_wait3A, %dma_wait3A_237] : memref<8x128x8xf32, #tpu.memory_space<vmem>> -> memref<1x128x8xf32, #tpu.memory_space<vmem>>
      %dma_wait3A_239 = tpu.memref_squeeze %dma_wait3A_238 : memref<1x128x8xf32, #tpu.memory_space<vmem>> -> memref<128x8xf32, #tpu.memory_space<vmem>>
      %dma_wait3A_240 = arith.constant 0 : i32
      %dma_wait3A_241 = tpu.memref_slice %arg10[%add3A_175, %dma_wait3A_240] : memref<10240x8xf32, #tpu.memory_space<vmem_shared>> -> memref<128x8xf32, #tpu.memory_space<vmem_shared>>
      %dma_wait3A_242 = arith.constant 0 : i32
      %dma_wait3A_243 = arith.constant 0 : i32
      %dma_wait3A_244 = tpu.memref_slice %arg9[%run_scoped3A_176, %dma_wait3A_242, %dma_wait3A_243] : memref<8x128x8xf32, #tpu.memory_space<vmem>> -> memref<1x128x8xf32, #tpu.memory_space<vmem>>
      %dma_wait3A_245 = tpu.memref_squeeze %dma_wait3A_244 : memref<1x128x8xf32, #tpu.memory_space<vmem>> -> memref<128x8xf32, #tpu.memory_space<vmem>>
      %dma_wait3A_246 = arith.constant 0 : i32
      %dma_wait3A_247 = tpu.memref_slice %arg10[%add3A_175, %dma_wait3A_246] : memref<10240x8xf32, #tpu.memory_space<vmem_shared>> -> memref<128x8xf32, #tpu.memory_space<vmem_shared>>
      tpu.wait_dma2 semaphore(%run_scoped3A_224 : memref<!tpu.dma_semaphore, #tpu.memory_space<semaphore_mem>>) src(%dma_wait3A_247 : memref<128x8xf32, #tpu.memory_space<vmem_shared>>) dst(%dma_wait3A_245 : memref<128x8xf32, #tpu.memory_space<vmem>>)
      tpu.yield
    }) : () -> ()
    %mul3A_177 = arith.constant 10240 : i32
    %mul3A_178 = arith.muli %arg0, %mul3A_177 : i32
    %mul3A_179 = arith.constant 640 : i32
    %mul3A_180 = arith.muli %arg1, %mul3A_179 : i32
    %add3A_181 = arith.addi %mul3A_178, %mul3A_180 : i32
    %add3A_182 = arith.constant 128 : i32
    %add3A_183 = arith.addi %add3A_181, %add3A_182 : i32
    %run_scoped3A_184 = arith.constant 0 : i32
    "tpu.region"() ({
      %run_scoped3A_224 = tpu.sem_alloc : memref<!tpu.dma_semaphore, #tpu.memory_space<semaphore_mem>>
      %dma_start3A_225 = arith.constant 0 : i32
      %dma_start3A_226 = arith.constant 0 : i32
      %dma_start3A_227 = tpu.memref_slice %arg9[%run_scoped3A_184, %dma_start3A_225, %dma_start3A_226] : memref<8x128x8xf32, #tpu.memory_space<vmem>> -> memref<1x128x8xf32, #tpu.memory_space<vmem>>
      %dma_start3A_228 = tpu.memref_squeeze %dma_start3A_227 : memref<1x128x8xf32, #tpu.memory_space<vmem>> -> memref<128x8xf32, #tpu.memory_space<vmem>>
      %dma_start3A_229 = arith.constant 0 : i32
      %dma_start3A_230 = tpu.memref_slice %arg6[%add3A_183, %dma_start3A_229] : memref<20480x8xf32, #tpu.memory_space<hbm>> -> memref<128x8xf32, #tpu.memory_space<hbm>>
      %dma_start3A_231 = arith.constant 0 : i32
      %dma_start3A_232 = tpu.memref_slice %arg6[%add3A_183, %dma_start3A_231] : memref<20480x8xf32, #tpu.memory_space<hbm>> -> memref<128x8xf32, #tpu.memory_space<hbm>>
      %dma_start3A_233 = arith.constant 0 : i32
      %dma_start3A_234 = arith.constant 0 : i32
      %dma_start3A_235 = tpu.memref_slice %arg9[%run_scoped3A_184, %dma_start3A_233, %dma_start3A_234] : memref<8x128x8xf32, #tpu.memory_space<vmem>> -> memref<1x128x8xf32, #tpu.memory_space<vmem>>
      %dma_start3A_236 = tpu.memref_squeeze %dma_start3A_235 : memref<1x128x8xf32, #tpu.memory_space<vmem>> -> memref<128x8xf32, #tpu.memory_space<vmem>>
      tpu.enqueue_dma source(%dma_start3A_236 : memref<128x8xf32, #tpu.memory_space<vmem>>) target(%dma_start3A_232 : memref<128x8xf32, #tpu.memory_space<hbm>>) target_semaphore(%run_scoped3A_224 : memref<!tpu.dma_semaphore, #tpu.memory_space<semaphore_mem>>)
      %dma_wait3A = arith.constant 0 : i32
      %dma_wait3A_237 = arith.constant 0 : i32
      %dma_wait3A_238 = tpu.memref_slice %arg9[%run_scoped3A_184, %dma_wait3A, %dma_wait3A_237] : memref<8x128x8xf32, #tpu.memory_space<vmem>> -> memref<1x128x8xf32, #tpu.memory_space<vmem>>
      %dma_wait3A_239 = tpu.memref_squeeze %dma_wait3A_238 : memref<1x128x8xf32, #tpu.memory_space<vmem>> -> memref<128x8xf32, #tpu.memory_space<vmem>>
      %dma_wait3A_240 = arith.constant 0 : i32
      %dma_wait3A_241 = tpu.memref_slice %arg6[%add3A_183, %dma_wait3A_240] : memref<20480x8xf32, #tpu.memory_space<hbm>> -> memref<128x8xf32, #tpu.memory_space<hbm>>
      %dma_wait3A_242 = arith.constant 0 : i32
      %dma_wait3A_243 = tpu.memref_slice %arg6[%add3A_183, %dma_wait3A_242] : memref<20480x8xf32, #tpu.memory_space<hbm>> -> memref<128x8xf32, #tpu.memory_space<hbm>>
      %dma_wait3A_244 = arith.constant 0 : i32
      %dma_wait3A_245 = arith.constant 0 : i32
      %dma_wait3A_246 = tpu.memref_slice %arg9[%run_scoped3A_184, %dma_wait3A_244, %dma_wait3A_245] : memref<8x128x8xf32, #tpu.memory_space<vmem>> -> memref<1x128x8xf32, #tpu.memory_space<vmem>>
      %dma_wait3A_247 = tpu.memref_squeeze %dma_wait3A_246 : memref<1x128x8xf32, #tpu.memory_space<vmem>> -> memref<128x8xf32, #tpu.memory_space<vmem>>
      tpu.wait_dma2 semaphore(%run_scoped3A_224 : memref<!tpu.dma_semaphore, #tpu.memory_space<semaphore_mem>>) src(%dma_wait3A_247 : memref<128x8xf32, #tpu.memory_space<vmem>>) dst(%dma_wait3A_243 : memref<128x8xf32, #tpu.memory_space<hbm>>)
      tpu.yield
    }) : () -> ()
    %mul3A_185 = arith.constant 640 : i32
    %mul3A_186 = arith.muli %arg1, %mul3A_185 : i32
    %add3A_187 = arith.constant 256 : i32
    %add3A_188 = arith.addi %mul3A_186, %add3A_187 : i32
    %run_scoped3A_189 = arith.constant 0 : i32
    "tpu.region"() ({
      %run_scoped3A_224 = tpu.sem_alloc : memref<!tpu.dma_semaphore, #tpu.memory_space<semaphore_mem>>
      %dma_start3A_225 = arith.constant 0 : i32
      %dma_start3A_226 = arith.constant 0 : i32
      %dma_start3A_227 = tpu.memref_slice %arg9[%run_scoped3A_189, %dma_start3A_225, %dma_start3A_226] : memref<8x128x8xf32, #tpu.memory_space<vmem>> -> memref<1x128x8xf32, #tpu.memory_space<vmem>>
      %dma_start3A_228 = tpu.memref_squeeze %dma_start3A_227 : memref<1x128x8xf32, #tpu.memory_space<vmem>> -> memref<128x8xf32, #tpu.memory_space<vmem>>
      %dma_start3A_229 = arith.constant 0 : i32
      %dma_start3A_230 = tpu.memref_slice %arg10[%add3A_188, %dma_start3A_229] : memref<10240x8xf32, #tpu.memory_space<vmem_shared>> -> memref<128x8xf32, #tpu.memory_space<vmem_shared>>
      %dma_start3A_231 = arith.constant 0 : i32
      %dma_start3A_232 = arith.constant 0 : i32
      %dma_start3A_233 = tpu.memref_slice %arg9[%run_scoped3A_189, %dma_start3A_231, %dma_start3A_232] : memref<8x128x8xf32, #tpu.memory_space<vmem>> -> memref<1x128x8xf32, #tpu.memory_space<vmem>>
      %dma_start3A_234 = tpu.memref_squeeze %dma_start3A_233 : memref<1x128x8xf32, #tpu.memory_space<vmem>> -> memref<128x8xf32, #tpu.memory_space<vmem>>
      %dma_start3A_235 = arith.constant 0 : i32
      %dma_start3A_236 = tpu.memref_slice %arg10[%add3A_188, %dma_start3A_235] : memref<10240x8xf32, #tpu.memory_space<vmem_shared>> -> memref<128x8xf32, #tpu.memory_space<vmem_shared>>
      tpu.enqueue_dma source(%dma_start3A_236 : memref<128x8xf32, #tpu.memory_space<vmem_shared>>) target(%dma_start3A_234 : memref<128x8xf32, #tpu.memory_space<vmem>>) target_semaphore(%run_scoped3A_224 : memref<!tpu.dma_semaphore, #tpu.memory_space<semaphore_mem>>)
      %dma_wait3A = arith.constant 0 : i32
      %dma_wait3A_237 = arith.constant 0 : i32
      %dma_wait3A_238 = tpu.memref_slice %arg9[%run_scoped3A_189, %dma_wait3A, %dma_wait3A_237] : memref<8x128x8xf32, #tpu.memory_space<vmem>> -> memref<1x128x8xf32, #tpu.memory_space<vmem>>
      %dma_wait3A_239 = tpu.memref_squeeze %dma_wait3A_238 : memref<1x128x8xf32, #tpu.memory_space<vmem>> -> memref<128x8xf32, #tpu.memory_space<vmem>>
      %dma_wait3A_240 = arith.constant 0 : i32
      %dma_wait3A_241 = tpu.memref_slice %arg10[%add3A_188, %dma_wait3A_240] : memref<10240x8xf32, #tpu.memory_space<vmem_shared>> -> memref<128x8xf32, #tpu.memory_space<vmem_shared>>
      %dma_wait3A_242 = arith.constant 0 : i32
      %dma_wait3A_243 = arith.constant 0 : i32
      %dma_wait3A_244 = tpu.memref_slice %arg9[%run_scoped3A_189, %dma_wait3A_242, %dma_wait3A_243] : memref<8x128x8xf32, #tpu.memory_space<vmem>> -> memref<1x128x8xf32, #tpu.memory_space<vmem>>
      %dma_wait3A_245 = tpu.memref_squeeze %dma_wait3A_244 : memref<1x128x8xf32, #tpu.memory_space<vmem>> -> memref<128x8xf32, #tpu.memory_space<vmem>>
      %dma_wait3A_246 = arith.constant 0 : i32
      %dma_wait3A_247 = tpu.memref_slice %arg10[%add3A_188, %dma_wait3A_246] : memref<10240x8xf32, #tpu.memory_space<vmem_shared>> -> memref<128x8xf32, #tpu.memory_space<vmem_shared>>
      tpu.wait_dma2 semaphore(%run_scoped3A_224 : memref<!tpu.dma_semaphore, #tpu.memory_space<semaphore_mem>>) src(%dma_wait3A_247 : memref<128x8xf32, #tpu.memory_space<vmem_shared>>) dst(%dma_wait3A_245 : memref<128x8xf32, #tpu.memory_space<vmem>>)
      tpu.yield
    }) : () -> ()
    %mul3A_190 = arith.constant 10240 : i32
    %mul3A_191 = arith.muli %arg0, %mul3A_190 : i32
    %mul3A_192 = arith.constant 640 : i32
    %mul3A_193 = arith.muli %arg1, %mul3A_192 : i32
    %add3A_194 = arith.addi %mul3A_191, %mul3A_193 : i32
    %add3A_195 = arith.constant 256 : i32
    %add3A_196 = arith.addi %add3A_194, %add3A_195 : i32
    %run_scoped3A_197 = arith.constant 0 : i32
    "tpu.region"() ({
      %run_scoped3A_224 = tpu.sem_alloc : memref<!tpu.dma_semaphore, #tpu.memory_space<semaphore_mem>>
      %dma_start3A_225 = arith.constant 0 : i32
      %dma_start3A_226 = arith.constant 0 : i32
      %dma_start3A_227 = tpu.memref_slice %arg9[%run_scoped3A_197, %dma_start3A_225, %dma_start3A_226] : memref<8x128x8xf32, #tpu.memory_space<vmem>> -> memref<1x128x8xf32, #tpu.memory_space<vmem>>
      %dma_start3A_228 = tpu.memref_squeeze %dma_start3A_227 : memref<1x128x8xf32, #tpu.memory_space<vmem>> -> memref<128x8xf32, #tpu.memory_space<vmem>>
      %dma_start3A_229 = arith.constant 0 : i32
      %dma_start3A_230 = tpu.memref_slice %arg6[%add3A_196, %dma_start3A_229] : memref<20480x8xf32, #tpu.memory_space<hbm>> -> memref<128x8xf32, #tpu.memory_space<hbm>>
      %dma_start3A_231 = arith.constant 0 : i32
      %dma_start3A_232 = tpu.memref_slice %arg6[%add3A_196, %dma_start3A_231] : memref<20480x8xf32, #tpu.memory_space<hbm>> -> memref<128x8xf32, #tpu.memory_space<hbm>>
      %dma_start3A_233 = arith.constant 0 : i32
      %dma_start3A_234 = arith.constant 0 : i32
      %dma_start3A_235 = tpu.memref_slice %arg9[%run_scoped3A_197, %dma_start3A_233, %dma_start3A_234] : memref<8x128x8xf32, #tpu.memory_space<vmem>> -> memref<1x128x8xf32, #tpu.memory_space<vmem>>
      %dma_start3A_236 = tpu.memref_squeeze %dma_start3A_235 : memref<1x128x8xf32, #tpu.memory_space<vmem>> -> memref<128x8xf32, #tpu.memory_space<vmem>>
      tpu.enqueue_dma source(%dma_start3A_236 : memref<128x8xf32, #tpu.memory_space<vmem>>) target(%dma_start3A_232 : memref<128x8xf32, #tpu.memory_space<hbm>>) target_semaphore(%run_scoped3A_224 : memref<!tpu.dma_semaphore, #tpu.memory_space<semaphore_mem>>)
      %dma_wait3A = arith.constant 0 : i32
      %dma_wait3A_237 = arith.constant 0 : i32
      %dma_wait3A_238 = tpu.memref_slice %arg9[%run_scoped3A_197, %dma_wait3A, %dma_wait3A_237] : memref<8x128x8xf32, #tpu.memory_space<vmem>> -> memref<1x128x8xf32, #tpu.memory_space<vmem>>
      %dma_wait3A_239 = tpu.memref_squeeze %dma_wait3A_238 : memref<1x128x8xf32, #tpu.memory_space<vmem>> -> memref<128x8xf32, #tpu.memory_space<vmem>>
      %dma_wait3A_240 = arith.constant 0 : i32
      %dma_wait3A_241 = tpu.memref_slice %arg6[%add3A_196, %dma_wait3A_240] : memref<20480x8xf32, #tpu.memory_space<hbm>> -> memref<128x8xf32, #tpu.memory_space<hbm>>
      %dma_wait3A_242 = arith.constant 0 : i32
      %dma_wait3A_243 = tpu.memref_slice %arg6[%add3A_196, %dma_wait3A_242] : memref<20480x8xf32, #tpu.memory_space<hbm>> -> memref<128x8xf32, #tpu.memory_space<hbm>>
      %dma_wait3A_244 = arith.constant 0 : i32
      %dma_wait3A_245 = arith.constant 0 : i32
      %dma_wait3A_246 = tpu.memref_slice %arg9[%run_scoped3A_197, %dma_wait3A_244, %dma_wait3A_245] : memref<8x128x8xf32, #tpu.memory_space<vmem>> -> memref<1x128x8xf32, #tpu.memory_space<vmem>>
      %dma_wait3A_247 = tpu.memref_squeeze %dma_wait3A_246 : memref<1x128x8xf32, #tpu.memory_space<vmem>> -> memref<128x8xf32, #tpu.memory_space<vmem>>
      tpu.wait_dma2 semaphore(%run_scoped3A_224 : memref<!tpu.dma_semaphore, #tpu.memory_space<semaphore_mem>>) src(%dma_wait3A_247 : memref<128x8xf32, #tpu.memory_space<vmem>>) dst(%dma_wait3A_243 : memref<128x8xf32, #tpu.memory_space<hbm>>)
      tpu.yield
    }) : () -> ()
    %mul3A_198 = arith.constant 640 : i32
    %mul3A_199 = arith.muli %arg1, %mul3A_198 : i32
    %add3A_200 = arith.constant 384 : i32
    %add3A_201 = arith.addi %mul3A_199, %add3A_200 : i32
    %run_scoped3A_202 = arith.constant 0 : i32
    "tpu.region"() ({
      %run_scoped3A_224 = tpu.sem_alloc : memref<!tpu.dma_semaphore, #tpu.memory_space<semaphore_mem>>
      %dma_start3A_225 = arith.constant 0 : i32
      %dma_start3A_226 = arith.constant 0 : i32
      %dma_start3A_227 = tpu.memref_slice %arg9[%run_scoped3A_202, %dma_start3A_225, %dma_start3A_226] : memref<8x128x8xf32, #tpu.memory_space<vmem>> -> memref<1x128x8xf32, #tpu.memory_space<vmem>>
      %dma_start3A_228 = tpu.memref_squeeze %dma_start3A_227 : memref<1x128x8xf32, #tpu.memory_space<vmem>> -> memref<128x8xf32, #tpu.memory_space<vmem>>
      %dma_start3A_229 = arith.constant 0 : i32
      %dma_start3A_230 = tpu.memref_slice %arg10[%add3A_201, %dma_start3A_229] : memref<10240x8xf32, #tpu.memory_space<vmem_shared>> -> memref<128x8xf32, #tpu.memory_space<vmem_shared>>
      %dma_start3A_231 = arith.constant 0 : i32
      %dma_start3A_232 = arith.constant 0 : i32
      %dma_start3A_233 = tpu.memref_slice %arg9[%run_scoped3A_202, %dma_start3A_231, %dma_start3A_232] : memref<8x128x8xf32, #tpu.memory_space<vmem>> -> memref<1x128x8xf32, #tpu.memory_space<vmem>>
      %dma_start3A_234 = tpu.memref_squeeze %dma_start3A_233 : memref<1x128x8xf32, #tpu.memory_space<vmem>> -> memref<128x8xf32, #tpu.memory_space<vmem>>
      %dma_start3A_235 = arith.constant 0 : i32
      %dma_start3A_236 = tpu.memref_slice %arg10[%add3A_201, %dma_start3A_235] : memref<10240x8xf32, #tpu.memory_space<vmem_shared>> -> memref<128x8xf32, #tpu.memory_space<vmem_shared>>
      tpu.enqueue_dma source(%dma_start3A_236 : memref<128x8xf32, #tpu.memory_space<vmem_shared>>) target(%dma_start3A_234 : memref<128x8xf32, #tpu.memory_space<vmem>>) target_semaphore(%run_scoped3A_224 : memref<!tpu.dma_semaphore, #tpu.memory_space<semaphore_mem>>)
      %dma_wait3A = arith.constant 0 : i32
      %dma_wait3A_237 = arith.constant 0 : i32
      %dma_wait3A_238 = tpu.memref_slice %arg9[%run_scoped3A_202, %dma_wait3A, %dma_wait3A_237] : memref<8x128x8xf32, #tpu.memory_space<vmem>> -> memref<1x128x8xf32, #tpu.memory_space<vmem>>
      %dma_wait3A_239 = tpu.memref_squeeze %dma_wait3A_238 : memref<1x128x8xf32, #tpu.memory_space<vmem>> -> memref<128x8xf32, #tpu.memory_space<vmem>>
      %dma_wait3A_240 = arith.constant 0 : i32
      %dma_wait3A_241 = tpu.memref_slice %arg10[%add3A_201, %dma_wait3A_240] : memref<10240x8xf32, #tpu.memory_space<vmem_shared>> -> memref<128x8xf32, #tpu.memory_space<vmem_shared>>
      %dma_wait3A_242 = arith.constant 0 : i32
      %dma_wait3A_243 = arith.constant 0 : i32
      %dma_wait3A_244 = tpu.memref_slice %arg9[%run_scoped3A_202, %dma_wait3A_242, %dma_wait3A_243] : memref<8x128x8xf32, #tpu.memory_space<vmem>> -> memref<1x128x8xf32, #tpu.memory_space<vmem>>
      %dma_wait3A_245 = tpu.memref_squeeze %dma_wait3A_244 : memref<1x128x8xf32, #tpu.memory_space<vmem>> -> memref<128x8xf32, #tpu.memory_space<vmem>>
      %dma_wait3A_246 = arith.constant 0 : i32
      %dma_wait3A_247 = tpu.memref_slice %arg10[%add3A_201, %dma_wait3A_246] : memref<10240x8xf32, #tpu.memory_space<vmem_shared>> -> memref<128x8xf32, #tpu.memory_space<vmem_shared>>
      tpu.wait_dma2 semaphore(%run_scoped3A_224 : memref<!tpu.dma_semaphore, #tpu.memory_space<semaphore_mem>>) src(%dma_wait3A_247 : memref<128x8xf32, #tpu.memory_space<vmem_shared>>) dst(%dma_wait3A_245 : memref<128x8xf32, #tpu.memory_space<vmem>>)
      tpu.yield
    }) : () -> ()
    %mul3A_203 = arith.constant 10240 : i32
    %mul3A_204 = arith.muli %arg0, %mul3A_203 : i32
    %mul3A_205 = arith.constant 640 : i32
    %mul3A_206 = arith.muli %arg1, %mul3A_205 : i32
    %add3A_207 = arith.addi %mul3A_204, %mul3A_206 : i32
    %add3A_208 = arith.constant 384 : i32
    %add3A_209 = arith.addi %add3A_207, %add3A_208 : i32
    %run_scoped3A_210 = arith.constant 0 : i32
    "tpu.region"() ({
      %run_scoped3A_224 = tpu.sem_alloc : memref<!tpu.dma_semaphore, #tpu.memory_space<semaphore_mem>>
      %dma_start3A_225 = arith.constant 0 : i32
      %dma_start3A_226 = arith.constant 0 : i32
      %dma_start3A_227 = tpu.memref_slice %arg9[%run_scoped3A_210, %dma_start3A_225, %dma_start3A_226] : memref<8x128x8xf32, #tpu.memory_space<vmem>> -> memref<1x128x8xf32, #tpu.memory_space<vmem>>
      %dma_start3A_228 = tpu.memref_squeeze %dma_start3A_227 : memref<1x128x8xf32, #tpu.memory_space<vmem>> -> memref<128x8xf32, #tpu.memory_space<vmem>>
      %dma_start3A_229 = arith.constant 0 : i32
      %dma_start3A_230 = tpu.memref_slice %arg6[%add3A_209, %dma_start3A_229] : memref<20480x8xf32, #tpu.memory_space<hbm>> -> memref<128x8xf32, #tpu.memory_space<hbm>>
      %dma_start3A_231 = arith.constant 0 : i32
      %dma_start3A_232 = tpu.memref_slice %arg6[%add3A_209, %dma_start3A_231] : memref<20480x8xf32, #tpu.memory_space<hbm>> -> memref<128x8xf32, #tpu.memory_space<hbm>>
      %dma_start3A_233 = arith.constant 0 : i32
      %dma_start3A_234 = arith.constant 0 : i32
      %dma_start3A_235 = tpu.memref_slice %arg9[%run_scoped3A_210, %dma_start3A_233, %dma_start3A_234] : memref<8x128x8xf32, #tpu.memory_space<vmem>> -> memref<1x128x8xf32, #tpu.memory_space<vmem>>
      %dma_start3A_236 = tpu.memref_squeeze %dma_start3A_235 : memref<1x128x8xf32, #tpu.memory_space<vmem>> -> memref<128x8xf32, #tpu.memory_space<vmem>>
      tpu.enqueue_dma source(%dma_start3A_236 : memref<128x8xf32, #tpu.memory_space<vmem>>) target(%dma_start3A_232 : memref<128x8xf32, #tpu.memory_space<hbm>>) target_semaphore(%run_scoped3A_224 : memref<!tpu.dma_semaphore, #tpu.memory_space<semaphore_mem>>)
      %dma_wait3A = arith.constant 0 : i32
      %dma_wait3A_237 = arith.constant 0 : i32
      %dma_wait3A_238 = tpu.memref_slice %arg9[%run_scoped3A_210, %dma_wait3A, %dma_wait3A_237] : memref<8x128x8xf32, #tpu.memory_space<vmem>> -> memref<1x128x8xf32, #tpu.memory_space<vmem>>
      %dma_wait3A_239 = tpu.memref_squeeze %dma_wait3A_238 : memref<1x128x8xf32, #tpu.memory_space<vmem>> -> memref<128x8xf32, #tpu.memory_space<vmem>>
      %dma_wait3A_240 = arith.constant 0 : i32
      %dma_wait3A_241 = tpu.memref_slice %arg6[%add3A_209, %dma_wait3A_240] : memref<20480x8xf32, #tpu.memory_space<hbm>> -> memref<128x8xf32, #tpu.memory_space<hbm>>
      %dma_wait3A_242 = arith.constant 0 : i32
      %dma_wait3A_243 = tpu.memref_slice %arg6[%add3A_209, %dma_wait3A_242] : memref<20480x8xf32, #tpu.memory_space<hbm>> -> memref<128x8xf32, #tpu.memory_space<hbm>>
      %dma_wait3A_244 = arith.constant 0 : i32
      %dma_wait3A_245 = arith.constant 0 : i32
      %dma_wait3A_246 = tpu.memref_slice %arg9[%run_scoped3A_210, %dma_wait3A_244, %dma_wait3A_245] : memref<8x128x8xf32, #tpu.memory_space<vmem>> -> memref<1x128x8xf32, #tpu.memory_space<vmem>>
      %dma_wait3A_247 = tpu.memref_squeeze %dma_wait3A_246 : memref<1x128x8xf32, #tpu.memory_space<vmem>> -> memref<128x8xf32, #tpu.memory_space<vmem>>
      tpu.wait_dma2 semaphore(%run_scoped3A_224 : memref<!tpu.dma_semaphore, #tpu.memory_space<semaphore_mem>>) src(%dma_wait3A_247 : memref<128x8xf32, #tpu.memory_space<vmem>>) dst(%dma_wait3A_243 : memref<128x8xf32, #tpu.memory_space<hbm>>)
      tpu.yield
    }) : () -> ()
    %mul3A_211 = arith.constant 640 : i32
    %mul3A_212 = arith.muli %arg1, %mul3A_211 : i32
    %add3A_213 = arith.constant 512 : i32
    %add3A_214 = arith.addi %mul3A_212, %add3A_213 : i32
    %run_scoped3A_215 = arith.constant 0 : i32
    "tpu.region"() ({
      %run_scoped3A_224 = tpu.sem_alloc : memref<!tpu.dma_semaphore, #tpu.memory_space<semaphore_mem>>
      %dma_start3A_225 = arith.constant 0 : i32
      %dma_start3A_226 = arith.constant 0 : i32
      %dma_start3A_227 = tpu.memref_slice %arg9[%run_scoped3A_215, %dma_start3A_225, %dma_start3A_226] : memref<8x128x8xf32, #tpu.memory_space<vmem>> -> memref<1x128x8xf32, #tpu.memory_space<vmem>>
      %dma_start3A_228 = tpu.memref_squeeze %dma_start3A_227 : memref<1x128x8xf32, #tpu.memory_space<vmem>> -> memref<128x8xf32, #tpu.memory_space<vmem>>
      %dma_start3A_229 = arith.constant 0 : i32
      %dma_start3A_230 = tpu.memref_slice %arg10[%add3A_214, %dma_start3A_229] : memref<10240x8xf32, #tpu.memory_space<vmem_shared>> -> memref<128x8xf32, #tpu.memory_space<vmem_shared>>
      %dma_start3A_231 = arith.constant 0 : i32
      %dma_start3A_232 = arith.constant 0 : i32
      %dma_start3A_233 = tpu.memref_slice %arg9[%run_scoped3A_215, %dma_start3A_231, %dma_start3A_232] : memref<8x128x8xf32, #tpu.memory_space<vmem>> -> memref<1x128x8xf32, #tpu.memory_space<vmem>>
      %dma_start3A_234 = tpu.memref_squeeze %dma_start3A_233 : memref<1x128x8xf32, #tpu.memory_space<vmem>> -> memref<128x8xf32, #tpu.memory_space<vmem>>
      %dma_start3A_235 = arith.constant 0 : i32
      %dma_start3A_236 = tpu.memref_slice %arg10[%add3A_214, %dma_start3A_235] : memref<10240x8xf32, #tpu.memory_space<vmem_shared>> -> memref<128x8xf32, #tpu.memory_space<vmem_shared>>
      tpu.enqueue_dma source(%dma_start3A_236 : memref<128x8xf32, #tpu.memory_space<vmem_shared>>) target(%dma_start3A_234 : memref<128x8xf32, #tpu.memory_space<vmem>>) target_semaphore(%run_scoped3A_224 : memref<!tpu.dma_semaphore, #tpu.memory_space<semaphore_mem>>)
      %dma_wait3A = arith.constant 0 : i32
      %dma_wait3A_237 = arith.constant 0 : i32
      %dma_wait3A_238 = tpu.memref_slice %arg9[%run_scoped3A_215, %dma_wait3A, %dma_wait3A_237] : memref<8x128x8xf32, #tpu.memory_space<vmem>> -> memref<1x128x8xf32, #tpu.memory_space<vmem>>
      %dma_wait3A_239 = tpu.memref_squeeze %dma_wait3A_238 : memref<1x128x8xf32, #tpu.memory_space<vmem>> -> memref<128x8xf32, #tpu.memory_space<vmem>>
      %dma_wait3A_240 = arith.constant 0 : i32
      %dma_wait3A_241 = tpu.memref_slice %arg10[%add3A_214, %dma_wait3A_240] : memref<10240x8xf32, #tpu.memory_space<vmem_shared>> -> memref<128x8xf32, #tpu.memory_space<vmem_shared>>
      %dma_wait3A_242 = arith.constant 0 : i32
      %dma_wait3A_243 = arith.constant 0 : i32
      %dma_wait3A_244 = tpu.memref_slice %arg9[%run_scoped3A_215, %dma_wait3A_242, %dma_wait3A_243] : memref<8x128x8xf32, #tpu.memory_space<vmem>> -> memref<1x128x8xf32, #tpu.memory_space<vmem>>
      %dma_wait3A_245 = tpu.memref_squeeze %dma_wait3A_244 : memref<1x128x8xf32, #tpu.memory_space<vmem>> -> memref<128x8xf32, #tpu.memory_space<vmem>>
      %dma_wait3A_246 = arith.constant 0 : i32
      %dma_wait3A_247 = tpu.memref_slice %arg10[%add3A_214, %dma_wait3A_246] : memref<10240x8xf32, #tpu.memory_space<vmem_shared>> -> memref<128x8xf32, #tpu.memory_space<vmem_shared>>
      tpu.wait_dma2 semaphore(%run_scoped3A_224 : memref<!tpu.dma_semaphore, #tpu.memory_space<semaphore_mem>>) src(%dma_wait3A_247 : memref<128x8xf32, #tpu.memory_space<vmem_shared>>) dst(%dma_wait3A_245 : memref<128x8xf32, #tpu.memory_space<vmem>>)
      tpu.yield
    }) : () -> ()
    %mul3A_216 = arith.constant 10240 : i32
    %mul3A_217 = arith.muli %arg0, %mul3A_216 : i32
    %mul3A_218 = arith.constant 640 : i32
    %mul3A_219 = arith.muli %arg1, %mul3A_218 : i32
    %add3A_220 = arith.addi %mul3A_217, %mul3A_219 : i32
    %add3A_221 = arith.constant 512 : i32
    %add3A_222 = arith.addi %add3A_220, %add3A_221 : i32
    %run_scoped3A_223 = arith.constant 0 : i32
    "tpu.region"() ({
      %run_scoped3A_224 = tpu.sem_alloc : memref<!tpu.dma_semaphore, #tpu.memory_space<semaphore_mem>>
      %dma_start3A_225 = arith.constant 0 : i32
      %dma_start3A_226 = arith.constant 0 : i32
      %dma_start3A_227 = tpu.memref_slice %arg9[%run_scoped3A_223, %dma_start3A_225, %dma_start3A_226] : memref<8x128x8xf32, #tpu.memory_space<vmem>> -> memref<1x128x8xf32, #tpu.memory_space<vmem>>
      %dma_start3A_228 = tpu.memref_squeeze %dma_start3A_227 : memref<1x128x8xf32, #tpu.memory_space<vmem>> -> memref<128x8xf32, #tpu.memory_space<vmem>>
      %dma_start3A_229 = arith.constant 0 : i32
      %dma_start3A_230 = tpu.memref_slice %arg6[%add3A_222, %dma_start3A_229] : memref<20480x8xf32, #tpu.memory_space<hbm>> -> memref<128x8xf32, #tpu.memory_space<hbm>>
      %dma_start3A_231 = arith.constant 0 : i32
      %dma_start3A_232 = tpu.memref_slice %arg6[%add3A_222, %dma_start3A_231] : memref<20480x8xf32, #tpu.memory_space<hbm>> -> memref<128x8xf32, #tpu.memory_space<hbm>>
      %dma_start3A_233 = arith.constant 0 : i32
      %dma_start3A_234 = arith.constant 0 : i32
      %dma_start3A_235 = tpu.memref_slice %arg9[%run_scoped3A_223, %dma_start3A_233, %dma_start3A_234] : memref<8x128x8xf32, #tpu.memory_space<vmem>> -> memref<1x128x8xf32, #tpu.memory_space<vmem>>
      %dma_start3A_236 = tpu.memref_squeeze %dma_start3A_235 : memref<1x128x8xf32, #tpu.memory_space<vmem>> -> memref<128x8xf32, #tpu.memory_space<vmem>>
      tpu.enqueue_dma source(%dma_start3A_236 : memref<128x8xf32, #tpu.memory_space<vmem>>) target(%dma_start3A_232 : memref<128x8xf32, #tpu.memory_space<hbm>>) target_semaphore(%run_scoped3A_224 : memref<!tpu.dma_semaphore, #tpu.memory_space<semaphore_mem>>)
      %dma_wait3A = arith.constant 0 : i32
      %dma_wait3A_237 = arith.constant 0 : i32
      %dma_wait3A_238 = tpu.memref_slice %arg9[%run_scoped3A_223, %dma_wait3A, %dma_wait3A_237] : memref<8x128x8xf32, #tpu.memory_space<vmem>> -> memref<1x128x8xf32, #tpu.memory_space<vmem>>
      %dma_wait3A_239 = tpu.memref_squeeze %dma_wait3A_238 : memref<1x128x8xf32, #tpu.memory_space<vmem>> -> memref<128x8xf32, #tpu.memory_space<vmem>>
      %dma_wait3A_240 = arith.constant 0 : i32
      %dma_wait3A_241 = tpu.memref_slice %arg6[%add3A_222, %dma_wait3A_240] : memref<20480x8xf32, #tpu.memory_space<hbm>> -> memref<128x8xf32, #tpu.memory_space<hbm>>
      %dma_wait3A_242 = arith.constant 0 : i32
      %dma_wait3A_243 = tpu.memref_slice %arg6[%add3A_222, %dma_wait3A_242] : memref<20480x8xf32, #tpu.memory_space<hbm>> -> memref<128x8xf32, #tpu.memory_space<hbm>>
      %dma_wait3A_244 = arith.constant 0 : i32
      %dma_wait3A_245 = arith.constant 0 : i32
      %dma_wait3A_246 = tpu.memref_slice %arg9[%run_scoped3A_223, %dma_wait3A_244, %dma_wait3A_245] : memref<8x128x8xf32, #tpu.memory_space<vmem>> -> memref<1x128x8xf32, #tpu.memory_space<vmem>>
      %dma_wait3A_247 = tpu.memref_squeeze %dma_wait3A_246 : memref<1x128x8xf32, #tpu.memory_space<vmem>> -> memref<128x8xf32, #tpu.memory_space<vmem>>
      tpu.wait_dma2 semaphore(%run_scoped3A_224 : memref<!tpu.dma_semaphore, #tpu.memory_space<semaphore_mem>>) src(%dma_wait3A_247 : memref<128x8xf32, #tpu.memory_space<vmem>>) dst(%dma_wait3A_243 : memref<128x8xf32, #tpu.memory_space<hbm>>)
      tpu.yield
    }) : () -> ()
    return
  }
}

module attributes {stable_mosaic.version = 14 : i64} {
  func.func @_tc1_body(%arg0: i32, %arg1: memref<2048x128xf32, #tpu.memory_space<vmem>>, %arg2: memref<128x64xf32, #tpu.memory_space<vmem>>, %arg3: memref<2x2048x1xf32, #tpu.memory_space<vmem>>, %arg4: memref<2048x32xbf16, #tpu.memory_space<vmem>>, %arg5: memref<2048x32xbf16, #tpu.memory_space<vmem>>, %arg6: memref<2048x1xf32, #tpu.memory_space<vmem>>) attributes {dimension_semantics = [#tpu.dimension_semantics<arbitrary>], iteration_bounds = array<i64: 5>, scalar_prefetch = 0 : i64, scratch_operands = 0 : i64, tpu.core_type = #tpu.core_type<tc>, window_params = [{transform_indices = @transform_0, window_bounds = array<i64: 2048, 128>}, {pipeline_mode = #tpu.pipeline_mode<synchronous>, transform_indices = @transform_1, window_bounds = array<i64: 128, 64>}, {transform_indices = @transform_2, window_bounds = array<i64: 2, 2048, 1>}, {transform_indices = @transform_3, window_bounds = array<i64: 2048, 32>}, {transform_indices = @transform_4, window_bounds = array<i64: 2048, 32>}, {transform_indices = @transform_5, window_bounds = array<i64: 2048, 1>}]} {
    %get3A = arith.constant 0 : index
    %get3A_0 = arith.constant 0 : index
    %get3A_1 = arith.constant 0 : index
    %get3A_2 = vector.load %arg3[%get3A, %get3A_0, %get3A_1] : memref<2x2048x1xf32, #tpu.memory_space<vmem>>, vector<1x2048x1xf32>
    %get3A_3 = vector.shape_cast %get3A_2 : vector<1x2048x1xf32> to vector<2048x1xf32>
    %get3A_4 = arith.constant 1 : index
    %get3A_5 = arith.constant 0 : index
    %get3A_6 = arith.constant 0 : index
    %get3A_7 = vector.load %arg3[%get3A_4, %get3A_5, %get3A_6] : memref<2x2048x1xf32, #tpu.memory_space<vmem>>, vector<1x2048x1xf32>
    %get3A_8 = vector.shape_cast %get3A_7 : vector<1x2048x1xf32> to vector<2048x1xf32>
    %add3A = arith.addf %get3A_3, %get3A_8 : vector<2048x1xf32>
    %add3A_9 = arith.constant 1.000000e+00 : f32
    %add3A_10 = vector.broadcast %add3A_9 : f32 to vector<2048x1xf32>
    %add3A_11 = arith.addf %add3A, %add3A_10 : vector<2048x1xf32>
    %rsqrt3A = math.rsqrt %add3A_11 : vector<2048x1xf32>
    %swap3A = arith.constant 0 : index
    %swap3A_12 = arith.constant 0 : index
    %swap3A_13 = vector.load %arg6[%swap3A, %swap3A_12] : memref<2048x1xf32, #tpu.memory_space<vmem>>, vector<2048x1xf32>
    tpu.vector_store %arg6[%swap3A, %swap3A_12], %rsqrt3A {strides = array<i32>} : memref<2048x1xf32, #tpu.memory_space<vmem>>, vector<2048x1xf32>,
    %get3A_14 = arith.constant 0 : index
    %get3A_15 = arith.constant 0 : index
    %get3A_16 = vector.load %arg1[%get3A_14, %get3A_15] : memref<2048x128xf32, #tpu.memory_space<vmem>>, vector<2048x128xf32>
    %get3A_17 = arith.constant 0 : index
    %get3A_18 = arith.constant 0 : index
    %get3A_19 = vector.load %arg2[%get3A_17, %get3A_18] : memref<128x64xf32, #tpu.memory_space<vmem>>, vector<128x64xf32>
    %dot_general3A = arith.constant dense<0.000000e+00> : vector<2048x64xf32>
    %dot_general3A_20 = tpu.matmul %get3A_16, %get3A_19, %dot_general3A {dimension_numbers = #tpu.dot_dimension_numbers<[1], [0], [0], [1], [0, 0, 1, 1], [], []>, transpose_lhs_hint = false} : vector<2048x128xf32>, vector<128x64xf32>, vector<2048x64xf32> -> vector<2048x64xf32>
    %mul3A = vector.broadcast %rsqrt3A : vector<2048x1xf32> to vector<2048x64xf32>
    %mul3A_21 = arith.mulf %dot_general3A_20, %mul3A : vector<2048x64xf32>
    %convert_element_type3A = arith.truncf %mul3A_21 : vector<2048x64xf32> to vector<2048x64xbf16>
    %slice3A = vector.extract_strided_slice %convert_element_type3A {offsets = [0, 0], sizes = [2048, 32], strides = [1, 1]} : vector<2048x64xbf16> to vector<2048x32xbf16>
    %swap3A_22 = arith.constant 0 : index
    %swap3A_23 = arith.constant 0 : index
    %swap3A_24 = vector.load %arg4[%swap3A_22, %swap3A_23] : memref<2048x32xbf16, #tpu.memory_space<vmem>>, vector<2048x32xbf16>
    tpu.vector_store %arg4[%swap3A_22, %swap3A_23], %slice3A {strides = array<i32>} : memref<2048x32xbf16, #tpu.memory_space<vmem>>, vector<2048x32xbf16>,
    %slice3A_25 = vector.extract_strided_slice %convert_element_type3A {offsets = [0, 32], sizes = [2048, 32], strides = [1, 1]} : vector<2048x64xbf16> to vector<2048x32xbf16>
    %swap3A_26 = arith.constant 0 : index
    %swap3A_27 = arith.constant 0 : index
    %swap3A_28 = vector.load %arg5[%swap3A_26, %swap3A_27] : memref<2048x32xbf16, #tpu.memory_space<vmem>>, vector<2048x32xbf16>
    tpu.vector_store %arg5[%swap3A_26, %swap3A_27], %slice3A_25 {strides = array<i32>} : memref<2048x32xbf16, #tpu.memory_space<vmem>>, vector<2048x32xbf16>,
    return
  }
  func.func @transform_0(%arg0: i32) -> (i32, i32) {
    %c0_i32 = arith.constant 0 : i32
    %c0_i32_0 = arith.constant 0 : i32
    return %arg0, %c0_i32 : i32, i32
  }
  func.func @transform_1(%arg0: i32) -> (i32, i32) {
    %c0_i32 = arith.constant 0 : i32
    %c0_i32_0 = arith.constant 0 : i32
    %c0_i32_1 = arith.constant 0 : i32
    return %c0_i32, %c0_i32_0 : i32, i32
  }
  func.func @transform_2(%arg0: i32) -> (i32, i32, i32) {
    %c0_i32 = arith.constant 0 : i32
    %c0_i32_0 = arith.constant 0 : i32
    %c0_i32_1 = arith.constant 0 : i32
    return %c0_i32, %arg0, %c0_i32_0 : i32, i32, i32
  }
  func.func @transform_3(%arg0: i32) -> (i32, i32) {
    %c0_i32 = arith.constant 0 : i32
    %c0_i32_0 = arith.constant 0 : i32
    return %arg0, %c0_i32 : i32, i32
  }
  func.func @transform_4(%arg0: i32) -> (i32, i32) {
    %c0_i32 = arith.constant 0 : i32
    %c0_i32_0 = arith.constant 0 : i32
    return %arg0, %c0_i32 : i32, i32
  }
  func.func @transform_5(%arg0: i32) -> (i32, i32) {
    %c0_i32 = arith.constant 0 : i32
    %c0_i32_0 = arith.constant 0 : i32
    return %arg0, %c0_i32 : i32, i32
  }
}

module attributes {stable_mosaic.version = 14 : i64} {
  func.func @_tc2_body(%arg0: i32, %arg1: memref<2048x32xbf16, #tpu.memory_space<vmem>>, %arg2: memref<2048x32xbf16, #tpu.memory_space<vmem>>, %arg3: memref<2048x32xbf16, #tpu.memory_space<vmem>>, %arg4: memref<2048x32xbf16, #tpu.memory_space<vmem>>, %arg5: memref<2048x1xf32, #tpu.memory_space<vmem>>, %arg6: memref<1x64xf32, #tpu.memory_space<vmem>>, %arg7: memref<64x8xf32, #tpu.memory_space<vmem>>, %arg8: memref<2048x8xf32, #tpu.memory_space<vmem>>) attributes {dimension_semantics = [#tpu.dimension_semantics<arbitrary>], iteration_bounds = array<i64: 5>, scalar_prefetch = 0 : i64, scratch_operands = 0 : i64, tpu.core_type = #tpu.core_type<tc>, window_params = [{transform_indices = @transform_0, window_bounds = array<i64: 2048, 32>}, {transform_indices = @transform_1, window_bounds = array<i64: 2048, 32>}, {transform_indices = @transform_2, window_bounds = array<i64: 2048, 32>}, {transform_indices = @transform_3, window_bounds = array<i64: 2048, 32>}, {transform_indices = @transform_4, window_bounds = array<i64: 2048, 1>}, {pipeline_mode = #tpu.pipeline_mode<synchronous>, transform_indices = @transform_5, window_bounds = array<i64: 1, 64>}, {pipeline_mode = #tpu.pipeline_mode<synchronous>, transform_indices = @transform_6, window_bounds = array<i64: 64, 8>}, {transform_indices = @transform_7, window_bounds = array<i64: 2048, 8>}]} {
    %get3A = arith.constant 0 : index
    %get3A_0 = arith.constant 0 : index
    %get3A_1 = vector.load %arg5[%get3A, %get3A_0] : memref<2048x1xf32, #tpu.memory_space<vmem>>, vector<2048x1xf32>
    %get3A_2 = arith.constant 0 : index
    %get3A_3 = arith.constant 0 : index
    %get3A_4 = vector.load %arg1[%get3A_2, %get3A_3] : memref<2048x32xbf16, #tpu.memory_space<vmem>>, vector<2048x32xbf16>
    %get3A_5 = arith.constant 0 : index
    %get3A_6 = arith.constant 0 : index
    %get3A_7 = vector.load %arg3[%get3A_5, %get3A_6] : memref<2048x32xbf16, #tpu.memory_space<vmem>>, vector<2048x32xbf16>
    %add3A = arith.addf %get3A_4, %get3A_7 : vector<2048x32xbf16>
    %convert_element_type3A = arith.extf %add3A : vector<2048x32xbf16> to vector<2048x32xf32>
    %get3A_8 = arith.constant 0 : index
    %get3A_9 = arith.constant 0 : index
    %get3A_10 = vector.load %arg2[%get3A_8, %get3A_9] : memref<2048x32xbf16, #tpu.memory_space<vmem>>, vector<2048x32xbf16>
    %get3A_11 = arith.constant 0 : index
    %get3A_12 = arith.constant 0 : index
    %get3A_13 = vector.load %arg4[%get3A_11, %get3A_12] : memref<2048x32xbf16, #tpu.memory_space<vmem>>, vector<2048x32xbf16>
    %add3A_14 = arith.addf %get3A_10, %get3A_13 : vector<2048x32xbf16>
    %convert_element_type3A_15 = arith.extf %add3A_14 : vector<2048x32xbf16> to vector<2048x32xf32>
    %concatenate3A = tpu.concatenate %convert_element_type3A, %convert_element_type3A_15 in 1 : vector<2048x32xf32>, vector<2048x32xf32> -> vector<2048x64xf32>
    %mul3A = vector.broadcast %get3A_1 : vector<2048x1xf32> to vector<2048x64xf32>
    %mul3A_16 = arith.mulf %concatenate3A, %mul3A : vector<2048x64xf32>
    %get3A_17 = arith.constant 0 : index
    %get3A_18 = arith.constant 0 : index
    %get3A_19 = vector.load %arg6[%get3A_17, %get3A_18] : memref<1x64xf32, #tpu.memory_space<vmem>>, vector<1x64xf32>
    %add3A_20 = vector.broadcast %get3A_19 : vector<1x64xf32> to vector<2048x64xf32>
    %add3A_21 = arith.addf %mul3A_16, %add3A_20 : vector<2048x64xf32>
    %max3A = arith.constant 0.000000e+00 : f32
    %max3A_22 = vector.broadcast %max3A : f32 to vector<2048x64xf32>
    %max3A_23 = arith.maximumf %add3A_21, %max3A_22 : vector<2048x64xf32>
    %get3A_24 = arith.constant 0 : index
    %get3A_25 = arith.constant 0 : index
    %get3A_26 = vector.load %arg7[%get3A_24, %get3A_25] : memref<64x8xf32, #tpu.memory_space<vmem>>, vector<64x8xf32>
    %dot_general3A = arith.constant dense<0.000000e+00> : vector<2048x8xf32>
    %dot_general3A_27 = tpu.matmul %max3A_23, %get3A_26, %dot_general3A {dimension_numbers = #tpu.dot_dimension_numbers<[1], [0], [0], [1], [0, 0, 1, 1], [], []>, transpose_lhs_hint = false} : vector<2048x64xf32>, vector<64x8xf32>, vector<2048x8xf32> -> vector<2048x8xf32>
    %mul3A_28 = vector.broadcast %get3A_1 : vector<2048x1xf32> to vector<2048x8xf32>
    %mul3A_29 = arith.mulf %dot_general3A_27, %mul3A_28 : vector<2048x8xf32>
    %swap3A = arith.constant 0 : index
    %swap3A_30 = arith.constant 0 : index
    %swap3A_31 = vector.load %arg8[%swap3A, %swap3A_30] : memref<2048x8xf32, #tpu.memory_space<vmem>>, vector<2048x8xf32>
    tpu.vector_store %arg8[%swap3A, %swap3A_30], %mul3A_29 {strides = array<i32>} : memref<2048x8xf32, #tpu.memory_space<vmem>>, vector<2048x8xf32>,
    return
  }
  func.func @transform_0(%arg0: i32) -> (i32, i32) {
    %c0_i32 = arith.constant 0 : i32
    %c0_i32_0 = arith.constant 0 : i32
    return %arg0, %c0_i32 : i32, i32
  }
  func.func @transform_1(%arg0: i32) -> (i32, i32) {
    %c0_i32 = arith.constant 0 : i32
    %c0_i32_0 = arith.constant 0 : i32
    return %arg0, %c0_i32 : i32, i32
  }
  func.func @transform_2(%arg0: i32) -> (i32, i32) {
    %c0_i32 = arith.constant 0 : i32
    %c0_i32_0 = arith.constant 0 : i32
    return %arg0, %c0_i32 : i32, i32
  }
  func.func @transform_3(%arg0: i32) -> (i32, i32) {
    %c0_i32 = arith.constant 0 : i32
    %c0_i32_0 = arith.constant 0 : i32
    return %arg0, %c0_i32 : i32, i32
  }
  func.func @transform_4(%arg0: i32) -> (i32, i32) {
    %c0_i32 = arith.constant 0 : i32
    %c0_i32_0 = arith.constant 0 : i32
    return %arg0, %c0_i32 : i32, i32
  }
  func.func @transform_5(%arg0: i32) -> (i32, i32) {
    %c0_i32 = arith.constant 0 : i32
    %c0_i32_0 = arith.constant 0 : i32
    %c0_i32_1 = arith.constant 0 : i32
    return %c0_i32, %c0_i32_0 : i32, i32
  }
  func.func @transform_6(%arg0: i32) -> (i32, i32) {
    %c0_i32 = arith.constant 0 : i32
    %c0_i32_0 = arith.constant 0 : i32
    %c0_i32_1 = arith.constant 0 : i32
    return %c0_i32, %c0_i32_0 : i32, i32
  }
  func.func @transform_7(%arg0: i32) -> (i32, i32) {
    %c0_i32 = arith.constant 0 : i32
    %c0_i32_0 = arith.constant 0 : i32
    return %arg0, %c0_i32 : i32, i32
  }
}

module attributes {stable_mosaic.version = 14 : i64} {
  func.func @_tc3_body(%arg0: i32, %arg1: memref<2x2000x8xf32, #tpu.memory_space<vmem>>, %arg2: memref<2000x8xf32, #tpu.memory_space<vmem>>, %arg3: memref<2000x1xf32, #tpu.memory_space<vmem>>, %arg4: memref<1x2xf32, #tpu.memory_space<vmem>>, %arg5: memref<2000x2xf32, #tpu.memory_space<vmem>>) attributes {dimension_semantics = [#tpu.dimension_semantics<arbitrary>], iteration_bounds = array<i64: 5>, scalar_prefetch = 0 : i64, scratch_operands = 0 : i64, tpu.core_type = #tpu.core_type<tc>, window_params = [{transform_indices = @transform_0, window_bounds = array<i64: 2, 2000, 8>}, {transform_indices = @transform_1, window_bounds = array<i64: 2000, 8>}, {transform_indices = @transform_2, window_bounds = array<i64: 2000, 1>}, {pipeline_mode = #tpu.pipeline_mode<synchronous>, transform_indices = @transform_3, window_bounds = array<i64: 1, 2>}, {transform_indices = @transform_4, window_bounds = array<i64: 2000, 2>}]} {
    %get3A = arith.constant 0 : index
    %get3A_0 = arith.constant 0 : index
    %get3A_1 = vector.load %arg3[%get3A, %get3A_0] : memref<2000x1xf32, #tpu.memory_space<vmem>>, vector<2000x1xf32>
    %get3A_2 = arith.constant 0 : index
    %get3A_3 = arith.constant 0 : index
    %get3A_4 = arith.constant 0 : index
    %get3A_5 = vector.load %arg1[%get3A_2, %get3A_3, %get3A_4] : memref<2x2000x8xf32, #tpu.memory_space<vmem>>, vector<1x2000x8xf32>
    %get3A_6 = vector.shape_cast %get3A_5 : vector<1x2000x8xf32> to vector<2000x8xf32>
    %get3A_7 = arith.constant 1 : index
    %get3A_8 = arith.constant 0 : index
    %get3A_9 = arith.constant 0 : index
    %get3A_10 = vector.load %arg1[%get3A_7, %get3A_8, %get3A_9] : memref<2x2000x8xf32, #tpu.memory_space<vmem>>, vector<1x2000x8xf32>
    %get3A_11 = vector.shape_cast %get3A_10 : vector<1x2000x8xf32> to vector<2000x8xf32>
    %add3A = arith.addf %get3A_6, %get3A_11 : vector<2000x8xf32>
    %get3A_12 = arith.constant 0 : index
    %get3A_13 = arith.constant 0 : index
    %get3A_14 = vector.load %arg2[%get3A_12, %get3A_13] : memref<2000x8xf32, #tpu.memory_space<vmem>>, vector<2000x8xf32>
    %add3A_15 = arith.addf %add3A, %get3A_14 : vector<2000x8xf32>
    %slice3A = vector.extract_strided_slice %add3A_15 {offsets = [0, 0], sizes = [2000, 2], strides = [1, 1]} : vector<2000x8xf32> to vector<2000x2xf32>
    %mul3A = vector.broadcast %get3A_1 : vector<2000x1xf32> to vector<2000x2xf32>
    %mul3A_16 = arith.mulf %slice3A, %mul3A : vector<2000x2xf32>
    %get3A_17 = arith.constant 0 : index
    %get3A_18 = arith.constant 0 : index
    %get3A_19 = vector.load %arg4[%get3A_17, %get3A_18] : memref<1x2xf32, #tpu.memory_space<vmem>>, vector<1x2xf32>
    %add3A_20 = vector.broadcast %get3A_19 : vector<1x2xf32> to vector<2000x2xf32>
    %add3A_21 = arith.addf %mul3A_16, %add3A_20 : vector<2000x2xf32>
    %swap3A = arith.constant 0 : index
    %swap3A_22 = arith.constant 0 : index
    %swap3A_23 = vector.load %arg5[%swap3A, %swap3A_22] : memref<2000x2xf32, #tpu.memory_space<vmem>>, vector<2000x2xf32>
    tpu.vector_store %arg5[%swap3A, %swap3A_22], %add3A_21 {strides = array<i32>} : memref<2000x2xf32, #tpu.memory_space<vmem>>, vector<2000x2xf32>,
    return
  }
  func.func @transform_0(%arg0: i32) -> (i32, i32, i32) {
    %c0_i32 = arith.constant 0 : i32
    %c0_i32_0 = arith.constant 0 : i32
    %c0_i32_1 = arith.constant 0 : i32
    return %c0_i32, %arg0, %c0_i32_0 : i32, i32, i32
  }
  func.func @transform_1(%arg0: i32) -> (i32, i32) {
    %c0_i32 = arith.constant 0 : i32
    %c0_i32_0 = arith.constant 0 : i32
    return %arg0, %c0_i32 : i32, i32
  }
  func.func @transform_2(%arg0: i32) -> (i32, i32) {
    %c0_i32 = arith.constant 0 : i32
    %c0_i32_0 = arith.constant 0 : i32
    return %arg0, %c0_i32 : i32, i32
  }
  func.func @transform_3(%arg0: i32) -> (i32, i32) {
    %c0_i32 = arith.constant 0 : i32
    %c0_i32_0 = arith.constant 0 : i32
    %c0_i32_1 = arith.constant 0 : i32
    return %c0_i32, %c0_i32_0 : i32, i32
  }
  func.func @transform_4(%arg0: i32) -> (i32, i32) {
    %c0_i32 = arith.constant 0 : i32
    %c0_i32_0 = arith.constant 0 : i32
    return %arg0, %c0_i32 : i32, i32
  }
}

</mosaic_0001>

<sc_bundles>
// kernel: kernel.11.cloned.1.call-start
scs
__scs_entry_jumppad:
0x0: {  	(pc) =	sbr.rel $0x88, $3  }
0x1: {  	(tag) =	ssettag $0x0;
	lr =	simm.s32 $0x1  }
0x2: {  	[smem:$0x3F9B] =	sst lr;
	_ =	strace $0xD0000000  }
0x3: {  	_ = 	snop  }
0x4: {  	_ = 	snop  }
0x5: {  	_ = 	snop  }
0x6: {  	_ = 	snop  }
0x7: {  	_ = 	snop  }
__scs_overlays_trampoline_lowered:
0x8: {  	[smem:$0x3FAA] =	sst s0  }
0x9: {  	[smem:$0x3FAB] =	sst s1  }
0xa: {  	[smem:$0x3FAC] =	sst s2  }
0xb: {  	[smem:$0x3FAD] =	sst s3  }
0xc: {  	[smem:$0x3FAE] =	sst s4  }
0xd: {  	[smem:$0x3FAF] =	sst s5  }
0xe: {  	[smem:$0x3FB0] =	sst s6  }
0xf: {  	[smem:$0x3FB1] =	sst s7  }
0x10: {  	[smem:$0x3FB2] =	sst s8  }
0x11: {  	[smem:$0x3FB3] =	sst s9;
	s0 =	simm.s32 @!p0 $0x0  }
0x12: {  	s1 =	sld [smem:$0x3F99];
	s0 =	simm.s32 @p0 $0x1  }
0x13: {  	[smem:$0x3FB4] =	sst s0;
	s0 =	simm.s32 @!p1 $0x0  }
0x14: {  	s2 =	sld [smem:$0x3F98];
	s0 =	simm.s32 @p1 $0x1  }
0x15: {  	[smem:$0x3FB5] =	sst s0;
	s0 =	simm.s32 @!p2 $0x0  }
0x16: {  	s3 =	sld [smem:$0x3FDB];
	s0 =	simm.s32 @p2 $0x1  }
0x17: {  	s4 =	simm.s32 $0x1BF5;
	[smem:$0x3FB7] =	sst s0  }
0x18: {  	s0 =	sld [smem:$0x3F9A];
	_ =	swait.ge [sflag:s4], $0x0  }
0x19: {  	s7 =	sld [smem:$0x3F9B]  }
0x1a: {  	s8 =	sadd.s32 $0xFFFFE003, lr  }
0x1b: {  	s9 =	sadd.s32 $0xFFFFFEF7, lr;
	s5 =	simm.s32 $0xFFFFFFFF;
	p2 =	slt.u32 s8, $0xFFFFF086  }
0x1c: {  	p1 =	slt.u32 s9, $0xF7A;
	s5 =	simm.s32 @!p2 $0x0  }
0x1d: {  	s5 =	simm.s32 @p1 $0x1;
	p0 =	seq.s32 s7, s2  }
0x1e: {  	s7 =	smul.u32 @!p0 $0xF7A, s2;
	p2 =	seq.s32 @!p0 s5, $0x0  }
0x1f: {  	s9 =	smul.u32 $0xF7A, s1;
	s8 =	simm.s32 @!p0 $0x1BF5;
	p2 =	por !p2, p0  }
0x20: {  	[sflag:s8] =	ssyncset.s32 @!p0 $0xFFFFF086;
	s6 =	sadd.s32 @!p0 s3, s7;
	s7 =	simm.s32 @!p0 $0x108  }
0x21: {  	s3 =	sadd.s32 s3, s9;
	s6 =	sadd.s32 @!p0 $0x88, s6;
	s7 =	simm.s32 @p2 $0x1082  }
0x22: {  	[simem:s7], [sflag:s8] =	dma.local @!p0 [hbm:s6], $0xF7A  }
0x23: {  	s9 =	sor.u32 $0xD0000000, s2;
	s6 =	simm.s32 $0x108;
	_ =	swait.ge @!p0 [sflag:s8], $0x0  }
0x24: {  	s3 =	sadd.s32 $0x88, s3;
	s6 =	simm.s32 @!p1 $0x1082;
	[sflag:s4] =	ssyncset.s32 $0xFFFFF086  }
0x25: {  	[simem:s6], [sflag:s4] =	dma.local [hbm:s3], $0xF7A  }
0x26: {  	[smem:$0x3F9B] =	sst s1;
	(tag) =	ssettag s2;
	_ =	strace s9  }
0x27: {  	s1 =	sld [smem:$0x3FAB]  }
0x28: {  	s2 =	sld [smem:$0x3FAC]  }
0x29: {  	s4 =	sld [smem:$0x3FAE]  }
0x2a: {  	p0 =	seq.s32 s5, $0x0;
	s5 =	sld [smem:$0x3FAF]  }
0x2b: {  	s6 =	sld [smem:$0x3FB0]  }
0x2c: {  	s7 =	sld [smem:$0x3FB1]  }
0x2d: {  	s3 =	simm.s32 $0x108;
	s8 =	sld [smem:$0x3FB2]  }
0x2e: {  	s3 =	simm.s32 @!p0 $0x1082;
	s9 =	sld [smem:$0x3FB3]  }
0x2f: {  	lr =	sadd.s32 s0, s3;
	s0 =	sld [smem:$0x3FAA]  }
0x30: {  	s3 =	sld [smem:$0x3FAD]  }
0x31: {  	[smem:$0x3FB6] =	sst s10  }
0x32: {  	s10 =	sld [smem:$0x3FB4];
	_ =	sdelay $0x3  }
0x33: {  	p0 =	seq.s32 s10, $0x1;
	s10 =	sld [smem:$0x3FB6];
	_ =	sdelay $0x3  }
0x34: {  	[smem:$0x3FB6] =	sst s10  }
0x35: {  	s10 =	sld [smem:$0x3FB5];
	_ =	sdelay $0x3  }
0x36: {  	p1 =	seq.s32 s10, $0x1;
	s10 =	sld [smem:$0x3FB6];
	_ =	sdelay $0x3  }
0x37: {  	[smem:$0x3FB6] =	sst s10  }
0x38: {  	s10 =	sld [smem:$0x3FB7]  }
0x39: {  	_ = 	snop;
	(pc) =	sbr.ind lr, $3  }
0x3a: {  	_ = 	snop  }
0x3b: {  	_ = 	snop  }
0x3c: {  	p2 =	seq.s32 s10, $0x1;
	s10 =	sld [smem:$0x3FB6]  }
0x3d: {  	_ =	shalt  }
0x3e: {  	_ =	shalt  }
0x3f: {  	_ =	shalt  }
0x40: {  	_ =	shalt  }
0x41: {  	_ =	shalt  }
0x42: {  	_ =	shalt  }
0x43: {  	_ =	shalt  }
0x44: {  	_ =	shalt  }
0x45: {  	_ =	shalt  }
0x46: {  	_ =	shalt  }
0x47: {  	_ =	shalt  }
0x48: {  	_ =	shalt  }
0x49: {  	_ =	shalt  }
0x4a: {  	_ =	shalt  }
0x4b: {  	_ =	shalt  }
0x4c: {  	_ =	shalt  }
0x4d: {  	_ =	shalt  }
0x4e: {  	_ =	shalt  }
0x4f: {  	_ =	shalt  }
0x50: {  	_ =	shalt  }
0x51: {  	_ =	shalt  }
0x52: {  	_ =	shalt  }
0x53: {  	_ =	shalt  }
0x54: {  	_ =	shalt  }
0x55: {  	_ =	shalt  }
0x56: {  	_ =	shalt  }
0x57: {  	_ =	shalt  }
0x58: {  	_ =	shalt  }
0x59: {  	_ =	shalt  }
0x5a: {  	_ =	shalt  }
0x5b: {  	_ =	shalt  }
0x5c: {  	_ =	shalt  }
0x5d: {  	_ =	shalt  }
0x5e: {  	_ =	shalt  }
0x5f: {  	_ =	shalt  }
0x60: {  	_ =	shalt  }
0x61: {  	_ =	shalt  }
0x62: {  	_ =	shalt  }
0x63: {  	_ =	shalt  }
0x64: {  	_ =	shalt  }
0x65: {  	_ =	shalt  }
0x66: {  	_ =	shalt  }
0x67: {  	_ =	shalt  }
0x68: {  	_ =	shalt  }
0x69: {  	_ =	shalt  }
0x6a: {  	_ =	shalt  }
0x6b: {  	_ =	shalt  }
0x6c: {  	_ =	shalt  }
0x6d: {  	_ =	shalt  }
0x6e: {  	_ =	shalt  }
0x6f: {  	_ =	shalt  }
0x70: {  	_ =	shalt  }
0x71: {  	_ =	shalt  }
0x72: {  	_ =	shalt  }
0x73: {  	_ =	shalt  }
0x74: {  	_ =	shalt  }
0x75: {  	_ =	shalt  }
0x76: {  	_ =	shalt  }
0x77: {  	_ =	shalt  }
0x78: {  	_ =	shalt  }
0x79: {  	_ =	shalt  }
0x7a: {  	_ =	shalt  }
0x7b: {  	_ =	shalt  }
0x7c: {  	_ =	shalt  }
0x7d: {  	_ =	shalt  }
0x7e: {  	_ =	shalt  }
0x7f: {  	_ =	shalt  }
0x80: {  	_ =	shalt  }
0x81: {  	_ =	shalt  }
0x82: {  	_ =	shalt  }
0x83: {  	_ =	shalt  }
0x84: {  	_ =	shalt  }
0x85: {  	_ =	shalt  }
0x86: {  	_ =	shalt  }
0x87: {  	_ =	shalt  }
.Lfunc_end0:
.L_simem_size_0:
called_computation.1_lowered:
.L_overlay_start_0:
0x88: {  	s2 =	sld [smem:$0x3FD9]  }
0x89: {  	s3 =	sld [smem:$0x3FFE];
	_ =	sdelay $0x1  }
0x8a: {  	s1 =	srdreg.scid  }
0x8b: {  	s0 =	sand.u32 $0x1, s1  }
0x8c: {  	s16 =	sshll.u32 s0, $0xA;
	s2 =	sadd.s32 s3, s2  }
0x8d: {  	s2 =	sadd.s32 s2, s16  }
0x8e: {  	[smem:$0x3FC2] =	sst s2  }
0x8f: {  	_ = 	snop  }
0x90: {  	(tm) =	ssettm $0x1  }
0x91: {  	s17 =	sld [smem:$0x3FFB];
	_ =	sdelay $0x3  }
0x92: {  	_ =	strace s17  }
0x93: {  	s2 =	sld [smem:$0x3FFC];
	_ =	sdelay $0x3  }
0x94: {  	_ =	strace s2  }
0x95: {  	s2 =	sld [smem:$0x3FFD];
	_ =	sdelay $0x3  }
0x96: {  	_ =	strace s2  }
0x97: {  	_ =	strace $0x8FFFFFFF  }
0x98: {  	s18 =	sld [smem:$0x3FDB];
	_ =	sdelay $0x1  }
0x99: {  	s19 =	simm.s32 $_scs_section_size  }
0x9a: {  	s4 =	simm.s32 $_size__tile_overlayer_lowered;
	s5 =	simm.s32 $_tile_overlayer_lowered  }
0x9b: {  	s22 =	simm.s32 $0x1BFF;
	s21 =	sshll.u32 s5, $0x1;
	s2 =	sadd.s32 s19, s18  }
0x9c: {  	s6 =	simm.s32 $0x0;
	s20 =	sshll.u32 s4, $0x1;
	s4 =	sadd.s32 s21, s2  }
0x9d: {  	[timem:s6], [sflag:s22] =	dma.local [hbm:s4], s20  }
0x9e: {  	_ =	swait.ge [sflag:s22], s20  }
0x9f: {  	s3 =	ssub.s32 $0x0, s20;
	[sflag:s22] =	ssyncset.done $0x0  }
0xa0: {  	[sflag:s22] =	ssyncadd.s32 s3;
	_ =	sdelay $0x1  }
0xa1: {  	s23 =	simm.s32 $0x1B8B  }
0xa2: {  	_ =	swait.ge [sflag:s23], $0x1  }
0xa3: {  	[sflag:s23] =	ssyncset.done $0x0  }
0xa4: {  	s25 =	simm.s32 $0x1B8E;
	s24 =	sld [smem:$0x3FFE];
	[sflag:s23] =	ssyncadd.s32 $0xFFFFFFFF  }
0xa5: {  	s26 =	simm.s32 $execute0_lowered;
	[smem:$0x3FD2] =	sst s25  }
0xa6: {  	s4 =	sshll.u32 s26, $0x1;
	_ =	strace $0x80000049;
	[dreg:$0x1] =	wrdreg $0xFFFFFFFF  }
0xa7: {  	s28 =	simm.s32 $_size_execute0_lowered;
	s2 =	sadd.s32 s2, s4;
	[dreg:$0x0] =	wrdreg $0x0  }
0xa8: {  	s4 =	sshll.u32 s28, $0x1;
	[dreg:$0x2] =	wrdreg s2  }
0xa9: {  	[dreg:$0x3] =	wrdreg s4  }
0xaa: {  	[dreg:$0x4] =	wrdreg $0xC0  }
0xab: {  	_ =	task [dreg:s6], $0x5FFFF  }
0xac: {  	[dreg:$0x1] =	wrdreg $0xFFFFFFFF  }
0xad: {  	[dreg:$0x0] =	wrdreg $0x60  }
0xae: {  	[dreg:$0x2] =	wrdreg s24  }
0xaf: {  	[dreg:$0x3] =	wrdreg $0x108000  }
0xb0: {  	[dreg:$0x4] =	wrdreg $0xE0000  }
0xb1: {  	[dreg:$0x5] =	wrdreg $0x9  }
0xb2: {  	_ =	task.clear_ibuf [dreg:s6], $0x6FFFF;
	_ =	strace $0x90000049  }
0xb3: {  	s29 =	simm.s32 $0x9;
	_ =	strace $0x8000004B  }
0xb4: {  	_ =	swait.ge [sflag:s29], $0x1  }
0xb5: {  	[sflag:s29] =	ssyncadd.s32 $0xFFFFFFFF  }
0xb6: {  	_ =	strace $0x9000004B  }
0xb7: {  	_ =	sfence  }
0xb8: {  	s30 =	sld [smem:$0x0];
	_ =	sdelay $0x2  }
0xb9: {  	s31 =	sshll.u32 s1, $0xD;
	s1 =	sshrl.u32 s1, $0x2  }
0xba: {  	s3 =	sand.u32 $0x4000, s31;
	s1 =	sadd.s32 s1, s30  }
0xbb: {  	s0 =	sor.u32 s3, s0;
	s1 =	sshll.u32 s1, $0x11  }
0xbc: {  	s0 =	sor.u32 s1, s0  }
0xbd: {  	s0 =	sadd.s32 $0x8F2B, s0  }
0xbe: {  	[sflag:s0] =	ssyncadd.remote.s32 $0x1  }
0xbf: {  	_ =	sfence.sel $0xFFFF  }
0xc0: {  	[dreg:$0x0] =	wrdreg $0xFFFFFFFF;
	(pc) =	sbr.abs _section_cstart, $3  }
0xc1: {  	[dreg:$0x1] =	wrdreg $0xFFFFFFFF  }
0xc2: {  	_ =	task.clear_ibuf [dreg:s6], $0x2FFFF;
	_ =	strace $0x9FFFFFFF  }
0xc3: {  	(tm) =	ssettm $0x7FFFFFFF  }
tec
execute0_lowered:
.L_overlay_start_1:
0x0: {  	(tag) =	ssettag $0x1  }
0x1: {  	s0 =	rddreg [dreg:$0x0]  }
0x2: {  	s1 =	rddreg [dreg:$0x1]  }
0x3: {  	s3 =	rddreg [dreg:$0x2]  }
0x4: {  	s4 =	simm.s32 $0x0;
	s21 =	stileid.u32;
	s5 =	srdreg.scid  }
0x5: {  	s28 =	simm.s32 $0xA000;
	s30 =	simm.s32 $0x80;
	s31 =	simm.s32 $0xA800  }
0x6: {  	s29 =	simm.s32 $0xC000;
	[smem:$0x7FF] =	sst s4;
	s2 =	smul.u32 $0xA00, s21  }
0x7: {  	s7 =	sadd.s32 $0x7800, s0;
	s5 =	sand.u32 $0x1, s5;
	s9 =	sadd.s32 $0x2800, s0  }
0x8: {  	s11 =	sadd.s32 $0x17200, s0;
	s12 =	smul.u32 $0x5000, s21;
	s13 =	sadd.s32 $0x2B200, s0  }
0x9: {  	_ =	strace $0x8000004A;
	s6 =	ssub.s32 $0x2, s5;
	p0 =	seq.s32 s5, $0x0  }
0xa: {  	s2 =	sadd.s32 s2, s0;
	s8 =	sshrl.u32 s6, $0x1;
	s0 =	sadd.s32 $0x26200, s0  }
0xb: {  	s18 =	sshrl.u32 s12, $0x1;
	s16 =	sshrl.u32 s12, $0x4;
	s20 =	sadd.s32 $0x1000, s12  }
0xc: {  	s23 =	sadd.s32 $0x2000, s12;
	s14 =	sadd.s32 $0x3000, s12;
	s12 =	sadd.s32 $0x4000, s12  }
0xd: {  	s9 =	smov.u32 @p0 s7;
	s7 =	simm.s32 $0xD000;
	s15 =	ssub.s32 s6, s8  }
0xe: {  	s17 =	sadd.s32 s18, s1;
	s19 =	sadd.s32 s11, s16;
	s6 =	sadd.s32 s18, s3  }
0xf: {  	s22 =	sshrl.u32 s20, $0x4;
	s8 =	sshrl.u32 s20, $0x1;
	s18 =	sshrl.u32 s23, $0x4  }
0x10: {  	s24 =	sshrl.u32 s14, $0x4;
	s14 =	sshrl.u32 s14, $0x1;
	s25 =	sshrl.u32 s12, $0x4  }
0x11: {  	s26 =	sshrl.u32 s12, $0x1;
	s0 =	smov.u32 @p0 s13;
	s13 =	sadd.s32 $0x1C200, s2  }
0x12: {  	s9 =	sadd.s32 s9, s16;
	s2 =	sadd.s32 $0xC800, s2;
	[dreg:$0x4] =	wrdreg s19  }
0x13: {  	s10 =	sadd.s32 s11, s22;
	s8 =	sadd.s32 s8, s3;
	[dreg:$0x9] =	wrdreg s13  }
0x14: {  	s19 =	sadd.s32 s11, s18;
	s20 =	sadd.s32 s11, s24;
	[dreg:$0xa] =	wrdreg s9  }
0x15: {  	s12 =	sadd.s32 s14, s3;
	s11 =	sadd.s32 s11, s25;
	[dreg:$0x10] =	wrdreg s2  }
0x16: {  	s14 =	sadd.s32 s26, s3;
	s5 =	sadd.s32 s0, s22;
	[dreg:$0x5] =	wrdreg s10  }
0x17: {  	s22 =	sadd.s32 s0, s18;
	s26 =	sshrl.u32 s17, $0x3;
	[dreg:$0x6] =	wrdreg s19  }
0x18: {  	s2 =	simm.s32 $0xB000;
	s9 =	simm.s32 $0xD800;
	[dreg:$0x7] =	wrdreg s20  }
0x19: {  	s13 =	simm.s32 $0x2;
	s17 =	simm.s32 $0x5;
	[dreg:$0x8] =	wrdreg s11  }
0x1a: {  	s18 =	simm.s32 $0x6;
	s10 =	sshrl.u32 s23, $0x1;
	[dreg:$0xc] =	wrdreg s5  }
0x1b: {  	s20 =	sadd.s32 s0, s16;
	[dreg:$0xd] =	wrdreg s22;
	s23 =	sadd.s32 s0, s24  }
0x1c: {  	s0 =	sadd.s32 s0, s25;
	s24 =	sshll.u32 s21, $0x6;
	s25 =	smax.u32 s15, $0x1  }
0x1d: {  	[dreg:$0x13] =	wrdreg s26;
	s26 =	simm.s32 $0xA;
	s5 =	simm.s32 $0xC800  }
0x1e: {  	s11 =	simm.s32 $0x1;
	s15 =	simm.s32 $0x3;
	[dreg:$0xb] =	wrdreg s20  }
0x1f: {  	s16 =	simm.s32 $0x4;
	s19 =	simm.s32 $0x7;
	[dreg:$0xe] =	wrdreg s23  }
0x20: {  	s21 =	simm.s32 $0x9;
	s22 =	simm.s32 $0x0;
	[dreg:$0xf] =	wrdreg s0  }
0x21: {  	s10 =	sadd.s32 s10, s3;
	[dreg:$0x11] =	wrdreg s25;
	s0 =	sor.u32 $0x1C0A, s24  }
0x22: {  	s20 =	simm.s32 $0x8;
	[dreg:$0x12] =	wrdreg s0;
	s0 =	simm.s32 $0xB800  }
.LBB2_1:
0x23: {  	s23 =	rddreg [dreg:$0xa]  }
0x24: {  	s24 =	rddreg [dreg:$0x12]  }
0x25: {  	s25 =	rddreg [dreg:$0x13]  }
0x26: {  	[spmem:s25], [sflag:s24] =	dma.local [hbm:s23], $0x500  }
0x27: {  	_ =	swait.ge [sflag:s26], $0x500  }
0x28: {  	[sflag:s26] =	ssyncset.done $0x0  }
0x29: {  	s24 =	rddreg [dreg:$0x4];
	[sflag:s26] =	ssyncadd.s32 $0xFFFFFB00  }
0x2a: {  	[tilespmem:s28], [sflag:$0xA] =	stream.linear.gather [hbm4b:s24+s4], $0x800, $0x38;
	[tilespmem:$0x13000] =	vst v63  }
0x2b: {  	_ =	swait.ge [sflag:s26], $0x800  }
0x2c: {  	[sflag:s26] =	ssyncset.done $0x0  }
0x2d: {  	[sflag:s26] =	ssyncadd.s32 $0xFFFFF800  }
0x2e: {  	[spmem:s6] =	stream.linear.scatter [tilespmem:s28], [sflag:$0xA], $0x800, $0x38;
	[tilespmem:$0x13000] =	vst v63  }
0x2f: {  	_ =	swait.ge [sflag:s26], $0x800  }
0x30: {  	[sflag:s26] =	ssyncset.done $0x0  }
0x31: {  	s25 =	rddreg [dreg:$0x5];
	[sflag:s26] =	ssyncadd.s32 $0xFFFFF800  }
0x32: {  	[tilespmem:s28], [sflag:$0xA] =	stream.linear.gather [hbm4b:s25+s4], $0x800, $0x38;
	[tilespmem:$0x13000] =	vst v63  }
0x33: {  	_ =	swait.ge [sflag:s26], $0x800  }
0x34: {  	[sflag:s26] =	ssyncset.done $0x0  }
0x35: {  	[sflag:s26] =	ssyncadd.s32 $0xFFFFF800  }
0x36: {  	[spmem:s8] =	stream.linear.scatter [tilespmem:s28], [sflag:$0xA], $0x800, $0x38;
	[tilespmem:$0x13000] =	vst v63  }
0x37: {  	_ =	swait.ge [sflag:s26], $0x800  }
0x38: {  	[sflag:s26] =	ssyncset.done $0x0  }
0x39: {  	s24 =	rddreg [dreg:$0x6];
	[sflag:s26] =	ssyncadd.s32 $0xFFFFF800  }
0x3a: {  	[tilespmem:s28], [sflag:$0xA] =	stream.linear.gather [hbm4b:s24+s4], $0x800, $0x38;
	[tilespmem:$0x13000] =	vst v63  }
0x3b: {  	_ =	swait.ge [sflag:s26], $0x800  }
0x3c: {  	[sflag:s26] =	ssyncset.done $0x0  }
0x3d: {  	[sflag:s26] =	ssyncadd.s32 $0xFFFFF800  }
0x3e: {  	[spmem:s10] =	stream.linear.scatter [tilespmem:s28], [sflag:$0xA], $0x800, $0x38;
	[tilespmem:$0x13000] =	vst v63  }
0x3f: {  	_ =	swait.ge [sflag:s26], $0x800  }
0x40: {  	[sflag:s26] =	ssyncset.done $0x0  }
0x41: {  	s25 =	rddreg [dreg:$0x7];
	[sflag:s26] =	ssyncadd.s32 $0xFFFFF800  }
0x42: {  	[tilespmem:s28], [sflag:$0xA] =	stream.linear.gather [hbm4b:s25+s4], $0x800, $0x38;
	[tilespmem:$0x13000] =	vst v63  }
0x43: {  	_ =	swait.ge [sflag:s26], $0x800  }
0x44: {  	[sflag:s26] =	ssyncset.done $0x0  }
0x45: {  	[sflag:s26] =	ssyncadd.s32 $0xFFFFF800  }
0x46: {  	[spmem:s12] =	stream.linear.scatter [tilespmem:s28], [sflag:$0xA], $0x800, $0x38;
	[tilespmem:$0x13000] =	vst v63  }
0x47: {  	_ =	swait.ge [sflag:s26], $0x800  }
0x48: {  	[sflag:s26] =	ssyncset.done $0x0  }
0x49: {  	s24 =	rddreg [dreg:$0x8];
	[sflag:s26] =	ssyncadd.s32 $0xFFFFF800  }
0x4a: {  	[tilespmem:s28], [sflag:$0xA] =	stream.linear.gather [hbm4b:s24+s4], $0x800, $0x38;
	[tilespmem:$0x13000] =	vst v63  }
0x4b: {  	_ =	swait.ge [sflag:s26], $0x800  }
0x4c: {  	[sflag:s26] =	ssyncset.done $0x0  }
0x4d: {  	[sflag:s26] =	ssyncadd.s32 $0xFFFFF800  }
0x4e: {  	[spmem:s14] =	stream.linear.scatter [tilespmem:s28], [sflag:$0xA], $0x800, $0x38;
	[tilespmem:$0x13000] =	vst v63  }
0x4f: {  	_ =	swait.ge [sflag:s26], $0x800  }
0x50: {  	[sflag:s26] =	ssyncset.done $0x0  }
0x51: {  	s25 =	rddreg [dreg:$0x9];
	[sflag:s26] =	ssyncadd.s32 $0xFFFFF800  }
0x52: {  	[tilespmem:s4], [sflag:$0xA] =	stream.linear.gather [hbm4b:s25+s4], $0x5000, $0x38;
	[tilespmem:$0x13000] =	vst v63  }
0x53: {  	_ =	swait.ge [sflag:s26], $0x5000  }
0x54: {  	[sflag:s26] =	ssyncset.done $0x0  }
0x55: {  	s25 =	simm.s32 $0x5000;
	s24 =	rddreg [dreg:$0x10];
	[sflag:s26] =	ssyncadd.s32 $0xFFFFB000  }
0x56: {  	[tilespmem:s25], [sflag:$0xA] =	stream.linear.gather [hbm4b:s24+s4], $0x5000, $0x38;
	[tilespmem:$0x13000] =	vst v63  }
0x57: {  	_ =	swait.ge [sflag:s26], $0x5000  }
0x58: {  	[sflag:s26] =	ssyncset.done $0x0  }
0x59: {  	[sflag:s26] =	ssyncadd.s32 $0xFFFFB000  }
0x5a: {  	[bflag:$0x0] =	sbarrier.arrive $0xFFFF  }
0x5b: {  	[tilespmem:s28], [sflag:$0x1] =	stream.indirect.gather [spmem:s1], $0x10, s4, s30, $0xb8;
	[tilespmem:$0x13000] =	vst v63  }
0x5c: {  	_ = 	snop  }
0x5d: {  	[tilespmem:s31], [sflag:$0x2] =	stream.indirect.gather [spmem:s1], $0x10, s30, s30, $0xb8;
	[tilespmem:$0x13000] =	vst v63  }
0x5e: {  	s25 =	simm.s32 $0x100  }
0x5f: {  	[tilespmem:s2], [sflag:$0x3] =	stream.indirect.gather [spmem:s1], $0x10, s25, s30, $0xb8;
	[tilespmem:$0x13000] =	vst v63  }
0x60: {  	s24 =	simm.s32 $0x180  }
0x61: {  	[tilespmem:s0], [sflag:$0x4] =	stream.indirect.gather [spmem:s1], $0x10, s24, s30, $0xb8;
	[tilespmem:$0x13000] =	vst v63  }
0x62: {  	s25 =	simm.s32 $0x200  }
0x63: {  	[tilespmem:s29], [sflag:$0x5] =	stream.indirect.gather [spmem:s1], $0x10, s25, s30, $0xb8;
	[tilespmem:$0x13000] =	vst v63  }
0x64: {  	s24 =	simm.s32 $0x280  }
0x65: {  	[tilespmem:s5], [sflag:$0x6] =	stream.indirect.gather [spmem:s1], $0x10, s24, s30, $0xb8;
	[tilespmem:$0x13000] =	vst v63  }
0x66: {  	s25 =	simm.s32 $0x300  }
0x67: {  	[tilespmem:s7], [sflag:$0x7] =	stream.indirect.gather [spmem:s1], $0x10, s25, s30, $0xb8;
	[tilespmem:$0x13000] =	vst v63  }
0x68: {  	s24 =	simm.s32 $0x380  }
0x69: {  	[tilespmem:s9], [sflag:$0x8] =	stream.indirect.gather [spmem:s1], $0x10, s24, s30, $0xb8;
	[tilespmem:$0x13000] =	vst v63  }
0x6a: {  	_ =	swait.ge [sflag:s11], $0x800  }
0x6b: {  	[sflag:s11] =	ssyncset.done $0x0  }
0x6c: {  	s25 =	simm.s32 $0x5000;
	[sflag:s11] =	ssyncadd.s32 $0xFFFFF800  }
0x6d: {  	[spmem:s3] =	stream.indirect.scatter.add.bf16 [tilespmem:s28], [sflag:$0x9], $0x10, s25, s30, $0xb8;
	[tilespmem:$0x13000] =	vst v63  }
0x6e: {  	_ =	swait.ge [sflag:s13], $0x800  }
0x6f: {  	[sflag:s13] =	ssyncset.done $0x0  }
0x70: {  	s24 =	simm.s32 $0x5080;
	[sflag:s13] =	ssyncadd.s32 $0xFFFFF800  }
0x71: {  	[spmem:s3] =	stream.indirect.scatter.add.bf16 [tilespmem:s31], [sflag:$0x9], $0x10, s24, s30, $0xb8;
	[tilespmem:$0x13000] =	vst v63  }
0x72: {  	_ =	swait.ge [sflag:s15], $0x800  }
0x73: {  	[sflag:s15] =	ssyncset.done $0x0  }
0x74: {  	s25 =	simm.s32 $0x5100;
	[sflag:s15] =	ssyncadd.s32 $0xFFFFF800  }
0x75: {  	[spmem:s3] =	stream.indirect.scatter.add.bf16 [tilespmem:s2], [sflag:$0x9], $0x10, s25, s30, $0xb8;
	[tilespmem:$0x13000] =	vst v63  }
0x76: {  	_ =	swait.ge [sflag:s16], $0x800  }
0x77: {  	[sflag:s16] =	ssyncset.done $0x0  }
0x78: {  	s24 =	simm.s32 $0x5180;
	[sflag:s16] =	ssyncadd.s32 $0xFFFFF800  }
0x79: {  	[spmem:s3] =	stream.indirect.scatter.add.bf16 [tilespmem:s0], [sflag:$0x9], $0x10, s24, s30, $0xb8;
	[tilespmem:$0x13000] =	vst v63  }
0x7a: {  	_ =	swait.ge [sflag:s17], $0x800  }
0x7b: {  	[sflag:s17] =	ssyncset.done $0x0  }
0x7c: {  	s25 =	simm.s32 $0x5200;
	[sflag:s17] =	ssyncadd.s32 $0xFFFFF800  }
0x7d: {  	[spmem:s3] =	stream.indirect.scatter.add.bf16 [tilespmem:s29], [sflag:$0x9], $0x10, s25, s30, $0xb8;
	[tilespmem:$0x13000] =	vst v63  }
0x7e: {  	_ =	swait.ge [sflag:s18], $0x800  }
0x7f: {  	[sflag:s18] =	ssyncset.done $0x0  }
0x80: {  	s24 =	simm.s32 $0x5280;
	[sflag:s18] =	ssyncadd.s32 $0xFFFFF800  }
0x81: {  	[spmem:s3] =	stream.indirect.scatter.add.bf16 [tilespmem:s5], [sflag:$0x9], $0x10, s24, s30, $0xb8;
	[tilespmem:$0x13000] =	vst v63  }
0x82: {  	_ =	swait.ge [sflag:s19], $0x800  }
0x83: {  	[sflag:s19] =	ssyncset.done $0x0  }
0x84: {  	s25 =	simm.s32 $0x5300;
	[sflag:s19] =	ssyncadd.s32 $0xFFFFF800  }
0x85: {  	[spmem:s3] =	stream.indirect.scatter.add.bf16 [tilespmem:s7], [sflag:$0x9], $0x10, s25, s30, $0xb8;
	[tilespmem:$0x13000] =	vst v63  }
0x86: {  	_ =	swait.ge [sflag:s20], $0x800  }
0x87: {  	[sflag:s20] =	ssyncset.done $0x0  }
0x88: {  	s24 =	simm.s32 $0x5380;
	[sflag:s20] =	ssyncadd.s32 $0xFFFFF800  }
0x89: {  	[spmem:s3] =	stream.indirect.scatter.add.bf16 [tilespmem:s9], [sflag:$0x9], $0x10, s24, s30, $0xb8;
	[tilespmem:$0x13000] =	vst v63  }
0x8a: {  	_ =	swait.ge [sflag:s21], $0x800  }
0x8b: {  	[sflag:s21] =	ssyncset.done $0x0  }
0x8c: {  	[sflag:s21] =	ssyncadd.s32 $0xFFFFF800  }
0x8d: {  	_ =	swait.ge [sflag:s21], $0x800  }
0x8e: {  	[sflag:s21] =	ssyncset.done $0x0  }
0x8f: {  	[sflag:s21] =	ssyncadd.s32 $0xFFFFF800  }
0x90: {  	_ =	swait.ge [sflag:s21], $0x800  }
0x91: {  	[sflag:s21] =	ssyncset.done $0x0  }
0x92: {  	[sflag:s21] =	ssyncadd.s32 $0xFFFFF800  }
0x93: {  	_ =	swait.ge [sflag:s21], $0x800  }
0x94: {  	[sflag:s21] =	ssyncset.done $0x0  }
0x95: {  	[sflag:s21] =	ssyncadd.s32 $0xFFFFF800  }
0x96: {  	_ =	swait.ge [sflag:s21], $0x800  }
0x97: {  	[sflag:s21] =	ssyncset.done $0x0  }
0x98: {  	[sflag:s21] =	ssyncadd.s32 $0xFFFFF800  }
0x99: {  	_ =	swait.ge [sflag:s21], $0x800  }
0x9a: {  	[sflag:s21] =	ssyncset.done $0x0  }
0x9b: {  	[sflag:s21] =	ssyncadd.s32 $0xFFFFF800  }
0x9c: {  	_ =	swait.ge [sflag:s21], $0x800  }
0x9d: {  	[sflag:s21] =	ssyncset.done $0x0  }
0x9e: {  	[sflag:s21] =	ssyncadd.s32 $0xFFFFF800  }
0x9f: {  	_ =	swait.ge [sflag:s21], $0x800  }
0xa0: {  	[sflag:s21] =	ssyncset.done $0x0  }
0xa1: {  	s25 =	simm.s32 $0x400;
	[sflag:s21] =	ssyncadd.s32 $0xFFFFF800  }
0xa2: {  	[tilespmem:s28], [sflag:$0x1] =	stream.indirect.gather [spmem:s1], $0x10, s25, s30, $0xb8;
	[tilespmem:$0x13000] =	vst v63  }
0xa3: {  	s24 =	simm.s32 $0x480  }
0xa4: {  	[tilespmem:s31], [sflag:$0x2] =	stream.indirect.gather [spmem:s1], $0x10, s24, s30, $0xb8;
	[tilespmem:$0x13000] =	vst v63  }
0xa5: {  	s25 =	simm.s32 $0x500  }
0xa6: {  	[tilespmem:s2], [sflag:$0x3] =	stream.indirect.gather [spmem:s1], $0x10, s25, s30, $0xb8;
	[tilespmem:$0x13000] =	vst v63  }
0xa7: {  	s24 =	simm.s32 $0x580  }
0xa8: {  	[tilespmem:s0], [sflag:$0x4] =	stream.indirect.gather [spmem:s1], $0x10, s24, s30, $0xb8;
	[tilespmem:$0x13000] =	vst v63  }
0xa9: {  	s25 =	simm.s32 $0x600  }
0xaa: {  	[tilespmem:s29], [sflag:$0x5] =	stream.indirect.gather [spmem:s1], $0x10, s25, s30, $0xb8;
	[tilespmem:$0x13000] =	vst v63  }
0xab: {  	s24 =	simm.s32 $0x680  }
0xac: {  	[tilespmem:s5], [sflag:$0x6] =	stream.indirect.gather [spmem:s1], $0x10, s24, s30, $0xb8;
	[tilespmem:$0x13000] =	vst v63  }
0xad: {  	s23 =	simm.s32 $0x1000;
	s25 =	simm.s32 $0x700;
	s24 =	simm.s32 $0x780  }
0xae: {  	[tilespmem:s7], [sflag:$0x7] =	stream.indirect.gather [spmem:s1], $0x10, s25, s30, $0xb8;
	[tilespmem:$0x13000] =	vst v63  }
.LBB2_2:
0xaf: {  	[tilespmem:s9], [sflag:$0x8] =	stream.indirect.gather [spmem:s1], $0x10, s24, s30, $0xb8;
	[tilespmem:$0x13000] =	vst v63  }
0xb0: {  	s24 =	smov.u32 s23  }
0xb1: {  	p0 =	sne.s32 s23, $0x12000;
	s23 =	sadd.s32 $0x1000, s23;
	_ =	swait.ge [sflag:s11], $0x800  }
0xb2: {  	s24 =	sshra.s32 s24, $0x2;
	[sflag:s11] =	ssyncset.done $0x0  }
0xb3: {  	s25 =	sadd.s32 $0x5000, s24;
	[sflag:s11] =	ssyncadd.s32 $0xFFFFF800  }
0xb4: {  	[spmem:s3] =	stream.indirect.scatter.add.bf16 [tilespmem:s28], [sflag:$0x9], $0x10, s25, s30, $0xb8;
	[tilespmem:$0x13000] =	vst v63  }
0xb5: {  	_ =	swait.ge [sflag:s13], $0x800  }
0xb6: {  	[sflag:s13] =	ssyncset.done $0x0  }
0xb7: {  	s25 =	sadd.s32 $0x5080, s24;
	[sflag:s13] =	ssyncadd.s32 $0xFFFFF800  }
0xb8: {  	[spmem:s3] =	stream.indirect.scatter.add.bf16 [tilespmem:s31], [sflag:$0x9], $0x10, s25, s30, $0xb8;
	[tilespmem:$0x13000] =	vst v63  }
0xb9: {  	_ =	swait.ge [sflag:s15], $0x800  }
0xba: {  	[sflag:s15] =	ssyncset.done $0x0  }
0xbb: {  	s25 =	sadd.s32 $0x5100, s24;
	[sflag:s15] =	ssyncadd.s32 $0xFFFFF800  }
0xbc: {  	[spmem:s3] =	stream.indirect.scatter.add.bf16 [tilespmem:s2], [sflag:$0x9], $0x10, s25, s30, $0xb8;
	[tilespmem:$0x13000] =	vst v63  }
0xbd: {  	_ =	swait.ge [sflag:s16], $0x800  }
0xbe: {  	[sflag:s16] =	ssyncset.done $0x0  }
0xbf: {  	s25 =	sadd.s32 $0x5180, s24;
	[sflag:s16] =	ssyncadd.s32 $0xFFFFF800  }
0xc0: {  	[spmem:s3] =	stream.indirect.scatter.add.bf16 [tilespmem:s0], [sflag:$0x9], $0x10, s25, s30, $0xb8;
	[tilespmem:$0x13000] =	vst v63  }
0xc1: {  	_ =	swait.ge [sflag:s17], $0x800  }
0xc2: {  	[sflag:s17] =	ssyncset.done $0x0  }
0xc3: {  	s25 =	sadd.s32 $0x5200, s24;
	[sflag:s17] =	ssyncadd.s32 $0xFFFFF800  }
0xc4: {  	[spmem:s3] =	stream.indirect.scatter.add.bf16 [tilespmem:s29], [sflag:$0x9], $0x10, s25, s30, $0xb8;
	[tilespmem:$0x13000] =	vst v63  }
0xc5: {  	_ =	swait.ge [sflag:s18], $0x800  }
0xc6: {  	[sflag:s18] =	ssyncset.done $0x0  }
0xc7: {  	s25 =	sadd.s32 $0x5280, s24;
	[sflag:s18] =	ssyncadd.s32 $0xFFFFF800  }
0xc8: {  	[spmem:s3] =	stream.indirect.scatter.add.bf16 [tilespmem:s5], [sflag:$0x9], $0x10, s25, s30, $0xb8;
	[tilespmem:$0x13000] =	vst v63  }
0xc9: {  	_ =	swait.ge [sflag:s19], $0x800  }
0xca: {  	[sflag:s19] =	ssyncset.done $0x0  }
0xcb: {  	s25 =	sadd.s32 $0x5300, s24;
	[sflag:s19] =	ssyncadd.s32 $0xFFFFF800  }
0xcc: {  	[spmem:s3] =	stream.indirect.scatter.add.bf16 [tilespmem:s7], [sflag:$0x9], $0x10, s25, s30, $0xb8;
	[tilespmem:$0x13000] =	vst v63  }
0xcd: {  	_ =	swait.ge [sflag:s20], $0x800  }
0xce: {  	[sflag:s20] =	ssyncset.done $0x0  }
0xcf: {  	s25 =	sadd.s32 $0x5380, s24;
	[sflag:s20] =	ssyncadd.s32 $0xFFFFF800  }
0xd0: {  	[spmem:s3] =	stream.indirect.scatter.add.bf16 [tilespmem:s9], [sflag:$0x9], $0x10, s25, s30, $0xb8;
	[tilespmem:$0x13000] =	vst v63  }
0xd1: {  	_ =	swait.ge [sflag:s21], $0x800  }
0xd2: {  	[sflag:s21] =	ssyncset.done $0x0  }
0xd3: {  	[sflag:s21] =	ssyncadd.s32 $0xFFFFF800  }
0xd4: {  	_ =	swait.ge [sflag:s21], $0x800  }
0xd5: {  	[sflag:s21] =	ssyncset.done $0x0  }
0xd6: {  	[sflag:s21] =	ssyncadd.s32 $0xFFFFF800  }
0xd7: {  	_ =	swait.ge [sflag:s21], $0x800  }
0xd8: {  	[sflag:s21] =	ssyncset.done $0x0  }
0xd9: {  	[sflag:s21] =	ssyncadd.s32 $0xFFFFF800  }
0xda: {  	_ =	swait.ge [sflag:s21], $0x800  }
0xdb: {  	[sflag:s21] =	ssyncset.done $0x0  }
0xdc: {  	[sflag:s21] =	ssyncadd.s32 $0xFFFFF800  }
0xdd: {  	_ =	swait.ge [sflag:s21], $0x800  }
0xde: {  	[sflag:s21] =	ssyncset.done $0x0  }
0xdf: {  	[sflag:s21] =	ssyncadd.s32 $0xFFFFF800  }
0xe0: {  	_ =	swait.ge [sflag:s21], $0x800  }
0xe1: {  	[sflag:s21] =	ssyncset.done $0x0  }
0xe2: {  	[sflag:s21] =	ssyncadd.s32 $0xFFFFF800  }
0xe3: {  	_ =	swait.ge [sflag:s21], $0x800  }
0xe4: {  	[sflag:s21] =	ssyncset.done $0x0  }
0xe5: {  	[sflag:s21] =	ssyncadd.s32 $0xFFFFF800  }
0xe6: {  	_ =	swait.ge [sflag:s21], $0x800  }
0xe7: {  	[sflag:s21] =	ssyncset.done $0x0  }
0xe8: {  	s25 =	sadd.s32 $0x400, s24;
	[sflag:s21] =	ssyncadd.s32 $0xFFFFF800  }
0xe9: {  	[tilespmem:s28], [sflag:$0x1] =	stream.indirect.gather [spmem:s1], $0x10, s25, s30, $0xb8;
	[tilespmem:$0x13000] =	vst v63  }
0xea: {  	s25 =	sadd.s32 $0x480, s24  }
0xeb: {  	[tilespmem:s31], [sflag:$0x2] =	stream.indirect.gather [spmem:s1], $0x10, s25, s30, $0xb8;
	[tilespmem:$0x13000] =	vst v63  }
0xec: {  	s25 =	sadd.s32 $0x500, s24  }
0xed: {  	[tilespmem:s2], [sflag:$0x3] =	stream.indirect.gather [spmem:s1], $0x10, s25, s30, $0xb8;
	[tilespmem:$0x13000] =	vst v63  }
0xee: {  	s25 =	sadd.s32 $0x580, s24  }
0xef: {  	[tilespmem:s0], [sflag:$0x4] =	stream.indirect.gather [spmem:s1], $0x10, s25, s30, $0xb8;
	[tilespmem:$0x13000] =	vst v63  }
0xf0: {  	s25 =	sadd.s32 $0x600, s24  }
0xf1: {  	[tilespmem:s29], [sflag:$0x5] =	stream.indirect.gather [spmem:s1], $0x10, s25, s30, $0xb8;
	[tilespmem:$0x13000] =	vst v63  }
.Ltmp0:
0xf2: {  	s25 =	sadd.s32 $0x680, s24;
	(pc) =	sbr.rel @p0 .LBB2_2-.Ltmp0, $4  }
0xf3: {  	[tilespmem:s5], [sflag:$0x6] =	stream.indirect.gather [spmem:s1], $0x10, s25, s30, $0xb8;
	[tilespmem:$0x13000] =	vst v63  }
0xf4: {  	s25 =	sadd.s32 $0x700, s24  }
0xf5: {  	[tilespmem:s7], [sflag:$0x7] =	stream.indirect.gather [spmem:s1], $0x10, s25, s30, $0xb8;
	[tilespmem:$0x13000] =	vst v63  }
0xf6: {  	s24 =	sadd.s32 $0x780, s24  }
0xf7: {  	[tilespmem:s9], [sflag:$0x8] =	stream.indirect.gather [spmem:s1], $0x10, s24, s30, $0xb8;
	[tilespmem:$0x13000] =	vst v63  }
0xf8: {  	_ =	swait.ge [sflag:s11], $0x800  }
0xf9: {  	[sflag:s11] =	ssyncset.done $0x0  }
0xfa: {  	s23 =	simm.s32 $0x9C00;
	[sflag:s11] =	ssyncadd.s32 $0xFFFFF800  }
0xfb: {  	[spmem:s3] =	stream.indirect.scatter.add.bf16 [tilespmem:s28], [sflag:$0x9], $0x10, s23, s30, $0xb8;
	[tilespmem:$0x13000] =	vst v63  }
0xfc: {  	_ =	swait.ge [sflag:s13], $0x800  }
0xfd: {  	[sflag:s13] =	ssyncset.done $0x0  }
0xfe: {  	s25 =	simm.s32 $0x9C80;
	[sflag:s13] =	ssyncadd.s32 $0xFFFFF800  }
0xff: {  	[spmem:s3] =	stream.indirect.scatter.add.bf16 [tilespmem:s31], [sflag:$0x9], $0x10, s25, s30, $0xb8;
	[tilespmem:$0x13000] =	vst v63  }
0x100: {  	_ =	swait.ge [sflag:s15], $0x800  }
0x101: {  	[sflag:s15] =	ssyncset.done $0x0  }
0x102: {  	s24 =	simm.s32 $0x9D00;
	[sflag:s15] =	ssyncadd.s32 $0xFFFFF800  }
0x103: {  	[spmem:s3] =	stream.indirect.scatter.add.bf16 [tilespmem:s2], [sflag:$0x9], $0x10, s24, s30, $0xb8;
	[tilespmem:$0x13000] =	vst v63  }
0x104: {  	_ =	swait.ge [sflag:s16], $0x800  }
0x105: {  	[sflag:s16] =	ssyncset.done $0x0  }
0x106: {  	s25 =	simm.s32 $0x9D80;
	[sflag:s16] =	ssyncadd.s32 $0xFFFFF800  }
0x107: {  	[spmem:s3] =	stream.indirect.scatter.add.bf16 [tilespmem:s0], [sflag:$0x9], $0x10, s25, s30, $0xb8;
	[tilespmem:$0x13000] =	vst v63  }
0x108: {  	_ =	swait.ge [sflag:s17], $0x800  }
0x109: {  	[sflag:s17] =	ssyncset.done $0x0  }
0x10a: {  	s24 =	simm.s32 $0x9E00;
	[sflag:s17] =	ssyncadd.s32 $0xFFFFF800  }
0x10b: {  	[spmem:s3] =	stream.indirect.scatter.add.bf16 [tilespmem:s29], [sflag:$0x9], $0x10, s24, s30, $0xb8;
	[tilespmem:$0x13000] =	vst v63  }
0x10c: {  	_ =	swait.ge [sflag:s18], $0x800  }
0x10d: {  	[sflag:s18] =	ssyncset.done $0x0  }
0x10e: {  	s25 =	simm.s32 $0x9E80;
	[sflag:s18] =	ssyncadd.s32 $0xFFFFF800  }
0x10f: {  	[spmem:s3] =	stream.indirect.scatter.add.bf16 [tilespmem:s5], [sflag:$0x9], $0x10, s25, s30, $0xb8;
	[tilespmem:$0x13000] =	vst v63  }
0x110: {  	_ =	swait.ge [sflag:s19], $0x800  }
0x111: {  	[sflag:s19] =	ssyncset.done $0x0  }
0x112: {  	s24 =	simm.s32 $0x9F00;
	[sflag:s19] =	ssyncadd.s32 $0xFFFFF800  }
0x113: {  	[spmem:s3] =	stream.indirect.scatter.add.bf16 [tilespmem:s7], [sflag:$0x9], $0x10, s24, s30, $0xb8;
	[tilespmem:$0x13000] =	vst v63  }
0x114: {  	_ =	swait.ge [sflag:s20], $0x800  }
0x115: {  	[sflag:s20] =	ssyncset.done $0x0  }
0x116: {  	s25 =	simm.s32 $0x9F80;
	[sflag:s20] =	ssyncadd.s32 $0xFFFFF800  }
0x117: {  	[spmem:s3] =	stream.indirect.scatter.add.bf16 [tilespmem:s9], [sflag:$0x9], $0x10, s25, s30, $0xb8;
	[tilespmem:$0x13000] =	vst v63  }
0x118: {  	_ =	swait.ge [sflag:s21], $0x800  }
0x119: {  	[sflag:s21] =	ssyncset.done $0x0  }
0x11a: {  	[sflag:s21] =	ssyncadd.s32 $0xFFFFF800  }
0x11b: {  	_ =	swait.ge [sflag:s21], $0x800  }
0x11c: {  	[sflag:s21] =	ssyncset.done $0x0  }
0x11d: {  	[sflag:s21] =	ssyncadd.s32 $0xFFFFF800  }
0x11e: {  	_ =	swait.ge [sflag:s21], $0x800  }
0x11f: {  	[sflag:s21] =	ssyncset.done $0x0  }
0x120: {  	[sflag:s21] =	ssyncadd.s32 $0xFFFFF800  }
0x121: {  	_ =	swait.ge [sflag:s21], $0x800  }
0x122: {  	[sflag:s21] =	ssyncset.done $0x0  }
0x123: {  	[sflag:s21] =	ssyncadd.s32 $0xFFFFF800  }
0x124: {  	_ =	swait.ge [sflag:s21], $0x800  }
0x125: {  	[sflag:s21] =	ssyncset.done $0x0  }
0x126: {  	[sflag:s21] =	ssyncadd.s32 $0xFFFFF800  }
0x127: {  	_ =	swait.ge [sflag:s21], $0x800  }
0x128: {  	[sflag:s21] =	ssyncset.done $0x0  }
0x129: {  	[sflag:s21] =	ssyncadd.s32 $0xFFFFF800  }
0x12a: {  	_ =	swait.ge [sflag:s21], $0x800  }
0x12b: {  	[sflag:s21] =	ssyncset.done $0x0  }
0x12c: {  	[sflag:s21] =	ssyncadd.s32 $0xFFFFF800  }
0x12d: {  	_ =	swait.ge [sflag:s21], $0x800  }
0x12e: {  	[sflag:s21] =	ssyncset.done $0x0  }
0x12f: {  	[sflag:s21] =	ssyncadd.s32 $0xFFFFF800  }
0x130: {  	[bflag:$0x0] =	sbarrier.arrive $0xFFFF  }
0x131: {  	[tilespmem:s28], [sflag:$0xA] =	stream.linear.gather [spmem:s6], $0x800, $0x38;
	[tilespmem:$0x13000] =	vst v63  }
0x132: {  	_ =	swait.ge [sflag:s26], $0x800  }
0x133: {  	[sflag:s26] =	ssyncset.done $0x0  }
0x134: {  	s24 =	rddreg [dreg:$0xb];
	[sflag:s26] =	ssyncadd.s32 $0xFFFFF800  }
0x135: {  	[hbm4b:s24+s4] =	stream.linear.scatter [tilespmem:s28], [sflag:$0xA], $0x800, $0x38;
	[tilespmem:$0x13000] =	vst v63  }
0x136: {  	_ =	swait.ge [sflag:s26], $0x800  }
0x137: {  	[sflag:s26] =	ssyncset.done $0x0  }
0x138: {  	[sflag:s26] =	ssyncadd.s32 $0xFFFFF800  }
0x139: {  	[tilespmem:s28], [sflag:$0xA] =	stream.linear.gather [spmem:s8], $0x800, $0x38;
	[tilespmem:$0x13000] =	vst v63  }
0x13a: {  	_ =	swait.ge [sflag:s26], $0x800  }
0x13b: {  	[sflag:s26] =	ssyncset.done $0x0  }
0x13c: {  	s25 =	rddreg [dreg:$0xc];
	[sflag:s26] =	ssyncadd.s32 $0xFFFFF800  }
0x13d: {  	[hbm4b:s25+s4] =	stream.linear.scatter [tilespmem:s28], [sflag:$0xA], $0x800, $0x38;
	[tilespmem:$0x13000] =	vst v63  }
0x13e: {  	_ =	swait.ge [sflag:s26], $0x800  }
0x13f: {  	[sflag:s26] =	ssyncset.done $0x0  }
0x140: {  	[sflag:s26] =	ssyncadd.s32 $0xFFFFF800  }
0x141: {  	[tilespmem:s28], [sflag:$0xA] =	stream.linear.gather [spmem:s10], $0x800, $0x38;
	[tilespmem:$0x13000] =	vst v63  }
0x142: {  	_ =	swait.ge [sflag:s26], $0x800  }
0x143: {  	[sflag:s26] =	ssyncset.done $0x0  }
0x144: {  	s24 =	rddreg [dreg:$0xd];
	[sflag:s26] =	ssyncadd.s32 $0xFFFFF800  }
0x145: {  	[hbm4b:s24+s4] =	stream.linear.scatter [tilespmem:s28], [sflag:$0xA], $0x800, $0x38;
	[tilespmem:$0x13000] =	vst v63  }
0x146: {  	_ =	swait.ge [sflag:s26], $0x800  }
0x147: {  	[sflag:s26] =	ssyncset.done $0x0  }
0x148: {  	[sflag:s26] =	ssyncadd.s32 $0xFFFFF800  }
0x149: {  	[tilespmem:s28], [sflag:$0xA] =	stream.linear.gather [spmem:s12], $0x800, $0x38;
	[tilespmem:$0x13000] =	vst v63  }
0x14a: {  	_ =	swait.ge [sflag:s26], $0x800  }
0x14b: {  	[sflag:s26] =	ssyncset.done $0x0  }
0x14c: {  	s25 =	rddreg [dreg:$0xe];
	[sflag:s26] =	ssyncadd.s32 $0xFFFFF800  }
0x14d: {  	[hbm4b:s25+s4] =	stream.linear.scatter [tilespmem:s28], [sflag:$0xA], $0x800, $0x38;
	[tilespmem:$0x13000] =	vst v63  }
0x14e: {  	_ =	swait.ge [sflag:s26], $0x800  }
0x14f: {  	[sflag:s26] =	ssyncset.done $0x0  }
0x150: {  	[sflag:s26] =	ssyncadd.s32 $0xFFFFF800  }
0x151: {  	[tilespmem:s28], [sflag:$0xA] =	stream.linear.gather [spmem:s14], $0x800, $0x38;
	[tilespmem:$0x13000] =	vst v63  }
0x152: {  	_ =	swait.ge [sflag:s26], $0x800  }
0x153: {  	[sflag:s26] =	ssyncset.done $0x0  }
0x154: {  	s24 =	rddreg [dreg:$0xf];
	[sflag:s26] =	ssyncadd.s32 $0xFFFFF800  }
0x155: {  	[hbm4b:s24+s4] =	stream.linear.scatter [tilespmem:s28], [sflag:$0xA], $0x800, $0x38;
	[tilespmem:$0x13000] =	vst v63  }
0x156: {  	_ =	swait.ge [sflag:s26], $0x800  }
0x157: {  	s22 =	sadd.s32 $0x1, s22;
	s25 =	rddreg [dreg:$0x11]  }
0x158: {  	p0 =	sne.s32 s22, s25  }
.Ltmp1:
0x159: {  	_ = 	snop;
	(pc) =	sbr.rel @p0 .LBB2_1-.Ltmp1, $3  }
0x15a: {  	_ =	sdelay $0x1  }
0x15b: {  	[sflag:s26] =	ssyncset.done $0x0  }
0x15c: {  	[sflag:s26] =	ssyncadd.s32 $0xFFFFF800  }
0x15d: {  	_ =	sfence.sel $0x180000  }
0x15e: {  	[bflag:$0x0] =	sbarrier.arrive $0xFFFF  }
0x15f: {  	_ =	strace $0x9000004A  }
0x160: {  	s0 =	stileid.u32;
	[bflag:$0x2] =	sbarrier.arrive $0xFFFF  }
0x161: {  	p0 =	sne.s32 s0, $0x0;
	s0 =	rddreg [dreg:$0x3]  }
0x162: {  	s0 =	sadd.s32 @!p0 $0x100000, s0  }
0x163: {  	[sflag:s0] =	ssyncadd.tile.s32 @!p0 $0x1;
	_ =	shalt  }
.Lfunc_end2:
_tile_overlayer_lowered:
.L_overlay_start_2:
0x164: {  	(tag) =	ssettag $0x2  }
0x165: {  	s0 =	rddreg [dreg:$0x0];
	s2 =	stileid.u32  }
0x166: {  	s1 =	rddreg [dreg:$0x1];
	p0 =	sne.s32 s2, $0x0  }
0x167: {  	s3 =	rddreg [dreg:$0x2];
	[bflag:$0x3] =	sbarrier.arrive $0xFFFF;
	s2 =	simm.s32 @!p0 $0x1C0A  }
0x168: {  	[timem:s3], [sflag:s2] =	dma.local @!p0 [hbm:s0], s1  }
0x169: {  	s0 =	simm.s32 @!p0 $0xA  }
0x16a: {  	_ =	swait.ge @!p0 [sflag:s0], s1  }
0x16b: {  	s1 =	ssub.s32 @!p0 $0x0, s1;
	[sflag:s0] =	ssyncset.done @!p0 $0x0  }
0x16c: {  	[sflag:s0] =	ssyncadd.s32 @!p0 s1  }
0x16d: {  	[bflag:$0x3] =	sbarrier.arrive $0xFFFF  }
0x16e: {  	_ =	shalt  }

// kernel: kernel.14.cloned.1.call-start
scs
__scs_entry_jumppad:
0x0: {  	(pc) =	sbr.rel $0x88, $3  }
0x1: {  	(tag) =	ssettag $0x0;
	lr =	simm.s32 $0x1  }
0x2: {  	[smem:$0x3F9B] =	sst lr;
	_ =	strace $0xD0000000  }
0x3: {  	_ = 	snop  }
0x4: {  	_ = 	snop  }
0x5: {  	_ = 	snop  }
0x6: {  	_ = 	snop  }
0x7: {  	_ = 	snop  }
__scs_overlays_trampoline_lowered:
0x8: {  	[smem:$0x3FAA] =	sst s0  }
0x9: {  	[smem:$0x3FAB] =	sst s1  }
0xa: {  	[smem:$0x3FAC] =	sst s2  }
0xb: {  	[smem:$0x3FAD] =	sst s3  }
0xc: {  	[smem:$0x3FAE] =	sst s4  }
0xd: {  	[smem:$0x3FAF] =	sst s5  }
0xe: {  	[smem:$0x3FB0] =	sst s6  }
0xf: {  	[smem:$0x3FB1] =	sst s7  }
0x10: {  	[smem:$0x3FB2] =	sst s8  }
0x11: {  	[smem:$0x3FB3] =	sst s9;
	s0 =	simm.s32 @!p0 $0x0  }
0x12: {  	s1 =	sld [smem:$0x3F99];
	s0 =	simm.s32 @p0 $0x1  }
0x13: {  	[smem:$0x3FB4] =	sst s0;
	s0 =	simm.s32 @!p1 $0x0  }
0x14: {  	s2 =	sld [smem:$0x3F98];
	s0 =	simm.s32 @p1 $0x1  }
0x15: {  	[smem:$0x3FB5] =	sst s0;
	s0 =	simm.s32 @!p2 $0x0  }
0x16: {  	s3 =	sld [smem:$0x3FDB];
	s0 =	simm.s32 @p2 $0x1  }
0x17: {  	s4 =	simm.s32 $0x1BF5;
	[smem:$0x3FB7] =	sst s0  }
0x18: {  	s0 =	sld [smem:$0x3F9A];
	_ =	swait.ge [sflag:s4], $0x0  }
0x19: {  	s7 =	sld [smem:$0x3F9B]  }
0x1a: {  	s8 =	sadd.s32 $0xFFFFE003, lr  }
0x1b: {  	s9 =	sadd.s32 $0xFFFFFEF7, lr;
	s5 =	simm.s32 $0xFFFFFFFF;
	p2 =	slt.u32 s8, $0xFFFFF086  }
0x1c: {  	p1 =	slt.u32 s9, $0xF7A;
	s5 =	simm.s32 @!p2 $0x0  }
0x1d: {  	s5 =	simm.s32 @p1 $0x1;
	p0 =	seq.s32 s7, s2  }
0x1e: {  	s7 =	smul.u32 @!p0 $0xF7A, s2;
	p2 =	seq.s32 @!p0 s5, $0x0  }
0x1f: {  	s9 =	smul.u32 $0xF7A, s1;
	s8 =	simm.s32 @!p0 $0x1BF5;
	p2 =	por !p2, p0  }
0x20: {  	[sflag:s8] =	ssyncset.s32 @!p0 $0xFFFFF086;
	s6 =	sadd.s32 @!p0 s3, s7;
	s7 =	simm.s32 @!p0 $0x108  }
0x21: {  	s3 =	sadd.s32 s3, s9;
	s6 =	sadd.s32 @!p0 $0x88, s6;
	s7 =	simm.s32 @p2 $0x1082  }
0x22: {  	[simem:s7], [sflag:s8] =	dma.local @!p0 [hbm:s6], $0xF7A  }
0x23: {  	s9 =	sor.u32 $0xD0000000, s2;
	s6 =	simm.s32 $0x108;
	_ =	swait.ge @!p0 [sflag:s8], $0x0  }
0x24: {  	s3 =	sadd.s32 $0x88, s3;
	s6 =	simm.s32 @!p1 $0x1082;
	[sflag:s4] =	ssyncset.s32 $0xFFFFF086  }
0x25: {  	[simem:s6], [sflag:s4] =	dma.local [hbm:s3], $0xF7A  }
0x26: {  	[smem:$0x3F9B] =	sst s1;
	(tag) =	ssettag s2;
	_ =	strace s9  }
0x27: {  	s1 =	sld [smem:$0x3FAB]  }
0x28: {  	s2 =	sld [smem:$0x3FAC]  }
0x29: {  	s4 =	sld [smem:$0x3FAE]  }
0x2a: {  	p0 =	seq.s32 s5, $0x0;
	s5 =	sld [smem:$0x3FAF]  }
0x2b: {  	s6 =	sld [smem:$0x3FB0]  }
0x2c: {  	s7 =	sld [smem:$0x3FB1]  }
0x2d: {  	s3 =	simm.s32 $0x108;
	s8 =	sld [smem:$0x3FB2]  }
0x2e: {  	s3 =	simm.s32 @!p0 $0x1082;
	s9 =	sld [smem:$0x3FB3]  }
0x2f: {  	lr =	sadd.s32 s0, s3;
	s0 =	sld [smem:$0x3FAA]  }
0x30: {  	s3 =	sld [smem:$0x3FAD]  }
0x31: {  	[smem:$0x3FB6] =	sst s10  }
0x32: {  	s10 =	sld [smem:$0x3FB4];
	_ =	sdelay $0x3  }
0x33: {  	p0 =	seq.s32 s10, $0x1;
	s10 =	sld [smem:$0x3FB6];
	_ =	sdelay $0x3  }
0x34: {  	[smem:$0x3FB6] =	sst s10  }
0x35: {  	s10 =	sld [smem:$0x3FB5];
	_ =	sdelay $0x3  }
0x36: {  	p1 =	seq.s32 s10, $0x1;
	s10 =	sld [smem:$0x3FB6];
	_ =	sdelay $0x3  }
0x37: {  	[smem:$0x3FB6] =	sst s10  }
0x38: {  	s10 =	sld [smem:$0x3FB7]  }
0x39: {  	_ = 	snop;
	(pc) =	sbr.ind lr, $3  }
0x3a: {  	_ = 	snop  }
0x3b: {  	_ = 	snop  }
0x3c: {  	p2 =	seq.s32 s10, $0x1;
	s10 =	sld [smem:$0x3FB6]  }
0x3d: {  	_ =	shalt  }
0x3e: {  	_ =	shalt  }
0x3f: {  	_ =	shalt  }
0x40: {  	_ =	shalt  }
0x41: {  	_ =	shalt  }
0x42: {  	_ =	shalt  }
0x43: {  	_ =	shalt  }
0x44: {  	_ =	shalt  }
0x45: {  	_ =	shalt  }
0x46: {  	_ =	shalt  }
0x47: {  	_ =	shalt  }
0x48: {  	_ =	shalt  }
0x49: {  	_ =	shalt  }
0x4a: {  	_ =	shalt  }
0x4b: {  	_ =	shalt  }
0x4c: {  	_ =	shalt  }
0x4d: {  	_ =	shalt  }
0x4e: {  	_ =	shalt  }
0x4f: {  	_ =	shalt  }
0x50: {  	_ =	shalt  }
0x51: {  	_ =	shalt  }
0x52: {  	_ =	shalt  }
0x53: {  	_ =	shalt  }
0x54: {  	_ =	shalt  }
0x55: {  	_ =	shalt  }
0x56: {  	_ =	shalt  }
0x57: {  	_ =	shalt  }
0x58: {  	_ =	shalt  }
0x59: {  	_ =	shalt  }
0x5a: {  	_ =	shalt  }
0x5b: {  	_ =	shalt  }
0x5c: {  	_ =	shalt  }
0x5d: {  	_ =	shalt  }
0x5e: {  	_ =	shalt  }
0x5f: {  	_ =	shalt  }
0x60: {  	_ =	shalt  }
0x61: {  	_ =	shalt  }
0x62: {  	_ =	shalt  }
0x63: {  	_ =	shalt  }
0x64: {  	_ =	shalt  }
0x65: {  	_ =	shalt  }
0x66: {  	_ =	shalt  }
0x67: {  	_ =	shalt  }
0x68: {  	_ =	shalt  }
0x69: {  	_ =	shalt  }
0x6a: {  	_ =	shalt  }
0x6b: {  	_ =	shalt  }
0x6c: {  	_ =	shalt  }
0x6d: {  	_ =	shalt  }
0x6e: {  	_ =	shalt  }
0x6f: {  	_ =	shalt  }
0x70: {  	_ =	shalt  }
0x71: {  	_ =	shalt  }
0x72: {  	_ =	shalt  }
0x73: {  	_ =	shalt  }
0x74: {  	_ =	shalt  }
0x75: {  	_ =	shalt  }
0x76: {  	_ =	shalt  }
0x77: {  	_ =	shalt  }
0x78: {  	_ =	shalt  }
0x79: {  	_ =	shalt  }
0x7a: {  	_ =	shalt  }
0x7b: {  	_ =	shalt  }
0x7c: {  	_ =	shalt  }
0x7d: {  	_ =	shalt  }
0x7e: {  	_ =	shalt  }
0x7f: {  	_ =	shalt  }
0x80: {  	_ =	shalt  }
0x81: {  	_ =	shalt  }
0x82: {  	_ =	shalt  }
0x83: {  	_ =	shalt  }
0x84: {  	_ =	shalt  }
0x85: {  	_ =	shalt  }
0x86: {  	_ =	shalt  }
0x87: {  	_ =	shalt  }
.Lfunc_end0:
.L_simem_size_0:
called_computation.2_lowered:
.L_overlay_start_0:
0x88: {  	s2 =	sld [smem:$0x3FD9]  }
0x89: {  	s3 =	sld [smem:$0x3FFE];
	_ =	sdelay $0x1  }
0x8a: {  	s1 =	srdreg.scid  }
0x8b: {  	s0 =	sand.u32 $0x1, s1  }
0x8c: {  	s16 =	sshll.u32 s0, $0xA;
	s2 =	sadd.s32 s3, s2  }
0x8d: {  	s2 =	sadd.s32 s2, s16  }
0x8e: {  	[smem:$0x3FC2] =	sst s2  }
0x8f: {  	_ = 	snop  }
0x90: {  	(tm) =	ssettm $0x1  }
0x91: {  	s17 =	sld [smem:$0x3FFB];
	_ =	sdelay $0x3  }
0x92: {  	_ =	strace s17  }
0x93: {  	s2 =	sld [smem:$0x3FFC];
	_ =	sdelay $0x3  }
0x94: {  	_ =	strace s2  }
0x95: {  	s2 =	sld [smem:$0x3FFD];
	_ =	sdelay $0x3  }
0x96: {  	_ =	strace s2  }
0x97: {  	_ =	strace $0x8FFFFFFF  }
0x98: {  	s18 =	sld [smem:$0x3FDB];
	_ =	sdelay $0x1  }
0x99: {  	s19 =	simm.s32 $_scs_section_size  }
0x9a: {  	s4 =	simm.s32 $_size__tile_overlayer_lowered;
	s5 =	simm.s32 $_tile_overlayer_lowered  }
0x9b: {  	s22 =	simm.s32 $0x1BFF;
	s21 =	sshll.u32 s5, $0x1;
	s2 =	sadd.s32 s19, s18  }
0x9c: {  	s6 =	simm.s32 $0x0;
	s20 =	sshll.u32 s4, $0x1;
	s4 =	sadd.s32 s21, s2  }
0x9d: {  	[timem:s6], [sflag:s22] =	dma.local [hbm:s4], s20  }
0x9e: {  	_ =	swait.ge [sflag:s22], s20  }
0x9f: {  	s3 =	ssub.s32 $0x0, s20;
	[sflag:s22] =	ssyncset.done $0x0  }
0xa0: {  	[sflag:s22] =	ssyncadd.s32 s3;
	_ =	sdelay $0x1  }
0xa1: {  	s23 =	simm.s32 $0x1B8B  }
0xa2: {  	_ =	swait.ge [sflag:s23], $0x1  }
0xa3: {  	[sflag:s23] =	ssyncset.done $0x0  }
0xa4: {  	s25 =	simm.s32 $0x1B8E;
	s24 =	sld [smem:$0x3FFE];
	[sflag:s23] =	ssyncadd.s32 $0xFFFFFFFF  }
0xa5: {  	s26 =	simm.s32 $execute0_lowered;
	[smem:$0x3FD2] =	sst s25  }
0xa6: {  	s4 =	sshll.u32 s26, $0x1;
	_ =	strace $0x8000004C;
	[dreg:$0x1] =	wrdreg $0xFFFFFFFF  }
0xa7: {  	s28 =	simm.s32 $_size_execute0_lowered;
	s2 =	sadd.s32 s2, s4;
	[dreg:$0x0] =	wrdreg $0x0  }
0xa8: {  	s4 =	sshll.u32 s28, $0x1;
	[dreg:$0x2] =	wrdreg s2  }
0xa9: {  	[dreg:$0x3] =	wrdreg s4  }
0xaa: {  	[dreg:$0x4] =	wrdreg $0xC0  }
0xab: {  	_ =	task [dreg:s6], $0x5FFFF  }
0xac: {  	[dreg:$0x1] =	wrdreg $0xFFFFFFFF  }
0xad: {  	[dreg:$0x0] =	wrdreg $0x60  }
0xae: {  	[dreg:$0x2] =	wrdreg s24  }
0xaf: {  	[dreg:$0x3] =	wrdreg $0x84000  }
0xb0: {  	[dreg:$0x4] =	wrdreg $0x70000  }
0xb1: {  	[dreg:$0x5] =	wrdreg $0x9  }
0xb2: {  	_ =	task.clear_ibuf [dreg:s6], $0x6FFFF;
	_ =	strace $0x9000004C  }
0xb3: {  	s29 =	simm.s32 $0x9;
	_ =	strace $0x8000004E  }
0xb4: {  	_ =	swait.ge [sflag:s29], $0x1  }
0xb5: {  	[sflag:s29] =	ssyncadd.s32 $0xFFFFFFFF  }
0xb6: {  	_ =	strace $0x9000004E  }
0xb7: {  	_ =	sfence  }
0xb8: {  	s30 =	sld [smem:$0x0];
	_ =	sdelay $0x2  }
0xb9: {  	s31 =	sshll.u32 s1, $0xD;
	s1 =	sshrl.u32 s1, $0x2  }
0xba: {  	s3 =	sand.u32 $0x4000, s31;
	s1 =	sadd.s32 s1, s30  }
0xbb: {  	s0 =	sor.u32 s3, s0;
	s1 =	sshll.u32 s1, $0x11  }
0xbc: {  	s0 =	sor.u32 s1, s0  }
0xbd: {  	s0 =	sadd.s32 $0x8F2B, s0  }
0xbe: {  	[sflag:s0] =	ssyncadd.remote.s32 $0x1  }
0xbf: {  	_ =	sfence.sel $0xFFFF  }
0xc0: {  	[dreg:$0x0] =	wrdreg $0xFFFFFFFF;
	(pc) =	sbr.abs _section_cstart, $3  }
0xc1: {  	[dreg:$0x1] =	wrdreg $0xFFFFFFFF  }
0xc2: {  	_ =	task.clear_ibuf [dreg:s6], $0x2FFFF;
	_ =	strace $0x9FFFFFFF  }
0xc3: {  	(tm) =	ssettm $0x7FFFFFFF  }
tec
execute0_lowered:
.L_overlay_start_1:
0x0: {  	(tag) =	ssettag $0x1  }
0x1: {  	s12 =	stileid.u32;
	s1 =	rddreg [dreg:$0x0]  }
0x2: {  	s0 =	srdreg.scid;
	s2 =	rddreg [dreg:$0x1]  }
0x3: {  	s28 =	simm.s32 $0x5000;
	s30 =	simm.s32 $0x80;
	s31 =	simm.s32 $0x5400  }
0x4: {  	s29 =	simm.s32 $0x6000;
	s0 =	sand.u32 $0x1, s0;
	s5 =	smul.u32 $0x1400, s12  }
0x5: {  	s3 =	sshll.u32 s12, $0x1;
	s7 =	smul.u32 $0x280, s12;
	s11 =	sadd.s32 $0x19000, s1  }
0x6: {  	s13 =	sshll.u32 s12, $0x6;
	s4 =	sor.u32 s0, s3;
	s9 =	smul.u32 $0x2800, s0  }
0x7: {  	s3 =	rddreg [dreg:$0x2];
	s0 =	ssub.s32 $0x2, s0;
	s6 =	smul.u32 $0x500, s4  }
0x8: {  	s4 =	simm.s32 $0x0;
	s8 =	sshrl.u32 s5, $0x3;
	s25 =	sshrl.u32 s0, $0x1  }
0x9: {  	s26 =	sadd.s32 s5, s2;
	s14 =	sadd.s32 $0x400, s5;
	s16 =	sadd.s32 $0x800, s5  }
0xa: {  	s18 =	sadd.s32 $0xC00, s5;
	[smem:$0x7FF] =	sst s4;
	s10 =	sadd.s32 s8, s1  }
0xb: {  	s7 =	sadd.s32 s7, s9;
	s0 =	ssub.s32 s0, s25;
	s9 =	sor.u32 $0x1C0A, s13  }
0xc: {  	s8 =	sadd.s32 s11, s8;
	s15 =	sshrl.u32 s14, $0x3;
	s17 =	sshrl.u32 s16, $0x3  }
0xd: {  	s12 =	sadd.s32 s16, s3;
	s13 =	sshrl.u32 s18, $0x3;
	s26 =	sshrl.u32 s26, $0x3  }
0xe: {  	_ =	strace $0x8000004D;
	s6 =	sadd.s32 s6, s1;
	[dreg:$0x5] =	wrdreg s9  }
0xf: {  	s1 =	sadd.s32 s7, s1;
	s10 =	sadd.s32 $0x16800, s10;
	[dreg:$0x6] =	wrdreg s8  }
0x10: {  	s8 =	sadd.s32 s5, s3;
	s9 =	sadd.s32 s11, s17;
	[dreg:$0x13] =	wrdreg s26  }
0x11: {  	s5 =	sadd.s32 $0x1000, s5;
	s13 =	sadd.s32 s11, s13;
	[dreg:$0x4] =	wrdreg s10  }
0x12: {  	s0 =	smax.u32 s0, $0x1;
	s26 =	simm.s32 $0xA;
	[dreg:$0x8] =	wrdreg s9  }
0x13: {  	s7 =	simm.s32 $0x6C00;
	s17 =	simm.s32 $0x5;
	[dreg:$0x9] =	wrdreg s13  }
0x14: {  	s10 =	sadd.s32 s11, s15;
	s15 =	sshrl.u32 s5, $0x3;
	[dreg:$0x12] =	wrdreg s0  }
0x15: {  	s16 =	sadd.s32 s5, s3;
	s20 =	sadd.s32 $0x1C200, s6;
	[dreg:$0x7] =	wrdreg s10  }
0x16: {  	s21 =	sadd.s32 $0xC800, s6;
	s22 =	sadd.s32 $0x2800, s1;
	[dreg:$0xb] =	wrdreg s20  }
0x17: {  	s23 =	sadd.s32 $0x2880, s1;
	s24 =	sadd.s32 $0x2900, s1;
	[dreg:$0xc] =	wrdreg s21  }
0x18: {  	s25 =	sadd.s32 $0x2980, s1;
	s1 =	sadd.s32 $0x2A00, s1;
	[dreg:$0xd] =	wrdreg s22  }
0x19: {  	s0 =	simm.s32 $0x5800;
	s5 =	simm.s32 $0x6400;
	[dreg:$0xe] =	wrdreg s23  }
0x1a: {  	s6 =	simm.s32 $0x6800;
	s9 =	simm.s32 $0x1;
	[dreg:$0xf] =	wrdreg s24  }
0x1b: {  	s13 =	simm.s32 $0x3;
	s10 =	sadd.s32 s14, s3;
	[dreg:$0x10] =	wrdreg s25  }
0x1c: {  	s14 =	sadd.s32 s18, s3;
	s19 =	sadd.s32 s11, s15;
	[dreg:$0x11] =	wrdreg s1  }
0x1d: {  	s1 =	simm.s32 $0x5C00;
	s11 =	simm.s32 $0x2;
	s15 =	simm.s32 $0x4  }
0x1e: {  	s18 =	simm.s32 $0x6;
	s20 =	simm.s32 $0x8;
	s21 =	simm.s32 $0x9  }
0x1f: {  	s22 =	simm.s32 $0x0;
	[dreg:$0xa] =	wrdreg s19;
	s19 =	simm.s32 $0x7  }
.LBB2_1:
0x20: {  	s23 =	rddreg [dreg:$0x4]  }
0x21: {  	s24 =	rddreg [dreg:$0x5]  }
0x22: {  	s25 =	rddreg [dreg:$0x13]  }
0x23: {  	[spmem:s25], [sflag:s24] =	dma.local [hbm:s23], $0x280  }
0x24: {  	_ =	swait.ge [sflag:s26], $0x280  }
0x25: {  	[sflag:s26] =	ssyncset.done $0x0  }
0x26: {  	s24 =	rddreg [dreg:$0x6];
	[sflag:s26] =	ssyncadd.s32 $0xFFFFFD80  }
0x27: {  	[tilespmem:s28], [sflag:$0xA] =	stream.linear.gather [hbm4b:s24+s4], $0x400, $0x38;
	[tilespmem:$0x9800] =	vst v63  }
0x28: {  	_ =	swait.ge [sflag:s26], $0x400  }
0x29: {  	[sflag:s26] =	ssyncset.done $0x0  }
0x2a: {  	[sflag:s26] =	ssyncadd.s32 $0xFFFFFC00  }
0x2b: {  	[spmem:s8] =	stream.linear.scatter [tilespmem:s28], [sflag:$0xA], $0x400, $0x38;
	[tilespmem:$0x9800] =	vst v63  }
0x2c: {  	_ =	swait.ge [sflag:s26], $0x400  }
0x2d: {  	[sflag:s26] =	ssyncset.done $0x0  }
0x2e: {  	s25 =	rddreg [dreg:$0x7];
	[sflag:s26] =	ssyncadd.s32 $0xFFFFFC00  }
0x2f: {  	[tilespmem:s28], [sflag:$0xA] =	stream.linear.gather [hbm4b:s25+s4], $0x400, $0x38;
	[tilespmem:$0x9800] =	vst v63  }
0x30: {  	_ =	swait.ge [sflag:s26], $0x400  }
0x31: {  	[sflag:s26] =	ssyncset.done $0x0  }
0x32: {  	[sflag:s26] =	ssyncadd.s32 $0xFFFFFC00  }
0x33: {  	[spmem:s10] =	stream.linear.scatter [tilespmem:s28], [sflag:$0xA], $0x400, $0x38;
	[tilespmem:$0x9800] =	vst v63  }
0x34: {  	_ =	swait.ge [sflag:s26], $0x400  }
0x35: {  	[sflag:s26] =	ssyncset.done $0x0  }
0x36: {  	s24 =	rddreg [dreg:$0x8];
	[sflag:s26] =	ssyncadd.s32 $0xFFFFFC00  }
0x37: {  	[tilespmem:s28], [sflag:$0xA] =	stream.linear.gather [hbm4b:s24+s4], $0x400, $0x38;
	[tilespmem:$0x9800] =	vst v63  }
0x38: {  	_ =	swait.ge [sflag:s26], $0x400  }
0x39: {  	[sflag:s26] =	ssyncset.done $0x0  }
0x3a: {  	[sflag:s26] =	ssyncadd.s32 $0xFFFFFC00  }
0x3b: {  	[spmem:s12] =	stream.linear.scatter [tilespmem:s28], [sflag:$0xA], $0x400, $0x38;
	[tilespmem:$0x9800] =	vst v63  }
0x3c: {  	_ =	swait.ge [sflag:s26], $0x400  }
0x3d: {  	[sflag:s26] =	ssyncset.done $0x0  }
0x3e: {  	s25 =	rddreg [dreg:$0x9];
	[sflag:s26] =	ssyncadd.s32 $0xFFFFFC00  }
0x3f: {  	[tilespmem:s28], [sflag:$0xA] =	stream.linear.gather [hbm4b:s25+s4], $0x400, $0x38;
	[tilespmem:$0x9800] =	vst v63  }
0x40: {  	_ =	swait.ge [sflag:s26], $0x400  }
0x41: {  	[sflag:s26] =	ssyncset.done $0x0  }
0x42: {  	[sflag:s26] =	ssyncadd.s32 $0xFFFFFC00  }
0x43: {  	[spmem:s14] =	stream.linear.scatter [tilespmem:s28], [sflag:$0xA], $0x400, $0x38;
	[tilespmem:$0x9800] =	vst v63  }
0x44: {  	_ =	swait.ge [sflag:s26], $0x400  }
0x45: {  	[sflag:s26] =	ssyncset.done $0x0  }
0x46: {  	s24 =	rddreg [dreg:$0xa];
	[sflag:s26] =	ssyncadd.s32 $0xFFFFFC00  }
0x47: {  	[tilespmem:s28], [sflag:$0xA] =	stream.linear.gather [hbm4b:s24+s4], $0x400, $0x38;
	[tilespmem:$0x9800] =	vst v63  }
0x48: {  	_ =	swait.ge [sflag:s26], $0x400  }
0x49: {  	[sflag:s26] =	ssyncset.done $0x0  }
0x4a: {  	[sflag:s26] =	ssyncadd.s32 $0xFFFFFC00  }
0x4b: {  	[spmem:s16] =	stream.linear.scatter [tilespmem:s28], [sflag:$0xA], $0x400, $0x38;
	[tilespmem:$0x9800] =	vst v63  }
0x4c: {  	_ =	swait.ge [sflag:s26], $0x400  }
0x4d: {  	[sflag:s26] =	ssyncset.done $0x0  }
0x4e: {  	s25 =	rddreg [dreg:$0xb];
	[sflag:s26] =	ssyncadd.s32 $0xFFFFFC00  }
0x4f: {  	[tilespmem:s4], [sflag:$0xA] =	stream.linear.gather [hbm4b:s25+s4], $0x2800, $0x38;
	[tilespmem:$0x9800] =	vst v63  }
0x50: {  	_ =	swait.ge [sflag:s26], $0x2800  }
0x51: {  	[sflag:s26] =	ssyncset.done $0x0  }
0x52: {  	s25 =	simm.s32 $0x2800;
	s24 =	rddreg [dreg:$0xc];
	[sflag:s26] =	ssyncadd.s32 $0xFFFFD800  }
0x53: {  	[tilespmem:s25], [sflag:$0xA] =	stream.linear.gather [hbm4b:s24+s4], $0x2800, $0x38;
	[tilespmem:$0x9800] =	vst v63  }
0x54: {  	_ =	swait.ge [sflag:s26], $0x2800  }
0x55: {  	[sflag:s26] =	ssyncset.done $0x0  }
0x56: {  	[sflag:s26] =	ssyncadd.s32 $0xFFFFD800  }
0x57: {  	[bflag:$0x0] =	sbarrier.arrive $0xFFFF  }
0x58: {  	[tilespmem:s28], [sflag:$0x1] =	stream.indirect.gather [spmem:s2], $0x8, s4, s30, $0xb8;
	[tilespmem:$0x9800] =	vst v63  }
0x59: {  	_ = 	snop  }
0x5a: {  	[tilespmem:s31], [sflag:$0x2] =	stream.indirect.gather [spmem:s2], $0x8, s30, s30, $0xb8;
	[tilespmem:$0x9800] =	vst v63  }
0x5b: {  	s25 =	simm.s32 $0x100  }
0x5c: {  	[tilespmem:s0], [sflag:$0x3] =	stream.indirect.gather [spmem:s2], $0x8, s25, s30, $0xb8;
	[tilespmem:$0x9800] =	vst v63  }
0x5d: {  	s24 =	simm.s32 $0x180  }
0x5e: {  	[tilespmem:s1], [sflag:$0x4] =	stream.indirect.gather [spmem:s2], $0x8, s24, s30, $0xb8;
	[tilespmem:$0x9800] =	vst v63  }
0x5f: {  	s25 =	simm.s32 $0x200  }
0x60: {  	[tilespmem:s29], [sflag:$0x5] =	stream.indirect.gather [spmem:s2], $0x8, s25, s30, $0xb8;
	[tilespmem:$0x9800] =	vst v63  }
0x61: {  	s24 =	simm.s32 $0x280  }
0x62: {  	[tilespmem:s5], [sflag:$0x6] =	stream.indirect.gather [spmem:s2], $0x8, s24, s30, $0xb8;
	[tilespmem:$0x9800] =	vst v63  }
0x63: {  	s25 =	simm.s32 $0x300  }
0x64: {  	[tilespmem:s6], [sflag:$0x7] =	stream.indirect.gather [spmem:s2], $0x8, s25, s30, $0xb8;
	[tilespmem:$0x9800] =	vst v63  }
0x65: {  	s24 =	simm.s32 $0x380  }
0x66: {  	[tilespmem:s7], [sflag:$0x8] =	stream.indirect.gather [spmem:s2], $0x8, s24, s30, $0xb8;
	[tilespmem:$0x9800] =	vst v63  }
0x67: {  	_ =	swait.ge [sflag:s9], $0x400  }
0x68: {  	[sflag:s9] =	ssyncset.done $0x0  }
0x69: {  	s25 =	simm.s32 $0x2800;
	[sflag:s9] =	ssyncadd.s32 $0xFFFFFC00  }
0x6a: {  	[spmem:s3] =	stream.indirect.scatter.add.f32 [tilespmem:s28], [sflag:$0x9], $0x8, s25, s30, $0xb8;
	[tilespmem:$0x9800] =	vst v63  }
0x6b: {  	_ =	swait.ge [sflag:s11], $0x400  }
0x6c: {  	[sflag:s11] =	ssyncset.done $0x0  }
0x6d: {  	s24 =	simm.s32 $0x2880;
	[sflag:s11] =	ssyncadd.s32 $0xFFFFFC00  }
0x6e: {  	[spmem:s3] =	stream.indirect.scatter.add.f32 [tilespmem:s31], [sflag:$0x9], $0x8, s24, s30, $0xb8;
	[tilespmem:$0x9800] =	vst v63  }
0x6f: {  	_ =	swait.ge [sflag:s13], $0x400  }
0x70: {  	[sflag:s13] =	ssyncset.done $0x0  }
0x71: {  	s25 =	simm.s32 $0x2900;
	[sflag:s13] =	ssyncadd.s32 $0xFFFFFC00  }
0x72: {  	[spmem:s3] =	stream.indirect.scatter.add.f32 [tilespmem:s0], [sflag:$0x9], $0x8, s25, s30, $0xb8;
	[tilespmem:$0x9800] =	vst v63  }
0x73: {  	_ =	swait.ge [sflag:s15], $0x400  }
0x74: {  	[sflag:s15] =	ssyncset.done $0x0  }
0x75: {  	s24 =	simm.s32 $0x2980;
	[sflag:s15] =	ssyncadd.s32 $0xFFFFFC00  }
0x76: {  	[spmem:s3] =	stream.indirect.scatter.add.f32 [tilespmem:s1], [sflag:$0x9], $0x8, s24, s30, $0xb8;
	[tilespmem:$0x9800] =	vst v63  }
0x77: {  	_ =	swait.ge [sflag:s17], $0x400  }
0x78: {  	[sflag:s17] =	ssyncset.done $0x0  }
0x79: {  	s25 =	simm.s32 $0x2A00;
	[sflag:s17] =	ssyncadd.s32 $0xFFFFFC00  }
0x7a: {  	[spmem:s3] =	stream.indirect.scatter.add.f32 [tilespmem:s29], [sflag:$0x9], $0x8, s25, s30, $0xb8;
	[tilespmem:$0x9800] =	vst v63  }
0x7b: {  	_ =	swait.ge [sflag:s18], $0x400  }
0x7c: {  	[sflag:s18] =	ssyncset.done $0x0  }
0x7d: {  	s24 =	simm.s32 $0x2A80;
	[sflag:s18] =	ssyncadd.s32 $0xFFFFFC00  }
0x7e: {  	[spmem:s3] =	stream.indirect.scatter.add.f32 [tilespmem:s5], [sflag:$0x9], $0x8, s24, s30, $0xb8;
	[tilespmem:$0x9800] =	vst v63  }
0x7f: {  	_ =	swait.ge [sflag:s19], $0x400  }
0x80: {  	[sflag:s19] =	ssyncset.done $0x0  }
0x81: {  	s25 =	simm.s32 $0x2B00;
	[sflag:s19] =	ssyncadd.s32 $0xFFFFFC00  }
0x82: {  	[spmem:s3] =	stream.indirect.scatter.add.f32 [tilespmem:s6], [sflag:$0x9], $0x8, s25, s30, $0xb8;
	[tilespmem:$0x9800] =	vst v63  }
0x83: {  	_ =	swait.ge [sflag:s20], $0x400  }
0x84: {  	[sflag:s20] =	ssyncset.done $0x0  }
0x85: {  	s24 =	simm.s32 $0x2B80;
	[sflag:s20] =	ssyncadd.s32 $0xFFFFFC00  }
0x86: {  	[spmem:s3] =	stream.indirect.scatter.add.f32 [tilespmem:s7], [sflag:$0x9], $0x8, s24, s30, $0xb8;
	[tilespmem:$0x9800] =	vst v63  }
0x87: {  	_ =	swait.ge [sflag:s21], $0x400  }
0x88: {  	[sflag:s21] =	ssyncset.done $0x0  }
0x89: {  	[sflag:s21] =	ssyncadd.s32 $0xFFFFFC00  }
0x8a: {  	_ =	swait.ge [sflag:s21], $0x400  }
0x8b: {  	[sflag:s21] =	ssyncset.done $0x0  }
0x8c: {  	[sflag:s21] =	ssyncadd.s32 $0xFFFFFC00  }
0x8d: {  	_ =	swait.ge [sflag:s21], $0x400  }
0x8e: {  	[sflag:s21] =	ssyncset.done $0x0  }
0x8f: {  	[sflag:s21] =	ssyncadd.s32 $0xFFFFFC00  }
0x90: {  	_ =	swait.ge [sflag:s21], $0x400  }
0x91: {  	[sflag:s21] =	ssyncset.done $0x0  }
0x92: {  	[sflag:s21] =	ssyncadd.s32 $0xFFFFFC00  }
0x93: {  	_ =	swait.ge [sflag:s21], $0x400  }
0x94: {  	[sflag:s21] =	ssyncset.done $0x0  }
0x95: {  	[sflag:s21] =	ssyncadd.s32 $0xFFFFFC00  }
0x96: {  	_ =	swait.ge [sflag:s21], $0x400  }
0x97: {  	[sflag:s21] =	ssyncset.done $0x0  }
0x98: {  	[sflag:s21] =	ssyncadd.s32 $0xFFFFFC00  }
0x99: {  	_ =	swait.ge [sflag:s21], $0x400  }
0x9a: {  	[sflag:s21] =	ssyncset.done $0x0  }
0x9b: {  	[sflag:s21] =	ssyncadd.s32 $0xFFFFFC00  }
0x9c: {  	_ =	swait.ge [sflag:s21], $0x400  }
0x9d: {  	[sflag:s21] =	ssyncset.done $0x0  }
0x9e: {  	s25 =	simm.s32 $0x400;
	[sflag:s21] =	ssyncadd.s32 $0xFFFFFC00  }
0x9f: {  	[tilespmem:s28], [sflag:$0x1] =	stream.indirect.gather [spmem:s2], $0x8, s25, s30, $0xb8;
	[tilespmem:$0x9800] =	vst v63  }
0xa0: {  	s24 =	simm.s32 $0x480  }
0xa1: {  	[tilespmem:s31], [sflag:$0x2] =	stream.indirect.gather [spmem:s2], $0x8, s24, s30, $0xb8;
	[tilespmem:$0x9800] =	vst v63  }
0xa2: {  	s25 =	simm.s32 $0x500  }
0xa3: {  	[tilespmem:s0], [sflag:$0x3] =	stream.indirect.gather [spmem:s2], $0x8, s25, s30, $0xb8;
	[tilespmem:$0x9800] =	vst v63  }
0xa4: {  	s24 =	simm.s32 $0x580  }
0xa5: {  	[tilespmem:s1], [sflag:$0x4] =	stream.indirect.gather [spmem:s2], $0x8, s24, s30, $0xb8;
	[tilespmem:$0x9800] =	vst v63  }
0xa6: {  	s25 =	simm.s32 $0x600  }
0xa7: {  	[tilespmem:s29], [sflag:$0x5] =	stream.indirect.gather [spmem:s2], $0x8, s25, s30, $0xb8;
	[tilespmem:$0x9800] =	vst v63  }
0xa8: {  	s24 =	simm.s32 $0x680  }
0xa9: {  	[tilespmem:s5], [sflag:$0x6] =	stream.indirect.gather [spmem:s2], $0x8, s24, s30, $0xb8;
	[tilespmem:$0x9800] =	vst v63  }
0xaa: {  	s23 =	simm.s32 $0x1000;
	s25 =	simm.s32 $0x700;
	s24 =	simm.s32 $0x780  }
0xab: {  	[tilespmem:s6], [sflag:$0x7] =	stream.indirect.gather [spmem:s2], $0x8, s25, s30, $0xb8;
	[tilespmem:$0x9800] =	vst v63  }
.LBB2_2:
0xac: {  	[tilespmem:s7], [sflag:$0x8] =	stream.indirect.gather [spmem:s2], $0x8, s24, s30, $0xb8;
	[tilespmem:$0x9800] =	vst v63  }
0xad: {  	s24 =	smov.u32 s23  }
0xae: {  	p0 =	sne.s32 s23, $0x8000;
	s23 =	sadd.s32 $0x1000, s23;
	_ =	swait.ge [sflag:s9], $0x400  }
0xaf: {  	s24 =	sshra.s32 s24, $0x2;
	[sflag:s9] =	ssyncset.done $0x0  }
0xb0: {  	s25 =	sadd.s32 $0x2800, s24;
	[sflag:s9] =	ssyncadd.s32 $0xFFFFFC00  }
0xb1: {  	[spmem:s3] =	stream.indirect.scatter.add.f32 [tilespmem:s28], [sflag:$0x9], $0x8, s25, s30, $0xb8;
	[tilespmem:$0x9800] =	vst v63  }
0xb2: {  	_ =	swait.ge [sflag:s11], $0x400  }
0xb3: {  	[sflag:s11] =	ssyncset.done $0x0  }
0xb4: {  	s25 =	sadd.s32 $0x2880, s24;
	[sflag:s11] =	ssyncadd.s32 $0xFFFFFC00  }
0xb5: {  	[spmem:s3] =	stream.indirect.scatter.add.f32 [tilespmem:s31], [sflag:$0x9], $0x8, s25, s30, $0xb8;
	[tilespmem:$0x9800] =	vst v63  }
0xb6: {  	_ =	swait.ge [sflag:s13], $0x400  }
0xb7: {  	[sflag:s13] =	ssyncset.done $0x0  }
0xb8: {  	s25 =	sadd.s32 $0x2900, s24;
	[sflag:s13] =	ssyncadd.s32 $0xFFFFFC00  }
0xb9: {  	[spmem:s3] =	stream.indirect.scatter.add.f32 [tilespmem:s0], [sflag:$0x9], $0x8, s25, s30, $0xb8;
	[tilespmem:$0x9800] =	vst v63  }
0xba: {  	_ =	swait.ge [sflag:s15], $0x400  }
0xbb: {  	[sflag:s15] =	ssyncset.done $0x0  }
0xbc: {  	s25 =	sadd.s32 $0x2980, s24;
	[sflag:s15] =	ssyncadd.s32 $0xFFFFFC00  }
0xbd: {  	[spmem:s3] =	stream.indirect.scatter.add.f32 [tilespmem:s1], [sflag:$0x9], $0x8, s25, s30, $0xb8;
	[tilespmem:$0x9800] =	vst v63  }
0xbe: {  	_ =	swait.ge [sflag:s17], $0x400  }
0xbf: {  	[sflag:s17] =	ssyncset.done $0x0  }
0xc0: {  	s25 =	sadd.s32 $0x2A00, s24;
	[sflag:s17] =	ssyncadd.s32 $0xFFFFFC00  }
0xc1: {  	[spmem:s3] =	stream.indirect.scatter.add.f32 [tilespmem:s29], [sflag:$0x9], $0x8, s25, s30, $0xb8;
	[tilespmem:$0x9800] =	vst v63  }
0xc2: {  	_ =	swait.ge [sflag:s18], $0x400  }
0xc3: {  	[sflag:s18] =	ssyncset.done $0x0  }
0xc4: {  	s25 =	sadd.s32 $0x2A80, s24;
	[sflag:s18] =	ssyncadd.s32 $0xFFFFFC00  }
0xc5: {  	[spmem:s3] =	stream.indirect.scatter.add.f32 [tilespmem:s5], [sflag:$0x9], $0x8, s25, s30, $0xb8;
	[tilespmem:$0x9800] =	vst v63  }
0xc6: {  	_ =	swait.ge [sflag:s19], $0x400  }
0xc7: {  	[sflag:s19] =	ssyncset.done $0x0  }
0xc8: {  	s25 =	sadd.s32 $0x2B00, s24;
	[sflag:s19] =	ssyncadd.s32 $0xFFFFFC00  }
0xc9: {  	[spmem:s3] =	stream.indirect.scatter.add.f32 [tilespmem:s6], [sflag:$0x9], $0x8, s25, s30, $0xb8;
	[tilespmem:$0x9800] =	vst v63  }
0xca: {  	_ =	swait.ge [sflag:s20], $0x400  }
0xcb: {  	[sflag:s20] =	ssyncset.done $0x0  }
0xcc: {  	s25 =	sadd.s32 $0x2B80, s24;
	[sflag:s20] =	ssyncadd.s32 $0xFFFFFC00  }
0xcd: {  	[spmem:s3] =	stream.indirect.scatter.add.f32 [tilespmem:s7], [sflag:$0x9], $0x8, s25, s30, $0xb8;
	[tilespmem:$0x9800] =	vst v63  }
0xce: {  	_ =	swait.ge [sflag:s21], $0x400  }
0xcf: {  	[sflag:s21] =	ssyncset.done $0x0  }
0xd0: {  	[sflag:s21] =	ssyncadd.s32 $0xFFFFFC00  }
0xd1: {  	_ =	swait.ge [sflag:s21], $0x400  }
0xd2: {  	[sflag:s21] =	ssyncset.done $0x0  }
0xd3: {  	[sflag:s21] =	ssyncadd.s32 $0xFFFFFC00  }
0xd4: {  	_ =	swait.ge [sflag:s21], $0x400  }
0xd5: {  	[sflag:s21] =	ssyncset.done $0x0  }
0xd6: {  	[sflag:s21] =	ssyncadd.s32 $0xFFFFFC00  }
0xd7: {  	_ =	swait.ge [sflag:s21], $0x400  }
0xd8: {  	[sflag:s21] =	ssyncset.done $0x0  }
0xd9: {  	[sflag:s21] =	ssyncadd.s32 $0xFFFFFC00  }
0xda: {  	_ =	swait.ge [sflag:s21], $0x400  }
0xdb: {  	[sflag:s21] =	ssyncset.done $0x0  }
0xdc: {  	[sflag:s21] =	ssyncadd.s32 $0xFFFFFC00  }
0xdd: {  	_ =	swait.ge [sflag:s21], $0x400  }
0xde: {  	[sflag:s21] =	ssyncset.done $0x0  }
0xdf: {  	[sflag:s21] =	ssyncadd.s32 $0xFFFFFC00  }
0xe0: {  	_ =	swait.ge [sflag:s21], $0x400  }
0xe1: {  	[sflag:s21] =	ssyncset.done $0x0  }
0xe2: {  	[sflag:s21] =	ssyncadd.s32 $0xFFFFFC00  }
0xe3: {  	_ =	swait.ge [sflag:s21], $0x400  }
0xe4: {  	[sflag:s21] =	ssyncset.done $0x0  }
0xe5: {  	s25 =	sadd.s32 $0x400, s24;
	[sflag:s21] =	ssyncadd.s32 $0xFFFFFC00  }
0xe6: {  	[tilespmem:s28], [sflag:$0x1] =	stream.indirect.gather [spmem:s2], $0x8, s25, s30, $0xb8;
	[tilespmem:$0x9800] =	vst v63  }
0xe7: {  	s25 =	sadd.s32 $0x480, s24  }
0xe8: {  	[tilespmem:s31], [sflag:$0x2] =	stream.indirect.gather [spmem:s2], $0x8, s25, s30, $0xb8;
	[tilespmem:$0x9800] =	vst v63  }
0xe9: {  	s25 =	sadd.s32 $0x500, s24  }
0xea: {  	[tilespmem:s0], [sflag:$0x3] =	stream.indirect.gather [spmem:s2], $0x8, s25, s30, $0xb8;
	[tilespmem:$0x9800] =	vst v63  }
0xeb: {  	s25 =	sadd.s32 $0x580, s24  }
0xec: {  	[tilespmem:s1], [sflag:$0x4] =	stream.indirect.gather [spmem:s2], $0x8, s25, s30, $0xb8;
	[tilespmem:$0x9800] =	vst v63  }
0xed: {  	s25 =	sadd.s32 $0x600, s24  }
0xee: {  	[tilespmem:s29], [sflag:$0x5] =	stream.indirect.gather [spmem:s2], $0x8, s25, s30, $0xb8;
	[tilespmem:$0x9800] =	vst v63  }
.Ltmp0:
0xef: {  	s25 =	sadd.s32 $0x680, s24;
	(pc) =	sbr.rel @p0 .LBB2_2-.Ltmp0, $4  }
0xf0: {  	[tilespmem:s5], [sflag:$0x6] =	stream.indirect.gather [spmem:s2], $0x8, s25, s30, $0xb8;
	[tilespmem:$0x9800] =	vst v63  }
0xf1: {  	s25 =	sadd.s32 $0x700, s24  }
0xf2: {  	[tilespmem:s6], [sflag:$0x7] =	stream.indirect.gather [spmem:s2], $0x8, s25, s30, $0xb8;
	[tilespmem:$0x9800] =	vst v63  }
0xf3: {  	s24 =	sadd.s32 $0x780, s24  }
0xf4: {  	[tilespmem:s7], [sflag:$0x8] =	stream.indirect.gather [spmem:s2], $0x8, s24, s30, $0xb8;
	[tilespmem:$0x9800] =	vst v63  }
0xf5: {  	_ =	swait.ge [sflag:s9], $0x400  }
0xf6: {  	[sflag:s9] =	ssyncset.done $0x0  }
0xf7: {  	s23 =	simm.s32 $0x4C00;
	[sflag:s9] =	ssyncadd.s32 $0xFFFFFC00  }
0xf8: {  	[spmem:s3] =	stream.indirect.scatter.add.f32 [tilespmem:s28], [sflag:$0x9], $0x8, s23, s30, $0xb8;
	[tilespmem:$0x9800] =	vst v63  }
0xf9: {  	_ =	swait.ge [sflag:s11], $0x400  }
0xfa: {  	[sflag:s11] =	ssyncset.done $0x0  }
0xfb: {  	s25 =	simm.s32 $0x4C80;
	[sflag:s11] =	ssyncadd.s32 $0xFFFFFC00  }
0xfc: {  	[spmem:s3] =	stream.indirect.scatter.add.f32 [tilespmem:s31], [sflag:$0x9], $0x8, s25, s30, $0xb8;
	[tilespmem:$0x9800] =	vst v63  }
0xfd: {  	_ =	swait.ge [sflag:s13], $0x400  }
0xfe: {  	[sflag:s13] =	ssyncset.done $0x0  }
0xff: {  	s24 =	simm.s32 $0x4D00;
	[sflag:s13] =	ssyncadd.s32 $0xFFFFFC00  }
0x100: {  	[spmem:s3] =	stream.indirect.scatter.add.f32 [tilespmem:s0], [sflag:$0x9], $0x8, s24, s30, $0xb8;
	[tilespmem:$0x9800] =	vst v63  }
0x101: {  	_ =	swait.ge [sflag:s15], $0x400  }
0x102: {  	[sflag:s15] =	ssyncset.done $0x0  }
0x103: {  	s25 =	simm.s32 $0x4D80;
	[sflag:s15] =	ssyncadd.s32 $0xFFFFFC00  }
0x104: {  	[spmem:s3] =	stream.indirect.scatter.add.f32 [tilespmem:s1], [sflag:$0x9], $0x8, s25, s30, $0xb8;
	[tilespmem:$0x9800] =	vst v63  }
0x105: {  	_ =	swait.ge [sflag:s17], $0x400  }
0x106: {  	[sflag:s17] =	ssyncset.done $0x0  }
0x107: {  	s24 =	simm.s32 $0x4E00;
	[sflag:s17] =	ssyncadd.s32 $0xFFFFFC00  }
0x108: {  	[spmem:s3] =	stream.indirect.scatter.add.f32 [tilespmem:s29], [sflag:$0x9], $0x8, s24, s30, $0xb8;
	[tilespmem:$0x9800] =	vst v63  }
0x109: {  	_ =	swait.ge [sflag:s18], $0x400  }
0x10a: {  	[sflag:s18] =	ssyncset.done $0x0  }
0x10b: {  	s25 =	simm.s32 $0x4E80;
	[sflag:s18] =	ssyncadd.s32 $0xFFFFFC00  }
0x10c: {  	[spmem:s3] =	stream.indirect.scatter.add.f32 [tilespmem:s5], [sflag:$0x9], $0x8, s25, s30, $0xb8;
	[tilespmem:$0x9800] =	vst v63  }
0x10d: {  	_ =	swait.ge [sflag:s19], $0x400  }
0x10e: {  	[sflag:s19] =	ssyncset.done $0x0  }
0x10f: {  	s24 =	simm.s32 $0x4F00;
	[sflag:s19] =	ssyncadd.s32 $0xFFFFFC00  }
0x110: {  	[spmem:s3] =	stream.indirect.scatter.add.f32 [tilespmem:s6], [sflag:$0x9], $0x8, s24, s30, $0xb8;
	[tilespmem:$0x9800] =	vst v63  }
0x111: {  	_ =	swait.ge [sflag:s20], $0x400  }
0x112: {  	[sflag:s20] =	ssyncset.done $0x0  }
0x113: {  	s25 =	simm.s32 $0x4F80;
	[sflag:s20] =	ssyncadd.s32 $0xFFFFFC00  }
0x114: {  	[spmem:s3] =	stream.indirect.scatter.add.f32 [tilespmem:s7], [sflag:$0x9], $0x8, s25, s30, $0xb8;
	[tilespmem:$0x9800] =	vst v63  }
0x115: {  	_ =	swait.ge [sflag:s21], $0x400  }
0x116: {  	[sflag:s21] =	ssyncset.done $0x0  }
0x117: {  	[sflag:s21] =	ssyncadd.s32 $0xFFFFFC00  }
0x118: {  	_ =	swait.ge [sflag:s21], $0x400  }
0x119: {  	[sflag:s21] =	ssyncset.done $0x0  }
0x11a: {  	[sflag:s21] =	ssyncadd.s32 $0xFFFFFC00  }
0x11b: {  	_ =	swait.ge [sflag:s21], $0x400  }
0x11c: {  	[sflag:s21] =	ssyncset.done $0x0  }
0x11d: {  	[sflag:s21] =	ssyncadd.s32 $0xFFFFFC00  }
0x11e: {  	_ =	swait.ge [sflag:s21], $0x400  }
0x11f: {  	[sflag:s21] =	ssyncset.done $0x0  }
0x120: {  	[sflag:s21] =	ssyncadd.s32 $0xFFFFFC00  }
0x121: {  	_ =	swait.ge [sflag:s21], $0x400  }
0x122: {  	[sflag:s21] =	ssyncset.done $0x0  }
0x123: {  	[sflag:s21] =	ssyncadd.s32 $0xFFFFFC00  }
0x124: {  	_ =	swait.ge [sflag:s21], $0x400  }
0x125: {  	[sflag:s21] =	ssyncset.done $0x0  }
0x126: {  	[sflag:s21] =	ssyncadd.s32 $0xFFFFFC00  }
0x127: {  	_ =	swait.ge [sflag:s21], $0x400  }
0x128: {  	[sflag:s21] =	ssyncset.done $0x0  }
0x129: {  	[sflag:s21] =	ssyncadd.s32 $0xFFFFFC00  }
0x12a: {  	_ =	swait.ge [sflag:s21], $0x400  }
0x12b: {  	[sflag:s21] =	ssyncset.done $0x0  }
0x12c: {  	[sflag:s21] =	ssyncadd.s32 $0xFFFFFC00  }
0x12d: {  	[bflag:$0x0] =	sbarrier.arrive $0xFFFF  }
0x12e: {  	[tilespmem:s28], [sflag:$0xA] =	stream.linear.gather [spmem:s8], $0x400, $0x38;
	[tilespmem:$0x9800] =	vst v63  }
0x12f: {  	_ =	swait.ge [sflag:s26], $0x400  }
0x130: {  	[sflag:s26] =	ssyncset.done $0x0  }
0x131: {  	s24 =	rddreg [dreg:$0xd];
	[sflag:s26] =	ssyncadd.s32 $0xFFFFFC00  }
0x132: {  	[hbm4b:s24+s4] =	stream.linear.scatter [tilespmem:s28], [sflag:$0xA], $0x400, $0x38;
	[tilespmem:$0x9800] =	vst v63  }
0x133: {  	_ =	swait.ge [sflag:s26], $0x400  }
0x134: {  	[sflag:s26] =	ssyncset.done $0x0  }
0x135: {  	[sflag:s26] =	ssyncadd.s32 $0xFFFFFC00  }
0x136: {  	[tilespmem:s28], [sflag:$0xA] =	stream.linear.gather [spmem:s10], $0x400, $0x38;
	[tilespmem:$0x9800] =	vst v63  }
0x137: {  	_ =	swait.ge [sflag:s26], $0x400  }
0x138: {  	[sflag:s26] =	ssyncset.done $0x0  }
0x139: {  	s25 =	rddreg [dreg:$0xe];
	[sflag:s26] =	ssyncadd.s32 $0xFFFFFC00  }
0x13a: {  	[hbm4b:s25+s4] =	stream.linear.scatter [tilespmem:s28], [sflag:$0xA], $0x400, $0x38;
	[tilespmem:$0x9800] =	vst v63  }
0x13b: {  	_ =	swait.ge [sflag:s26], $0x400  }
0x13c: {  	[sflag:s26] =	ssyncset.done $0x0  }
0x13d: {  	[sflag:s26] =	ssyncadd.s32 $0xFFFFFC00  }
0x13e: {  	[tilespmem:s28], [sflag:$0xA] =	stream.linear.gather [spmem:s12], $0x400, $0x38;
	[tilespmem:$0x9800] =	vst v63  }
0x13f: {  	_ =	swait.ge [sflag:s26], $0x400  }
0x140: {  	[sflag:s26] =	ssyncset.done $0x0  }
0x141: {  	s24 =	rddreg [dreg:$0xf];
	[sflag:s26] =	ssyncadd.s32 $0xFFFFFC00  }
0x142: {  	[hbm4b:s24+s4] =	stream.linear.scatter [tilespmem:s28], [sflag:$0xA], $0x400, $0x38;
	[tilespmem:$0x9800] =	vst v63  }
0x143: {  	_ =	swait.ge [sflag:s26], $0x400  }
0x144: {  	[sflag:s26] =	ssyncset.done $0x0  }
0x145: {  	[sflag:s26] =	ssyncadd.s32 $0xFFFFFC00  }
0x146: {  	[tilespmem:s28], [sflag:$0xA] =	stream.linear.gather [spmem:s14], $0x400, $0x38;
	[tilespmem:$0x9800] =	vst v63  }
0x147: {  	_ =	swait.ge [sflag:s26], $0x400  }
0x148: {  	[sflag:s26] =	ssyncset.done $0x0  }
0x149: {  	s25 =	rddreg [dreg:$0x10];
	[sflag:s26] =	ssyncadd.s32 $0xFFFFFC00  }
0x14a: {  	[hbm4b:s25+s4] =	stream.linear.scatter [tilespmem:s28], [sflag:$0xA], $0x400, $0x38;
	[tilespmem:$0x9800] =	vst v63  }
0x14b: {  	_ =	swait.ge [sflag:s26], $0x400  }
0x14c: {  	[sflag:s26] =	ssyncset.done $0x0  }
0x14d: {  	[sflag:s26] =	ssyncadd.s32 $0xFFFFFC00  }
0x14e: {  	[tilespmem:s28], [sflag:$0xA] =	stream.linear.gather [spmem:s16], $0x400, $0x38;
	[tilespmem:$0x9800] =	vst v63  }
0x14f: {  	_ =	swait.ge [sflag:s26], $0x400  }
0x150: {  	[sflag:s26] =	ssyncset.done $0x0  }
0x151: {  	s24 =	rddreg [dreg:$0x11];
	[sflag:s26] =	ssyncadd.s32 $0xFFFFFC00  }
0x152: {  	[hbm4b:s24+s4] =	stream.linear.scatter [tilespmem:s28], [sflag:$0xA], $0x400, $0x38;
	[tilespmem:$0x9800] =	vst v63  }
0x153: {  	_ =	swait.ge [sflag:s26], $0x400  }
0x154: {  	s22 =	sadd.s32 $0x1, s22;
	s25 =	rddreg [dreg:$0x12]  }
0x155: {  	p0 =	sne.s32 s22, s25  }
.Ltmp1:
0x156: {  	_ = 	snop;
	(pc) =	sbr.rel @p0 .LBB2_1-.Ltmp1, $3  }
0x157: {  	_ =	sdelay $0x1  }
0x158: {  	[sflag:s26] =	ssyncset.done $0x0  }
0x159: {  	[sflag:s26] =	ssyncadd.s32 $0xFFFFFC00  }
0x15a: {  	_ =	sfence.sel $0x180000  }
0x15b: {  	[bflag:$0x0] =	sbarrier.arrive $0xFFFF  }
0x15c: {  	_ =	strace $0x9000004D  }
0x15d: {  	s0 =	stileid.u32;
	[bflag:$0x2] =	sbarrier.arrive $0xFFFF  }
0x15e: {  	p0 =	sne.s32 s0, $0x0;
	s0 =	rddreg [dreg:$0x3]  }
0x15f: {  	s0 =	sadd.s32 @!p0 $0x100000, s0  }
0x160: {  	[sflag:s0] =	ssyncadd.tile.s32 @!p0 $0x1;
	_ =	shalt  }
.Lfunc_end2:
_tile_overlayer_lowered:
.L_overlay_start_2:
0x161: {  	(tag) =	ssettag $0x2  }
0x162: {  	s0 =	rddreg [dreg:$0x0];
	s2 =	stileid.u32  }
0x163: {  	s1 =	rddreg [dreg:$0x1];
	p0 =	sne.s32 s2, $0x0  }
0x164: {  	s3 =	rddreg [dreg:$0x2];
	[bflag:$0x3] =	sbarrier.arrive $0xFFFF;
	s2 =	simm.s32 @!p0 $0x1C0A  }
0x165: {  	[timem:s3], [sflag:s2] =	dma.local @!p0 [hbm:s0], s1  }
0x166: {  	s0 =	simm.s32 @!p0 $0xA  }
0x167: {  	_ =	swait.ge @!p0 [sflag:s0], s1  }
0x168: {  	s1 =	ssub.s32 @!p0 $0x0, s1;
	[sflag:s0] =	ssyncset.done @!p0 $0x0  }
0x169: {  	[sflag:s0] =	ssyncadd.s32 @!p0 s1  }
0x16a: {  	[bflag:$0x3] =	sbarrier.arrive $0xFFFF  }
0x16b: {  	_ =	shalt  }

// kernel: kernel.8.cloned.1.call-start
scs
__scs_entry_jumppad:
0x0: {  	(pc) =	sbr.rel $0x88, $3  }
0x1: {  	(tag) =	ssettag $0x0;
	lr =	simm.s32 $0x1  }
0x2: {  	[smem:$0x3F9B] =	sst lr;
	_ =	strace $0xD0000000  }
0x3: {  	_ = 	snop  }
0x4: {  	_ = 	snop  }
0x5: {  	_ = 	snop  }
0x6: {  	_ = 	snop  }
0x7: {  	_ = 	snop  }
__scs_overlays_trampoline_lowered:
0x8: {  	[smem:$0x3FAA] =	sst s0  }
0x9: {  	[smem:$0x3FAB] =	sst s1  }
0xa: {  	[smem:$0x3FAC] =	sst s2  }
0xb: {  	[smem:$0x3FAD] =	sst s3  }
0xc: {  	[smem:$0x3FAE] =	sst s4  }
0xd: {  	[smem:$0x3FAF] =	sst s5  }
0xe: {  	[smem:$0x3FB0] =	sst s6  }
0xf: {  	[smem:$0x3FB1] =	sst s7  }
0x10: {  	[smem:$0x3FB2] =	sst s8  }
0x11: {  	[smem:$0x3FB3] =	sst s9;
	s0 =	simm.s32 @!p0 $0x0  }
0x12: {  	s1 =	sld [smem:$0x3F99];
	s0 =	simm.s32 @p0 $0x1  }
0x13: {  	[smem:$0x3FB4] =	sst s0;
	s0 =	simm.s32 @!p1 $0x0  }
0x14: {  	s2 =	sld [smem:$0x3F98];
	s0 =	simm.s32 @p1 $0x1  }
0x15: {  	[smem:$0x3FB5] =	sst s0;
	s0 =	simm.s32 @!p2 $0x0  }
0x16: {  	s3 =	sld [smem:$0x3FDB];
	s0 =	simm.s32 @p2 $0x1  }
0x17: {  	s4 =	simm.s32 $0x1BF5;
	[smem:$0x3FB7] =	sst s0  }
0x18: {  	s0 =	sld [smem:$0x3F9A];
	_ =	swait.ge [sflag:s4], $0x0  }
0x19: {  	s7 =	sld [smem:$0x3F9B]  }
0x1a: {  	s8 =	sadd.s32 $0xFFFFE003, lr  }
0x1b: {  	s9 =	sadd.s32 $0xFFFFFEF7, lr;
	s5 =	simm.s32 $0xFFFFFFFF;
	p2 =	slt.u32 s8, $0xFFFFF086  }
0x1c: {  	p1 =	slt.u32 s9, $0xF7A;
	s5 =	simm.s32 @!p2 $0x0  }
0x1d: {  	s5 =	simm.s32 @p1 $0x1;
	p0 =	seq.s32 s7, s2  }
0x1e: {  	s7 =	smul.u32 @!p0 $0xF7A, s2;
	p2 =	seq.s32 @!p0 s5, $0x0  }
0x1f: {  	s9 =	smul.u32 $0xF7A, s1;
	s8 =	simm.s32 @!p0 $0x1BF5;
	p2 =	por !p2, p0  }
0x20: {  	[sflag:s8] =	ssyncset.s32 @!p0 $0xFFFFF086;
	s6 =	sadd.s32 @!p0 s3, s7;
	s7 =	simm.s32 @!p0 $0x108  }
0x21: {  	s3 =	sadd.s32 s3, s9;
	s6 =	sadd.s32 @!p0 $0x88, s6;
	s7 =	simm.s32 @p2 $0x1082  }
0x22: {  	[simem:s7], [sflag:s8] =	dma.local @!p0 [hbm:s6], $0xF7A  }
0x23: {  	s9 =	sor.u32 $0xD0000000, s2;
	s6 =	simm.s32 $0x108;
	_ =	swait.ge @!p0 [sflag:s8], $0x0  }
0x24: {  	s3 =	sadd.s32 $0x88, s3;
	s6 =	simm.s32 @!p1 $0x1082;
	[sflag:s4] =	ssyncset.s32 $0xFFFFF086  }
0x25: {  	[simem:s6], [sflag:s4] =	dma.local [hbm:s3], $0xF7A  }
0x26: {  	[smem:$0x3F9B] =	sst s1;
	(tag) =	ssettag s2;
	_ =	strace s9  }
0x27: {  	s1 =	sld [smem:$0x3FAB]  }
0x28: {  	s2 =	sld [smem:$0x3FAC]  }
0x29: {  	s4 =	sld [smem:$0x3FAE]  }
0x2a: {  	p0 =	seq.s32 s5, $0x0;
	s5 =	sld [smem:$0x3FAF]  }
0x2b: {  	s6 =	sld [smem:$0x3FB0]  }
0x2c: {  	s7 =	sld [smem:$0x3FB1]  }
0x2d: {  	s3 =	simm.s32 $0x108;
	s8 =	sld [smem:$0x3FB2]  }
0x2e: {  	s3 =	simm.s32 @!p0 $0x1082;
	s9 =	sld [smem:$0x3FB3]  }
0x2f: {  	lr =	sadd.s32 s0, s3;
	s0 =	sld [smem:$0x3FAA]  }
0x30: {  	s3 =	sld [smem:$0x3FAD]  }
0x31: {  	[smem:$0x3FB6] =	sst s10  }
0x32: {  	s10 =	sld [smem:$0x3FB4];
	_ =	sdelay $0x3  }
0x33: {  	p0 =	seq.s32 s10, $0x1;
	s10 =	sld [smem:$0x3FB6];
	_ =	sdelay $0x3  }
0x34: {  	[smem:$0x3FB6] =	sst s10  }
0x35: {  	s10 =	sld [smem:$0x3FB5];
	_ =	sdelay $0x3  }
0x36: {  	p1 =	seq.s32 s10, $0x1;
	s10 =	sld [smem:$0x3FB6];
	_ =	sdelay $0x3  }
0x37: {  	[smem:$0x3FB6] =	sst s10  }
0x38: {  	s10 =	sld [smem:$0x3FB7]  }
0x39: {  	_ = 	snop;
	(pc) =	sbr.ind lr, $3  }
0x3a: {  	_ = 	snop  }
0x3b: {  	_ = 	snop  }
0x3c: {  	p2 =	seq.s32 s10, $0x1;
	s10 =	sld [smem:$0x3FB6]  }
0x3d: {  	_ =	shalt  }
0x3e: {  	_ =	shalt  }
0x3f: {  	_ =	shalt  }
0x40: {  	_ =	shalt  }
0x41: {  	_ =	shalt  }
0x42: {  	_ =	shalt  }
0x43: {  	_ =	shalt  }
0x44: {  	_ =	shalt  }
0x45: {  	_ =	shalt  }
0x46: {  	_ =	shalt  }
0x47: {  	_ =	shalt  }
0x48: {  	_ =	shalt  }
0x49: {  	_ =	shalt  }
0x4a: {  	_ =	shalt  }
0x4b: {  	_ =	shalt  }
0x4c: {  	_ =	shalt  }
0x4d: {  	_ =	shalt  }
0x4e: {  	_ =	shalt  }
0x4f: {  	_ =	shalt  }
0x50: {  	_ =	shalt  }
0x51: {  	_ =	shalt  }
0x52: {  	_ =	shalt  }
0x53: {  	_ =	shalt  }
0x54: {  	_ =	shalt  }
0x55: {  	_ =	shalt  }
0x56: {  	_ =	shalt  }
0x57: {  	_ =	shalt  }
0x58: {  	_ =	shalt  }
0x59: {  	_ =	shalt  }
0x5a: {  	_ =	shalt  }
0x5b: {  	_ =	shalt  }
0x5c: {  	_ =	shalt  }
0x5d: {  	_ =	shalt  }
0x5e: {  	_ =	shalt  }
0x5f: {  	_ =	shalt  }
0x60: {  	_ =	shalt  }
0x61: {  	_ =	shalt  }
0x62: {  	_ =	shalt  }
0x63: {  	_ =	shalt  }
0x64: {  	_ =	shalt  }
0x65: {  	_ =	shalt  }
0x66: {  	_ =	shalt  }
0x67: {  	_ =	shalt  }
0x68: {  	_ =	shalt  }
0x69: {  	_ =	shalt  }
0x6a: {  	_ =	shalt  }
0x6b: {  	_ =	shalt  }
0x6c: {  	_ =	shalt  }
0x6d: {  	_ =	shalt  }
0x6e: {  	_ =	shalt  }
0x6f: {  	_ =	shalt  }
0x70: {  	_ =	shalt  }
0x71: {  	_ =	shalt  }
0x72: {  	_ =	shalt  }
0x73: {  	_ =	shalt  }
0x74: {  	_ =	shalt  }
0x75: {  	_ =	shalt  }
0x76: {  	_ =	shalt  }
0x77: {  	_ =	shalt  }
0x78: {  	_ =	shalt  }
0x79: {  	_ =	shalt  }
0x7a: {  	_ =	shalt  }
0x7b: {  	_ =	shalt  }
0x7c: {  	_ =	shalt  }
0x7d: {  	_ =	shalt  }
0x7e: {  	_ =	shalt  }
0x7f: {  	_ =	shalt  }
0x80: {  	_ =	shalt  }
0x81: {  	_ =	shalt  }
0x82: {  	_ =	shalt  }
0x83: {  	_ =	shalt  }
0x84: {  	_ =	shalt  }
0x85: {  	_ =	shalt  }
0x86: {  	_ =	shalt  }
0x87: {  	_ =	shalt  }
.Lfunc_end0:
.L_simem_size_0:
called_computation_lowered:
.L_overlay_start_0:
0x88: {  	s2 =	sld [smem:$0x3FD9]  }
0x89: {  	s3 =	sld [smem:$0x3FFE];
	_ =	sdelay $0x1  }
0x8a: {  	s1 =	srdreg.scid  }
0x8b: {  	s0 =	sand.u32 $0x1, s1  }
0x8c: {  	s17 =	sshll.u32 s0, $0xA;
	s2 =	sadd.s32 s3, s2  }
0x8d: {  	s2 =	sadd.s32 s2, s17  }
0x8e: {  	[smem:$0x3FC2] =	sst s2  }
0x8f: {  	_ = 	snop  }
0x90: {  	s2 =	sld [smem:$0x3FD0];
	(tm) =	ssettm $0x1  }
0x91: {  	s18 =	sld [smem:$0x3FFB];
	_ =	sdelay $0x3  }
0x92: {  	_ =	strace s18  }
0x93: {  	s3 =	sld [smem:$0x3FFC];
	_ =	sdelay $0x3  }
0x94: {  	_ =	strace s3  }
0x95: {  	s3 =	sld [smem:$0x3FFD];
	_ =	sdelay $0x3  }
0x96: {  	_ =	strace s3  }
0x97: {  	_ =	strace $0x8FFFFFFF  }
0x98: {  	s19 =	sld [smem:$0x3FDB];
	_ =	sdelay $0x1  }
0x99: {  	s4 =	simm.s32 $_scs_section_size  }
0x9a: {  	s5 =	simm.s32 $_size__tile_overlayer_lowered;
	s6 =	simm.s32 $_tile_overlayer_lowered  }
0x9b: {  	s22 =	simm.s32 $0x1BFF;
	s21 =	sshll.u32 s6, $0x1;
	s3 =	sadd.s32 s4, s19  }
0x9c: {  	s7 =	simm.s32 $0x0;
	s20 =	sshll.u32 s5, $0x1;
	s5 =	sadd.s32 s21, s3  }
0x9d: {  	[timem:s7], [sflag:s22] =	dma.local [hbm:s5], s20  }
0x9e: {  	_ =	swait.ge [sflag:s22], s20  }
0x9f: {  	s4 =	ssub.s32 $0x0, s20;
	[sflag:s22] =	ssyncset.done $0x0  }
0xa0: {  	[sflag:s22] =	ssyncadd.s32 s4;
	_ =	sdelay $0x1  }
0xa1: {  	s23 =	simm.s32 $0x1B8B  }
0xa2: {  	_ =	swait.ge [sflag:s23], $0x1  }
0xa3: {  	[sflag:s23] =	ssyncset.done $0x0  }
0xa4: {  	s25 =	simm.s32 $0x1B8E;
	s24 =	sld [smem:$0x3FFE];
	[sflag:s23] =	ssyncadd.s32 $0xFFFFFFFF  }
0xa5: {  	s26 =	simm.s32 $execute0_lowered;
	[smem:$0x3FD2] =	sst s25  }
0xa6: {  	s5 =	sshll.u32 s26, $0x1;
	_ =	strace $0x80000046;
	[dreg:$0x1] =	wrdreg $0xFFFFFFFF  }
0xa7: {  	s28 =	simm.s32 $_size_execute0_lowered;
	s3 =	sadd.s32 s3, s5;
	[dreg:$0x0] =	wrdreg $0x0  }
0xa8: {  	s5 =	sshll.u32 s28, $0x1;
	[dreg:$0x2] =	wrdreg s3  }
0xa9: {  	[dreg:$0x3] =	wrdreg s5  }
0xaa: {  	[dreg:$0x4] =	wrdreg $0xC0  }
0xab: {  	_ =	task [dreg:s7], $0x5FFFF  }
0xac: {  	[dreg:$0x1] =	wrdreg $0xFFFFFFFF  }
0xad: {  	[dreg:$0x0] =	wrdreg $0x60  }
0xae: {  	[dreg:$0x2] =	wrdreg s24  }
0xaf: {  	[dreg:$0x3] =	wrdreg s2  }
0xb0: {  	[dreg:$0x4] =	wrdreg $0x2B000  }
0xb1: {  	[dreg:$0x5] =	wrdreg $0x9  }
0xb2: {  	_ =	task.clear_ibuf [dreg:s7], $0x6FFFF;
	_ =	strace $0x90000046  }
0xb3: {  	s29 =	simm.s32 $0x9;
	_ =	strace $0x80000048  }
0xb4: {  	_ =	swait.ge [sflag:s29], $0x1  }
0xb5: {  	[sflag:s29] =	ssyncadd.s32 $0xFFFFFFFF  }
0xb6: {  	_ =	strace $0x90000048  }
0xb7: {  	_ =	sfence  }
0xb8: {  	s30 =	sld [smem:$0x0];
	_ =	sdelay $0x2  }
0xb9: {  	s31 =	sshll.u32 s1, $0xD;
	s1 =	sshrl.u32 s1, $0x2  }
0xba: {  	s3 =	sand.u32 $0x4000, s31;
	s1 =	sadd.s32 s1, s30  }
0xbb: {  	s0 =	sor.u32 s3, s0;
	s1 =	sshll.u32 s1, $0x11  }
0xbc: {  	s0 =	sor.u32 s1, s0  }
0xbd: {  	s0 =	sadd.s32 $0x8F2B, s0  }
0xbe: {  	[sflag:s0] =	ssyncadd.remote.s32 $0x1  }
0xbf: {  	_ =	sfence.sel $0xFFFF  }
0xc0: {  	[dreg:$0x0] =	wrdreg $0xFFFFFFFF;
	(pc) =	sbr.abs _section_cstart, $3  }
0xc1: {  	[dreg:$0x1] =	wrdreg $0xFFFFFFFF  }
0xc2: {  	_ =	task.clear_ibuf [dreg:s7], $0x2FFFF;
	_ =	strace $0x9FFFFFFF  }
0xc3: {  	(tm) =	ssettm $0x7FFFFFFF  }
tec
execute0_lowered:
.L_overlay_start_1:
0x0: {  	(tag) =	ssettag $0x1  }
0x1: {  	s4 =	rddreg [dreg:$0x0]  }
0x2: {  	s5 =	rddreg [dreg:$0x1]  }
0x3: {  	s2 =	rddreg [dreg:$0x2]  }
0x4: {  	s0 =	rddreg [dreg:$0x3]  }
0x5: {  	s3 =	srdreg.scid;
	s1 =	stileid.u32;
	s12 =	simm.s32 $0x2800  }
0x6: {  	s13 =	simm.s32 $0x100;
	s14 =	simm.s32 $0x180;
	s15 =	simm.s32 $0x200  }
0x7: {  	s16 =	simm.s32 $0x280;
	s17 =	simm.s32 $0x300;
	s18 =	simm.s32 $0x380  }
0x8: {  	s19 =	simm.s32 $0x1;
	s20 =	simm.s32 $0x0;
	s6 =	sand.u32 $0x1, s3  }
0x9: {  	s7 =	sshll.u32 s1, $0x1;
	s8 =	smul.u32 $0x280, s1;
	s3 =	simm.s32 $0x0  }
0xa: {  	s7 =	sor.u32 s6, s7;
	s9 =	smul.u32 $0x2800, s6;
	[smem:$0x7FF] =	sst s3  }
0xb: {  	s6 =	ssub.s32 $0x2, s6;
	s7 =	smul.u32 $0x500, s7;
	_ =	strace $0x80000047  }
0xc: {  	s31 =	sshrl.u32 s6, $0x1;
	s10 =	sshrl.u32 s8, $0x3;
	s9 =	sadd.s32 s8, s9  }
0xd: {  	s11 =	ssub.s32 s6, s31;
	s7 =	sadd.s32 s7, s4;
	s9 =	sshrl.u32 s9, $0x3  }
0xe: {  	s9 =	sadd.s32 s9, s4;
	s4 =	sadd.s32 s5, s10;
	s5 =	sadd.s32 s8, s2  }
0xf: {  	s6 =	sadd.s32 $0x2800, s7;
	s8 =	smax.u32 s11, $0x1;
	s10 =	simm.s32 $0x2  }
0x10: {  	v0 =	vimm.f32 $1.000000000e+00;
	s11 =	simm.s32 $0x80;
	s7 =	sadd.s32 $0x16800, s9;
	s9 =	simm.s32 $0x2880  }
.LBB2_1:
0x11: {  	[tilespmem:s9], [sflag:$0x2] =	stream.linear.gather [hbm4b:s4+s3], $0x280, $0x38;
	[tilespmem:$0x2D80] =	vst v63  }
0x12: {  	_ =	swait.ge [sflag:s10], $0x280  }
0x13: {  	[sflag:s10] =	ssyncset.done $0x0  }
0x14: {  	[sflag:s10] =	ssyncadd.s32 $0xFFFFFD80  }
0x15: {  	[spmem:s5] =	stream.linear.scatter [tilespmem:s9], [sflag:$0x2], $0x280, $0x38;
	[tilespmem:$0x2D80] =	vst v63  }
0x16: {  	_ =	swait.ge [sflag:s10], $0x280  }
0x17: {  	[sflag:s10] =	ssyncset.done $0x0  }
0x18: {  	[sflag:s10] =	ssyncadd.s32 $0xFFFFFD80  }
0x19: {  	[tilespmem:$0x2800] =	vst v0  }
0x1a: {  	[tilespmem:$0x2810] =	vst v0  }
0x1b: {  	[tilespmem:$0x2820] =	vst v0  }
0x1c: {  	[tilespmem:$0x2830] =	vst v0  }
0x1d: {  	[tilespmem:$0x2840] =	vst v0  }
0x1e: {  	[tilespmem:$0x2850] =	vst v0  }
0x1f: {  	[tilespmem:$0x2860] =	vst v0  }
0x20: {  	[tilespmem:$0x2870] =	vst v0  }
0x21: {  	[tilespmem:s3], [sflag:$0x2] =	stream.linear.gather [hbm4b:s6+s3], $0x2800, $0x38;
	[tilespmem:$0x2D80] =	vst v63  }
0x22: {  	_ =	swait.ge [sflag:s10], $0x2800  }
0x23: {  	[sflag:s10] =	ssyncset.done $0x0  }
0x24: {  	[sflag:s10] =	ssyncadd.s32 $0xFFFFD800  }
0x25: {  	[bflag:$0x0] =	sbarrier.arrive $0xFFFF  }
0x26: {  	[spmem:s2] =	stream.indirect.scatter.add.f32 [tilespmem:s12], [sflag:$0x1], $0x1, s3, s11, $0xb8;
	[tilespmem:$0x2D80] =	vst v63  }
0x27: {  	_ = 	snop  }
0x28: {  	[spmem:s2] =	stream.indirect.scatter.add.f32 [tilespmem:s12], [sflag:$0x1], $0x1, s11, s11, $0xb8;
	[tilespmem:$0x2D80] =	vst v63  }
0x29: {  	_ = 	snop  }
0x2a: {  	[spmem:s2] =	stream.indirect.scatter.add.f32 [tilespmem:s12], [sflag:$0x1], $0x1, s13, s11, $0xb8;
	[tilespmem:$0x2D80] =	vst v63  }
0x2b: {  	_ = 	snop  }
0x2c: {  	[spmem:s2] =	stream.indirect.scatter.add.f32 [tilespmem:s12], [sflag:$0x1], $0x1, s14, s11, $0xb8;
	[tilespmem:$0x2D80] =	vst v63  }
0x2d: {  	_ = 	snop  }
0x2e: {  	[spmem:s2] =	stream.indirect.scatter.add.f32 [tilespmem:s12], [sflag:$0x1], $0x1, s15, s11, $0xb8;
	[tilespmem:$0x2D80] =	vst v63  }
0x2f: {  	_ = 	snop  }
0x30: {  	[spmem:s2] =	stream.indirect.scatter.add.f32 [tilespmem:s12], [sflag:$0x1], $0x1, s16, s11, $0xb8;
	[tilespmem:$0x2D80] =	vst v63  }
0x31: {  	_ = 	snop  }
0x32: {  	[spmem:s2] =	stream.indirect.scatter.add.f32 [tilespmem:s12], [sflag:$0x1], $0x1, s17, s11, $0xb8;
	[tilespmem:$0x2D80] =	vst v63  }
0x33: {  	_ = 	snop  }
0x34: {  	[spmem:s2] =	stream.indirect.scatter.add.f32 [tilespmem:s12], [sflag:$0x1], $0x1, s18, s11, $0xb8;
	[tilespmem:$0x2D80] =	vst v63  }
0x35: {  	s21 =	simm.s32 $0x400  }
0x36: {  	[spmem:s2] =	stream.indirect.scatter.add.f32 [tilespmem:s12], [sflag:$0x1], $0x1, s21, s11, $0xb8;
	[tilespmem:$0x2D80] =	vst v63  }
0x37: {  	_ =	swait.ge [sflag:s19], $0x80  }
0x38: {  	s21 =	simm.s32 $0x1200;
	[sflag:s19] =	ssyncset.done $0x0  }
.LBB2_2:
0x39: {  	s22 =	sshra.s32 s21, $0x2;
	[sflag:s19] =	ssyncadd.s32 $0xFFFFFF80;
	p0 =	sne.s32 s21, $0x9E00  }
0x3a: {  	[spmem:s2] =	stream.indirect.scatter.add.f32 [tilespmem:s12], [sflag:$0x1], $0x1, s22, s11, $0xb8;
	[tilespmem:$0x2D80] =	vst v63  }
.Ltmp0:
0x3b: {  	_ = 	snop;
	(pc) =	sbr.rel @p0 .LBB2_2-.Ltmp0, $4  }
0x3c: {  	_ = 	snop  }
0x3d: {  	s21 =	sadd.s32 $0x200, s21  }
0x3e: {  	_ =	swait.ge [sflag:s19], $0x80  }
0x3f: {  	[sflag:s19] =	ssyncset.done $0x0  }
0x40: {  	[sflag:s19] =	ssyncadd.s32 $0xFFFFFF80  }
0x41: {  	_ =	swait.ge [sflag:s19], $0x80  }
0x42: {  	[sflag:s19] =	ssyncset.done $0x0  }
0x43: {  	[sflag:s19] =	ssyncadd.s32 $0xFFFFFF80  }
0x44: {  	_ =	swait.ge [sflag:s19], $0x80  }
0x45: {  	[sflag:s19] =	ssyncset.done $0x0  }
0x46: {  	[sflag:s19] =	ssyncadd.s32 $0xFFFFFF80  }
0x47: {  	_ =	swait.ge [sflag:s19], $0x80  }
0x48: {  	[sflag:s19] =	ssyncset.done $0x0  }
0x49: {  	[sflag:s19] =	ssyncadd.s32 $0xFFFFFF80  }
0x4a: {  	_ =	swait.ge [sflag:s19], $0x80  }
0x4b: {  	[sflag:s19] =	ssyncset.done $0x0  }
0x4c: {  	[sflag:s19] =	ssyncadd.s32 $0xFFFFFF80  }
0x4d: {  	_ =	swait.ge [sflag:s19], $0x80  }
0x4e: {  	[sflag:s19] =	ssyncset.done $0x0  }
0x4f: {  	[sflag:s19] =	ssyncadd.s32 $0xFFFFFF80  }
0x50: {  	_ =	swait.ge [sflag:s19], $0x80  }
0x51: {  	[sflag:s19] =	ssyncset.done $0x0  }
0x52: {  	[sflag:s19] =	ssyncadd.s32 $0xFFFFFF80  }
0x53: {  	_ =	swait.ge [sflag:s19], $0x80  }
0x54: {  	[sflag:s19] =	ssyncset.done $0x0  }
0x55: {  	[sflag:s19] =	ssyncadd.s32 $0xFFFFFF80  }
0x56: {  	_ =	swait.ge [sflag:s19], $0x80  }
0x57: {  	[sflag:s19] =	ssyncset.done $0x0  }
0x58: {  	[sflag:s19] =	ssyncadd.s32 $0xFFFFFF80  }
0x59: {  	[bflag:$0x0] =	sbarrier.arrive $0xFFFF  }
0x5a: {  	[tilespmem:s9], [sflag:$0x2] =	stream.linear.gather [spmem:s5], $0x280, $0x38;
	[tilespmem:$0x2D80] =	vst v63  }
0x5b: {  	s20 =	sadd.s32 $0x1, s20;
	_ =	swait.ge [sflag:s10], $0x280  }
0x5c: {  	p0 =	sne.s32 s20, s8;
	[sflag:s10] =	ssyncset.done $0x0  }
.Ltmp1:
0x5d: {  	[sflag:s10] =	ssyncadd.s32 $0xFFFFFD80;
	(pc) =	sbr.rel @p0 .LBB2_1-.Ltmp1, $4  }
0x5e: {  	[hbm4b:s7+s3] =	stream.linear.scatter [tilespmem:s9], [sflag:$0x2], $0x280, $0x38;
	[tilespmem:$0x2D80] =	vst v63  }
0x5f: {  	_ =	swait.ge [sflag:s10], $0x280  }
0x60: {  	[sflag:s10] =	ssyncset.done $0x0  }
0x61: {  	[sflag:s10] =	ssyncadd.s32 $0xFFFFFD80  }
0x62: {  	_ =	sfence.sel $0x180000  }
0x63: {  	[bflag:$0x0] =	sbarrier.arrive $0xFFFF  }
0x64: {  	p0 =	sne.s32 s1, $0x0;
	_ =	strace $0x90000047  }
0x65: {  	s0 =	sadd.s32 @!p0 $0x100000, s0;
	[bflag:$0x2] =	sbarrier.arrive $0xFFFF  }
0x66: {  	[sflag:s0] =	ssyncadd.tile.s32 @!p0 $0x1;
	_ =	shalt  }
.Lfunc_end2:
_tile_overlayer_lowered:
.L_overlay_start_2:
0x67: {  	(tag) =	ssettag $0x2  }
0x68: {  	s0 =	rddreg [dreg:$0x0];
	s2 =	stileid.u32  }
0x69: {  	s1 =	rddreg [dreg:$0x1];
	p0 =	sne.s32 s2, $0x0  }
0x6a: {  	s3 =	rddreg [dreg:$0x2];
	[bflag:$0x3] =	sbarrier.arrive $0xFFFF;
	s2 =	simm.s32 @!p0 $0x1C02  }
0x6b: {  	[timem:s3], [sflag:s2] =	dma.local @!p0 [hbm:s0], s1  }
0x6c: {  	s0 =	simm.s32 @!p0 $0x2  }
0x6d: {  	_ =	swait.ge @!p0 [sflag:s0], s1  }
0x6e: {  	s1 =	ssub.s32 @!p0 $0x0, s1;
	[sflag:s0] =	ssyncset.done @!p0 $0x0  }
0x6f: {  	[sflag:s0] =	ssyncadd.s32 @!p0 s1  }
0x70: {  	[bflag:$0x3] =	sbarrier.arrive $0xFFFF  }
0x71: {  	_ =	shalt  }

</sc_bundles>
